<compile_context>
chip_gen: v7x
topology: tpu7x:2x2x1
jax: 0.10.2.dev20260603
libtpu: 0.0.44.dev20260713+nightly
codegen_flags: <defaults>
</compile_context>

<pallas_src>
import functools

import jax
import jax.numpy as jnp
from jax import lax
from jax.experimental import pallas as pl
from jax.experimental.pallas import tpu as pltpu
from jax.experimental.pallas import tpu_sc as plsc

_NUM_CLOTHES = 100000
_FEAT = 128
_BATCH = 1024
_SCALE = 16.0
_EPSILON = 0.1

_NUM_SLABS = _NUM_CLOTHES // 8

_SC_CORES = 2
_SC_SUBCORES = 16
_NW = _SC_CORES * _SC_SUBCORES
_TGT_PER_W = _BATCH // _NW
_SLAB_ROUND = 4
_N_ROUNDS = _TGT_PER_W // _SLAB_ROUND


def _gather_slabs(pm3, targets):
    mesh = plsc.VectorSubcoreMesh(core_axis_name="c", subcore_axis_name="s")

    @functools.partial(
        pl.kernel,
        mesh=mesh,
        out_type=jax.ShapeDtypeStruct((_BATCH, _BATCH), jnp.float32),
        scratch_types=[
            pltpu.VMEM((_TGT_PER_W,), jnp.int32),
            pltpu.VMEM((_TGT_PER_W,), jnp.int32),
            pltpu.VMEM((8 * _N_ROUNDS,), jnp.int32),
            pltpu.VMEM((_SLAB_ROUND, 8, _BATCH), jnp.float32),
            pltpu.VMEM((_SLAB_ROUND, 8, _BATCH), jnp.float32),
            pltpu.VMEM((_SLAB_ROUND, _BATCH), jnp.float32),
            pltpu.VMEM((_SLAB_ROUND, _BATCH), jnp.float32),
            pltpu.SemaphoreType.DMA,
            pltpu.SemaphoreType.DMA,
        ],
        compiler_params=pltpu.CompilerParams(use_tc_tiling_on_sc=True,
                                             needs_layout_passes=False),
    )
    def k(pm3_hbm, tgt_hbm, out_hbm, tgt_v, tmod_v, idx_v, slab_a, slab_b,
          row_a, row_b, gsem, wsem):
        wid = lax.axis_index("s") * _SC_CORES + lax.axis_index("c")
        base = wid * _TGT_PER_W
        pltpu.sync_copy(tgt_hbm.at[pl.ds(base, _TGT_PER_W)], tgt_v)
        for j in range(_TGT_PER_W // 16):
            sl = pl.ds(j * 16, 16)
            m = lax.iota(jnp.int32, 16) + 16 * j
            pos = lax.shift_left(lax.shift_right_logical(m, 2), 3) + \
                jnp.bitwise_and(m, 3)
            plsc.store_scatter(idx_v, [pos],
                               lax.shift_right_logical(tgt_v[sl], 3))
            tmod_v[sl] = jnp.bitwise_and(tgt_v[sl], 7)

        sbufs = [slab_a, slab_b]
        rbufs = [row_a, row_b]

        def gather(g):
            return pltpu.async_copy(
                pm3_hbm.at[idx_v.at[pl.ds(g * 8, _SLAB_ROUND)]],
                sbufs[g % 2],
                gsem,
            )

        def extract(g):
            slab = sbufs[g % 2]
            rows = rbufs[g % 2]
            lanes0 = lax.iota(jnp.int32, 16)
            for q in range(_SLAB_ROUND):
                qv = jnp.full((16,), q, dtype=jnp.int32)
                rv = plsc.load_gather(
                    tmod_v, [jnp.full((16,), g * _SLAB_ROUND + q, jnp.int32)]
                )
                def chunk(c, _):
                    for u in range(4):
                        lanes = lanes0 + c * 64 + u * 16
                        vals = plsc.load_gather(slab, [qv, rv, lanes])
                        rows[q, pl.ds(c * 64 + u * 16, 16)] = vals
                    return 0
                lax.fori_loop(0, _BATCH // 64, chunk, 0)

        gathers = {0: gather(0), 1: gather(1)}
        writes = {}
        for g in range(_N_ROUNDS):
            gathers[g].wait()
            if g - 2 >= 0:
                writes[g - 2].wait()
            extract(g)
            if g + 2 < _N_ROUNDS:
                gathers[g + 2] = gather(g + 2)
            writes[g] = pltpu.async_copy(
                rbufs[g % 2],
                out_hbm.at[pl.ds(base + g * _SLAB_ROUND, _SLAB_ROUND)],
                wsem,
            )
        writes[_N_ROUNDS - 2].wait()
        writes[_N_ROUNDS - 1].wait()

    return k(pm3, targets)


def _bank_body(tcol_ref, trow_ref, x_ref, memn_ref, w_ref):
    tcol = tcol_ref[...]
    trow = trow_ref[...]
    x = x_ref[...]
    same = (tcol == trow).astype(jnp.float32)
    ones = jnp.ones((_BATCH, 1), dtype=jnp.float32)
    cnt = lax.dot_general(same, ones, (((0,), (0,)), ((), ())),
                          preferred_element_type=jnp.float32)
    mem = lax.dot_general(same, x, (((0,), (0,)), ((), ())),
                          preferred_element_type=jnp.float32)
    mem = mem / cnt
    norm = jnp.sqrt(jnp.sum(mem * mem, axis=1, keepdims=True))
    memn_ref[...] = mem / jnp.maximum(norm, 1e-12)
    w_ref[...] = 1.0 / cnt


def _build_bank(tcol, trow, x, bm=128):
    nb = _BATCH // bm
    return pl.pallas_call(
        _bank_body,
        grid=(nb,),
        in_specs=[
            pl.BlockSpec((_BATCH, 1), lambda b: (0, 0)),
            pl.BlockSpec((1, bm), lambda b: (0, b)),
            pl.BlockSpec((_BATCH, _FEAT), lambda b: (0, 0)),
        ],
        out_specs=[
            pl.BlockSpec((bm, _FEAT), lambda b: (b, 0)),
            pl.BlockSpec((bm, 1), lambda b: (b, 0)),
        ],
        out_shape=[
            jax.ShapeDtypeStruct((_BATCH, _FEAT), jnp.float32),
            jax.ShapeDtypeStruct((_BATCH, 1), jnp.float32),
        ],
    )(tcol, trow, x)


def _loss_body(x_ref, memn_ref, w_ref, pt_ref, out_ref, *, bm):
    pid = pl.program_id(0)
    x = x_ref[...]
    memn = memn_ref[...]
    w = w_ref[...]
    PT = pt_ref[...]

    xn = x / jnp.maximum(jnp.sqrt(jnp.sum(x * x, axis=1, keepdims=True)), 1e-12)
    ST = lax.dot_general(memn, xn, (((1,), (1,)), ((), ())),
                         preferred_element_type=jnp.float32) * _SCALE
    ET = jnp.exp(ST)
    neg = jnp.sum(w * (1.0 - PT) * ET, axis=0, keepdims=True)
    possum = jnp.sum(w * PT, axis=0, keepdims=True)
    lpT = ST - jnp.log(neg + ET)

    ib = lax.broadcasted_iota(jnp.int32, (_BATCH, bm), 0)
    ii = lax.broadcasted_iota(jnp.int32, (_BATCH, bm), 1)
    diag = jnp.sum(jnp.where(ib == ii + pid * bm, lpT, 0.0), axis=0,
                   keepdims=True)
    pos_term = jnp.sum(w * PT * lpT, axis=0, keepdims=True)
    li = -(1.0 - _EPSILON) * diag - (_EPSILON / possum) * pos_term
    out_ref[...] = (jnp.sum(li) * (1.0 / _BATCH)).reshape(1, 1, 1)


def _compute_loss(x, memn, w, pt, bm=128):
    nb = _BATCH // bm
    parts = pl.pallas_call(
        functools.partial(_loss_body, bm=bm),
        grid=(nb,),
        in_specs=[
            pl.BlockSpec((bm, _FEAT), lambda i: (i, 0)),
            pl.BlockSpec((_BATCH, _FEAT), lambda i: (0, 0)),
            pl.BlockSpec((_BATCH, 1), lambda i: (0, 0)),
            pl.BlockSpec((_BATCH, bm), lambda i: (0, i)),
        ],
        out_specs=pl.BlockSpec((1, 1, 1), lambda i: (i, 0, 0)),
        out_shape=jax.ShapeDtypeStruct((nb, 1, 1), jnp.float32),
    )(x, memn, w, pt)
    return parts


def kernel(inputs, targets, positive_mask):
    t32 = targets.astype(jnp.int32)
    tcol = t32.reshape(_BATCH, 1)
    trow = t32.reshape(1, _BATCH)
    pm3 = positive_mask.T.reshape(_NUM_SLABS, 8, _BATCH)

    pt = _gather_slabs(pm3, t32)
    memn, w = _build_bank(tcol, trow, inputs)
    parts = _compute_loss(inputs, memn, w, pt)
    return jnp.sum(parts).reshape(())

# --- scband reference (transcript-rebuilt; emitter-appended) ---
"""Pipeline reference for scband-clothes-based-adversarial-loss-with-memory-bank-9242769621721 (READ-ONLY COPY).

The authoritative reference and input builder live on the scoring server;
editing this copy changes nothing except your own understanding.
"""

import jax, jax.numpy as jnp
import numpy as np

NUM_CLOTHES = 100000
FEAT_DIM = 128
BATCH = 1024
MOMENTUM = 0.0
SCALE = 16.0
EPSILON = 0.1


def _normalize(x, axis=1, eps=1e-12):
    n = jnp.sqrt(jnp.sum(x * x, axis=axis, keepdims=True))
    return x / jnp.maximum(n, eps)


def setup_inputs(seed: int = 0) -> dict:
    key = jax.random.key(seed)
    k1, k2, k3 = jax.random.split(key, 3)
    inputs = jax.random.normal(k1, (BATCH, FEAT_DIM), dtype=jnp.float32)
    targets = jax.random.randint(k2, (BATCH,), 0, NUM_CLOTHES)
    positive_mask = jax.random.randint(k3, (BATCH, NUM_CLOTHES), 0, 2).astype(jnp.float32)
    return {"inputs": inputs, "targets": targets, "positive_mask": positive_mask}


def reference(inputs, targets, positive_mask):
    # single-process: gathered == local (dist world size 1)
    gathered_inputs = jax.lax.stop_gradient(inputs)
    gathered_targets = targets
    # _update_memory (has_been_filled == False initially): per-label mean via scatter-add
    sums = jax.ops.segment_sum(gathered_inputs, gathered_targets, num_segments=NUM_CLOTHES)
    counts = jax.ops.segment_sum(jnp.ones((BATCH,), dtype=jnp.float32), gathered_targets, num_segments=NUM_CLOTHES)
    feature_memory = jnp.where(counts[:, None] > 0, sums / jnp.maximum(counts, 1.0)[:, None], 0.0)
    label_memory = jnp.where(counts > 0, jnp.arange(NUM_CLOTHES, dtype=jnp.int32), -1)

    inputs_norm = _normalize(inputs, axis=1)
    memory_norm = _normalize(jax.lax.stop_gradient(feature_memory), axis=1)
    similarities = jnp.matmul(inputs_norm, memory_norm.T) * SCALE

    negtive_mask = 1.0 - positive_mask
    mask_identity = jnp.zeros((BATCH, NUM_CLOTHES), dtype=jnp.float32).at[jnp.arange(BATCH), targets].set(1.0)

    # not has_been_filled: zero out columns for clothes never seen
    invalid = (label_memory == -1)
    positive_mask = jnp.where(invalid[None, :], 0.0, positive_mask)
    negtive_mask = jnp.where(invalid[None, :], 0.0, negtive_mask)

    exp_logits = jnp.exp(similarities)
    log_sum_exp_pos_and_all_neg = jnp.log((exp_logits * negtive_mask).sum(axis=1, keepdims=True) + exp_logits)
    log_prob = similarities - log_sum_exp_pos_and_all_neg
    mask = (1.0 - EPSILON) * mask_identity + EPSILON / positive_mask.sum(axis=1, keepdims=True) * positive_mask
    loss = (-mask * log_prob).sum(axis=1).mean()
    return loss

if __name__ == "__main__":
    import jax
    _d = setup_inputs()
    print(jax.jit(kernel)(*tuple(_d.values())))

</pallas_src>

<mosaic_0001>
#map = affine_map<(d0, d1) -> (0, 0, 0)>
#map1 = affine_map<(d0, d1) -> (0)>
#map2 = affine_map<(d0, d1) -> (0, 0)>
module attributes {stable_mosaic.version = 14 : i64} {
  func.func @k(%arg0: i32, %arg1: i32, %arg2: memref<12500x8x1024xf32, #tpu.memory_space<hbm>>, %arg3: memref<1024xi32, #tpu.memory_space<hbm>>, %arg4: memref<1024x1024xf32, #tpu.memory_space<hbm>>, %arg5: memref<32xi32, #tpu.memory_space<vmem>>, %arg6: memref<32xi32, #tpu.memory_space<vmem>>, %arg7: memref<64xi32, #tpu.memory_space<vmem>>, %arg8: memref<4x8x1024xf32, #tpu.memory_space<vmem>>, %arg9: memref<4x8x1024xf32, #tpu.memory_space<vmem>>, %arg10: memref<4x1024xf32, #tpu.memory_space<vmem>>, %arg11: memref<4x1024xf32, #tpu.memory_space<vmem>>, %arg12: memref<!tpu.dma_semaphore, #tpu.memory_space<semaphore_mem>>, %arg13: memref<!tpu.dma_semaphore, #tpu.memory_space<semaphore_mem>>) attributes {dimension_semantics = [#tpu.dimension_semantics<core_parallel>, #tpu.dimension_semantics<subcore_parallel>], iteration_bounds = array<i64: 2, 16>, scalar_prefetch = 0 : i64, scratch_operands = 9 : i64, tpu.core_type = #tpu.core_type<sc_vector_subcore>, window_params = [{transform_indices = #map}, {transform_indices = #map1}, {transform_indices = #map2}]} {
    %mul3A = arith.constant 2 : i32
    %mul3A_0 = arith.muli %arg1, %mul3A : i32
    %add3A = arith.addi %mul3A_0, %arg0 : i32
    %mul3A_1 = arith.constant 32 : i32
    %mul3A_2 = arith.muli %add3A, %mul3A_1 : i32
    "tpu.region"() ({
      %run_scoped3A = tpu.sem_alloc : memref<!tpu.dma_semaphore, #tpu.memory_space<semaphore_mem>>
      %dma_start3A_612 = tpu.memref_slice %arg3[%mul3A_2] : memref<1024xi32, #tpu.memory_space<hbm>> -> memref<32xi32, #tpu.memory_space<hbm>>
      %dma_start3A_613 = tpu.memref_slice %arg3[%mul3A_2] : memref<1024xi32, #tpu.memory_space<hbm>> -> memref<32xi32, #tpu.memory_space<hbm>>
      tpu.enqueue_dma source(%dma_start3A_613 : memref<32xi32, #tpu.memory_space<hbm>>) target(%arg5 : memref<32xi32, #tpu.memory_space<vmem>>) target_semaphore(%run_scoped3A : memref<!tpu.dma_semaphore, #tpu.memory_space<semaphore_mem>>)
      %dma_wait3A_614 = tpu.memref_slice %arg3[%mul3A_2] : memref<1024xi32, #tpu.memory_space<hbm>> -> memref<32xi32, #tpu.memory_space<hbm>>
      %dma_wait3A_615 = tpu.memref_slice %arg3[%mul3A_2] : memref<1024xi32, #tpu.memory_space<hbm>> -> memref<32xi32, #tpu.memory_space<hbm>>
      tpu.wait_dma2 semaphore(%run_scoped3A : memref<!tpu.dma_semaphore, #tpu.memory_space<semaphore_mem>>) src(%dma_wait3A_615 : memref<32xi32, #tpu.memory_space<hbm>>) dst(%arg5 : memref<32xi32, #tpu.memory_space<vmem>>)
      tpu.yield
    }) : () -> ()
    %iota3A = tpu.iota {dimensions = array<i32: 0>} : vector<16xi32>
    %add3A_3 = arith.constant 0 : i32
    %add3A_4 = vector.broadcast %add3A_3 : i32 to vector<16xi32>
    %add3A_5 = arith.addi %iota3A, %add3A_4 : vector<16xi32>
    %shift_right_logical3A = arith.constant 2 : i32
    %shift_right_logical3A_6 = vector.broadcast %shift_right_logical3A : i32 to vector<16xi32>
    %shift_right_logical3A_7 = arith.shrui %add3A_5, %shift_right_logical3A_6 : vector<16xi32>
    %shift_left3A = arith.constant 3 : i32
    %shift_left3A_8 = vector.broadcast %shift_left3A : i32 to vector<16xi32>
    %shift_left3A_9 = arith.shli %shift_right_logical3A_7, %shift_left3A_8 : vector<16xi32>
    %and3A = arith.constant 3 : i32
    %and3A_10 = vector.broadcast %and3A : i32 to vector<16xi32>
    %and3A_11 = arith.andi %add3A_5, %and3A_10 : vector<16xi32>
    %add3A_12 = arith.addi %shift_left3A_9, %and3A_11 : vector<16xi32>
    %get3A = arith.constant 0 : index
    %get3A_13 = tpu.vector_load %arg5[%get3A] {strides = array<i32>} : memref<32xi32, #tpu.memory_space<vmem>>, vector<16xi32>,
    %shift_right_logical3A_14 = arith.constant 3 : i32
    %shift_right_logical3A_15 = vector.broadcast %shift_right_logical3A_14 : i32 to vector<16xi32>
    %shift_right_logical3A_16 = arith.shrui %get3A_13, %shift_right_logical3A_15 : vector<16xi32>
    tpu.vector_store_idx %arg7[%add3A_12], %shift_right_logical3A_16 : memref<64xi32, #tpu.memory_space<vmem>>[vector<16xi32>], vector<16xi32>,
    %get3A_17 = arith.constant 0 : index
    %get3A_18 = tpu.vector_load %arg5[%get3A_17] {strides = array<i32>} : memref<32xi32, #tpu.memory_space<vmem>>, vector<16xi32>,
    %and3A_19 = arith.constant 7 : i32
    %and3A_20 = vector.broadcast %and3A_19 : i32 to vector<16xi32>
    %and3A_21 = arith.andi %get3A_18, %and3A_20 : vector<16xi32>
    %swap3A = arith.constant 0 : index
    %swap3A_22 = tpu.vector_load %arg6[%swap3A] {strides = array<i32>} : memref<32xi32, #tpu.memory_space<vmem>>, vector<16xi32>,
    tpu.vector_store %arg6[%swap3A], %and3A_21 {strides = array<i32>} : memref<32xi32, #tpu.memory_space<vmem>>, vector<16xi32>,
    %iota3A_23 = tpu.iota {dimensions = array<i32: 0>} : vector<16xi32>
    %add3A_24 = arith.constant 16 : i32
    %add3A_25 = vector.broadcast %add3A_24 : i32 to vector<16xi32>
    %add3A_26 = arith.addi %iota3A_23, %add3A_25 : vector<16xi32>
    %shift_right_logical3A_27 = arith.constant 2 : i32
    %shift_right_logical3A_28 = vector.broadcast %shift_right_logical3A_27 : i32 to vector<16xi32>
    %shift_right_logical3A_29 = arith.shrui %add3A_26, %shift_right_logical3A_28 : vector<16xi32>
    %shift_left3A_30 = arith.constant 3 : i32
    %shift_left3A_31 = vector.broadcast %shift_left3A_30 : i32 to vector<16xi32>
    %shift_left3A_32 = arith.shli %shift_right_logical3A_29, %shift_left3A_31 : vector<16xi32>
    %and3A_33 = arith.constant 3 : i32
    %and3A_34 = vector.broadcast %and3A_33 : i32 to vector<16xi32>
    %and3A_35 = arith.andi %add3A_26, %and3A_34 : vector<16xi32>
    %add3A_36 = arith.addi %shift_left3A_32, %and3A_35 : vector<16xi32>
    %get3A_37 = arith.constant 16 : index
    %get3A_38 = tpu.vector_load %arg5[%get3A_37] {strides = array<i32>} : memref<32xi32, #tpu.memory_space<vmem>>, vector<16xi32>,
    %shift_right_logical3A_39 = arith.constant 3 : i32
    %shift_right_logical3A_40 = vector.broadcast %shift_right_logical3A_39 : i32 to vector<16xi32>
    %shift_right_logical3A_41 = arith.shrui %get3A_38, %shift_right_logical3A_40 : vector<16xi32>
    tpu.vector_store_idx %arg7[%add3A_36], %shift_right_logical3A_41 : memref<64xi32, #tpu.memory_space<vmem>>[vector<16xi32>], vector<16xi32>,
    %get3A_42 = arith.constant 16 : index
    %get3A_43 = tpu.vector_load %arg5[%get3A_42] {strides = array<i32>} : memref<32xi32, #tpu.memory_space<vmem>>, vector<16xi32>,
    %and3A_44 = arith.constant 7 : i32
    %and3A_45 = vector.broadcast %and3A_44 : i32 to vector<16xi32>
    %and3A_46 = arith.andi %get3A_43, %and3A_45 : vector<16xi32>
    %swap3A_47 = arith.constant 16 : index
    %swap3A_48 = tpu.vector_load %arg6[%swap3A_47] {strides = array<i32>} : memref<32xi32, #tpu.memory_space<vmem>>, vector<16xi32>,
    tpu.vector_store %arg6[%swap3A_47], %and3A_46 {strides = array<i32>} : memref<32xi32, #tpu.memory_space<vmem>>, vector<16xi32>,
    %dma_start3A = arith.constant 0 : i32
    %dma_start3A_49 = tpu.memref_slice %arg7[%dma_start3A] : memref<64xi32, #tpu.memory_space<vmem>> -> memref<4xi32, #tpu.memory_space<vmem>>
    %dma_start3A_50 = arith.constant 0 : i32
    %dma_start3A_51 = arith.constant 0 : i32
    %dma_start3A_52 = arith.constant 0 : i32
    %dma_start3A_53 = tpu.memref_slice %arg2[%dma_start3A_50, %dma_start3A_51, %dma_start3A_52] : memref<12500x8x1024xf32, #tpu.memory_space<hbm>> -> memref<12500x8x1024xf32, #tpu.memory_space<hbm>>
    tpu.enqueue_indirect_dma source(%dma_start3A_53 : memref<12500x8x1024xf32, #tpu.memory_space<hbm>>) target(%arg8 : memref<4x8x1024xf32, #tpu.memory_space<vmem>>) offsets(%dma_start3A_49 : memref<4xi32, #tpu.memory_space<vmem>>) semaphore(%arg12 : memref<!tpu.dma_semaphore, #tpu.memory_space<semaphore_mem>>)
    %dma_start3A_54 = arith.constant 8 : i32
    %dma_start3A_55 = tpu.memref_slice %arg7[%dma_start3A_54] : memref<64xi32, #tpu.memory_space<vmem>> -> memref<4xi32, #tpu.memory_space<vmem>>
    %dma_start3A_56 = arith.constant 0 : i32
    %dma_start3A_57 = arith.constant 0 : i32
    %dma_start3A_58 = arith.constant 0 : i32
    %dma_start3A_59 = tpu.memref_slice %arg2[%dma_start3A_56, %dma_start3A_57, %dma_start3A_58] : memref<12500x8x1024xf32, #tpu.memory_space<hbm>> -> memref<12500x8x1024xf32, #tpu.memory_space<hbm>>
    tpu.enqueue_indirect_dma source(%dma_start3A_59 : memref<12500x8x1024xf32, #tpu.memory_space<hbm>>) target(%arg9 : memref<4x8x1024xf32, #tpu.memory_space<vmem>>) offsets(%dma_start3A_55 : memref<4xi32, #tpu.memory_space<vmem>>) semaphore(%arg12 : memref<!tpu.dma_semaphore, #tpu.memory_space<semaphore_mem>>)
    %dma_wait3A = arith.constant 0 : i32
    %dma_wait3A_60 = tpu.memref_slice %arg7[%dma_wait3A] : memref<64xi32, #tpu.memory_space<vmem>> -> memref<4xi32, #tpu.memory_space<vmem>>
    %dma_wait3A_61 = arith.constant 0 : i32
    %dma_wait3A_62 = arith.constant 0 : i32
    %dma_wait3A_63 = arith.constant 0 : i32
    %dma_wait3A_64 = tpu.memref_slice %arg2[%dma_wait3A_61, %dma_wait3A_62, %dma_wait3A_63] : memref<12500x8x1024xf32, #tpu.memory_space<hbm>> -> memref<12500x8x1024xf32, #tpu.memory_space<hbm>>
    tpu.wait_indirect_dma semaphore(%arg12 : memref<!tpu.dma_semaphore, #tpu.memory_space<semaphore_mem>>) src(%dma_wait3A_64 : memref<12500x8x1024xf32, #tpu.memory_space<hbm>>) dst(%arg8 : memref<4x8x1024xf32, #tpu.memory_space<vmem>>)
    %iota3A_65 = tpu.iota {dimensions = array<i32: 0>} : vector<16xi32>
    %broadcast_in_dim3A = arith.constant 0 : i32
    %broadcast_in_dim3A_66 = vector.broadcast %broadcast_in_dim3A : i32 to vector<16xi32>
    %broadcast_in_dim3A_67 = arith.constant 0 : i32
    %broadcast_in_dim3A_68 = vector.broadcast %broadcast_in_dim3A_67 : i32 to vector<16xi32>
    %gather3A = tpu.vector_load_idx %arg6[%broadcast_in_dim3A_68] : memref<32xi32, #tpu.memory_space<vmem>>[vector<16xi32>], vector<16xi32>,
    %scan3A = arith.constant 0 : i32
    %scan3A_69 = arith.constant 0 : i32
    %scan3A_70 = arith.constant 16 : i32
    %scan3A_71 = arith.addi %scan3A_69, %scan3A_70 : i32
    %scan3A_72 = arith.constant 1 : i32
    %scan3A_73 = scf.for %scan3A_612 = %scan3A_69 to %scan3A_71 step %scan3A_72 iter_args(%scan3A_613 = %scan3A) -> (i32)  : i32 {
      %mul3A_614 = arith.constant 64 : i32
      %mul3A_615 = arith.muli %scan3A_612, %mul3A_614 : i32
      %add3A_616 = vector.broadcast %mul3A_615 : i32 to vector<16xi32>
      %add3A_617 = arith.addi %iota3A_65, %add3A_616 : vector<16xi32>
      %add3A_618 = arith.constant 0 : i32
      %add3A_619 = vector.broadcast %add3A_618 : i32 to vector<16xi32>
      %add3A_620 = arith.addi %add3A_617, %add3A_619 : vector<16xi32>
      %gather3A_621 = tpu.vector_load_idx %arg8[%broadcast_in_dim3A_66, %gather3A, %add3A_620] : memref<4x8x1024xf32, #tpu.memory_space<vmem>>[vector<16xi32>, vector<16xi32>, vector<16xi32>], vector<16xf32>,
      %mul3A_622 = arith.constant 64 : i32
      %mul3A_623 = arith.muli %scan3A_612, %mul3A_622 : i32
      %add3A_624 = arith.constant 0 : i32
      %add3A_625 = arith.addi %mul3A_623, %add3A_624 : i32
      %swap3A_626 = arith.constant 0 : i32
      %swap3A_627 = arith.index_cast %swap3A_626 : i32 to index
      %swap3A_628 = arith.index_cast %add3A_625 : i32 to index
      %swap3A_629 = tpu.vector_load %arg10[%swap3A_627, %swap3A_628] {strides = array<i32>} : memref<4x1024xf32, #tpu.memory_space<vmem>>, vector<16xf32>,
      tpu.vector_store %arg10[%swap3A_627, %swap3A_628], %gather3A_621 {strides = array<i32>} : memref<4x1024xf32, #tpu.memory_space<vmem>>, vector<16xf32>,
      %mul3A_630 = arith.constant 64 : i32
      %mul3A_631 = arith.muli %scan3A_612, %mul3A_630 : i32
      %add3A_632 = vector.broadcast %mul3A_631 : i32 to vector<16xi32>
      %add3A_633 = arith.addi %iota3A_65, %add3A_632 : vector<16xi32>
      %add3A_634 = arith.constant 16 : i32
      %add3A_635 = vector.broadcast %add3A_634 : i32 to vector<16xi32>
      %add3A_636 = arith.addi %add3A_633, %add3A_635 : vector<16xi32>
      %gather3A_637 = tpu.vector_load_idx %arg8[%broadcast_in_dim3A_66, %gather3A, %add3A_636] : memref<4x8x1024xf32, #tpu.memory_space<vmem>>[vector<16xi32>, vector<16xi32>, vector<16xi32>], vector<16xf32>,
      %mul3A_638 = arith.constant 64 : i32
      %mul3A_639 = arith.muli %scan3A_612, %mul3A_638 : i32
      %add3A_640 = arith.constant 16 : i32
      %add3A_641 = arith.addi %mul3A_639, %add3A_640 : i32
      %swap3A_642 = arith.constant 0 : i32
      %swap3A_643 = arith.index_cast %swap3A_642 : i32 to index
      %swap3A_644 = arith.index_cast %add3A_641 : i32 to index
      %swap3A_645 = tpu.vector_load %arg10[%swap3A_643, %swap3A_644] {strides = array<i32>} : memref<4x1024xf32, #tpu.memory_space<vmem>>, vector<16xf32>,
      tpu.vector_store %arg10[%swap3A_643, %swap3A_644], %gather3A_637 {strides = array<i32>} : memref<4x1024xf32, #tpu.memory_space<vmem>>, vector<16xf32>,
      %mul3A_646 = arith.constant 64 : i32
      %mul3A_647 = arith.muli %scan3A_612, %mul3A_646 : i32
      %add3A_648 = vector.broadcast %mul3A_647 : i32 to vector<16xi32>
      %add3A_649 = arith.addi %iota3A_65, %add3A_648 : vector<16xi32>
      %add3A_650 = arith.constant 32 : i32
      %add3A_651 = vector.broadcast %add3A_650 : i32 to vector<16xi32>
      %add3A_652 = arith.addi %add3A_649, %add3A_651 : vector<16xi32>
      %gather3A_653 = tpu.vector_load_idx %arg8[%broadcast_in_dim3A_66, %gather3A, %add3A_652] : memref<4x8x1024xf32, #tpu.memory_space<vmem>>[vector<16xi32>, vector<16xi32>, vector<16xi32>], vector<16xf32>,
      %mul3A_654 = arith.constant 64 : i32
      %mul3A_655 = arith.muli %scan3A_612, %mul3A_654 : i32
      %add3A_656 = arith.constant 32 : i32
      %add3A_657 = arith.addi %mul3A_655, %add3A_656 : i32
      %swap3A_658 = arith.constant 0 : i32
      %swap3A_659 = arith.index_cast %swap3A_658 : i32 to index
      %swap3A_660 = arith.index_cast %add3A_657 : i32 to index
      %swap3A_661 = tpu.vector_load %arg10[%swap3A_659, %swap3A_660] {strides = array<i32>} : memref<4x1024xf32, #tpu.memory_space<vmem>>, vector<16xf32>,
      tpu.vector_store %arg10[%swap3A_659, %swap3A_660], %gather3A_653 {strides = array<i32>} : memref<4x1024xf32, #tpu.memory_space<vmem>>, vector<16xf32>,
      %mul3A_662 = arith.constant 64 : i32
      %mul3A_663 = arith.muli %scan3A_612, %mul3A_662 : i32
      %add3A_664 = vector.broadcast %mul3A_663 : i32 to vector<16xi32>
      %add3A_665 = arith.addi %iota3A_65, %add3A_664 : vector<16xi32>
      %add3A_666 = arith.constant 48 : i32
      %add3A_667 = vector.broadcast %add3A_666 : i32 to vector<16xi32>
      %add3A_668 = arith.addi %add3A_665, %add3A_667 : vector<16xi32>
      %gather3A_669 = tpu.vector_load_idx %arg8[%broadcast_in_dim3A_66, %gather3A, %add3A_668] : memref<4x8x1024xf32, #tpu.memory_space<vmem>>[vector<16xi32>, vector<16xi32>, vector<16xi32>], vector<16xf32>,
      %mul3A_670 = arith.constant 64 : i32
      %mul3A_671 = arith.muli %scan3A_612, %mul3A_670 : i32
      %add3A_672 = arith.constant 48 : i32
      %add3A_673 = arith.addi %mul3A_671, %add3A_672 : i32
      %swap3A_674 = arith.constant 0 : i32
      %swap3A_675 = arith.index_cast %swap3A_674 : i32 to index
      %swap3A_676 = arith.index_cast %add3A_673 : i32 to index
      %swap3A_677 = tpu.vector_load %arg10[%swap3A_675, %swap3A_676] {strides = array<i32>} : memref<4x1024xf32, #tpu.memory_space<vmem>>, vector<16xf32>,
      tpu.vector_store %arg10[%swap3A_675, %swap3A_676], %gather3A_669 {strides = array<i32>} : memref<4x1024xf32, #tpu.memory_space<vmem>>, vector<16xf32>,
      %scan3A_678 = arith.constant 0 : i32
      scf.yield %scan3A_678 : i32
    }
    %scan3A_74 = arith.constant 16 : i32
    %broadcast_in_dim3A_75 = arith.constant 1 : i32
    %broadcast_in_dim3A_76 = vector.broadcast %broadcast_in_dim3A_75 : i32 to vector<16xi32>
    %broadcast_in_dim3A_77 = arith.constant 1 : i32
    %broadcast_in_dim3A_78 = vector.broadcast %broadcast_in_dim3A_77 : i32 to vector<16xi32>
    %gather3A_79 = tpu.vector_load_idx %arg6[%broadcast_in_dim3A_78] : memref<32xi32, #tpu.memory_space<vmem>>[vector<16xi32>], vector<16xi32>,
    %scan3A_80 = arith.constant 0 : i32
    %scan3A_81 = arith.constant 0 : i32
    %scan3A_82 = arith.constant 16 : i32
    %scan3A_83 = arith.addi %scan3A_81, %scan3A_82 : i32
    %scan3A_84 = arith.constant 1 : i32
    %scan3A_85 = scf.for %scan3A_612 = %scan3A_81 to %scan3A_83 step %scan3A_84 iter_args(%scan3A_613 = %scan3A_80) -> (i32)  : i32 {
      %mul3A_614 = arith.constant 64 : i32
      %mul3A_615 = arith.muli %scan3A_612, %mul3A_614 : i32
      %add3A_616 = vector.broadcast %mul3A_615 : i32 to vector<16xi32>
      %add3A_617 = arith.addi %iota3A_65, %add3A_616 : vector<16xi32>
      %add3A_618 = arith.constant 0 : i32
      %add3A_619 = vector.broadcast %add3A_618 : i32 to vector<16xi32>
      %add3A_620 = arith.addi %add3A_617, %add3A_619 : vector<16xi32>
      %gather3A_621 = tpu.vector_load_idx %arg8[%broadcast_in_dim3A_76, %gather3A_79, %add3A_620] : memref<4x8x1024xf32, #tpu.memory_space<vmem>>[vector<16xi32>, vector<16xi32>, vector<16xi32>], vector<16xf32>,
      %mul3A_622 = arith.constant 64 : i32
      %mul3A_623 = arith.muli %scan3A_612, %mul3A_622 : i32
      %add3A_624 = arith.constant 0 : i32
      %add3A_625 = arith.addi %mul3A_623, %add3A_624 : i32
      %swap3A_626 = arith.constant 1 : i32
      %swap3A_627 = arith.index_cast %swap3A_626 : i32 to index
      %swap3A_628 = arith.index_cast %add3A_625 : i32 to index
      %swap3A_629 = tpu.vector_load %arg10[%swap3A_627, %swap3A_628] {strides = array<i32>} : memref<4x1024xf32, #tpu.memory_space<vmem>>, vector<16xf32>,
      tpu.vector_store %arg10[%swap3A_627, %swap3A_628], %gather3A_621 {strides = array<i32>} : memref<4x1024xf32, #tpu.memory_space<vmem>>, vector<16xf32>,
      %mul3A_630 = arith.constant 64 : i32
      %mul3A_631 = arith.muli %scan3A_612, %mul3A_630 : i32
      %add3A_632 = vector.broadcast %mul3A_631 : i32 to vector<16xi32>
      %add3A_633 = arith.addi %iota3A_65, %add3A_632 : vector<16xi32>
      %add3A_634 = arith.constant 16 : i32
      %add3A_635 = vector.broadcast %add3A_634 : i32 to vector<16xi32>
      %add3A_636 = arith.addi %add3A_633, %add3A_635 : vector<16xi32>
      %gather3A_637 = tpu.vector_load_idx %arg8[%broadcast_in_dim3A_76, %gather3A_79, %add3A_636] : memref<4x8x1024xf32, #tpu.memory_space<vmem>>[vector<16xi32>, vector<16xi32>, vector<16xi32>], vector<16xf32>,
      %mul3A_638 = arith.constant 64 : i32
      %mul3A_639 = arith.muli %scan3A_612, %mul3A_638 : i32
      %add3A_640 = arith.constant 16 : i32
      %add3A_641 = arith.addi %mul3A_639, %add3A_640 : i32
      %swap3A_642 = arith.constant 1 : i32
      %swap3A_643 = arith.index_cast %swap3A_642 : i32 to index
      %swap3A_644 = arith.index_cast %add3A_641 : i32 to index
      %swap3A_645 = tpu.vector_load %arg10[%swap3A_643, %swap3A_644] {strides = array<i32>} : memref<4x1024xf32, #tpu.memory_space<vmem>>, vector<16xf32>,
      tpu.vector_store %arg10[%swap3A_643, %swap3A_644], %gather3A_637 {strides = array<i32>} : memref<4x1024xf32, #tpu.memory_space<vmem>>, vector<16xf32>,
      %mul3A_646 = arith.constant 64 : i32
      %mul3A_647 = arith.muli %scan3A_612, %mul3A_646 : i32
      %add3A_648 = vector.broadcast %mul3A_647 : i32 to vector<16xi32>
      %add3A_649 = arith.addi %iota3A_65, %add3A_648 : vector<16xi32>
      %add3A_650 = arith.constant 32 : i32
      %add3A_651 = vector.broadcast %add3A_650 : i32 to vector<16xi32>
      %add3A_652 = arith.addi %add3A_649, %add3A_651 : vector<16xi32>
      %gather3A_653 = tpu.vector_load_idx %arg8[%broadcast_in_dim3A_76, %gather3A_79, %add3A_652] : memref<4x8x1024xf32, #tpu.memory_space<vmem>>[vector<16xi32>, vector<16xi32>, vector<16xi32>], vector<16xf32>,
      %mul3A_654 = arith.constant 64 : i32
      %mul3A_655 = arith.muli %scan3A_612, %mul3A_654 : i32
      %add3A_656 = arith.constant 32 : i32
      %add3A_657 = arith.addi %mul3A_655, %add3A_656 : i32
      %swap3A_658 = arith.constant 1 : i32
      %swap3A_659 = arith.index_cast %swap3A_658 : i32 to index
      %swap3A_660 = arith.index_cast %add3A_657 : i32 to index
      %swap3A_661 = tpu.vector_load %arg10[%swap3A_659, %swap3A_660] {strides = array<i32>} : memref<4x1024xf32, #tpu.memory_space<vmem>>, vector<16xf32>,
      tpu.vector_store %arg10[%swap3A_659, %swap3A_660], %gather3A_653 {strides = array<i32>} : memref<4x1024xf32, #tpu.memory_space<vmem>>, vector<16xf32>,
      %mul3A_662 = arith.constant 64 : i32
      %mul3A_663 = arith.muli %scan3A_612, %mul3A_662 : i32
      %add3A_664 = vector.broadcast %mul3A_663 : i32 to vector<16xi32>
      %add3A_665 = arith.addi %iota3A_65, %add3A_664 : vector<16xi32>
      %add3A_666 = arith.constant 48 : i32
      %add3A_667 = vector.broadcast %add3A_666 : i32 to vector<16xi32>
      %add3A_668 = arith.addi %add3A_665, %add3A_667 : vector<16xi32>
      %gather3A_669 = tpu.vector_load_idx %arg8[%broadcast_in_dim3A_76, %gather3A_79, %add3A_668] : memref<4x8x1024xf32, #tpu.memory_space<vmem>>[vector<16xi32>, vector<16xi32>, vector<16xi32>], vector<16xf32>,
      %mul3A_670 = arith.constant 64 : i32
      %mul3A_671 = arith.muli %scan3A_612, %mul3A_670 : i32
      %add3A_672 = arith.constant 48 : i32
      %add3A_673 = arith.addi %mul3A_671, %add3A_672 : i32
      %swap3A_674 = arith.constant 1 : i32
      %swap3A_675 = arith.index_cast %swap3A_674 : i32 to index
      %swap3A_676 = arith.index_cast %add3A_673 : i32 to index
      %swap3A_677 = tpu.vector_load %arg10[%swap3A_675, %swap3A_676] {strides = array<i32>} : memref<4x1024xf32, #tpu.memory_space<vmem>>, vector<16xf32>,
      tpu.vector_store %arg10[%swap3A_675, %swap3A_676], %gather3A_669 {strides = array<i32>} : memref<4x1024xf32, #tpu.memory_space<vmem>>, vector<16xf32>,
      %scan3A_678 = arith.constant 0 : i32
      scf.yield %scan3A_678 : i32
    }
    %scan3A_86 = arith.constant 16 : i32
    %broadcast_in_dim3A_87 = arith.constant 2 : i32
    %broadcast_in_dim3A_88 = vector.broadcast %broadcast_in_dim3A_87 : i32 to vector<16xi32>
    %broadcast_in_dim3A_89 = arith.constant 2 : i32
    %broadcast_in_dim3A_90 = vector.broadcast %broadcast_in_dim3A_89 : i32 to vector<16xi32>
    %gather3A_91 = tpu.vector_load_idx %arg6[%broadcast_in_dim3A_90] : memref<32xi32, #tpu.memory_space<vmem>>[vector<16xi32>], vector<16xi32>,
    %scan3A_92 = arith.constant 0 : i32
    %scan3A_93 = arith.constant 0 : i32
    %scan3A_94 = arith.constant 16 : i32
    %scan3A_95 = arith.addi %scan3A_93, %scan3A_94 : i32
    %scan3A_96 = arith.constant 1 : i32
    %scan3A_97 = scf.for %scan3A_612 = %scan3A_93 to %scan3A_95 step %scan3A_96 iter_args(%scan3A_613 = %scan3A_92) -> (i32)  : i32 {
      %mul3A_614 = arith.constant 64 : i32
      %mul3A_615 = arith.muli %scan3A_612, %mul3A_614 : i32
      %add3A_616 = vector.broadcast %mul3A_615 : i32 to vector<16xi32>
      %add3A_617 = arith.addi %iota3A_65, %add3A_616 : vector<16xi32>
      %add3A_618 = arith.constant 0 : i32
      %add3A_619 = vector.broadcast %add3A_618 : i32 to vector<16xi32>
      %add3A_620 = arith.addi %add3A_617, %add3A_619 : vector<16xi32>
      %gather3A_621 = tpu.vector_load_idx %arg8[%broadcast_in_dim3A_88, %gather3A_91, %add3A_620] : memref<4x8x1024xf32, #tpu.memory_space<vmem>>[vector<16xi32>, vector<16xi32>, vector<16xi32>], vector<16xf32>,
      %mul3A_622 = arith.constant 64 : i32
      %mul3A_623 = arith.muli %scan3A_612, %mul3A_622 : i32
      %add3A_624 = arith.constant 0 : i32
      %add3A_625 = arith.addi %mul3A_623, %add3A_624 : i32
      %swap3A_626 = arith.constant 2 : i32
      %swap3A_627 = arith.index_cast %swap3A_626 : i32 to index
      %swap3A_628 = arith.index_cast %add3A_625 : i32 to index
      %swap3A_629 = tpu.vector_load %arg10[%swap3A_627, %swap3A_628] {strides = array<i32>} : memref<4x1024xf32, #tpu.memory_space<vmem>>, vector<16xf32>,
      tpu.vector_store %arg10[%swap3A_627, %swap3A_628], %gather3A_621 {strides = array<i32>} : memref<4x1024xf32, #tpu.memory_space<vmem>>, vector<16xf32>,
      %mul3A_630 = arith.constant 64 : i32
      %mul3A_631 = arith.muli %scan3A_612, %mul3A_630 : i32
      %add3A_632 = vector.broadcast %mul3A_631 : i32 to vector<16xi32>
      %add3A_633 = arith.addi %iota3A_65, %add3A_632 : vector<16xi32>
      %add3A_634 = arith.constant 16 : i32
      %add3A_635 = vector.broadcast %add3A_634 : i32 to vector<16xi32>
      %add3A_636 = arith.addi %add3A_633, %add3A_635 : vector<16xi32>
      %gather3A_637 = tpu.vector_load_idx %arg8[%broadcast_in_dim3A_88, %gather3A_91, %add3A_636] : memref<4x8x1024xf32, #tpu.memory_space<vmem>>[vector<16xi32>, vector<16xi32>, vector<16xi32>], vector<16xf32>,
      %mul3A_638 = arith.constant 64 : i32
      %mul3A_639 = arith.muli %scan3A_612, %mul3A_638 : i32
      %add3A_640 = arith.constant 16 : i32
      %add3A_641 = arith.addi %mul3A_639, %add3A_640 : i32
      %swap3A_642 = arith.constant 2 : i32
      %swap3A_643 = arith.index_cast %swap3A_642 : i32 to index
      %swap3A_644 = arith.index_cast %add3A_641 : i32 to index
      %swap3A_645 = tpu.vector_load %arg10[%swap3A_643, %swap3A_644] {strides = array<i32>} : memref<4x1024xf32, #tpu.memory_space<vmem>>, vector<16xf32>,
      tpu.vector_store %arg10[%swap3A_643, %swap3A_644], %gather3A_637 {strides = array<i32>} : memref<4x1024xf32, #tpu.memory_space<vmem>>, vector<16xf32>,
      %mul3A_646 = arith.constant 64 : i32
      %mul3A_647 = arith.muli %scan3A_612, %mul3A_646 : i32
      %add3A_648 = vector.broadcast %mul3A_647 : i32 to vector<16xi32>
      %add3A_649 = arith.addi %iota3A_65, %add3A_648 : vector<16xi32>
      %add3A_650 = arith.constant 32 : i32
      %add3A_651 = vector.broadcast %add3A_650 : i32 to vector<16xi32>
      %add3A_652 = arith.addi %add3A_649, %add3A_651 : vector<16xi32>
      %gather3A_653 = tpu.vector_load_idx %arg8[%broadcast_in_dim3A_88, %gather3A_91, %add3A_652] : memref<4x8x1024xf32, #tpu.memory_space<vmem>>[vector<16xi32>, vector<16xi32>, vector<16xi32>], vector<16xf32>,
      %mul3A_654 = arith.constant 64 : i32
      %mul3A_655 = arith.muli %scan3A_612, %mul3A_654 : i32
      %add3A_656 = arith.constant 32 : i32
      %add3A_657 = arith.addi %mul3A_655, %add3A_656 : i32
      %swap3A_658 = arith.constant 2 : i32
      %swap3A_659 = arith.index_cast %swap3A_658 : i32 to index
      %swap3A_660 = arith.index_cast %add3A_657 : i32 to index
      %swap3A_661 = tpu.vector_load %arg10[%swap3A_659, %swap3A_660] {strides = array<i32>} : memref<4x1024xf32, #tpu.memory_space<vmem>>, vector<16xf32>,
      tpu.vector_store %arg10[%swap3A_659, %swap3A_660], %gather3A_653 {strides = array<i32>} : memref<4x1024xf32, #tpu.memory_space<vmem>>, vector<16xf32>,
      %mul3A_662 = arith.constant 64 : i32
      %mul3A_663 = arith.muli %scan3A_612, %mul3A_662 : i32
      %add3A_664 = vector.broadcast %mul3A_663 : i32 to vector<16xi32>
      %add3A_665 = arith.addi %iota3A_65, %add3A_664 : vector<16xi32>
      %add3A_666 = arith.constant 48 : i32
      %add3A_667 = vector.broadcast %add3A_666 : i32 to vector<16xi32>
      %add3A_668 = arith.addi %add3A_665, %add3A_667 : vector<16xi32>
      %gather3A_669 = tpu.vector_load_idx %arg8[%broadcast_in_dim3A_88, %gather3A_91, %add3A_668] : memref<4x8x1024xf32, #tpu.memory_space<vmem>>[vector<16xi32>, vector<16xi32>, vector<16xi32>], vector<16xf32>,
      %mul3A_670 = arith.constant 64 : i32
      %mul3A_671 = arith.muli %scan3A_612, %mul3A_670 : i32
      %add3A_672 = arith.constant 48 : i32
      %add3A_673 = arith.addi %mul3A_671, %add3A_672 : i32
      %swap3A_674 = arith.constant 2 : i32
      %swap3A_675 = arith.index_cast %swap3A_674 : i32 to index
      %swap3A_676 = arith.index_cast %add3A_673 : i32 to index
      %swap3A_677 = tpu.vector_load %arg10[%swap3A_675, %swap3A_676] {strides = array<i32>} : memref<4x1024xf32, #tpu.memory_space<vmem>>, vector<16xf32>,
      tpu.vector_store %arg10[%swap3A_675, %swap3A_676], %gather3A_669 {strides = array<i32>} : memref<4x1024xf32, #tpu.memory_space<vmem>>, vector<16xf32>,
      %scan3A_678 = arith.constant 0 : i32
      scf.yield %scan3A_678 : i32
    }
    %scan3A_98 = arith.constant 16 : i32
    %broadcast_in_dim3A_99 = arith.constant 3 : i32
    %broadcast_in_dim3A_100 = vector.broadcast %broadcast_in_dim3A_99 : i32 to vector<16xi32>
    %broadcast_in_dim3A_101 = arith.constant 3 : i32
    %broadcast_in_dim3A_102 = vector.broadcast %broadcast_in_dim3A_101 : i32 to vector<16xi32>
    %gather3A_103 = tpu.vector_load_idx %arg6[%broadcast_in_dim3A_102] : memref<32xi32, #tpu.memory_space<vmem>>[vector<16xi32>], vector<16xi32>,
    %scan3A_104 = arith.constant 0 : i32
    %scan3A_105 = arith.constant 0 : i32
    %scan3A_106 = arith.constant 16 : i32
    %scan3A_107 = arith.addi %scan3A_105, %scan3A_106 : i32
    %scan3A_108 = arith.constant 1 : i32
    %scan3A_109 = scf.for %scan3A_612 = %scan3A_105 to %scan3A_107 step %scan3A_108 iter_args(%scan3A_613 = %scan3A_104) -> (i32)  : i32 {
      %mul3A_614 = arith.constant 64 : i32
      %mul3A_615 = arith.muli %scan3A_612, %mul3A_614 : i32
      %add3A_616 = vector.broadcast %mul3A_615 : i32 to vector<16xi32>
      %add3A_617 = arith.addi %iota3A_65, %add3A_616 : vector<16xi32>
      %add3A_618 = arith.constant 0 : i32
      %add3A_619 = vector.broadcast %add3A_618 : i32 to vector<16xi32>
      %add3A_620 = arith.addi %add3A_617, %add3A_619 : vector<16xi32>
      %gather3A_621 = tpu.vector_load_idx %arg8[%broadcast_in_dim3A_100, %gather3A_103, %add3A_620] : memref<4x8x1024xf32, #tpu.memory_space<vmem>>[vector<16xi32>, vector<16xi32>, vector<16xi32>], vector<16xf32>,
      %mul3A_622 = arith.constant 64 : i32
      %mul3A_623 = arith.muli %scan3A_612, %mul3A_622 : i32
      %add3A_624 = arith.constant 0 : i32
      %add3A_625 = arith.addi %mul3A_623, %add3A_624 : i32
      %swap3A_626 = arith.constant 3 : i32
      %swap3A_627 = arith.index_cast %swap3A_626 : i32 to index
      %swap3A_628 = arith.index_cast %add3A_625 : i32 to index
      %swap3A_629 = tpu.vector_load %arg10[%swap3A_627, %swap3A_628] {strides = array<i32>} : memref<4x1024xf32, #tpu.memory_space<vmem>>, vector<16xf32>,
      tpu.vector_store %arg10[%swap3A_627, %swap3A_628], %gather3A_621 {strides = array<i32>} : memref<4x1024xf32, #tpu.memory_space<vmem>>, vector<16xf32>,
      %mul3A_630 = arith.constant 64 : i32
      %mul3A_631 = arith.muli %scan3A_612, %mul3A_630 : i32
      %add3A_632 = vector.broadcast %mul3A_631 : i32 to vector<16xi32>
      %add3A_633 = arith.addi %iota3A_65, %add3A_632 : vector<16xi32>
      %add3A_634 = arith.constant 16 : i32
      %add3A_635 = vector.broadcast %add3A_634 : i32 to vector<16xi32>
      %add3A_636 = arith.addi %add3A_633, %add3A_635 : vector<16xi32>
      %gather3A_637 = tpu.vector_load_idx %arg8[%broadcast_in_dim3A_100, %gather3A_103, %add3A_636] : memref<4x8x1024xf32, #tpu.memory_space<vmem>>[vector<16xi32>, vector<16xi32>, vector<16xi32>], vector<16xf32>,
      %mul3A_638 = arith.constant 64 : i32
      %mul3A_639 = arith.muli %scan3A_612, %mul3A_638 : i32
      %add3A_640 = arith.constant 16 : i32
      %add3A_641 = arith.addi %mul3A_639, %add3A_640 : i32
      %swap3A_642 = arith.constant 3 : i32
      %swap3A_643 = arith.index_cast %swap3A_642 : i32 to index
      %swap3A_644 = arith.index_cast %add3A_641 : i32 to index
      %swap3A_645 = tpu.vector_load %arg10[%swap3A_643, %swap3A_644] {strides = array<i32>} : memref<4x1024xf32, #tpu.memory_space<vmem>>, vector<16xf32>,
      tpu.vector_store %arg10[%swap3A_643, %swap3A_644], %gather3A_637 {strides = array<i32>} : memref<4x1024xf32, #tpu.memory_space<vmem>>, vector<16xf32>,
      %mul3A_646 = arith.constant 64 : i32
      %mul3A_647 = arith.muli %scan3A_612, %mul3A_646 : i32
      %add3A_648 = vector.broadcast %mul3A_647 : i32 to vector<16xi32>
      %add3A_649 = arith.addi %iota3A_65, %add3A_648 : vector<16xi32>
      %add3A_650 = arith.constant 32 : i32
      %add3A_651 = vector.broadcast %add3A_650 : i32 to vector<16xi32>
      %add3A_652 = arith.addi %add3A_649, %add3A_651 : vector<16xi32>
      %gather3A_653 = tpu.vector_load_idx %arg8[%broadcast_in_dim3A_100, %gather3A_103, %add3A_652] : memref<4x8x1024xf32, #tpu.memory_space<vmem>>[vector<16xi32>, vector<16xi32>, vector<16xi32>], vector<16xf32>,
      %mul3A_654 = arith.constant 64 : i32
      %mul3A_655 = arith.muli %scan3A_612, %mul3A_654 : i32
      %add3A_656 = arith.constant 32 : i32
      %add3A_657 = arith.addi %mul3A_655, %add3A_656 : i32
      %swap3A_658 = arith.constant 3 : i32
      %swap3A_659 = arith.index_cast %swap3A_658 : i32 to index
      %swap3A_660 = arith.index_cast %add3A_657 : i32 to index
      %swap3A_661 = tpu.vector_load %arg10[%swap3A_659, %swap3A_660] {strides = array<i32>} : memref<4x1024xf32, #tpu.memory_space<vmem>>, vector<16xf32>,
      tpu.vector_store %arg10[%swap3A_659, %swap3A_660], %gather3A_653 {strides = array<i32>} : memref<4x1024xf32, #tpu.memory_space<vmem>>, vector<16xf32>,
      %mul3A_662 = arith.constant 64 : i32
      %mul3A_663 = arith.muli %scan3A_612, %mul3A_662 : i32
      %add3A_664 = vector.broadcast %mul3A_663 : i32 to vector<16xi32>
      %add3A_665 = arith.addi %iota3A_65, %add3A_664 : vector<16xi32>
      %add3A_666 = arith.constant 48 : i32
      %add3A_667 = vector.broadcast %add3A_666 : i32 to vector<16xi32>
      %add3A_668 = arith.addi %add3A_665, %add3A_667 : vector<16xi32>
      %gather3A_669 = tpu.vector_load_idx %arg8[%broadcast_in_dim3A_100, %gather3A_103, %add3A_668] : memref<4x8x1024xf32, #tpu.memory_space<vmem>>[vector<16xi32>, vector<16xi32>, vector<16xi32>], vector<16xf32>,
      %mul3A_670 = arith.constant 64 : i32
      %mul3A_671 = arith.muli %scan3A_612, %mul3A_670 : i32
      %add3A_672 = arith.constant 48 : i32
      %add3A_673 = arith.addi %mul3A_671, %add3A_672 : i32
      %swap3A_674 = arith.constant 3 : i32
      %swap3A_675 = arith.index_cast %swap3A_674 : i32 to index
      %swap3A_676 = arith.index_cast %add3A_673 : i32 to index
      %swap3A_677 = tpu.vector_load %arg10[%swap3A_675, %swap3A_676] {strides = array<i32>} : memref<4x1024xf32, #tpu.memory_space<vmem>>, vector<16xf32>,
      tpu.vector_store %arg10[%swap3A_675, %swap3A_676], %gather3A_669 {strides = array<i32>} : memref<4x1024xf32, #tpu.memory_space<vmem>>, vector<16xf32>,
      %scan3A_678 = arith.constant 0 : i32
      scf.yield %scan3A_678 : i32
    }
    %scan3A_110 = arith.constant 16 : i32
    %dma_start3A_111 = arith.constant 16 : i32
    %dma_start3A_112 = tpu.memref_slice %arg7[%dma_start3A_111] : memref<64xi32, #tpu.memory_space<vmem>> -> memref<4xi32, #tpu.memory_space<vmem>>
    %dma_start3A_113 = arith.constant 0 : i32
    %dma_start3A_114 = arith.constant 0 : i32
    %dma_start3A_115 = arith.constant 0 : i32
    %dma_start3A_116 = tpu.memref_slice %arg2[%dma_start3A_113, %dma_start3A_114, %dma_start3A_115] : memref<12500x8x1024xf32, #tpu.memory_space<hbm>> -> memref<12500x8x1024xf32, #tpu.memory_space<hbm>>
    tpu.enqueue_indirect_dma source(%dma_start3A_116 : memref<12500x8x1024xf32, #tpu.memory_space<hbm>>) target(%arg8 : memref<4x8x1024xf32, #tpu.memory_space<vmem>>) offsets(%dma_start3A_112 : memref<4xi32, #tpu.memory_space<vmem>>) semaphore(%arg12 : memref<!tpu.dma_semaphore, #tpu.memory_space<semaphore_mem>>)
    %add3A_117 = arith.constant 0 : i32
    %add3A_118 = arith.addi %mul3A_2, %add3A_117 : i32
    %dma_start3A_119 = arith.constant 0 : i32
    %dma_start3A_120 = tpu.memref_slice %arg4[%add3A_118, %dma_start3A_119] : memref<1024x1024xf32, #tpu.memory_space<hbm>> -> memref<4x1024xf32, #tpu.memory_space<hbm>>
    %dma_start3A_121 = arith.constant 0 : i32
    %dma_start3A_122 = tpu.memref_slice %arg4[%add3A_118, %dma_start3A_121] : memref<1024x1024xf32, #tpu.memory_space<hbm>> -> memref<4x1024xf32, #tpu.memory_space<hbm>>
    tpu.enqueue_dma source(%arg10 : memref<4x1024xf32, #tpu.memory_space<vmem>>) target(%dma_start3A_122 : memref<4x1024xf32, #tpu.memory_space<hbm>>) target_semaphore(%arg13 : memref<!tpu.dma_semaphore, #tpu.memory_space<semaphore_mem>>)
    %dma_wait3A_123 = arith.constant 8 : i32
    %dma_wait3A_124 = tpu.memref_slice %arg7[%dma_wait3A_123] : memref<64xi32, #tpu.memory_space<vmem>> -> memref<4xi32, #tpu.memory_space<vmem>>
    %dma_wait3A_125 = arith.constant 0 : i32
    %dma_wait3A_126 = arith.constant 0 : i32
    %dma_wait3A_127 = arith.constant 0 : i32
    %dma_wait3A_128 = tpu.memref_slice %arg2[%dma_wait3A_125, %dma_wait3A_126, %dma_wait3A_127] : memref<12500x8x1024xf32, #tpu.memory_space<hbm>> -> memref<12500x8x1024xf32, #tpu.memory_space<hbm>>
    tpu.wait_indirect_dma semaphore(%arg12 : memref<!tpu.dma_semaphore, #tpu.memory_space<semaphore_mem>>) src(%dma_wait3A_128 : memref<12500x8x1024xf32, #tpu.memory_space<hbm>>) dst(%arg9 : memref<4x8x1024xf32, #tpu.memory_space<vmem>>)
    %iota3A_129 = tpu.iota {dimensions = array<i32: 0>} : vector<16xi32>
    %broadcast_in_dim3A_130 = arith.constant 0 : i32
    %broadcast_in_dim3A_131 = vector.broadcast %broadcast_in_dim3A_130 : i32 to vector<16xi32>
    %broadcast_in_dim3A_132 = arith.constant 4 : i32
    %broadcast_in_dim3A_133 = vector.broadcast %broadcast_in_dim3A_132 : i32 to vector<16xi32>
    %gather3A_134 = tpu.vector_load_idx %arg6[%broadcast_in_dim3A_133] : memref<32xi32, #tpu.memory_space<vmem>>[vector<16xi32>], vector<16xi32>,
    %scan3A_135 = arith.constant 0 : i32
    %scan3A_136 = arith.constant 0 : i32
    %scan3A_137 = arith.constant 16 : i32
    %scan3A_138 = arith.addi %scan3A_136, %scan3A_137 : i32
    %scan3A_139 = arith.constant 1 : i32
    %scan3A_140 = scf.for %scan3A_612 = %scan3A_136 to %scan3A_138 step %scan3A_139 iter_args(%scan3A_613 = %scan3A_135) -> (i32)  : i32 {
      %mul3A_614 = arith.constant 64 : i32
      %mul3A_615 = arith.muli %scan3A_612, %mul3A_614 : i32
      %add3A_616 = vector.broadcast %mul3A_615 : i32 to vector<16xi32>
      %add3A_617 = arith.addi %iota3A_129, %add3A_616 : vector<16xi32>
      %add3A_618 = arith.constant 0 : i32
      %add3A_619 = vector.broadcast %add3A_618 : i32 to vector<16xi32>
      %add3A_620 = arith.addi %add3A_617, %add3A_619 : vector<16xi32>
      %gather3A_621 = tpu.vector_load_idx %arg9[%broadcast_in_dim3A_131, %gather3A_134, %add3A_620] : memref<4x8x1024xf32, #tpu.memory_space<vmem>>[vector<16xi32>, vector<16xi32>, vector<16xi32>], vector<16xf32>,
      %mul3A_622 = arith.constant 64 : i32
      %mul3A_623 = arith.muli %scan3A_612, %mul3A_622 : i32
      %add3A_624 = arith.constant 0 : i32
      %add3A_625 = arith.addi %mul3A_623, %add3A_624 : i32
      %swap3A_626 = arith.constant 0 : i32
      %swap3A_627 = arith.index_cast %swap3A_626 : i32 to index
      %swap3A_628 = arith.index_cast %add3A_625 : i32 to index
      %swap3A_629 = tpu.vector_load %arg11[%swap3A_627, %swap3A_628] {strides = array<i32>} : memref<4x1024xf32, #tpu.memory_space<vmem>>, vector<16xf32>,
      tpu.vector_store %arg11[%swap3A_627, %swap3A_628], %gather3A_621 {strides = array<i32>} : memref<4x1024xf32, #tpu.memory_space<vmem>>, vector<16xf32>,
      %mul3A_630 = arith.constant 64 : i32
      %mul3A_631 = arith.muli %scan3A_612, %mul3A_630 : i32
      %add3A_632 = vector.broadcast %mul3A_631 : i32 to vector<16xi32>
      %add3A_633 = arith.addi %iota3A_129, %add3A_632 : vector<16xi32>
      %add3A_634 = arith.constant 16 : i32
      %add3A_635 = vector.broadcast %add3A_634 : i32 to vector<16xi32>
      %add3A_636 = arith.addi %add3A_633, %add3A_635 : vector<16xi32>
      %gather3A_637 = tpu.vector_load_idx %arg9[%broadcast_in_dim3A_131, %gather3A_134, %add3A_636] : memref<4x8x1024xf32, #tpu.memory_space<vmem>>[vector<16xi32>, vector<16xi32>, vector<16xi32>], vector<16xf32>,
      %mul3A_638 = arith.constant 64 : i32
      %mul3A_639 = arith.muli %scan3A_612, %mul3A_638 : i32
      %add3A_640 = arith.constant 16 : i32
      %add3A_641 = arith.addi %mul3A_639, %add3A_640 : i32
      %swap3A_642 = arith.constant 0 : i32
      %swap3A_643 = arith.index_cast %swap3A_642 : i32 to index
      %swap3A_644 = arith.index_cast %add3A_641 : i32 to index
      %swap3A_645 = tpu.vector_load %arg11[%swap3A_643, %swap3A_644] {strides = array<i32>} : memref<4x1024xf32, #tpu.memory_space<vmem>>, vector<16xf32>,
      tpu.vector_store %arg11[%swap3A_643, %swap3A_644], %gather3A_637 {strides = array<i32>} : memref<4x1024xf32, #tpu.memory_space<vmem>>, vector<16xf32>,
      %mul3A_646 = arith.constant 64 : i32
      %mul3A_647 = arith.muli %scan3A_612, %mul3A_646 : i32
      %add3A_648 = vector.broadcast %mul3A_647 : i32 to vector<16xi32>
      %add3A_649 = arith.addi %iota3A_129, %add3A_648 : vector<16xi32>
      %add3A_650 = arith.constant 32 : i32
      %add3A_651 = vector.broadcast %add3A_650 : i32 to vector<16xi32>
      %add3A_652 = arith.addi %add3A_649, %add3A_651 : vector<16xi32>
      %gather3A_653 = tpu.vector_load_idx %arg9[%broadcast_in_dim3A_131, %gather3A_134, %add3A_652] : memref<4x8x1024xf32, #tpu.memory_space<vmem>>[vector<16xi32>, vector<16xi32>, vector<16xi32>], vector<16xf32>,
      %mul3A_654 = arith.constant 64 : i32
      %mul3A_655 = arith.muli %scan3A_612, %mul3A_654 : i32
      %add3A_656 = arith.constant 32 : i32
      %add3A_657 = arith.addi %mul3A_655, %add3A_656 : i32
      %swap3A_658 = arith.constant 0 : i32
      %swap3A_659 = arith.index_cast %swap3A_658 : i32 to index
      %swap3A_660 = arith.index_cast %add3A_657 : i32 to index
      %swap3A_661 = tpu.vector_load %arg11[%swap3A_659, %swap3A_660] {strides = array<i32>} : memref<4x1024xf32, #tpu.memory_space<vmem>>, vector<16xf32>,
      tpu.vector_store %arg11[%swap3A_659, %swap3A_660], %gather3A_653 {strides = array<i32>} : memref<4x1024xf32, #tpu.memory_space<vmem>>, vector<16xf32>,
      %mul3A_662 = arith.constant 64 : i32
      %mul3A_663 = arith.muli %scan3A_612, %mul3A_662 : i32
      %add3A_664 = vector.broadcast %mul3A_663 : i32 to vector<16xi32>
      %add3A_665 = arith.addi %iota3A_129, %add3A_664 : vector<16xi32>
      %add3A_666 = arith.constant 48 : i32
      %add3A_667 = vector.broadcast %add3A_666 : i32 to vector<16xi32>
      %add3A_668 = arith.addi %add3A_665, %add3A_667 : vector<16xi32>
      %gather3A_669 = tpu.vector_load_idx %arg9[%broadcast_in_dim3A_131, %gather3A_134, %add3A_668] : memref<4x8x1024xf32, #tpu.memory_space<vmem>>[vector<16xi32>, vector<16xi32>, vector<16xi32>], vector<16xf32>,
      %mul3A_670 = arith.constant 64 : i32
      %mul3A_671 = arith.muli %scan3A_612, %mul3A_670 : i32
      %add3A_672 = arith.constant 48 : i32
      %add3A_673 = arith.addi %mul3A_671, %add3A_672 : i32
      %swap3A_674 = arith.constant 0 : i32
      %swap3A_675 = arith.index_cast %swap3A_674 : i32 to index
      %swap3A_676 = arith.index_cast %add3A_673 : i32 to index
      %swap3A_677 = tpu.vector_load %arg11[%swap3A_675, %swap3A_676] {strides = array<i32>} : memref<4x1024xf32, #tpu.memory_space<vmem>>, vector<16xf32>,
      tpu.vector_store %arg11[%swap3A_675, %swap3A_676], %gather3A_669 {strides = array<i32>} : memref<4x1024xf32, #tpu.memory_space<vmem>>, vector<16xf32>,
      %scan3A_678 = arith.constant 0 : i32
      scf.yield %scan3A_678 : i32
    }
    %scan3A_141 = arith.constant 16 : i32
    %broadcast_in_dim3A_142 = arith.constant 1 : i32
    %broadcast_in_dim3A_143 = vector.broadcast %broadcast_in_dim3A_142 : i32 to vector<16xi32>
    %broadcast_in_dim3A_144 = arith.constant 5 : i32
    %broadcast_in_dim3A_145 = vector.broadcast %broadcast_in_dim3A_144 : i32 to vector<16xi32>
    %gather3A_146 = tpu.vector_load_idx %arg6[%broadcast_in_dim3A_145] : memref<32xi32, #tpu.memory_space<vmem>>[vector<16xi32>], vector<16xi32>,
    %scan3A_147 = arith.constant 0 : i32
    %scan3A_148 = arith.constant 0 : i32
    %scan3A_149 = arith.constant 16 : i32
    %scan3A_150 = arith.addi %scan3A_148, %scan3A_149 : i32
    %scan3A_151 = arith.constant 1 : i32
    %scan3A_152 = scf.for %scan3A_612 = %scan3A_148 to %scan3A_150 step %scan3A_151 iter_args(%scan3A_613 = %scan3A_147) -> (i32)  : i32 {
      %mul3A_614 = arith.constant 64 : i32
      %mul3A_615 = arith.muli %scan3A_612, %mul3A_614 : i32
      %add3A_616 = vector.broadcast %mul3A_615 : i32 to vector<16xi32>
      %add3A_617 = arith.addi %iota3A_129, %add3A_616 : vector<16xi32>
      %add3A_618 = arith.constant 0 : i32
      %add3A_619 = vector.broadcast %add3A_618 : i32 to vector<16xi32>
      %add3A_620 = arith.addi %add3A_617, %add3A_619 : vector<16xi32>
      %gather3A_621 = tpu.vector_load_idx %arg9[%broadcast_in_dim3A_143, %gather3A_146, %add3A_620] : memref<4x8x1024xf32, #tpu.memory_space<vmem>>[vector<16xi32>, vector<16xi32>, vector<16xi32>], vector<16xf32>,
      %mul3A_622 = arith.constant 64 : i32
      %mul3A_623 = arith.muli %scan3A_612, %mul3A_622 : i32
      %add3A_624 = arith.constant 0 : i32
      %add3A_625 = arith.addi %mul3A_623, %add3A_624 : i32
      %swap3A_626 = arith.constant 1 : i32
      %swap3A_627 = arith.index_cast %swap3A_626 : i32 to index
      %swap3A_628 = arith.index_cast %add3A_625 : i32 to index
      %swap3A_629 = tpu.vector_load %arg11[%swap3A_627, %swap3A_628] {strides = array<i32>} : memref<4x1024xf32, #tpu.memory_space<vmem>>, vector<16xf32>,
      tpu.vector_store %arg11[%swap3A_627, %swap3A_628], %gather3A_621 {strides = array<i32>} : memref<4x1024xf32, #tpu.memory_space<vmem>>, vector<16xf32>,
      %mul3A_630 = arith.constant 64 : i32
      %mul3A_631 = arith.muli %scan3A_612, %mul3A_630 : i32
      %add3A_632 = vector.broadcast %mul3A_631 : i32 to vector<16xi32>
      %add3A_633 = arith.addi %iota3A_129, %add3A_632 : vector<16xi32>
      %add3A_634 = arith.constant 16 : i32
      %add3A_635 = vector.broadcast %add3A_634 : i32 to vector<16xi32>
      %add3A_636 = arith.addi %add3A_633, %add3A_635 : vector<16xi32>
      %gather3A_637 = tpu.vector_load_idx %arg9[%broadcast_in_dim3A_143, %gather3A_146, %add3A_636] : memref<4x8x1024xf32, #tpu.memory_space<vmem>>[vector<16xi32>, vector<16xi32>, vector<16xi32>], vector<16xf32>,
      %mul3A_638 = arith.constant 64 : i32
      %mul3A_639 = arith.muli %scan3A_612, %mul3A_638 : i32
      %add3A_640 = arith.constant 16 : i32
      %add3A_641 = arith.addi %mul3A_639, %add3A_640 : i32
      %swap3A_642 = arith.constant 1 : i32
      %swap3A_643 = arith.index_cast %swap3A_642 : i32 to index
      %swap3A_644 = arith.index_cast %add3A_641 : i32 to index
      %swap3A_645 = tpu.vector_load %arg11[%swap3A_643, %swap3A_644] {strides = array<i32>} : memref<4x1024xf32, #tpu.memory_space<vmem>>, vector<16xf32>,
      tpu.vector_store %arg11[%swap3A_643, %swap3A_644], %gather3A_637 {strides = array<i32>} : memref<4x1024xf32, #tpu.memory_space<vmem>>, vector<16xf32>,
      %mul3A_646 = arith.constant 64 : i32
      %mul3A_647 = arith.muli %scan3A_612, %mul3A_646 : i32
      %add3A_648 = vector.broadcast %mul3A_647 : i32 to vector<16xi32>
      %add3A_649 = arith.addi %iota3A_129, %add3A_648 : vector<16xi32>
      %add3A_650 = arith.constant 32 : i32
      %add3A_651 = vector.broadcast %add3A_650 : i32 to vector<16xi32>
      %add3A_652 = arith.addi %add3A_649, %add3A_651 : vector<16xi32>
      %gather3A_653 = tpu.vector_load_idx %arg9[%broadcast_in_dim3A_143, %gather3A_146, %add3A_652] : memref<4x8x1024xf32, #tpu.memory_space<vmem>>[vector<16xi32>, vector<16xi32>, vector<16xi32>], vector<16xf32>,
      %mul3A_654 = arith.constant 64 : i32
      %mul3A_655 = arith.muli %scan3A_612, %mul3A_654 : i32
      %add3A_656 = arith.constant 32 : i32
      %add3A_657 = arith.addi %mul3A_655, %add3A_656 : i32
      %swap3A_658 = arith.constant 1 : i32
      %swap3A_659 = arith.index_cast %swap3A_658 : i32 to index
      %swap3A_660 = arith.index_cast %add3A_657 : i32 to index
      %swap3A_661 = tpu.vector_load %arg11[%swap3A_659, %swap3A_660] {strides = array<i32>} : memref<4x1024xf32, #tpu.memory_space<vmem>>, vector<16xf32>,
      tpu.vector_store %arg11[%swap3A_659, %swap3A_660], %gather3A_653 {strides = array<i32>} : memref<4x1024xf32, #tpu.memory_space<vmem>>, vector<16xf32>,
      %mul3A_662 = arith.constant 64 : i32
      %mul3A_663 = arith.muli %scan3A_612, %mul3A_662 : i32
      %add3A_664 = vector.broadcast %mul3A_663 : i32 to vector<16xi32>
      %add3A_665 = arith.addi %iota3A_129, %add3A_664 : vector<16xi32>
      %add3A_666 = arith.constant 48 : i32
      %add3A_667 = vector.broadcast %add3A_666 : i32 to vector<16xi32>
      %add3A_668 = arith.addi %add3A_665, %add3A_667 : vector<16xi32>
      %gather3A_669 = tpu.vector_load_idx %arg9[%broadcast_in_dim3A_143, %gather3A_146, %add3A_668] : memref<4x8x1024xf32, #tpu.memory_space<vmem>>[vector<16xi32>, vector<16xi32>, vector<16xi32>], vector<16xf32>,
      %mul3A_670 = arith.constant 64 : i32
      %mul3A_671 = arith.muli %scan3A_612, %mul3A_670 : i32
      %add3A_672 = arith.constant 48 : i32
      %add3A_673 = arith.addi %mul3A_671, %add3A_672 : i32
      %swap3A_674 = arith.constant 1 : i32
      %swap3A_675 = arith.index_cast %swap3A_674 : i32 to index
      %swap3A_676 = arith.index_cast %add3A_673 : i32 to index
      %swap3A_677 = tpu.vector_load %arg11[%swap3A_675, %swap3A_676] {strides = array<i32>} : memref<4x1024xf32, #tpu.memory_space<vmem>>, vector<16xf32>,
      tpu.vector_store %arg11[%swap3A_675, %swap3A_676], %gather3A_669 {strides = array<i32>} : memref<4x1024xf32, #tpu.memory_space<vmem>>, vector<16xf32>,
      %scan3A_678 = arith.constant 0 : i32
      scf.yield %scan3A_678 : i32
    }
    %scan3A_153 = arith.constant 16 : i32
    %broadcast_in_dim3A_154 = arith.constant 2 : i32
    %broadcast_in_dim3A_155 = vector.broadcast %broadcast_in_dim3A_154 : i32 to vector<16xi32>
    %broadcast_in_dim3A_156 = arith.constant 6 : i32
    %broadcast_in_dim3A_157 = vector.broadcast %broadcast_in_dim3A_156 : i32 to vector<16xi32>
    %gather3A_158 = tpu.vector_load_idx %arg6[%broadcast_in_dim3A_157] : memref<32xi32, #tpu.memory_space<vmem>>[vector<16xi32>], vector<16xi32>,
    %scan3A_159 = arith.constant 0 : i32
    %scan3A_160 = arith.constant 0 : i32
    %scan3A_161 = arith.constant 16 : i32
    %scan3A_162 = arith.addi %scan3A_160, %scan3A_161 : i32
    %scan3A_163 = arith.constant 1 : i32
    %scan3A_164 = scf.for %scan3A_612 = %scan3A_160 to %scan3A_162 step %scan3A_163 iter_args(%scan3A_613 = %scan3A_159) -> (i32)  : i32 {
      %mul3A_614 = arith.constant 64 : i32
      %mul3A_615 = arith.muli %scan3A_612, %mul3A_614 : i32
      %add3A_616 = vector.broadcast %mul3A_615 : i32 to vector<16xi32>
      %add3A_617 = arith.addi %iota3A_129, %add3A_616 : vector<16xi32>
      %add3A_618 = arith.constant 0 : i32
      %add3A_619 = vector.broadcast %add3A_618 : i32 to vector<16xi32>
      %add3A_620 = arith.addi %add3A_617, %add3A_619 : vector<16xi32>
      %gather3A_621 = tpu.vector_load_idx %arg9[%broadcast_in_dim3A_155, %gather3A_158, %add3A_620] : memref<4x8x1024xf32, #tpu.memory_space<vmem>>[vector<16xi32>, vector<16xi32>, vector<16xi32>], vector<16xf32>,
      %mul3A_622 = arith.constant 64 : i32
      %mul3A_623 = arith.muli %scan3A_612, %mul3A_622 : i32
      %add3A_624 = arith.constant 0 : i32
      %add3A_625 = arith.addi %mul3A_623, %add3A_624 : i32
      %swap3A_626 = arith.constant 2 : i32
      %swap3A_627 = arith.index_cast %swap3A_626 : i32 to index
      %swap3A_628 = arith.index_cast %add3A_625 : i32 to index
      %swap3A_629 = tpu.vector_load %arg11[%swap3A_627, %swap3A_628] {strides = array<i32>} : memref<4x1024xf32, #tpu.memory_space<vmem>>, vector<16xf32>,
      tpu.vector_store %arg11[%swap3A_627, %swap3A_628], %gather3A_621 {strides = array<i32>} : memref<4x1024xf32, #tpu.memory_space<vmem>>, vector<16xf32>,
      %mul3A_630 = arith.constant 64 : i32
      %mul3A_631 = arith.muli %scan3A_612, %mul3A_630 : i32
      %add3A_632 = vector.broadcast %mul3A_631 : i32 to vector<16xi32>
      %add3A_633 = arith.addi %iota3A_129, %add3A_632 : vector<16xi32>
      %add3A_634 = arith.constant 16 : i32
      %add3A_635 = vector.broadcast %add3A_634 : i32 to vector<16xi32>
      %add3A_636 = arith.addi %add3A_633, %add3A_635 : vector<16xi32>
      %gather3A_637 = tpu.vector_load_idx %arg9[%broadcast_in_dim3A_155, %gather3A_158, %add3A_636] : memref<4x8x1024xf32, #tpu.memory_space<vmem>>[vector<16xi32>, vector<16xi32>, vector<16xi32>], vector<16xf32>,
      %mul3A_638 = arith.constant 64 : i32
      %mul3A_639 = arith.muli %scan3A_612, %mul3A_638 : i32
      %add3A_640 = arith.constant 16 : i32
      %add3A_641 = arith.addi %mul3A_639, %add3A_640 : i32
      %swap3A_642 = arith.constant 2 : i32
      %swap3A_643 = arith.index_cast %swap3A_642 : i32 to index
      %swap3A_644 = arith.index_cast %add3A_641 : i32 to index
      %swap3A_645 = tpu.vector_load %arg11[%swap3A_643, %swap3A_644] {strides = array<i32>} : memref<4x1024xf32, #tpu.memory_space<vmem>>, vector<16xf32>,
      tpu.vector_store %arg11[%swap3A_643, %swap3A_644], %gather3A_637 {strides = array<i32>} : memref<4x1024xf32, #tpu.memory_space<vmem>>, vector<16xf32>,
      %mul3A_646 = arith.constant 64 : i32
      %mul3A_647 = arith.muli %scan3A_612, %mul3A_646 : i32
      %add3A_648 = vector.broadcast %mul3A_647 : i32 to vector<16xi32>
      %add3A_649 = arith.addi %iota3A_129, %add3A_648 : vector<16xi32>
      %add3A_650 = arith.constant 32 : i32
      %add3A_651 = vector.broadcast %add3A_650 : i32 to vector<16xi32>
      %add3A_652 = arith.addi %add3A_649, %add3A_651 : vector<16xi32>
      %gather3A_653 = tpu.vector_load_idx %arg9[%broadcast_in_dim3A_155, %gather3A_158, %add3A_652] : memref<4x8x1024xf32, #tpu.memory_space<vmem>>[vector<16xi32>, vector<16xi32>, vector<16xi32>], vector<16xf32>,
      %mul3A_654 = arith.constant 64 : i32
      %mul3A_655 = arith.muli %scan3A_612, %mul3A_654 : i32
      %add3A_656 = arith.constant 32 : i32
      %add3A_657 = arith.addi %mul3A_655, %add3A_656 : i32
      %swap3A_658 = arith.constant 2 : i32
      %swap3A_659 = arith.index_cast %swap3A_658 : i32 to index
      %swap3A_660 = arith.index_cast %add3A_657 : i32 to index
      %swap3A_661 = tpu.vector_load %arg11[%swap3A_659, %swap3A_660] {strides = array<i32>} : memref<4x1024xf32, #tpu.memory_space<vmem>>, vector<16xf32>,
      tpu.vector_store %arg11[%swap3A_659, %swap3A_660], %gather3A_653 {strides = array<i32>} : memref<4x1024xf32, #tpu.memory_space<vmem>>, vector<16xf32>,
      %mul3A_662 = arith.constant 64 : i32
      %mul3A_663 = arith.muli %scan3A_612, %mul3A_662 : i32
      %add3A_664 = vector.broadcast %mul3A_663 : i32 to vector<16xi32>
      %add3A_665 = arith.addi %iota3A_129, %add3A_664 : vector<16xi32>
      %add3A_666 = arith.constant 48 : i32
      %add3A_667 = vector.broadcast %add3A_666 : i32 to vector<16xi32>
      %add3A_668 = arith.addi %add3A_665, %add3A_667 : vector<16xi32>
      %gather3A_669 = tpu.vector_load_idx %arg9[%broadcast_in_dim3A_155, %gather3A_158, %add3A_668] : memref<4x8x1024xf32, #tpu.memory_space<vmem>>[vector<16xi32>, vector<16xi32>, vector<16xi32>], vector<16xf32>,
      %mul3A_670 = arith.constant 64 : i32
      %mul3A_671 = arith.muli %scan3A_612, %mul3A_670 : i32
      %add3A_672 = arith.constant 48 : i32
      %add3A_673 = arith.addi %mul3A_671, %add3A_672 : i32
      %swap3A_674 = arith.constant 2 : i32
      %swap3A_675 = arith.index_cast %swap3A_674 : i32 to index
      %swap3A_676 = arith.index_cast %add3A_673 : i32 to index
      %swap3A_677 = tpu.vector_load %arg11[%swap3A_675, %swap3A_676] {strides = array<i32>} : memref<4x1024xf32, #tpu.memory_space<vmem>>, vector<16xf32>,
      tpu.vector_store %arg11[%swap3A_675, %swap3A_676], %gather3A_669 {strides = array<i32>} : memref<4x1024xf32, #tpu.memory_space<vmem>>, vector<16xf32>,
      %scan3A_678 = arith.constant 0 : i32
      scf.yield %scan3A_678 : i32
    }
    %scan3A_165 = arith.constant 16 : i32
    %broadcast_in_dim3A_166 = arith.constant 3 : i32
    %broadcast_in_dim3A_167 = vector.broadcast %broadcast_in_dim3A_166 : i32 to vector<16xi32>
    %broadcast_in_dim3A_168 = arith.constant 7 : i32
    %broadcast_in_dim3A_169 = vector.broadcast %broadcast_in_dim3A_168 : i32 to vector<16xi32>
    %gather3A_170 = tpu.vector_load_idx %arg6[%broadcast_in_dim3A_169] : memref<32xi32, #tpu.memory_space<vmem>>[vector<16xi32>], vector<16xi32>,
    %scan3A_171 = arith.constant 0 : i32
    %scan3A_172 = arith.constant 0 : i32
    %scan3A_173 = arith.constant 16 : i32
    %scan3A_174 = arith.addi %scan3A_172, %scan3A_173 : i32
    %scan3A_175 = arith.constant 1 : i32
    %scan3A_176 = scf.for %scan3A_612 = %scan3A_172 to %scan3A_174 step %scan3A_175 iter_args(%scan3A_613 = %scan3A_171) -> (i32)  : i32 {
      %mul3A_614 = arith.constant 64 : i32
      %mul3A_615 = arith.muli %scan3A_612, %mul3A_614 : i32
      %add3A_616 = vector.broadcast %mul3A_615 : i32 to vector<16xi32>
      %add3A_617 = arith.addi %iota3A_129, %add3A_616 : vector<16xi32>
      %add3A_618 = arith.constant 0 : i32
      %add3A_619 = vector.broadcast %add3A_618 : i32 to vector<16xi32>
      %add3A_620 = arith.addi %add3A_617, %add3A_619 : vector<16xi32>
      %gather3A_621 = tpu.vector_load_idx %arg9[%broadcast_in_dim3A_167, %gather3A_170, %add3A_620] : memref<4x8x1024xf32, #tpu.memory_space<vmem>>[vector<16xi32>, vector<16xi32>, vector<16xi32>], vector<16xf32>,
      %mul3A_622 = arith.constant 64 : i32
      %mul3A_623 = arith.muli %scan3A_612, %mul3A_622 : i32
      %add3A_624 = arith.constant 0 : i32
      %add3A_625 = arith.addi %mul3A_623, %add3A_624 : i32
      %swap3A_626 = arith.constant 3 : i32
      %swap3A_627 = arith.index_cast %swap3A_626 : i32 to index
      %swap3A_628 = arith.index_cast %add3A_625 : i32 to index
      %swap3A_629 = tpu.vector_load %arg11[%swap3A_627, %swap3A_628] {strides = array<i32>} : memref<4x1024xf32, #tpu.memory_space<vmem>>, vector<16xf32>,
      tpu.vector_store %arg11[%swap3A_627, %swap3A_628], %gather3A_621 {strides = array<i32>} : memref<4x1024xf32, #tpu.memory_space<vmem>>, vector<16xf32>,
      %mul3A_630 = arith.constant 64 : i32
      %mul3A_631 = arith.muli %scan3A_612, %mul3A_630 : i32
      %add3A_632 = vector.broadcast %mul3A_631 : i32 to vector<16xi32>
      %add3A_633 = arith.addi %iota3A_129, %add3A_632 : vector<16xi32>
      %add3A_634 = arith.constant 16 : i32
      %add3A_635 = vector.broadcast %add3A_634 : i32 to vector<16xi32>
      %add3A_636 = arith.addi %add3A_633, %add3A_635 : vector<16xi32>
      %gather3A_637 = tpu.vector_load_idx %arg9[%broadcast_in_dim3A_167, %gather3A_170, %add3A_636] : memref<4x8x1024xf32, #tpu.memory_space<vmem>>[vector<16xi32>, vector<16xi32>, vector<16xi32>], vector<16xf32>,
      %mul3A_638 = arith.constant 64 : i32
      %mul3A_639 = arith.muli %scan3A_612, %mul3A_638 : i32
      %add3A_640 = arith.constant 16 : i32
      %add3A_641 = arith.addi %mul3A_639, %add3A_640 : i32
      %swap3A_642 = arith.constant 3 : i32
      %swap3A_643 = arith.index_cast %swap3A_642 : i32 to index
      %swap3A_644 = arith.index_cast %add3A_641 : i32 to index
      %swap3A_645 = tpu.vector_load %arg11[%swap3A_643, %swap3A_644] {strides = array<i32>} : memref<4x1024xf32, #tpu.memory_space<vmem>>, vector<16xf32>,
      tpu.vector_store %arg11[%swap3A_643, %swap3A_644], %gather3A_637 {strides = array<i32>} : memref<4x1024xf32, #tpu.memory_space<vmem>>, vector<16xf32>,
      %mul3A_646 = arith.constant 64 : i32
      %mul3A_647 = arith.muli %scan3A_612, %mul3A_646 : i32
      %add3A_648 = vector.broadcast %mul3A_647 : i32 to vector<16xi32>
      %add3A_649 = arith.addi %iota3A_129, %add3A_648 : vector<16xi32>
      %add3A_650 = arith.constant 32 : i32
      %add3A_651 = vector.broadcast %add3A_650 : i32 to vector<16xi32>
      %add3A_652 = arith.addi %add3A_649, %add3A_651 : vector<16xi32>
      %gather3A_653 = tpu.vector_load_idx %arg9[%broadcast_in_dim3A_167, %gather3A_170, %add3A_652] : memref<4x8x1024xf32, #tpu.memory_space<vmem>>[vector<16xi32>, vector<16xi32>, vector<16xi32>], vector<16xf32>,
      %mul3A_654 = arith.constant 64 : i32
      %mul3A_655 = arith.muli %scan3A_612, %mul3A_654 : i32
      %add3A_656 = arith.constant 32 : i32
      %add3A_657 = arith.addi %mul3A_655, %add3A_656 : i32
      %swap3A_658 = arith.constant 3 : i32
      %swap3A_659 = arith.index_cast %swap3A_658 : i32 to index
      %swap3A_660 = arith.index_cast %add3A_657 : i32 to index
      %swap3A_661 = tpu.vector_load %arg11[%swap3A_659, %swap3A_660] {strides = array<i32>} : memref<4x1024xf32, #tpu.memory_space<vmem>>, vector<16xf32>,
      tpu.vector_store %arg11[%swap3A_659, %swap3A_660], %gather3A_653 {strides = array<i32>} : memref<4x1024xf32, #tpu.memory_space<vmem>>, vector<16xf32>,
      %mul3A_662 = arith.constant 64 : i32
      %mul3A_663 = arith.muli %scan3A_612, %mul3A_662 : i32
      %add3A_664 = vector.broadcast %mul3A_663 : i32 to vector<16xi32>
      %add3A_665 = arith.addi %iota3A_129, %add3A_664 : vector<16xi32>
      %add3A_666 = arith.constant 48 : i32
      %add3A_667 = vector.broadcast %add3A_666 : i32 to vector<16xi32>
      %add3A_668 = arith.addi %add3A_665, %add3A_667 : vector<16xi32>
      %gather3A_669 = tpu.vector_load_idx %arg9[%broadcast_in_dim3A_167, %gather3A_170, %add3A_668] : memref<4x8x1024xf32, #tpu.memory_space<vmem>>[vector<16xi32>, vector<16xi32>, vector<16xi32>], vector<16xf32>,
      %mul3A_670 = arith.constant 64 : i32
      %mul3A_671 = arith.muli %scan3A_612, %mul3A_670 : i32
      %add3A_672 = arith.constant 48 : i32
      %add3A_673 = arith.addi %mul3A_671, %add3A_672 : i32
      %swap3A_674 = arith.constant 3 : i32
      %swap3A_675 = arith.index_cast %swap3A_674 : i32 to index
      %swap3A_676 = arith.index_cast %add3A_673 : i32 to index
      %swap3A_677 = tpu.vector_load %arg11[%swap3A_675, %swap3A_676] {strides = array<i32>} : memref<4x1024xf32, #tpu.memory_space<vmem>>, vector<16xf32>,
      tpu.vector_store %arg11[%swap3A_675, %swap3A_676], %gather3A_669 {strides = array<i32>} : memref<4x1024xf32, #tpu.memory_space<vmem>>, vector<16xf32>,
      %scan3A_678 = arith.constant 0 : i32
      scf.yield %scan3A_678 : i32
    }
    %scan3A_177 = arith.constant 16 : i32
    %dma_start3A_178 = arith.constant 24 : i32
    %dma_start3A_179 = tpu.memref_slice %arg7[%dma_start3A_178] : memref<64xi32, #tpu.memory_space<vmem>> -> memref<4xi32, #tpu.memory_space<vmem>>
    %dma_start3A_180 = arith.constant 0 : i32
    %dma_start3A_181 = arith.constant 0 : i32
    %dma_start3A_182 = arith.constant 0 : i32
    %dma_start3A_183 = tpu.memref_slice %arg2[%dma_start3A_180, %dma_start3A_181, %dma_start3A_182] : memref<12500x8x1024xf32, #tpu.memory_space<hbm>> -> memref<12500x8x1024xf32, #tpu.memory_space<hbm>>
    tpu.enqueue_indirect_dma source(%dma_start3A_183 : memref<12500x8x1024xf32, #tpu.memory_space<hbm>>) target(%arg9 : memref<4x8x1024xf32, #tpu.memory_space<vmem>>) offsets(%dma_start3A_179 : memref<4xi32, #tpu.memory_space<vmem>>) semaphore(%arg12 : memref<!tpu.dma_semaphore, #tpu.memory_space<semaphore_mem>>)
    %add3A_184 = arith.constant 4 : i32
    %add3A_185 = arith.addi %mul3A_2, %add3A_184 : i32
    %dma_start3A_186 = arith.constant 0 : i32
    %dma_start3A_187 = tpu.memref_slice %arg4[%add3A_185, %dma_start3A_186] : memref<1024x1024xf32, #tpu.memory_space<hbm>> -> memref<4x1024xf32, #tpu.memory_space<hbm>>
    %dma_start3A_188 = arith.constant 0 : i32
    %dma_start3A_189 = tpu.memref_slice %arg4[%add3A_185, %dma_start3A_188] : memref<1024x1024xf32, #tpu.memory_space<hbm>> -> memref<4x1024xf32, #tpu.memory_space<hbm>>
    tpu.enqueue_dma source(%arg11 : memref<4x1024xf32, #tpu.memory_space<vmem>>) target(%dma_start3A_189 : memref<4x1024xf32, #tpu.memory_space<hbm>>) target_semaphore(%arg13 : memref<!tpu.dma_semaphore, #tpu.memory_space<semaphore_mem>>)
    %dma_wait3A_190 = arith.constant 16 : i32
    %dma_wait3A_191 = tpu.memref_slice %arg7[%dma_wait3A_190] : memref<64xi32, #tpu.memory_space<vmem>> -> memref<4xi32, #tpu.memory_space<vmem>>
    %dma_wait3A_192 = arith.constant 0 : i32
    %dma_wait3A_193 = arith.constant 0 : i32
    %dma_wait3A_194 = arith.constant 0 : i32
    %dma_wait3A_195 = tpu.memref_slice %arg2[%dma_wait3A_192, %dma_wait3A_193, %dma_wait3A_194] : memref<12500x8x1024xf32, #tpu.memory_space<hbm>> -> memref<12500x8x1024xf32, #tpu.memory_space<hbm>>
    tpu.wait_indirect_dma semaphore(%arg12 : memref<!tpu.dma_semaphore, #tpu.memory_space<semaphore_mem>>) src(%dma_wait3A_195 : memref<12500x8x1024xf32, #tpu.memory_space<hbm>>) dst(%arg8 : memref<4x8x1024xf32, #tpu.memory_space<vmem>>)
    %dma_wait3A_196 = arith.constant 0 : i32
    %dma_wait3A_197 = tpu.memref_slice %arg4[%add3A_118, %dma_wait3A_196] : memref<1024x1024xf32, #tpu.memory_space<hbm>> -> memref<4x1024xf32, #tpu.memory_space<hbm>>
    %dma_wait3A_198 = arith.constant 0 : i32
    %dma_wait3A_199 = tpu.memref_slice %arg4[%add3A_118, %dma_wait3A_198] : memref<1024x1024xf32, #tpu.memory_space<hbm>> -> memref<4x1024xf32, #tpu.memory_space<hbm>>
    tpu.wait_dma2 semaphore(%arg13 : memref<!tpu.dma_semaphore, #tpu.memory_space<semaphore_mem>>) src(%arg10 : memref<4x1024xf32, #tpu.memory_space<vmem>>) dst(%dma_wait3A_199 : memref<4x1024xf32, #tpu.memory_space<hbm>>)
    %iota3A_200 = tpu.iota {dimensions = array<i32: 0>} : vector<16xi32>
    %broadcast_in_dim3A_201 = arith.constant 0 : i32
    %broadcast_in_dim3A_202 = vector.broadcast %broadcast_in_dim3A_201 : i32 to vector<16xi32>
    %broadcast_in_dim3A_203 = arith.constant 8 : i32
    %broadcast_in_dim3A_204 = vector.broadcast %broadcast_in_dim3A_203 : i32 to vector<16xi32>
    %gather3A_205 = tpu.vector_load_idx %arg6[%broadcast_in_dim3A_204] : memref<32xi32, #tpu.memory_space<vmem>>[vector<16xi32>], vector<16xi32>,
    %scan3A_206 = arith.constant 0 : i32
    %scan3A_207 = arith.constant 0 : i32
    %scan3A_208 = arith.constant 16 : i32
    %scan3A_209 = arith.addi %scan3A_207, %scan3A_208 : i32
    %scan3A_210 = arith.constant 1 : i32
    %scan3A_211 = scf.for %scan3A_612 = %scan3A_207 to %scan3A_209 step %scan3A_210 iter_args(%scan3A_613 = %scan3A_206) -> (i32)  : i32 {
      %mul3A_614 = arith.constant 64 : i32
      %mul3A_615 = arith.muli %scan3A_612, %mul3A_614 : i32
      %add3A_616 = vector.broadcast %mul3A_615 : i32 to vector<16xi32>
      %add3A_617 = arith.addi %iota3A_200, %add3A_616 : vector<16xi32>
      %add3A_618 = arith.constant 0 : i32
      %add3A_619 = vector.broadcast %add3A_618 : i32 to vector<16xi32>
      %add3A_620 = arith.addi %add3A_617, %add3A_619 : vector<16xi32>
      %gather3A_621 = tpu.vector_load_idx %arg8[%broadcast_in_dim3A_202, %gather3A_205, %add3A_620] : memref<4x8x1024xf32, #tpu.memory_space<vmem>>[vector<16xi32>, vector<16xi32>, vector<16xi32>], vector<16xf32>,
      %mul3A_622 = arith.constant 64 : i32
      %mul3A_623 = arith.muli %scan3A_612, %mul3A_622 : i32
      %add3A_624 = arith.constant 0 : i32
      %add3A_625 = arith.addi %mul3A_623, %add3A_624 : i32
      %swap3A_626 = arith.constant 0 : i32
      %swap3A_627 = arith.index_cast %swap3A_626 : i32 to index
      %swap3A_628 = arith.index_cast %add3A_625 : i32 to index
      %swap3A_629 = tpu.vector_load %arg10[%swap3A_627, %swap3A_628] {strides = array<i32>} : memref<4x1024xf32, #tpu.memory_space<vmem>>, vector<16xf32>,
      tpu.vector_store %arg10[%swap3A_627, %swap3A_628], %gather3A_621 {strides = array<i32>} : memref<4x1024xf32, #tpu.memory_space<vmem>>, vector<16xf32>,
      %mul3A_630 = arith.constant 64 : i32
      %mul3A_631 = arith.muli %scan3A_612, %mul3A_630 : i32
      %add3A_632 = vector.broadcast %mul3A_631 : i32 to vector<16xi32>
      %add3A_633 = arith.addi %iota3A_200, %add3A_632 : vector<16xi32>
      %add3A_634 = arith.constant 16 : i32
      %add3A_635 = vector.broadcast %add3A_634 : i32 to vector<16xi32>
      %add3A_636 = arith.addi %add3A_633, %add3A_635 : vector<16xi32>
      %gather3A_637 = tpu.vector_load_idx %arg8[%broadcast_in_dim3A_202, %gather3A_205, %add3A_636] : memref<4x8x1024xf32, #tpu.memory_space<vmem>>[vector<16xi32>, vector<16xi32>, vector<16xi32>], vector<16xf32>,
      %mul3A_638 = arith.constant 64 : i32
      %mul3A_639 = arith.muli %scan3A_612, %mul3A_638 : i32
      %add3A_640 = arith.constant 16 : i32
      %add3A_641 = arith.addi %mul3A_639, %add3A_640 : i32
      %swap3A_642 = arith.constant 0 : i32
      %swap3A_643 = arith.index_cast %swap3A_642 : i32 to index
      %swap3A_644 = arith.index_cast %add3A_641 : i32 to index
      %swap3A_645 = tpu.vector_load %arg10[%swap3A_643, %swap3A_644] {strides = array<i32>} : memref<4x1024xf32, #tpu.memory_space<vmem>>, vector<16xf32>,
      tpu.vector_store %arg10[%swap3A_643, %swap3A_644], %gather3A_637 {strides = array<i32>} : memref<4x1024xf32, #tpu.memory_space<vmem>>, vector<16xf32>,
      %mul3A_646 = arith.constant 64 : i32
      %mul3A_647 = arith.muli %scan3A_612, %mul3A_646 : i32
      %add3A_648 = vector.broadcast %mul3A_647 : i32 to vector<16xi32>
      %add3A_649 = arith.addi %iota3A_200, %add3A_648 : vector<16xi32>
      %add3A_650 = arith.constant 32 : i32
      %add3A_651 = vector.broadcast %add3A_650 : i32 to vector<16xi32>
      %add3A_652 = arith.addi %add3A_649, %add3A_651 : vector<16xi32>
      %gather3A_653 = tpu.vector_load_idx %arg8[%broadcast_in_dim3A_202, %gather3A_205, %add3A_652] : memref<4x8x1024xf32, #tpu.memory_space<vmem>>[vector<16xi32>, vector<16xi32>, vector<16xi32>], vector<16xf32>,
      %mul3A_654 = arith.constant 64 : i32
      %mul3A_655 = arith.muli %scan3A_612, %mul3A_654 : i32
      %add3A_656 = arith.constant 32 : i32
      %add3A_657 = arith.addi %mul3A_655, %add3A_656 : i32
      %swap3A_658 = arith.constant 0 : i32
      %swap3A_659 = arith.index_cast %swap3A_658 : i32 to index
      %swap3A_660 = arith.index_cast %add3A_657 : i32 to index
      %swap3A_661 = tpu.vector_load %arg10[%swap3A_659, %swap3A_660] {strides = array<i32>} : memref<4x1024xf32, #tpu.memory_space<vmem>>, vector<16xf32>,
      tpu.vector_store %arg10[%swap3A_659, %swap3A_660], %gather3A_653 {strides = array<i32>} : memref<4x1024xf32, #tpu.memory_space<vmem>>, vector<16xf32>,
      %mul3A_662 = arith.constant 64 : i32
      %mul3A_663 = arith.muli %scan3A_612, %mul3A_662 : i32
      %add3A_664 = vector.broadcast %mul3A_663 : i32 to vector<16xi32>
      %add3A_665 = arith.addi %iota3A_200, %add3A_664 : vector<16xi32>
      %add3A_666 = arith.constant 48 : i32
      %add3A_667 = vector.broadcast %add3A_666 : i32 to vector<16xi32>
      %add3A_668 = arith.addi %add3A_665, %add3A_667 : vector<16xi32>
      %gather3A_669 = tpu.vector_load_idx %arg8[%broadcast_in_dim3A_202, %gather3A_205, %add3A_668] : memref<4x8x1024xf32, #tpu.memory_space<vmem>>[vector<16xi32>, vector<16xi32>, vector<16xi32>], vector<16xf32>,
      %mul3A_670 = arith.constant 64 : i32
      %mul3A_671 = arith.muli %scan3A_612, %mul3A_670 : i32
      %add3A_672 = arith.constant 48 : i32
      %add3A_673 = arith.addi %mul3A_671, %add3A_672 : i32
      %swap3A_674 = arith.constant 0 : i32
      %swap3A_675 = arith.index_cast %swap3A_674 : i32 to index
      %swap3A_676 = arith.index_cast %add3A_673 : i32 to index
      %swap3A_677 = tpu.vector_load %arg10[%swap3A_675, %swap3A_676] {strides = array<i32>} : memref<4x1024xf32, #tpu.memory_space<vmem>>, vector<16xf32>,
      tpu.vector_store %arg10[%swap3A_675, %swap3A_676], %gather3A_669 {strides = array<i32>} : memref<4x1024xf32, #tpu.memory_space<vmem>>, vector<16xf32>,
      %scan3A_678 = arith.constant 0 : i32
      scf.yield %scan3A_678 : i32
    }
    %scan3A_212 = arith.constant 16 : i32
    %broadcast_in_dim3A_213 = arith.constant 1 : i32
    %broadcast_in_dim3A_214 = vector.broadcast %broadcast_in_dim3A_213 : i32 to vector<16xi32>
    %broadcast_in_dim3A_215 = arith.constant 9 : i32
    %broadcast_in_dim3A_216 = vector.broadcast %broadcast_in_dim3A_215 : i32 to vector<16xi32>
    %gather3A_217 = tpu.vector_load_idx %arg6[%broadcast_in_dim3A_216] : memref<32xi32, #tpu.memory_space<vmem>>[vector<16xi32>], vector<16xi32>,
    %scan3A_218 = arith.constant 0 : i32
    %scan3A_219 = arith.constant 0 : i32
    %scan3A_220 = arith.constant 16 : i32
    %scan3A_221 = arith.addi %scan3A_219, %scan3A_220 : i32
    %scan3A_222 = arith.constant 1 : i32
    %scan3A_223 = scf.for %scan3A_612 = %scan3A_219 to %scan3A_221 step %scan3A_222 iter_args(%scan3A_613 = %scan3A_218) -> (i32)  : i32 {
      %mul3A_614 = arith.constant 64 : i32
      %mul3A_615 = arith.muli %scan3A_612, %mul3A_614 : i32
      %add3A_616 = vector.broadcast %mul3A_615 : i32 to vector<16xi32>
      %add3A_617 = arith.addi %iota3A_200, %add3A_616 : vector<16xi32>
      %add3A_618 = arith.constant 0 : i32
      %add3A_619 = vector.broadcast %add3A_618 : i32 to vector<16xi32>
      %add3A_620 = arith.addi %add3A_617, %add3A_619 : vector<16xi32>
      %gather3A_621 = tpu.vector_load_idx %arg8[%broadcast_in_dim3A_214, %gather3A_217, %add3A_620] : memref<4x8x1024xf32, #tpu.memory_space<vmem>>[vector<16xi32>, vector<16xi32>, vector<16xi32>], vector<16xf32>,
      %mul3A_622 = arith.constant 64 : i32
      %mul3A_623 = arith.muli %scan3A_612, %mul3A_622 : i32
      %add3A_624 = arith.constant 0 : i32
      %add3A_625 = arith.addi %mul3A_623, %add3A_624 : i32
      %swap3A_626 = arith.constant 1 : i32
      %swap3A_627 = arith.index_cast %swap3A_626 : i32 to index
      %swap3A_628 = arith.index_cast %add3A_625 : i32 to index
      %swap3A_629 = tpu.vector_load %arg10[%swap3A_627, %swap3A_628] {strides = array<i32>} : memref<4x1024xf32, #tpu.memory_space<vmem>>, vector<16xf32>,
      tpu.vector_store %arg10[%swap3A_627, %swap3A_628], %gather3A_621 {strides = array<i32>} : memref<4x1024xf32, #tpu.memory_space<vmem>>, vector<16xf32>,
      %mul3A_630 = arith.constant 64 : i32
      %mul3A_631 = arith.muli %scan3A_612, %mul3A_630 : i32
      %add3A_632 = vector.broadcast %mul3A_631 : i32 to vector<16xi32>
      %add3A_633 = arith.addi %iota3A_200, %add3A_632 : vector<16xi32>
      %add3A_634 = arith.constant 16 : i32
      %add3A_635 = vector.broadcast %add3A_634 : i32 to vector<16xi32>
      %add3A_636 = arith.addi %add3A_633, %add3A_635 : vector<16xi32>
      %gather3A_637 = tpu.vector_load_idx %arg8[%broadcast_in_dim3A_214, %gather3A_217, %add3A_636] : memref<4x8x1024xf32, #tpu.memory_space<vmem>>[vector<16xi32>, vector<16xi32>, vector<16xi32>], vector<16xf32>,
      %mul3A_638 = arith.constant 64 : i32
      %mul3A_639 = arith.muli %scan3A_612, %mul3A_638 : i32
      %add3A_640 = arith.constant 16 : i32
      %add3A_641 = arith.addi %mul3A_639, %add3A_640 : i32
      %swap3A_642 = arith.constant 1 : i32
      %swap3A_643 = arith.index_cast %swap3A_642 : i32 to index
      %swap3A_644 = arith.index_cast %add3A_641 : i32 to index
      %swap3A_645 = tpu.vector_load %arg10[%swap3A_643, %swap3A_644] {strides = array<i32>} : memref<4x1024xf32, #tpu.memory_space<vmem>>, vector<16xf32>,
      tpu.vector_store %arg10[%swap3A_643, %swap3A_644], %gather3A_637 {strides = array<i32>} : memref<4x1024xf32, #tpu.memory_space<vmem>>, vector<16xf32>,
      %mul3A_646 = arith.constant 64 : i32
      %mul3A_647 = arith.muli %scan3A_612, %mul3A_646 : i32
      %add3A_648 = vector.broadcast %mul3A_647 : i32 to vector<16xi32>
      %add3A_649 = arith.addi %iota3A_200, %add3A_648 : vector<16xi32>
      %add3A_650 = arith.constant 32 : i32
      %add3A_651 = vector.broadcast %add3A_650 : i32 to vector<16xi32>
      %add3A_652 = arith.addi %add3A_649, %add3A_651 : vector<16xi32>
      %gather3A_653 = tpu.vector_load_idx %arg8[%broadcast_in_dim3A_214, %gather3A_217, %add3A_652] : memref<4x8x1024xf32, #tpu.memory_space<vmem>>[vector<16xi32>, vector<16xi32>, vector<16xi32>], vector<16xf32>,
      %mul3A_654 = arith.constant 64 : i32
      %mul3A_655 = arith.muli %scan3A_612, %mul3A_654 : i32
      %add3A_656 = arith.constant 32 : i32
      %add3A_657 = arith.addi %mul3A_655, %add3A_656 : i32
      %swap3A_658 = arith.constant 1 : i32
      %swap3A_659 = arith.index_cast %swap3A_658 : i32 to index
      %swap3A_660 = arith.index_cast %add3A_657 : i32 to index
      %swap3A_661 = tpu.vector_load %arg10[%swap3A_659, %swap3A_660] {strides = array<i32>} : memref<4x1024xf32, #tpu.memory_space<vmem>>, vector<16xf32>,
      tpu.vector_store %arg10[%swap3A_659, %swap3A_660], %gather3A_653 {strides = array<i32>} : memref<4x1024xf32, #tpu.memory_space<vmem>>, vector<16xf32>,
      %mul3A_662 = arith.constant 64 : i32
      %mul3A_663 = arith.muli %scan3A_612, %mul3A_662 : i32
      %add3A_664 = vector.broadcast %mul3A_663 : i32 to vector<16xi32>
      %add3A_665 = arith.addi %iota3A_200, %add3A_664 : vector<16xi32>
      %add3A_666 = arith.constant 48 : i32
      %add3A_667 = vector.broadcast %add3A_666 : i32 to vector<16xi32>
      %add3A_668 = arith.addi %add3A_665, %add3A_667 : vector<16xi32>
      %gather3A_669 = tpu.vector_load_idx %arg8[%broadcast_in_dim3A_214, %gather3A_217, %add3A_668] : memref<4x8x1024xf32, #tpu.memory_space<vmem>>[vector<16xi32>, vector<16xi32>, vector<16xi32>], vector<16xf32>,
      %mul3A_670 = arith.constant 64 : i32
      %mul3A_671 = arith.muli %scan3A_612, %mul3A_670 : i32
      %add3A_672 = arith.constant 48 : i32
      %add3A_673 = arith.addi %mul3A_671, %add3A_672 : i32
      %swap3A_674 = arith.constant 1 : i32
      %swap3A_675 = arith.index_cast %swap3A_674 : i32 to index
      %swap3A_676 = arith.index_cast %add3A_673 : i32 to index
      %swap3A_677 = tpu.vector_load %arg10[%swap3A_675, %swap3A_676] {strides = array<i32>} : memref<4x1024xf32, #tpu.memory_space<vmem>>, vector<16xf32>,
      tpu.vector_store %arg10[%swap3A_675, %swap3A_676], %gather3A_669 {strides = array<i32>} : memref<4x1024xf32, #tpu.memory_space<vmem>>, vector<16xf32>,
      %scan3A_678 = arith.constant 0 : i32
      scf.yield %scan3A_678 : i32
    }
    %scan3A_224 = arith.constant 16 : i32
    %broadcast_in_dim3A_225 = arith.constant 2 : i32
    %broadcast_in_dim3A_226 = vector.broadcast %broadcast_in_dim3A_225 : i32 to vector<16xi32>
    %broadcast_in_dim3A_227 = arith.constant 10 : i32
    %broadcast_in_dim3A_228 = vector.broadcast %broadcast_in_dim3A_227 : i32 to vector<16xi32>
    %gather3A_229 = tpu.vector_load_idx %arg6[%broadcast_in_dim3A_228] : memref<32xi32, #tpu.memory_space<vmem>>[vector<16xi32>], vector<16xi32>,
    %scan3A_230 = arith.constant 0 : i32
    %scan3A_231 = arith.constant 0 : i32
    %scan3A_232 = arith.constant 16 : i32
    %scan3A_233 = arith.addi %scan3A_231, %scan3A_232 : i32
    %scan3A_234 = arith.constant 1 : i32
    %scan3A_235 = scf.for %scan3A_612 = %scan3A_231 to %scan3A_233 step %scan3A_234 iter_args(%scan3A_613 = %scan3A_230) -> (i32)  : i32 {
      %mul3A_614 = arith.constant 64 : i32
      %mul3A_615 = arith.muli %scan3A_612, %mul3A_614 : i32
      %add3A_616 = vector.broadcast %mul3A_615 : i32 to vector<16xi32>
      %add3A_617 = arith.addi %iota3A_200, %add3A_616 : vector<16xi32>
      %add3A_618 = arith.constant 0 : i32
      %add3A_619 = vector.broadcast %add3A_618 : i32 to vector<16xi32>
      %add3A_620 = arith.addi %add3A_617, %add3A_619 : vector<16xi32>
      %gather3A_621 = tpu.vector_load_idx %arg8[%broadcast_in_dim3A_226, %gather3A_229, %add3A_620] : memref<4x8x1024xf32, #tpu.memory_space<vmem>>[vector<16xi32>, vector<16xi32>, vector<16xi32>], vector<16xf32>,
      %mul3A_622 = arith.constant 64 : i32
      %mul3A_623 = arith.muli %scan3A_612, %mul3A_622 : i32
      %add3A_624 = arith.constant 0 : i32
      %add3A_625 = arith.addi %mul3A_623, %add3A_624 : i32
      %swap3A_626 = arith.constant 2 : i32
      %swap3A_627 = arith.index_cast %swap3A_626 : i32 to index
      %swap3A_628 = arith.index_cast %add3A_625 : i32 to index
      %swap3A_629 = tpu.vector_load %arg10[%swap3A_627, %swap3A_628] {strides = array<i32>} : memref<4x1024xf32, #tpu.memory_space<vmem>>, vector<16xf32>,
      tpu.vector_store %arg10[%swap3A_627, %swap3A_628], %gather3A_621 {strides = array<i32>} : memref<4x1024xf32, #tpu.memory_space<vmem>>, vector<16xf32>,
      %mul3A_630 = arith.constant 64 : i32
      %mul3A_631 = arith.muli %scan3A_612, %mul3A_630 : i32
      %add3A_632 = vector.broadcast %mul3A_631 : i32 to vector<16xi32>
      %add3A_633 = arith.addi %iota3A_200, %add3A_632 : vector<16xi32>
      %add3A_634 = arith.constant 16 : i32
      %add3A_635 = vector.broadcast %add3A_634 : i32 to vector<16xi32>
      %add3A_636 = arith.addi %add3A_633, %add3A_635 : vector<16xi32>
      %gather3A_637 = tpu.vector_load_idx %arg8[%broadcast_in_dim3A_226, %gather3A_229, %add3A_636] : memref<4x8x1024xf32, #tpu.memory_space<vmem>>[vector<16xi32>, vector<16xi32>, vector<16xi32>], vector<16xf32>,
      %mul3A_638 = arith.constant 64 : i32
      %mul3A_639 = arith.muli %scan3A_612, %mul3A_638 : i32
      %add3A_640 = arith.constant 16 : i32
      %add3A_641 = arith.addi %mul3A_639, %add3A_640 : i32
      %swap3A_642 = arith.constant 2 : i32
      %swap3A_643 = arith.index_cast %swap3A_642 : i32 to index
      %swap3A_644 = arith.index_cast %add3A_641 : i32 to index
      %swap3A_645 = tpu.vector_load %arg10[%swap3A_643, %swap3A_644] {strides = array<i32>} : memref<4x1024xf32, #tpu.memory_space<vmem>>, vector<16xf32>,
      tpu.vector_store %arg10[%swap3A_643, %swap3A_644], %gather3A_637 {strides = array<i32>} : memref<4x1024xf32, #tpu.memory_space<vmem>>, vector<16xf32>,
      %mul3A_646 = arith.constant 64 : i32
      %mul3A_647 = arith.muli %scan3A_612, %mul3A_646 : i32
      %add3A_648 = vector.broadcast %mul3A_647 : i32 to vector<16xi32>
      %add3A_649 = arith.addi %iota3A_200, %add3A_648 : vector<16xi32>
      %add3A_650 = arith.constant 32 : i32
      %add3A_651 = vector.broadcast %add3A_650 : i32 to vector<16xi32>
      %add3A_652 = arith.addi %add3A_649, %add3A_651 : vector<16xi32>
      %gather3A_653 = tpu.vector_load_idx %arg8[%broadcast_in_dim3A_226, %gather3A_229, %add3A_652] : memref<4x8x1024xf32, #tpu.memory_space<vmem>>[vector<16xi32>, vector<16xi32>, vector<16xi32>], vector<16xf32>,
      %mul3A_654 = arith.constant 64 : i32
      %mul3A_655 = arith.muli %scan3A_612, %mul3A_654 : i32
      %add3A_656 = arith.constant 32 : i32
      %add3A_657 = arith.addi %mul3A_655, %add3A_656 : i32
      %swap3A_658 = arith.constant 2 : i32
      %swap3A_659 = arith.index_cast %swap3A_658 : i32 to index
      %swap3A_660 = arith.index_cast %add3A_657 : i32 to index
      %swap3A_661 = tpu.vector_load %arg10[%swap3A_659, %swap3A_660] {strides = array<i32>} : memref<4x1024xf32, #tpu.memory_space<vmem>>, vector<16xf32>,
      tpu.vector_store %arg10[%swap3A_659, %swap3A_660], %gather3A_653 {strides = array<i32>} : memref<4x1024xf32, #tpu.memory_space<vmem>>, vector<16xf32>,
      %mul3A_662 = arith.constant 64 : i32
      %mul3A_663 = arith.muli %scan3A_612, %mul3A_662 : i32
      %add3A_664 = vector.broadcast %mul3A_663 : i32 to vector<16xi32>
      %add3A_665 = arith.addi %iota3A_200, %add3A_664 : vector<16xi32>
      %add3A_666 = arith.constant 48 : i32
      %add3A_667 = vector.broadcast %add3A_666 : i32 to vector<16xi32>
      %add3A_668 = arith.addi %add3A_665, %add3A_667 : vector<16xi32>
      %gather3A_669 = tpu.vector_load_idx %arg8[%broadcast_in_dim3A_226, %gather3A_229, %add3A_668] : memref<4x8x1024xf32, #tpu.memory_space<vmem>>[vector<16xi32>, vector<16xi32>, vector<16xi32>], vector<16xf32>,
      %mul3A_670 = arith.constant 64 : i32
      %mul3A_671 = arith.muli %scan3A_612, %mul3A_670 : i32
      %add3A_672 = arith.constant 48 : i32
      %add3A_673 = arith.addi %mul3A_671, %add3A_672 : i32
      %swap3A_674 = arith.constant 2 : i32
      %swap3A_675 = arith.index_cast %swap3A_674 : i32 to index
      %swap3A_676 = arith.index_cast %add3A_673 : i32 to index
      %swap3A_677 = tpu.vector_load %arg10[%swap3A_675, %swap3A_676] {strides = array<i32>} : memref<4x1024xf32, #tpu.memory_space<vmem>>, vector<16xf32>,
      tpu.vector_store %arg10[%swap3A_675, %swap3A_676], %gather3A_669 {strides = array<i32>} : memref<4x1024xf32, #tpu.memory_space<vmem>>, vector<16xf32>,
      %scan3A_678 = arith.constant 0 : i32
      scf.yield %scan3A_678 : i32
    }
    %scan3A_236 = arith.constant 16 : i32
    %broadcast_in_dim3A_237 = arith.constant 3 : i32
    %broadcast_in_dim3A_238 = vector.broadcast %broadcast_in_dim3A_237 : i32 to vector<16xi32>
    %broadcast_in_dim3A_239 = arith.constant 11 : i32
    %broadcast_in_dim3A_240 = vector.broadcast %broadcast_in_dim3A_239 : i32 to vector<16xi32>
    %gather3A_241 = tpu.vector_load_idx %arg6[%broadcast_in_dim3A_240] : memref<32xi32, #tpu.memory_space<vmem>>[vector<16xi32>], vector<16xi32>,
    %scan3A_242 = arith.constant 0 : i32
    %scan3A_243 = arith.constant 0 : i32
    %scan3A_244 = arith.constant 16 : i32
    %scan3A_245 = arith.addi %scan3A_243, %scan3A_244 : i32
    %scan3A_246 = arith.constant 1 : i32
    %scan3A_247 = scf.for %scan3A_612 = %scan3A_243 to %scan3A_245 step %scan3A_246 iter_args(%scan3A_613 = %scan3A_242) -> (i32)  : i32 {
      %mul3A_614 = arith.constant 64 : i32
      %mul3A_615 = arith.muli %scan3A_612, %mul3A_614 : i32
      %add3A_616 = vector.broadcast %mul3A_615 : i32 to vector<16xi32>
      %add3A_617 = arith.addi %iota3A_200, %add3A_616 : vector<16xi32>
      %add3A_618 = arith.constant 0 : i32
      %add3A_619 = vector.broadcast %add3A_618 : i32 to vector<16xi32>
      %add3A_620 = arith.addi %add3A_617, %add3A_619 : vector<16xi32>
      %gather3A_621 = tpu.vector_load_idx %arg8[%broadcast_in_dim3A_238, %gather3A_241, %add3A_620] : memref<4x8x1024xf32, #tpu.memory_space<vmem>>[vector<16xi32>, vector<16xi32>, vector<16xi32>], vector<16xf32>,
      %mul3A_622 = arith.constant 64 : i32
      %mul3A_623 = arith.muli %scan3A_612, %mul3A_622 : i32
      %add3A_624 = arith.constant 0 : i32
      %add3A_625 = arith.addi %mul3A_623, %add3A_624 : i32
      %swap3A_626 = arith.constant 3 : i32
      %swap3A_627 = arith.index_cast %swap3A_626 : i32 to index
      %swap3A_628 = arith.index_cast %add3A_625 : i32 to index
      %swap3A_629 = tpu.vector_load %arg10[%swap3A_627, %swap3A_628] {strides = array<i32>} : memref<4x1024xf32, #tpu.memory_space<vmem>>, vector<16xf32>,
      tpu.vector_store %arg10[%swap3A_627, %swap3A_628], %gather3A_621 {strides = array<i32>} : memref<4x1024xf32, #tpu.memory_space<vmem>>, vector<16xf32>,
      %mul3A_630 = arith.constant 64 : i32
      %mul3A_631 = arith.muli %scan3A_612, %mul3A_630 : i32
      %add3A_632 = vector.broadcast %mul3A_631 : i32 to vector<16xi32>
      %add3A_633 = arith.addi %iota3A_200, %add3A_632 : vector<16xi32>
      %add3A_634 = arith.constant 16 : i32
      %add3A_635 = vector.broadcast %add3A_634 : i32 to vector<16xi32>
      %add3A_636 = arith.addi %add3A_633, %add3A_635 : vector<16xi32>
      %gather3A_637 = tpu.vector_load_idx %arg8[%broadcast_in_dim3A_238, %gather3A_241, %add3A_636] : memref<4x8x1024xf32, #tpu.memory_space<vmem>>[vector<16xi32>, vector<16xi32>, vector<16xi32>], vector<16xf32>,
      %mul3A_638 = arith.constant 64 : i32
      %mul3A_639 = arith.muli %scan3A_612, %mul3A_638 : i32
      %add3A_640 = arith.constant 16 : i32
      %add3A_641 = arith.addi %mul3A_639, %add3A_640 : i32
      %swap3A_642 = arith.constant 3 : i32
      %swap3A_643 = arith.index_cast %swap3A_642 : i32 to index
      %swap3A_644 = arith.index_cast %add3A_641 : i32 to index
      %swap3A_645 = tpu.vector_load %arg10[%swap3A_643, %swap3A_644] {strides = array<i32>} : memref<4x1024xf32, #tpu.memory_space<vmem>>, vector<16xf32>,
      tpu.vector_store %arg10[%swap3A_643, %swap3A_644], %gather3A_637 {strides = array<i32>} : memref<4x1024xf32, #tpu.memory_space<vmem>>, vector<16xf32>,
      %mul3A_646 = arith.constant 64 : i32
      %mul3A_647 = arith.muli %scan3A_612, %mul3A_646 : i32
      %add3A_648 = vector.broadcast %mul3A_647 : i32 to vector<16xi32>
      %add3A_649 = arith.addi %iota3A_200, %add3A_648 : vector<16xi32>
      %add3A_650 = arith.constant 32 : i32
      %add3A_651 = vector.broadcast %add3A_650 : i32 to vector<16xi32>
      %add3A_652 = arith.addi %add3A_649, %add3A_651 : vector<16xi32>
      %gather3A_653 = tpu.vector_load_idx %arg8[%broadcast_in_dim3A_238, %gather3A_241, %add3A_652] : memref<4x8x1024xf32, #tpu.memory_space<vmem>>[vector<16xi32>, vector<16xi32>, vector<16xi32>], vector<16xf32>,
      %mul3A_654 = arith.constant 64 : i32
      %mul3A_655 = arith.muli %scan3A_612, %mul3A_654 : i32
      %add3A_656 = arith.constant 32 : i32
      %add3A_657 = arith.addi %mul3A_655, %add3A_656 : i32
      %swap3A_658 = arith.constant 3 : i32
      %swap3A_659 = arith.index_cast %swap3A_658 : i32 to index
      %swap3A_660 = arith.index_cast %add3A_657 : i32 to index
      %swap3A_661 = tpu.vector_load %arg10[%swap3A_659, %swap3A_660] {strides = array<i32>} : memref<4x1024xf32, #tpu.memory_space<vmem>>, vector<16xf32>,
      tpu.vector_store %arg10[%swap3A_659, %swap3A_660], %gather3A_653 {strides = array<i32>} : memref<4x1024xf32, #tpu.memory_space<vmem>>, vector<16xf32>,
      %mul3A_662 = arith.constant 64 : i32
      %mul3A_663 = arith.muli %scan3A_612, %mul3A_662 : i32
      %add3A_664 = vector.broadcast %mul3A_663 : i32 to vector<16xi32>
      %add3A_665 = arith.addi %iota3A_200, %add3A_664 : vector<16xi32>
      %add3A_666 = arith.constant 48 : i32
      %add3A_667 = vector.broadcast %add3A_666 : i32 to vector<16xi32>
      %add3A_668 = arith.addi %add3A_665, %add3A_667 : vector<16xi32>
      %gather3A_669 = tpu.vector_load_idx %arg8[%broadcast_in_dim3A_238, %gather3A_241, %add3A_668] : memref<4x8x1024xf32, #tpu.memory_space<vmem>>[vector<16xi32>, vector<16xi32>, vector<16xi32>], vector<16xf32>,
      %mul3A_670 = arith.constant 64 : i32
      %mul3A_671 = arith.muli %scan3A_612, %mul3A_670 : i32
      %add3A_672 = arith.constant 48 : i32
      %add3A_673 = arith.addi %mul3A_671, %add3A_672 : i32
      %swap3A_674 = arith.constant 3 : i32
      %swap3A_675 = arith.index_cast %swap3A_674 : i32 to index
      %swap3A_676 = arith.index_cast %add3A_673 : i32 to index
      %swap3A_677 = tpu.vector_load %arg10[%swap3A_675, %swap3A_676] {strides = array<i32>} : memref<4x1024xf32, #tpu.memory_space<vmem>>, vector<16xf32>,
      tpu.vector_store %arg10[%swap3A_675, %swap3A_676], %gather3A_669 {strides = array<i32>} : memref<4x1024xf32, #tpu.memory_space<vmem>>, vector<16xf32>,
      %scan3A_678 = arith.constant 0 : i32
      scf.yield %scan3A_678 : i32
    }
    %scan3A_248 = arith.constant 16 : i32
    %dma_start3A_249 = arith.constant 32 : i32
    %dma_start3A_250 = tpu.memref_slice %arg7[%dma_start3A_249] : memref<64xi32, #tpu.memory_space<vmem>> -> memref<4xi32, #tpu.memory_space<vmem>>
    %dma_start3A_251 = arith.constant 0 : i32
    %dma_start3A_252 = arith.constant 0 : i32
    %dma_start3A_253 = arith.constant 0 : i32
    %dma_start3A_254 = tpu.memref_slice %arg2[%dma_start3A_251, %dma_start3A_252, %dma_start3A_253] : memref<12500x8x1024xf32, #tpu.memory_space<hbm>> -> memref<12500x8x1024xf32, #tpu.memory_space<hbm>>
    tpu.enqueue_indirect_dma source(%dma_start3A_254 : memref<12500x8x1024xf32, #tpu.memory_space<hbm>>) target(%arg8 : memref<4x8x1024xf32, #tpu.memory_space<vmem>>) offsets(%dma_start3A_250 : memref<4xi32, #tpu.memory_space<vmem>>) semaphore(%arg12 : memref<!tpu.dma_semaphore, #tpu.memory_space<semaphore_mem>>)
    %add3A_255 = arith.constant 8 : i32
    %add3A_256 = arith.addi %mul3A_2, %add3A_255 : i32
    %dma_start3A_257 = arith.constant 0 : i32
    %dma_start3A_258 = tpu.memref_slice %arg4[%add3A_256, %dma_start3A_257] : memref<1024x1024xf32, #tpu.memory_space<hbm>> -> memref<4x1024xf32, #tpu.memory_space<hbm>>
    %dma_start3A_259 = arith.constant 0 : i32
    %dma_start3A_260 = tpu.memref_slice %arg4[%add3A_256, %dma_start3A_259] : memref<1024x1024xf32, #tpu.memory_space<hbm>> -> memref<4x1024xf32, #tpu.memory_space<hbm>>
    tpu.enqueue_dma source(%arg10 : memref<4x1024xf32, #tpu.memory_space<vmem>>) target(%dma_start3A_260 : memref<4x1024xf32, #tpu.memory_space<hbm>>) target_semaphore(%arg13 : memref<!tpu.dma_semaphore, #tpu.memory_space<semaphore_mem>>)
    %dma_wait3A_261 = arith.constant 24 : i32
    %dma_wait3A_262 = tpu.memref_slice %arg7[%dma_wait3A_261] : memref<64xi32, #tpu.memory_space<vmem>> -> memref<4xi32, #tpu.memory_space<vmem>>
    %dma_wait3A_263 = arith.constant 0 : i32
    %dma_wait3A_264 = arith.constant 0 : i32
    %dma_wait3A_265 = arith.constant 0 : i32
    %dma_wait3A_266 = tpu.memref_slice %arg2[%dma_wait3A_263, %dma_wait3A_264, %dma_wait3A_265] : memref<12500x8x1024xf32, #tpu.memory_space<hbm>> -> memref<12500x8x1024xf32, #tpu.memory_space<hbm>>
    tpu.wait_indirect_dma semaphore(%arg12 : memref<!tpu.dma_semaphore, #tpu.memory_space<semaphore_mem>>) src(%dma_wait3A_266 : memref<12500x8x1024xf32, #tpu.memory_space<hbm>>) dst(%arg9 : memref<4x8x1024xf32, #tpu.memory_space<vmem>>)
    %dma_wait3A_267 = arith.constant 0 : i32
    %dma_wait3A_268 = tpu.memref_slice %arg4[%add3A_185, %dma_wait3A_267] : memref<1024x1024xf32, #tpu.memory_space<hbm>> -> memref<4x1024xf32, #tpu.memory_space<hbm>>
    %dma_wait3A_269 = arith.constant 0 : i32
    %dma_wait3A_270 = tpu.memref_slice %arg4[%add3A_185, %dma_wait3A_269] : memref<1024x1024xf32, #tpu.memory_space<hbm>> -> memref<4x1024xf32, #tpu.memory_space<hbm>>
    tpu.wait_dma2 semaphore(%arg13 : memref<!tpu.dma_semaphore, #tpu.memory_space<semaphore_mem>>) src(%arg11 : memref<4x1024xf32, #tpu.memory_space<vmem>>) dst(%dma_wait3A_270 : memref<4x1024xf32, #tpu.memory_space<hbm>>)
    %iota3A_271 = tpu.iota {dimensions = array<i32: 0>} : vector<16xi32>
    %broadcast_in_dim3A_272 = arith.constant 0 : i32
    %broadcast_in_dim3A_273 = vector.broadcast %broadcast_in_dim3A_272 : i32 to vector<16xi32>
    %broadcast_in_dim3A_274 = arith.constant 12 : i32
    %broadcast_in_dim3A_275 = vector.broadcast %broadcast_in_dim3A_274 : i32 to vector<16xi32>
    %gather3A_276 = tpu.vector_load_idx %arg6[%broadcast_in_dim3A_275] : memref<32xi32, #tpu.memory_space<vmem>>[vector<16xi32>], vector<16xi32>,
    %scan3A_277 = arith.constant 0 : i32
    %scan3A_278 = arith.constant 0 : i32
    %scan3A_279 = arith.constant 16 : i32
    %scan3A_280 = arith.addi %scan3A_278, %scan3A_279 : i32
    %scan3A_281 = arith.constant 1 : i32
    %scan3A_282 = scf.for %scan3A_612 = %scan3A_278 to %scan3A_280 step %scan3A_281 iter_args(%scan3A_613 = %scan3A_277) -> (i32)  : i32 {
      %mul3A_614 = arith.constant 64 : i32
      %mul3A_615 = arith.muli %scan3A_612, %mul3A_614 : i32
      %add3A_616 = vector.broadcast %mul3A_615 : i32 to vector<16xi32>
      %add3A_617 = arith.addi %iota3A_271, %add3A_616 : vector<16xi32>
      %add3A_618 = arith.constant 0 : i32
      %add3A_619 = vector.broadcast %add3A_618 : i32 to vector<16xi32>
      %add3A_620 = arith.addi %add3A_617, %add3A_619 : vector<16xi32>
      %gather3A_621 = tpu.vector_load_idx %arg9[%broadcast_in_dim3A_273, %gather3A_276, %add3A_620] : memref<4x8x1024xf32, #tpu.memory_space<vmem>>[vector<16xi32>, vector<16xi32>, vector<16xi32>], vector<16xf32>,
      %mul3A_622 = arith.constant 64 : i32
      %mul3A_623 = arith.muli %scan3A_612, %mul3A_622 : i32
      %add3A_624 = arith.constant 0 : i32
      %add3A_625 = arith.addi %mul3A_623, %add3A_624 : i32
      %swap3A_626 = arith.constant 0 : i32
      %swap3A_627 = arith.index_cast %swap3A_626 : i32 to index
      %swap3A_628 = arith.index_cast %add3A_625 : i32 to index
      %swap3A_629 = tpu.vector_load %arg11[%swap3A_627, %swap3A_628] {strides = array<i32>} : memref<4x1024xf32, #tpu.memory_space<vmem>>, vector<16xf32>,
      tpu.vector_store %arg11[%swap3A_627, %swap3A_628], %gather3A_621 {strides = array<i32>} : memref<4x1024xf32, #tpu.memory_space<vmem>>, vector<16xf32>,
      %mul3A_630 = arith.constant 64 : i32
      %mul3A_631 = arith.muli %scan3A_612, %mul3A_630 : i32
      %add3A_632 = vector.broadcast %mul3A_631 : i32 to vector<16xi32>
      %add3A_633 = arith.addi %iota3A_271, %add3A_632 : vector<16xi32>
      %add3A_634 = arith.constant 16 : i32
      %add3A_635 = vector.broadcast %add3A_634 : i32 to vector<16xi32>
      %add3A_636 = arith.addi %add3A_633, %add3A_635 : vector<16xi32>
      %gather3A_637 = tpu.vector_load_idx %arg9[%broadcast_in_dim3A_273, %gather3A_276, %add3A_636] : memref<4x8x1024xf32, #tpu.memory_space<vmem>>[vector<16xi32>, vector<16xi32>, vector<16xi32>], vector<16xf32>,
      %mul3A_638 = arith.constant 64 : i32
      %mul3A_639 = arith.muli %scan3A_612, %mul3A_638 : i32
      %add3A_640 = arith.constant 16 : i32
      %add3A_641 = arith.addi %mul3A_639, %add3A_640 : i32
      %swap3A_642 = arith.constant 0 : i32
      %swap3A_643 = arith.index_cast %swap3A_642 : i32 to index
      %swap3A_644 = arith.index_cast %add3A_641 : i32 to index
      %swap3A_645 = tpu.vector_load %arg11[%swap3A_643, %swap3A_644] {strides = array<i32>} : memref<4x1024xf32, #tpu.memory_space<vmem>>, vector<16xf32>,
      tpu.vector_store %arg11[%swap3A_643, %swap3A_644], %gather3A_637 {strides = array<i32>} : memref<4x1024xf32, #tpu.memory_space<vmem>>, vector<16xf32>,
      %mul3A_646 = arith.constant 64 : i32
      %mul3A_647 = arith.muli %scan3A_612, %mul3A_646 : i32
      %add3A_648 = vector.broadcast %mul3A_647 : i32 to vector<16xi32>
      %add3A_649 = arith.addi %iota3A_271, %add3A_648 : vector<16xi32>
      %add3A_650 = arith.constant 32 : i32
      %add3A_651 = vector.broadcast %add3A_650 : i32 to vector<16xi32>
      %add3A_652 = arith.addi %add3A_649, %add3A_651 : vector<16xi32>
      %gather3A_653 = tpu.vector_load_idx %arg9[%broadcast_in_dim3A_273, %gather3A_276, %add3A_652] : memref<4x8x1024xf32, #tpu.memory_space<vmem>>[vector<16xi32>, vector<16xi32>, vector<16xi32>], vector<16xf32>,
      %mul3A_654 = arith.constant 64 : i32
      %mul3A_655 = arith.muli %scan3A_612, %mul3A_654 : i32
      %add3A_656 = arith.constant 32 : i32
      %add3A_657 = arith.addi %mul3A_655, %add3A_656 : i32
      %swap3A_658 = arith.constant 0 : i32
      %swap3A_659 = arith.index_cast %swap3A_658 : i32 to index
      %swap3A_660 = arith.index_cast %add3A_657 : i32 to index
      %swap3A_661 = tpu.vector_load %arg11[%swap3A_659, %swap3A_660] {strides = array<i32>} : memref<4x1024xf32, #tpu.memory_space<vmem>>, vector<16xf32>,
      tpu.vector_store %arg11[%swap3A_659, %swap3A_660], %gather3A_653 {strides = array<i32>} : memref<4x1024xf32, #tpu.memory_space<vmem>>, vector<16xf32>,
      %mul3A_662 = arith.constant 64 : i32
      %mul3A_663 = arith.muli %scan3A_612, %mul3A_662 : i32
      %add3A_664 = vector.broadcast %mul3A_663 : i32 to vector<16xi32>
      %add3A_665 = arith.addi %iota3A_271, %add3A_664 : vector<16xi32>
      %add3A_666 = arith.constant 48 : i32
      %add3A_667 = vector.broadcast %add3A_666 : i32 to vector<16xi32>
      %add3A_668 = arith.addi %add3A_665, %add3A_667 : vector<16xi32>
      %gather3A_669 = tpu.vector_load_idx %arg9[%broadcast_in_dim3A_273, %gather3A_276, %add3A_668] : memref<4x8x1024xf32, #tpu.memory_space<vmem>>[vector<16xi32>, vector<16xi32>, vector<16xi32>], vector<16xf32>,
      %mul3A_670 = arith.constant 64 : i32
      %mul3A_671 = arith.muli %scan3A_612, %mul3A_670 : i32
      %add3A_672 = arith.constant 48 : i32
      %add3A_673 = arith.addi %mul3A_671, %add3A_672 : i32
      %swap3A_674 = arith.constant 0 : i32
      %swap3A_675 = arith.index_cast %swap3A_674 : i32 to index
      %swap3A_676 = arith.index_cast %add3A_673 : i32 to index
      %swap3A_677 = tpu.vector_load %arg11[%swap3A_675, %swap3A_676] {strides = array<i32>} : memref<4x1024xf32, #tpu.memory_space<vmem>>, vector<16xf32>,
      tpu.vector_store %arg11[%swap3A_675, %swap3A_676], %gather3A_669 {strides = array<i32>} : memref<4x1024xf32, #tpu.memory_space<vmem>>, vector<16xf32>,
      %scan3A_678 = arith.constant 0 : i32
      scf.yield %scan3A_678 : i32
    }
    %scan3A_283 = arith.constant 16 : i32
    %broadcast_in_dim3A_284 = arith.constant 1 : i32
    %broadcast_in_dim3A_285 = vector.broadcast %broadcast_in_dim3A_284 : i32 to vector<16xi32>
    %broadcast_in_dim3A_286 = arith.constant 13 : i32
    %broadcast_in_dim3A_287 = vector.broadcast %broadcast_in_dim3A_286 : i32 to vector<16xi32>
    %gather3A_288 = tpu.vector_load_idx %arg6[%broadcast_in_dim3A_287] : memref<32xi32, #tpu.memory_space<vmem>>[vector<16xi32>], vector<16xi32>,
    %scan3A_289 = arith.constant 0 : i32
    %scan3A_290 = arith.constant 0 : i32
    %scan3A_291 = arith.constant 16 : i32
    %scan3A_292 = arith.addi %scan3A_290, %scan3A_291 : i32
    %scan3A_293 = arith.constant 1 : i32
    %scan3A_294 = scf.for %scan3A_612 = %scan3A_290 to %scan3A_292 step %scan3A_293 iter_args(%scan3A_613 = %scan3A_289) -> (i32)  : i32 {
      %mul3A_614 = arith.constant 64 : i32
      %mul3A_615 = arith.muli %scan3A_612, %mul3A_614 : i32
      %add3A_616 = vector.broadcast %mul3A_615 : i32 to vector<16xi32>
      %add3A_617 = arith.addi %iota3A_271, %add3A_616 : vector<16xi32>
      %add3A_618 = arith.constant 0 : i32
      %add3A_619 = vector.broadcast %add3A_618 : i32 to vector<16xi32>
      %add3A_620 = arith.addi %add3A_617, %add3A_619 : vector<16xi32>
      %gather3A_621 = tpu.vector_load_idx %arg9[%broadcast_in_dim3A_285, %gather3A_288, %add3A_620] : memref<4x8x1024xf32, #tpu.memory_space<vmem>>[vector<16xi32>, vector<16xi32>, vector<16xi32>], vector<16xf32>,
      %mul3A_622 = arith.constant 64 : i32
      %mul3A_623 = arith.muli %scan3A_612, %mul3A_622 : i32
      %add3A_624 = arith.constant 0 : i32
      %add3A_625 = arith.addi %mul3A_623, %add3A_624 : i32
      %swap3A_626 = arith.constant 1 : i32
      %swap3A_627 = arith.index_cast %swap3A_626 : i32 to index
      %swap3A_628 = arith.index_cast %add3A_625 : i32 to index
      %swap3A_629 = tpu.vector_load %arg11[%swap3A_627, %swap3A_628] {strides = array<i32>} : memref<4x1024xf32, #tpu.memory_space<vmem>>, vector<16xf32>,
      tpu.vector_store %arg11[%swap3A_627, %swap3A_628], %gather3A_621 {strides = array<i32>} : memref<4x1024xf32, #tpu.memory_space<vmem>>, vector<16xf32>,
      %mul3A_630 = arith.constant 64 : i32
      %mul3A_631 = arith.muli %scan3A_612, %mul3A_630 : i32
      %add3A_632 = vector.broadcast %mul3A_631 : i32 to vector<16xi32>
      %add3A_633 = arith.addi %iota3A_271, %add3A_632 : vector<16xi32>
      %add3A_634 = arith.constant 16 : i32
      %add3A_635 = vector.broadcast %add3A_634 : i32 to vector<16xi32>
      %add3A_636 = arith.addi %add3A_633, %add3A_635 : vector<16xi32>
      %gather3A_637 = tpu.vector_load_idx %arg9[%broadcast_in_dim3A_285, %gather3A_288, %add3A_636] : memref<4x8x1024xf32, #tpu.memory_space<vmem>>[vector<16xi32>, vector<16xi32>, vector<16xi32>], vector<16xf32>,
      %mul3A_638 = arith.constant 64 : i32
      %mul3A_639 = arith.muli %scan3A_612, %mul3A_638 : i32
      %add3A_640 = arith.constant 16 : i32
      %add3A_641 = arith.addi %mul3A_639, %add3A_640 : i32
      %swap3A_642 = arith.constant 1 : i32
      %swap3A_643 = arith.index_cast %swap3A_642 : i32 to index
      %swap3A_644 = arith.index_cast %add3A_641 : i32 to index
      %swap3A_645 = tpu.vector_load %arg11[%swap3A_643, %swap3A_644] {strides = array<i32>} : memref<4x1024xf32, #tpu.memory_space<vmem>>, vector<16xf32>,
      tpu.vector_store %arg11[%swap3A_643, %swap3A_644], %gather3A_637 {strides = array<i32>} : memref<4x1024xf32, #tpu.memory_space<vmem>>, vector<16xf32>,
      %mul3A_646 = arith.constant 64 : i32
      %mul3A_647 = arith.muli %scan3A_612, %mul3A_646 : i32
      %add3A_648 = vector.broadcast %mul3A_647 : i32 to vector<16xi32>
      %add3A_649 = arith.addi %iota3A_271, %add3A_648 : vector<16xi32>
      %add3A_650 = arith.constant 32 : i32
      %add3A_651 = vector.broadcast %add3A_650 : i32 to vector<16xi32>
      %add3A_652 = arith.addi %add3A_649, %add3A_651 : vector<16xi32>
      %gather3A_653 = tpu.vector_load_idx %arg9[%broadcast_in_dim3A_285, %gather3A_288, %add3A_652] : memref<4x8x1024xf32, #tpu.memory_space<vmem>>[vector<16xi32>, vector<16xi32>, vector<16xi32>], vector<16xf32>,
      %mul3A_654 = arith.constant 64 : i32
      %mul3A_655 = arith.muli %scan3A_612, %mul3A_654 : i32
      %add3A_656 = arith.constant 32 : i32
      %add3A_657 = arith.addi %mul3A_655, %add3A_656 : i32
      %swap3A_658 = arith.constant 1 : i32
      %swap3A_659 = arith.index_cast %swap3A_658 : i32 to index
      %swap3A_660 = arith.index_cast %add3A_657 : i32 to index
      %swap3A_661 = tpu.vector_load %arg11[%swap3A_659, %swap3A_660] {strides = array<i32>} : memref<4x1024xf32, #tpu.memory_space<vmem>>, vector<16xf32>,
      tpu.vector_store %arg11[%swap3A_659, %swap3A_660], %gather3A_653 {strides = array<i32>} : memref<4x1024xf32, #tpu.memory_space<vmem>>, vector<16xf32>,
      %mul3A_662 = arith.constant 64 : i32
      %mul3A_663 = arith.muli %scan3A_612, %mul3A_662 : i32
      %add3A_664 = vector.broadcast %mul3A_663 : i32 to vector<16xi32>
      %add3A_665 = arith.addi %iota3A_271, %add3A_664 : vector<16xi32>
      %add3A_666 = arith.constant 48 : i32
      %add3A_667 = vector.broadcast %add3A_666 : i32 to vector<16xi32>
      %add3A_668 = arith.addi %add3A_665, %add3A_667 : vector<16xi32>
      %gather3A_669 = tpu.vector_load_idx %arg9[%broadcast_in_dim3A_285, %gather3A_288, %add3A_668] : memref<4x8x1024xf32, #tpu.memory_space<vmem>>[vector<16xi32>, vector<16xi32>, vector<16xi32>], vector<16xf32>,
      %mul3A_670 = arith.constant 64 : i32
      %mul3A_671 = arith.muli %scan3A_612, %mul3A_670 : i32
      %add3A_672 = arith.constant 48 : i32
      %add3A_673 = arith.addi %mul3A_671, %add3A_672 : i32
      %swap3A_674 = arith.constant 1 : i32
      %swap3A_675 = arith.index_cast %swap3A_674 : i32 to index
      %swap3A_676 = arith.index_cast %add3A_673 : i32 to index
      %swap3A_677 = tpu.vector_load %arg11[%swap3A_675, %swap3A_676] {strides = array<i32>} : memref<4x1024xf32, #tpu.memory_space<vmem>>, vector<16xf32>,
      tpu.vector_store %arg11[%swap3A_675, %swap3A_676], %gather3A_669 {strides = array<i32>} : memref<4x1024xf32, #tpu.memory_space<vmem>>, vector<16xf32>,
      %scan3A_678 = arith.constant 0 : i32
      scf.yield %scan3A_678 : i32
    }
    %scan3A_295 = arith.constant 16 : i32
    %broadcast_in_dim3A_296 = arith.constant 2 : i32
    %broadcast_in_dim3A_297 = vector.broadcast %broadcast_in_dim3A_296 : i32 to vector<16xi32>
    %broadcast_in_dim3A_298 = arith.constant 14 : i32
    %broadcast_in_dim3A_299 = vector.broadcast %broadcast_in_dim3A_298 : i32 to vector<16xi32>
    %gather3A_300 = tpu.vector_load_idx %arg6[%broadcast_in_dim3A_299] : memref<32xi32, #tpu.memory_space<vmem>>[vector<16xi32>], vector<16xi32>,
    %scan3A_301 = arith.constant 0 : i32
    %scan3A_302 = arith.constant 0 : i32
    %scan3A_303 = arith.constant 16 : i32
    %scan3A_304 = arith.addi %scan3A_302, %scan3A_303 : i32
    %scan3A_305 = arith.constant 1 : i32
    %scan3A_306 = scf.for %scan3A_612 = %scan3A_302 to %scan3A_304 step %scan3A_305 iter_args(%scan3A_613 = %scan3A_301) -> (i32)  : i32 {
      %mul3A_614 = arith.constant 64 : i32
      %mul3A_615 = arith.muli %scan3A_612, %mul3A_614 : i32
      %add3A_616 = vector.broadcast %mul3A_615 : i32 to vector<16xi32>
      %add3A_617 = arith.addi %iota3A_271, %add3A_616 : vector<16xi32>
      %add3A_618 = arith.constant 0 : i32
      %add3A_619 = vector.broadcast %add3A_618 : i32 to vector<16xi32>
      %add3A_620 = arith.addi %add3A_617, %add3A_619 : vector<16xi32>
      %gather3A_621 = tpu.vector_load_idx %arg9[%broadcast_in_dim3A_297, %gather3A_300, %add3A_620] : memref<4x8x1024xf32, #tpu.memory_space<vmem>>[vector<16xi32>, vector<16xi32>, vector<16xi32>], vector<16xf32>,
      %mul3A_622 = arith.constant 64 : i32
      %mul3A_623 = arith.muli %scan3A_612, %mul3A_622 : i32
      %add3A_624 = arith.constant 0 : i32
      %add3A_625 = arith.addi %mul3A_623, %add3A_624 : i32
      %swap3A_626 = arith.constant 2 : i32
      %swap3A_627 = arith.index_cast %swap3A_626 : i32 to index
      %swap3A_628 = arith.index_cast %add3A_625 : i32 to index
      %swap3A_629 = tpu.vector_load %arg11[%swap3A_627, %swap3A_628] {strides = array<i32>} : memref<4x1024xf32, #tpu.memory_space<vmem>>, vector<16xf32>,
      tpu.vector_store %arg11[%swap3A_627, %swap3A_628], %gather3A_621 {strides = array<i32>} : memref<4x1024xf32, #tpu.memory_space<vmem>>, vector<16xf32>,
      %mul3A_630 = arith.constant 64 : i32
      %mul3A_631 = arith.muli %scan3A_612, %mul3A_630 : i32
      %add3A_632 = vector.broadcast %mul3A_631 : i32 to vector<16xi32>
      %add3A_633 = arith.addi %iota3A_271, %add3A_632 : vector<16xi32>
      %add3A_634 = arith.constant 16 : i32
      %add3A_635 = vector.broadcast %add3A_634 : i32 to vector<16xi32>
      %add3A_636 = arith.addi %add3A_633, %add3A_635 : vector<16xi32>
      %gather3A_637 = tpu.vector_load_idx %arg9[%broadcast_in_dim3A_297, %gather3A_300, %add3A_636] : memref<4x8x1024xf32, #tpu.memory_space<vmem>>[vector<16xi32>, vector<16xi32>, vector<16xi32>], vector<16xf32>,
      %mul3A_638 = arith.constant 64 : i32
      %mul3A_639 = arith.muli %scan3A_612, %mul3A_638 : i32
      %add3A_640 = arith.constant 16 : i32
      %add3A_641 = arith.addi %mul3A_639, %add3A_640 : i32
      %swap3A_642 = arith.constant 2 : i32
      %swap3A_643 = arith.index_cast %swap3A_642 : i32 to index
      %swap3A_644 = arith.index_cast %add3A_641 : i32 to index
      %swap3A_645 = tpu.vector_load %arg11[%swap3A_643, %swap3A_644] {strides = array<i32>} : memref<4x1024xf32, #tpu.memory_space<vmem>>, vector<16xf32>,
      tpu.vector_store %arg11[%swap3A_643, %swap3A_644], %gather3A_637 {strides = array<i32>} : memref<4x1024xf32, #tpu.memory_space<vmem>>, vector<16xf32>,
      %mul3A_646 = arith.constant 64 : i32
      %mul3A_647 = arith.muli %scan3A_612, %mul3A_646 : i32
      %add3A_648 = vector.broadcast %mul3A_647 : i32 to vector<16xi32>
      %add3A_649 = arith.addi %iota3A_271, %add3A_648 : vector<16xi32>
      %add3A_650 = arith.constant 32 : i32
      %add3A_651 = vector.broadcast %add3A_650 : i32 to vector<16xi32>
      %add3A_652 = arith.addi %add3A_649, %add3A_651 : vector<16xi32>
      %gather3A_653 = tpu.vector_load_idx %arg9[%broadcast_in_dim3A_297, %gather3A_300, %add3A_652] : memref<4x8x1024xf32, #tpu.memory_space<vmem>>[vector<16xi32>, vector<16xi32>, vector<16xi32>], vector<16xf32>,
      %mul3A_654 = arith.constant 64 : i32
      %mul3A_655 = arith.muli %scan3A_612, %mul3A_654 : i32
      %add3A_656 = arith.constant 32 : i32
      %add3A_657 = arith.addi %mul3A_655, %add3A_656 : i32
      %swap3A_658 = arith.constant 2 : i32
      %swap3A_659 = arith.index_cast %swap3A_658 : i32 to index
      %swap3A_660 = arith.index_cast %add3A_657 : i32 to index
      %swap3A_661 = tpu.vector_load %arg11[%swap3A_659, %swap3A_660] {strides = array<i32>} : memref<4x1024xf32, #tpu.memory_space<vmem>>, vector<16xf32>,
      tpu.vector_store %arg11[%swap3A_659, %swap3A_660], %gather3A_653 {strides = array<i32>} : memref<4x1024xf32, #tpu.memory_space<vmem>>, vector<16xf32>,
      %mul3A_662 = arith.constant 64 : i32
      %mul3A_663 = arith.muli %scan3A_612, %mul3A_662 : i32
      %add3A_664 = vector.broadcast %mul3A_663 : i32 to vector<16xi32>
      %add3A_665 = arith.addi %iota3A_271, %add3A_664 : vector<16xi32>
      %add3A_666 = arith.constant 48 : i32
      %add3A_667 = vector.broadcast %add3A_666 : i32 to vector<16xi32>
      %add3A_668 = arith.addi %add3A_665, %add3A_667 : vector<16xi32>
      %gather3A_669 = tpu.vector_load_idx %arg9[%broadcast_in_dim3A_297, %gather3A_300, %add3A_668] : memref<4x8x1024xf32, #tpu.memory_space<vmem>>[vector<16xi32>, vector<16xi32>, vector<16xi32>], vector<16xf32>,
      %mul3A_670 = arith.constant 64 : i32
      %mul3A_671 = arith.muli %scan3A_612, %mul3A_670 : i32
      %add3A_672 = arith.constant 48 : i32
      %add3A_673 = arith.addi %mul3A_671, %add3A_672 : i32
      %swap3A_674 = arith.constant 2 : i32
      %swap3A_675 = arith.index_cast %swap3A_674 : i32 to index
      %swap3A_676 = arith.index_cast %add3A_673 : i32 to index
      %swap3A_677 = tpu.vector_load %arg11[%swap3A_675, %swap3A_676] {strides = array<i32>} : memref<4x1024xf32, #tpu.memory_space<vmem>>, vector<16xf32>,
      tpu.vector_store %arg11[%swap3A_675, %swap3A_676], %gather3A_669 {strides = array<i32>} : memref<4x1024xf32, #tpu.memory_space<vmem>>, vector<16xf32>,
      %scan3A_678 = arith.constant 0 : i32
      scf.yield %scan3A_678 : i32
    }
    %scan3A_307 = arith.constant 16 : i32
    %broadcast_in_dim3A_308 = arith.constant 3 : i32
    %broadcast_in_dim3A_309 = vector.broadcast %broadcast_in_dim3A_308 : i32 to vector<16xi32>
    %broadcast_in_dim3A_310 = arith.constant 15 : i32
    %broadcast_in_dim3A_311 = vector.broadcast %broadcast_in_dim3A_310 : i32 to vector<16xi32>
    %gather3A_312 = tpu.vector_load_idx %arg6[%broadcast_in_dim3A_311] : memref<32xi32, #tpu.memory_space<vmem>>[vector<16xi32>], vector<16xi32>,
    %scan3A_313 = arith.constant 0 : i32
    %scan3A_314 = arith.constant 0 : i32
    %scan3A_315 = arith.constant 16 : i32
    %scan3A_316 = arith.addi %scan3A_314, %scan3A_315 : i32
    %scan3A_317 = arith.constant 1 : i32
    %scan3A_318 = scf.for %scan3A_612 = %scan3A_314 to %scan3A_316 step %scan3A_317 iter_args(%scan3A_613 = %scan3A_313) -> (i32)  : i32 {
      %mul3A_614 = arith.constant 64 : i32
      %mul3A_615 = arith.muli %scan3A_612, %mul3A_614 : i32
      %add3A_616 = vector.broadcast %mul3A_615 : i32 to vector<16xi32>
      %add3A_617 = arith.addi %iota3A_271, %add3A_616 : vector<16xi32>
      %add3A_618 = arith.constant 0 : i32
      %add3A_619 = vector.broadcast %add3A_618 : i32 to vector<16xi32>
      %add3A_620 = arith.addi %add3A_617, %add3A_619 : vector<16xi32>
      %gather3A_621 = tpu.vector_load_idx %arg9[%broadcast_in_dim3A_309, %gather3A_312, %add3A_620] : memref<4x8x1024xf32, #tpu.memory_space<vmem>>[vector<16xi32>, vector<16xi32>, vector<16xi32>], vector<16xf32>,
      %mul3A_622 = arith.constant 64 : i32
      %mul3A_623 = arith.muli %scan3A_612, %mul3A_622 : i32
      %add3A_624 = arith.constant 0 : i32
      %add3A_625 = arith.addi %mul3A_623, %add3A_624 : i32
      %swap3A_626 = arith.constant 3 : i32
      %swap3A_627 = arith.index_cast %swap3A_626 : i32 to index
      %swap3A_628 = arith.index_cast %add3A_625 : i32 to index
      %swap3A_629 = tpu.vector_load %arg11[%swap3A_627, %swap3A_628] {strides = array<i32>} : memref<4x1024xf32, #tpu.memory_space<vmem>>, vector<16xf32>,
      tpu.vector_store %arg11[%swap3A_627, %swap3A_628], %gather3A_621 {strides = array<i32>} : memref<4x1024xf32, #tpu.memory_space<vmem>>, vector<16xf32>,
      %mul3A_630 = arith.constant 64 : i32
      %mul3A_631 = arith.muli %scan3A_612, %mul3A_630 : i32
      %add3A_632 = vector.broadcast %mul3A_631 : i32 to vector<16xi32>
      %add3A_633 = arith.addi %iota3A_271, %add3A_632 : vector<16xi32>
      %add3A_634 = arith.constant 16 : i32
      %add3A_635 = vector.broadcast %add3A_634 : i32 to vector<16xi32>
      %add3A_636 = arith.addi %add3A_633, %add3A_635 : vector<16xi32>
      %gather3A_637 = tpu.vector_load_idx %arg9[%broadcast_in_dim3A_309, %gather3A_312, %add3A_636] : memref<4x8x1024xf32, #tpu.memory_space<vmem>>[vector<16xi32>, vector<16xi32>, vector<16xi32>], vector<16xf32>,
      %mul3A_638 = arith.constant 64 : i32
      %mul3A_639 = arith.muli %scan3A_612, %mul3A_638 : i32
      %add3A_640 = arith.constant 16 : i32
      %add3A_641 = arith.addi %mul3A_639, %add3A_640 : i32
      %swap3A_642 = arith.constant 3 : i32
      %swap3A_643 = arith.index_cast %swap3A_642 : i32 to index
      %swap3A_644 = arith.index_cast %add3A_641 : i32 to index
      %swap3A_645 = tpu.vector_load %arg11[%swap3A_643, %swap3A_644] {strides = array<i32>} : memref<4x1024xf32, #tpu.memory_space<vmem>>, vector<16xf32>,
      tpu.vector_store %arg11[%swap3A_643, %swap3A_644], %gather3A_637 {strides = array<i32>} : memref<4x1024xf32, #tpu.memory_space<vmem>>, vector<16xf32>,
      %mul3A_646 = arith.constant 64 : i32
      %mul3A_647 = arith.muli %scan3A_612, %mul3A_646 : i32
      %add3A_648 = vector.broadcast %mul3A_647 : i32 to vector<16xi32>
      %add3A_649 = arith.addi %iota3A_271, %add3A_648 : vector<16xi32>
      %add3A_650 = arith.constant 32 : i32
      %add3A_651 = vector.broadcast %add3A_650 : i32 to vector<16xi32>
      %add3A_652 = arith.addi %add3A_649, %add3A_651 : vector<16xi32>
      %gather3A_653 = tpu.vector_load_idx %arg9[%broadcast_in_dim3A_309, %gather3A_312, %add3A_652] : memref<4x8x1024xf32, #tpu.memory_space<vmem>>[vector<16xi32>, vector<16xi32>, vector<16xi32>], vector<16xf32>,
      %mul3A_654 = arith.constant 64 : i32
      %mul3A_655 = arith.muli %scan3A_612, %mul3A_654 : i32
      %add3A_656 = arith.constant 32 : i32
      %add3A_657 = arith.addi %mul3A_655, %add3A_656 : i32
      %swap3A_658 = arith.constant 3 : i32
      %swap3A_659 = arith.index_cast %swap3A_658 : i32 to index
      %swap3A_660 = arith.index_cast %add3A_657 : i32 to index
      %swap3A_661 = tpu.vector_load %arg11[%swap3A_659, %swap3A_660] {strides = array<i32>} : memref<4x1024xf32, #tpu.memory_space<vmem>>, vector<16xf32>,
      tpu.vector_store %arg11[%swap3A_659, %swap3A_660], %gather3A_653 {strides = array<i32>} : memref<4x1024xf32, #tpu.memory_space<vmem>>, vector<16xf32>,
      %mul3A_662 = arith.constant 64 : i32
      %mul3A_663 = arith.muli %scan3A_612, %mul3A_662 : i32
      %add3A_664 = vector.broadcast %mul3A_663 : i32 to vector<16xi32>
      %add3A_665 = arith.addi %iota3A_271, %add3A_664 : vector<16xi32>
      %add3A_666 = arith.constant 48 : i32
      %add3A_667 = vector.broadcast %add3A_666 : i32 to vector<16xi32>
      %add3A_668 = arith.addi %add3A_665, %add3A_667 : vector<16xi32>
      %gather3A_669 = tpu.vector_load_idx %arg9[%broadcast_in_dim3A_309, %gather3A_312, %add3A_668] : memref<4x8x1024xf32, #tpu.memory_space<vmem>>[vector<16xi32>, vector<16xi32>, vector<16xi32>], vector<16xf32>,
      %mul3A_670 = arith.constant 64 : i32
      %mul3A_671 = arith.muli %scan3A_612, %mul3A_670 : i32
      %add3A_672 = arith.constant 48 : i32
      %add3A_673 = arith.addi %mul3A_671, %add3A_672 : i32
      %swap3A_674 = arith.constant 3 : i32
      %swap3A_675 = arith.index_cast %swap3A_674 : i32 to index
      %swap3A_676 = arith.index_cast %add3A_673 : i32 to index
      %swap3A_677 = tpu.vector_load %arg11[%swap3A_675, %swap3A_676] {strides = array<i32>} : memref<4x1024xf32, #tpu.memory_space<vmem>>, vector<16xf32>,
      tpu.vector_store %arg11[%swap3A_675, %swap3A_676], %gather3A_669 {strides = array<i32>} : memref<4x1024xf32, #tpu.memory_space<vmem>>, vector<16xf32>,
      %scan3A_678 = arith.constant 0 : i32
      scf.yield %scan3A_678 : i32
    }
    %scan3A_319 = arith.constant 16 : i32
    %dma_start3A_320 = arith.constant 40 : i32
    %dma_start3A_321 = tpu.memref_slice %arg7[%dma_start3A_320] : memref<64xi32, #tpu.memory_space<vmem>> -> memref<4xi32, #tpu.memory_space<vmem>>
    %dma_start3A_322 = arith.constant 0 : i32
    %dma_start3A_323 = arith.constant 0 : i32
    %dma_start3A_324 = arith.constant 0 : i32
    %dma_start3A_325 = tpu.memref_slice %arg2[%dma_start3A_322, %dma_start3A_323, %dma_start3A_324] : memref<12500x8x1024xf32, #tpu.memory_space<hbm>> -> memref<12500x8x1024xf32, #tpu.memory_space<hbm>>
    tpu.enqueue_indirect_dma source(%dma_start3A_325 : memref<12500x8x1024xf32, #tpu.memory_space<hbm>>) target(%arg9 : memref<4x8x1024xf32, #tpu.memory_space<vmem>>) offsets(%dma_start3A_321 : memref<4xi32, #tpu.memory_space<vmem>>) semaphore(%arg12 : memref<!tpu.dma_semaphore, #tpu.memory_space<semaphore_mem>>)
    %add3A_326 = arith.constant 12 : i32
    %add3A_327 = arith.addi %mul3A_2, %add3A_326 : i32
    %dma_start3A_328 = arith.constant 0 : i32
    %dma_start3A_329 = tpu.memref_slice %arg4[%add3A_327, %dma_start3A_328] : memref<1024x1024xf32, #tpu.memory_space<hbm>> -> memref<4x1024xf32, #tpu.memory_space<hbm>>
    %dma_start3A_330 = arith.constant 0 : i32
    %dma_start3A_331 = tpu.memref_slice %arg4[%add3A_327, %dma_start3A_330] : memref<1024x1024xf32, #tpu.memory_space<hbm>> -> memref<4x1024xf32, #tpu.memory_space<hbm>>
    tpu.enqueue_dma source(%arg11 : memref<4x1024xf32, #tpu.memory_space<vmem>>) target(%dma_start3A_331 : memref<4x1024xf32, #tpu.memory_space<hbm>>) target_semaphore(%arg13 : memref<!tpu.dma_semaphore, #tpu.memory_space<semaphore_mem>>)
    %dma_wait3A_332 = arith.constant 32 : i32
    %dma_wait3A_333 = tpu.memref_slice %arg7[%dma_wait3A_332] : memref<64xi32, #tpu.memory_space<vmem>> -> memref<4xi32, #tpu.memory_space<vmem>>
    %dma_wait3A_334 = arith.constant 0 : i32
    %dma_wait3A_335 = arith.constant 0 : i32
    %dma_wait3A_336 = arith.constant 0 : i32
    %dma_wait3A_337 = tpu.memref_slice %arg2[%dma_wait3A_334, %dma_wait3A_335, %dma_wait3A_336] : memref<12500x8x1024xf32, #tpu.memory_space<hbm>> -> memref<12500x8x1024xf32, #tpu.memory_space<hbm>>
    tpu.wait_indirect_dma semaphore(%arg12 : memref<!tpu.dma_semaphore, #tpu.memory_space<semaphore_mem>>) src(%dma_wait3A_337 : memref<12500x8x1024xf32, #tpu.memory_space<hbm>>) dst(%arg8 : memref<4x8x1024xf32, #tpu.memory_space<vmem>>)
    %dma_wait3A_338 = arith.constant 0 : i32
    %dma_wait3A_339 = tpu.memref_slice %arg4[%add3A_256, %dma_wait3A_338] : memref<1024x1024xf32, #tpu.memory_space<hbm>> -> memref<4x1024xf32, #tpu.memory_space<hbm>>
    %dma_wait3A_340 = arith.constant 0 : i32
    %dma_wait3A_341 = tpu.memref_slice %arg4[%add3A_256, %dma_wait3A_340] : memref<1024x1024xf32, #tpu.memory_space<hbm>> -> memref<4x1024xf32, #tpu.memory_space<hbm>>
    tpu.wait_dma2 semaphore(%arg13 : memref<!tpu.dma_semaphore, #tpu.memory_space<semaphore_mem>>) src(%arg10 : memref<4x1024xf32, #tpu.memory_space<vmem>>) dst(%dma_wait3A_341 : memref<4x1024xf32, #tpu.memory_space<hbm>>)
    %iota3A_342 = tpu.iota {dimensions = array<i32: 0>} : vector<16xi32>
    %broadcast_in_dim3A_343 = arith.constant 0 : i32
    %broadcast_in_dim3A_344 = vector.broadcast %broadcast_in_dim3A_343 : i32 to vector<16xi32>
    %broadcast_in_dim3A_345 = arith.constant 16 : i32
    %broadcast_in_dim3A_346 = vector.broadcast %broadcast_in_dim3A_345 : i32 to vector<16xi32>
    %gather3A_347 = tpu.vector_load_idx %arg6[%broadcast_in_dim3A_346] : memref<32xi32, #tpu.memory_space<vmem>>[vector<16xi32>], vector<16xi32>,
    %scan3A_348 = arith.constant 0 : i32
    %scan3A_349 = arith.constant 0 : i32
    %scan3A_350 = arith.constant 16 : i32
    %scan3A_351 = arith.addi %scan3A_349, %scan3A_350 : i32
    %scan3A_352 = arith.constant 1 : i32
    %scan3A_353 = scf.for %scan3A_612 = %scan3A_349 to %scan3A_351 step %scan3A_352 iter_args(%scan3A_613 = %scan3A_348) -> (i32)  : i32 {
      %mul3A_614 = arith.constant 64 : i32
      %mul3A_615 = arith.muli %scan3A_612, %mul3A_614 : i32
      %add3A_616 = vector.broadcast %mul3A_615 : i32 to vector<16xi32>
      %add3A_617 = arith.addi %iota3A_342, %add3A_616 : vector<16xi32>
      %add3A_618 = arith.constant 0 : i32
      %add3A_619 = vector.broadcast %add3A_618 : i32 to vector<16xi32>
      %add3A_620 = arith.addi %add3A_617, %add3A_619 : vector<16xi32>
      %gather3A_621 = tpu.vector_load_idx %arg8[%broadcast_in_dim3A_344, %gather3A_347, %add3A_620] : memref<4x8x1024xf32, #tpu.memory_space<vmem>>[vector<16xi32>, vector<16xi32>, vector<16xi32>], vector<16xf32>,
      %mul3A_622 = arith.constant 64 : i32
      %mul3A_623 = arith.muli %scan3A_612, %mul3A_622 : i32
      %add3A_624 = arith.constant 0 : i32
      %add3A_625 = arith.addi %mul3A_623, %add3A_624 : i32
      %swap3A_626 = arith.constant 0 : i32
      %swap3A_627 = arith.index_cast %swap3A_626 : i32 to index
      %swap3A_628 = arith.index_cast %add3A_625 : i32 to index
      %swap3A_629 = tpu.vector_load %arg10[%swap3A_627, %swap3A_628] {strides = array<i32>} : memref<4x1024xf32, #tpu.memory_space<vmem>>, vector<16xf32>,
      tpu.vector_store %arg10[%swap3A_627, %swap3A_628], %gather3A_621 {strides = array<i32>} : memref<4x1024xf32, #tpu.memory_space<vmem>>, vector<16xf32>,
      %mul3A_630 = arith.constant 64 : i32
      %mul3A_631 = arith.muli %scan3A_612, %mul3A_630 : i32
      %add3A_632 = vector.broadcast %mul3A_631 : i32 to vector<16xi32>
      %add3A_633 = arith.addi %iota3A_342, %add3A_632 : vector<16xi32>
      %add3A_634 = arith.constant 16 : i32
      %add3A_635 = vector.broadcast %add3A_634 : i32 to vector<16xi32>
      %add3A_636 = arith.addi %add3A_633, %add3A_635 : vector<16xi32>
      %gather3A_637 = tpu.vector_load_idx %arg8[%broadcast_in_dim3A_344, %gather3A_347, %add3A_636] : memref<4x8x1024xf32, #tpu.memory_space<vmem>>[vector<16xi32>, vector<16xi32>, vector<16xi32>], vector<16xf32>,
      %mul3A_638 = arith.constant 64 : i32
      %mul3A_639 = arith.muli %scan3A_612, %mul3A_638 : i32
      %add3A_640 = arith.constant 16 : i32
      %add3A_641 = arith.addi %mul3A_639, %add3A_640 : i32
      %swap3A_642 = arith.constant 0 : i32
      %swap3A_643 = arith.index_cast %swap3A_642 : i32 to index
      %swap3A_644 = arith.index_cast %add3A_641 : i32 to index
      %swap3A_645 = tpu.vector_load %arg10[%swap3A_643, %swap3A_644] {strides = array<i32>} : memref<4x1024xf32, #tpu.memory_space<vmem>>, vector<16xf32>,
      tpu.vector_store %arg10[%swap3A_643, %swap3A_644], %gather3A_637 {strides = array<i32>} : memref<4x1024xf32, #tpu.memory_space<vmem>>, vector<16xf32>,
      %mul3A_646 = arith.constant 64 : i32
      %mul3A_647 = arith.muli %scan3A_612, %mul3A_646 : i32
      %add3A_648 = vector.broadcast %mul3A_647 : i32 to vector<16xi32>
      %add3A_649 = arith.addi %iota3A_342, %add3A_648 : vector<16xi32>
      %add3A_650 = arith.constant 32 : i32
      %add3A_651 = vector.broadcast %add3A_650 : i32 to vector<16xi32>
      %add3A_652 = arith.addi %add3A_649, %add3A_651 : vector<16xi32>
      %gather3A_653 = tpu.vector_load_idx %arg8[%broadcast_in_dim3A_344, %gather3A_347, %add3A_652] : memref<4x8x1024xf32, #tpu.memory_space<vmem>>[vector<16xi32>, vector<16xi32>, vector<16xi32>], vector<16xf32>,
      %mul3A_654 = arith.constant 64 : i32
      %mul3A_655 = arith.muli %scan3A_612, %mul3A_654 : i32
      %add3A_656 = arith.constant 32 : i32
      %add3A_657 = arith.addi %mul3A_655, %add3A_656 : i32
      %swap3A_658 = arith.constant 0 : i32
      %swap3A_659 = arith.index_cast %swap3A_658 : i32 to index
      %swap3A_660 = arith.index_cast %add3A_657 : i32 to index
      %swap3A_661 = tpu.vector_load %arg10[%swap3A_659, %swap3A_660] {strides = array<i32>} : memref<4x1024xf32, #tpu.memory_space<vmem>>, vector<16xf32>,
      tpu.vector_store %arg10[%swap3A_659, %swap3A_660], %gather3A_653 {strides = array<i32>} : memref<4x1024xf32, #tpu.memory_space<vmem>>, vector<16xf32>,
      %mul3A_662 = arith.constant 64 : i32
      %mul3A_663 = arith.muli %scan3A_612, %mul3A_662 : i32
      %add3A_664 = vector.broadcast %mul3A_663 : i32 to vector<16xi32>
      %add3A_665 = arith.addi %iota3A_342, %add3A_664 : vector<16xi32>
      %add3A_666 = arith.constant 48 : i32
      %add3A_667 = vector.broadcast %add3A_666 : i32 to vector<16xi32>
      %add3A_668 = arith.addi %add3A_665, %add3A_667 : vector<16xi32>
      %gather3A_669 = tpu.vector_load_idx %arg8[%broadcast_in_dim3A_344, %gather3A_347, %add3A_668] : memref<4x8x1024xf32, #tpu.memory_space<vmem>>[vector<16xi32>, vector<16xi32>, vector<16xi32>], vector<16xf32>,
      %mul3A_670 = arith.constant 64 : i32
      %mul3A_671 = arith.muli %scan3A_612, %mul3A_670 : i32
      %add3A_672 = arith.constant 48 : i32
      %add3A_673 = arith.addi %mul3A_671, %add3A_672 : i32
      %swap3A_674 = arith.constant 0 : i32
      %swap3A_675 = arith.index_cast %swap3A_674 : i32 to index
      %swap3A_676 = arith.index_cast %add3A_673 : i32 to index
      %swap3A_677 = tpu.vector_load %arg10[%swap3A_675, %swap3A_676] {strides = array<i32>} : memref<4x1024xf32, #tpu.memory_space<vmem>>, vector<16xf32>,
      tpu.vector_store %arg10[%swap3A_675, %swap3A_676], %gather3A_669 {strides = array<i32>} : memref<4x1024xf32, #tpu.memory_space<vmem>>, vector<16xf32>,
      %scan3A_678 = arith.constant 0 : i32
      scf.yield %scan3A_678 : i32
    }
    %scan3A_354 = arith.constant 16 : i32
    %broadcast_in_dim3A_355 = arith.constant 1 : i32
    %broadcast_in_dim3A_356 = vector.broadcast %broadcast_in_dim3A_355 : i32 to vector<16xi32>
    %broadcast_in_dim3A_357 = arith.constant 17 : i32
    %broadcast_in_dim3A_358 = vector.broadcast %broadcast_in_dim3A_357 : i32 to vector<16xi32>
    %gather3A_359 = tpu.vector_load_idx %arg6[%broadcast_in_dim3A_358] : memref<32xi32, #tpu.memory_space<vmem>>[vector<16xi32>], vector<16xi32>,
    %scan3A_360 = arith.constant 0 : i32
    %scan3A_361 = arith.constant 0 : i32
    %scan3A_362 = arith.constant 16 : i32
    %scan3A_363 = arith.addi %scan3A_361, %scan3A_362 : i32
    %scan3A_364 = arith.constant 1 : i32
    %scan3A_365 = scf.for %scan3A_612 = %scan3A_361 to %scan3A_363 step %scan3A_364 iter_args(%scan3A_613 = %scan3A_360) -> (i32)  : i32 {
      %mul3A_614 = arith.constant 64 : i32
      %mul3A_615 = arith.muli %scan3A_612, %mul3A_614 : i32
      %add3A_616 = vector.broadcast %mul3A_615 : i32 to vector<16xi32>
      %add3A_617 = arith.addi %iota3A_342, %add3A_616 : vector<16xi32>
      %add3A_618 = arith.constant 0 : i32
      %add3A_619 = vector.broadcast %add3A_618 : i32 to vector<16xi32>
      %add3A_620 = arith.addi %add3A_617, %add3A_619 : vector<16xi32>
      %gather3A_621 = tpu.vector_load_idx %arg8[%broadcast_in_dim3A_356, %gather3A_359, %add3A_620] : memref<4x8x1024xf32, #tpu.memory_space<vmem>>[vector<16xi32>, vector<16xi32>, vector<16xi32>], vector<16xf32>,
      %mul3A_622 = arith.constant 64 : i32
      %mul3A_623 = arith.muli %scan3A_612, %mul3A_622 : i32
      %add3A_624 = arith.constant 0 : i32
      %add3A_625 = arith.addi %mul3A_623, %add3A_624 : i32
      %swap3A_626 = arith.constant 1 : i32
      %swap3A_627 = arith.index_cast %swap3A_626 : i32 to index
      %swap3A_628 = arith.index_cast %add3A_625 : i32 to index
      %swap3A_629 = tpu.vector_load %arg10[%swap3A_627, %swap3A_628] {strides = array<i32>} : memref<4x1024xf32, #tpu.memory_space<vmem>>, vector<16xf32>,
      tpu.vector_store %arg10[%swap3A_627, %swap3A_628], %gather3A_621 {strides = array<i32>} : memref<4x1024xf32, #tpu.memory_space<vmem>>, vector<16xf32>,
      %mul3A_630 = arith.constant 64 : i32
      %mul3A_631 = arith.muli %scan3A_612, %mul3A_630 : i32
      %add3A_632 = vector.broadcast %mul3A_631 : i32 to vector<16xi32>
      %add3A_633 = arith.addi %iota3A_342, %add3A_632 : vector<16xi32>
      %add3A_634 = arith.constant 16 : i32
      %add3A_635 = vector.broadcast %add3A_634 : i32 to vector<16xi32>
      %add3A_636 = arith.addi %add3A_633, %add3A_635 : vector<16xi32>
      %gather3A_637 = tpu.vector_load_idx %arg8[%broadcast_in_dim3A_356, %gather3A_359, %add3A_636] : memref<4x8x1024xf32, #tpu.memory_space<vmem>>[vector<16xi32>, vector<16xi32>, vector<16xi32>], vector<16xf32>,
      %mul3A_638 = arith.constant 64 : i32
      %mul3A_639 = arith.muli %scan3A_612, %mul3A_638 : i32
      %add3A_640 = arith.constant 16 : i32
      %add3A_641 = arith.addi %mul3A_639, %add3A_640 : i32
      %swap3A_642 = arith.constant 1 : i32
      %swap3A_643 = arith.index_cast %swap3A_642 : i32 to index
      %swap3A_644 = arith.index_cast %add3A_641 : i32 to index
      %swap3A_645 = tpu.vector_load %arg10[%swap3A_643, %swap3A_644] {strides = array<i32>} : memref<4x1024xf32, #tpu.memory_space<vmem>>, vector<16xf32>,
      tpu.vector_store %arg10[%swap3A_643, %swap3A_644], %gather3A_637 {strides = array<i32>} : memref<4x1024xf32, #tpu.memory_space<vmem>>, vector<16xf32>,
      %mul3A_646 = arith.constant 64 : i32
      %mul3A_647 = arith.muli %scan3A_612, %mul3A_646 : i32
      %add3A_648 = vector.broadcast %mul3A_647 : i32 to vector<16xi32>
      %add3A_649 = arith.addi %iota3A_342, %add3A_648 : vector<16xi32>
      %add3A_650 = arith.constant 32 : i32
      %add3A_651 = vector.broadcast %add3A_650 : i32 to vector<16xi32>
      %add3A_652 = arith.addi %add3A_649, %add3A_651 : vector<16xi32>
      %gather3A_653 = tpu.vector_load_idx %arg8[%broadcast_in_dim3A_356, %gather3A_359, %add3A_652] : memref<4x8x1024xf32, #tpu.memory_space<vmem>>[vector<16xi32>, vector<16xi32>, vector<16xi32>], vector<16xf32>,
      %mul3A_654 = arith.constant 64 : i32
      %mul3A_655 = arith.muli %scan3A_612, %mul3A_654 : i32
      %add3A_656 = arith.constant 32 : i32
      %add3A_657 = arith.addi %mul3A_655, %add3A_656 : i32
      %swap3A_658 = arith.constant 1 : i32
      %swap3A_659 = arith.index_cast %swap3A_658 : i32 to index
      %swap3A_660 = arith.index_cast %add3A_657 : i32 to index
      %swap3A_661 = tpu.vector_load %arg10[%swap3A_659, %swap3A_660] {strides = array<i32>} : memref<4x1024xf32, #tpu.memory_space<vmem>>, vector<16xf32>,
      tpu.vector_store %arg10[%swap3A_659, %swap3A_660], %gather3A_653 {strides = array<i32>} : memref<4x1024xf32, #tpu.memory_space<vmem>>, vector<16xf32>,
      %mul3A_662 = arith.constant 64 : i32
      %mul3A_663 = arith.muli %scan3A_612, %mul3A_662 : i32
      %add3A_664 = vector.broadcast %mul3A_663 : i32 to vector<16xi32>
      %add3A_665 = arith.addi %iota3A_342, %add3A_664 : vector<16xi32>
      %add3A_666 = arith.constant 48 : i32
      %add3A_667 = vector.broadcast %add3A_666 : i32 to vector<16xi32>
      %add3A_668 = arith.addi %add3A_665, %add3A_667 : vector<16xi32>
      %gather3A_669 = tpu.vector_load_idx %arg8[%broadcast_in_dim3A_356, %gather3A_359, %add3A_668] : memref<4x8x1024xf32, #tpu.memory_space<vmem>>[vector<16xi32>, vector<16xi32>, vector<16xi32>], vector<16xf32>,
      %mul3A_670 = arith.constant 64 : i32
      %mul3A_671 = arith.muli %scan3A_612, %mul3A_670 : i32
      %add3A_672 = arith.constant 48 : i32
      %add3A_673 = arith.addi %mul3A_671, %add3A_672 : i32
      %swap3A_674 = arith.constant 1 : i32
      %swap3A_675 = arith.index_cast %swap3A_674 : i32 to index
      %swap3A_676 = arith.index_cast %add3A_673 : i32 to index
      %swap3A_677 = tpu.vector_load %arg10[%swap3A_675, %swap3A_676] {strides = array<i32>} : memref<4x1024xf32, #tpu.memory_space<vmem>>, vector<16xf32>,
      tpu.vector_store %arg10[%swap3A_675, %swap3A_676], %gather3A_669 {strides = array<i32>} : memref<4x1024xf32, #tpu.memory_space<vmem>>, vector<16xf32>,
      %scan3A_678 = arith.constant 0 : i32
      scf.yield %scan3A_678 : i32
    }
    %scan3A_366 = arith.constant 16 : i32
    %broadcast_in_dim3A_367 = arith.constant 2 : i32
    %broadcast_in_dim3A_368 = vector.broadcast %broadcast_in_dim3A_367 : i32 to vector<16xi32>
    %broadcast_in_dim3A_369 = arith.constant 18 : i32
    %broadcast_in_dim3A_370 = vector.broadcast %broadcast_in_dim3A_369 : i32 to vector<16xi32>
    %gather3A_371 = tpu.vector_load_idx %arg6[%broadcast_in_dim3A_370] : memref<32xi32, #tpu.memory_space<vmem>>[vector<16xi32>], vector<16xi32>,
    %scan3A_372 = arith.constant 0 : i32
    %scan3A_373 = arith.constant 0 : i32
    %scan3A_374 = arith.constant 16 : i32
    %scan3A_375 = arith.addi %scan3A_373, %scan3A_374 : i32
    %scan3A_376 = arith.constant 1 : i32
    %scan3A_377 = scf.for %scan3A_612 = %scan3A_373 to %scan3A_375 step %scan3A_376 iter_args(%scan3A_613 = %scan3A_372) -> (i32)  : i32 {
      %mul3A_614 = arith.constant 64 : i32
      %mul3A_615 = arith.muli %scan3A_612, %mul3A_614 : i32
      %add3A_616 = vector.broadcast %mul3A_615 : i32 to vector<16xi32>
      %add3A_617 = arith.addi %iota3A_342, %add3A_616 : vector<16xi32>
      %add3A_618 = arith.constant 0 : i32
      %add3A_619 = vector.broadcast %add3A_618 : i32 to vector<16xi32>
      %add3A_620 = arith.addi %add3A_617, %add3A_619 : vector<16xi32>
      %gather3A_621 = tpu.vector_load_idx %arg8[%broadcast_in_dim3A_368, %gather3A_371, %add3A_620] : memref<4x8x1024xf32, #tpu.memory_space<vmem>>[vector<16xi32>, vector<16xi32>, vector<16xi32>], vector<16xf32>,
      %mul3A_622 = arith.constant 64 : i32
      %mul3A_623 = arith.muli %scan3A_612, %mul3A_622 : i32
      %add3A_624 = arith.constant 0 : i32
      %add3A_625 = arith.addi %mul3A_623, %add3A_624 : i32
      %swap3A_626 = arith.constant 2 : i32
      %swap3A_627 = arith.index_cast %swap3A_626 : i32 to index
      %swap3A_628 = arith.index_cast %add3A_625 : i32 to index
      %swap3A_629 = tpu.vector_load %arg10[%swap3A_627, %swap3A_628] {strides = array<i32>} : memref<4x1024xf32, #tpu.memory_space<vmem>>, vector<16xf32>,
      tpu.vector_store %arg10[%swap3A_627, %swap3A_628], %gather3A_621 {strides = array<i32>} : memref<4x1024xf32, #tpu.memory_space<vmem>>, vector<16xf32>,
      %mul3A_630 = arith.constant 64 : i32
      %mul3A_631 = arith.muli %scan3A_612, %mul3A_630 : i32
      %add3A_632 = vector.broadcast %mul3A_631 : i32 to vector<16xi32>
      %add3A_633 = arith.addi %iota3A_342, %add3A_632 : vector<16xi32>
      %add3A_634 = arith.constant 16 : i32
      %add3A_635 = vector.broadcast %add3A_634 : i32 to vector<16xi32>
      %add3A_636 = arith.addi %add3A_633, %add3A_635 : vector<16xi32>
      %gather3A_637 = tpu.vector_load_idx %arg8[%broadcast_in_dim3A_368, %gather3A_371, %add3A_636] : memref<4x8x1024xf32, #tpu.memory_space<vmem>>[vector<16xi32>, vector<16xi32>, vector<16xi32>], vector<16xf32>,
      %mul3A_638 = arith.constant 64 : i32
      %mul3A_639 = arith.muli %scan3A_612, %mul3A_638 : i32
      %add3A_640 = arith.constant 16 : i32
      %add3A_641 = arith.addi %mul3A_639, %add3A_640 : i32
      %swap3A_642 = arith.constant 2 : i32
      %swap3A_643 = arith.index_cast %swap3A_642 : i32 to index
      %swap3A_644 = arith.index_cast %add3A_641 : i32 to index
      %swap3A_645 = tpu.vector_load %arg10[%swap3A_643, %swap3A_644] {strides = array<i32>} : memref<4x1024xf32, #tpu.memory_space<vmem>>, vector<16xf32>,
      tpu.vector_store %arg10[%swap3A_643, %swap3A_644], %gather3A_637 {strides = array<i32>} : memref<4x1024xf32, #tpu.memory_space<vmem>>, vector<16xf32>,
      %mul3A_646 = arith.constant 64 : i32
      %mul3A_647 = arith.muli %scan3A_612, %mul3A_646 : i32
      %add3A_648 = vector.broadcast %mul3A_647 : i32 to vector<16xi32>
      %add3A_649 = arith.addi %iota3A_342, %add3A_648 : vector<16xi32>
      %add3A_650 = arith.constant 32 : i32
      %add3A_651 = vector.broadcast %add3A_650 : i32 to vector<16xi32>
      %add3A_652 = arith.addi %add3A_649, %add3A_651 : vector<16xi32>
      %gather3A_653 = tpu.vector_load_idx %arg8[%broadcast_in_dim3A_368, %gather3A_371, %add3A_652] : memref<4x8x1024xf32, #tpu.memory_space<vmem>>[vector<16xi32>, vector<16xi32>, vector<16xi32>], vector<16xf32>,
      %mul3A_654 = arith.constant 64 : i32
      %mul3A_655 = arith.muli %scan3A_612, %mul3A_654 : i32
      %add3A_656 = arith.constant 32 : i32
      %add3A_657 = arith.addi %mul3A_655, %add3A_656 : i32
      %swap3A_658 = arith.constant 2 : i32
      %swap3A_659 = arith.index_cast %swap3A_658 : i32 to index
      %swap3A_660 = arith.index_cast %add3A_657 : i32 to index
      %swap3A_661 = tpu.vector_load %arg10[%swap3A_659, %swap3A_660] {strides = array<i32>} : memref<4x1024xf32, #tpu.memory_space<vmem>>, vector<16xf32>,
      tpu.vector_store %arg10[%swap3A_659, %swap3A_660], %gather3A_653 {strides = array<i32>} : memref<4x1024xf32, #tpu.memory_space<vmem>>, vector<16xf32>,
      %mul3A_662 = arith.constant 64 : i32
      %mul3A_663 = arith.muli %scan3A_612, %mul3A_662 : i32
      %add3A_664 = vector.broadcast %mul3A_663 : i32 to vector<16xi32>
      %add3A_665 = arith.addi %iota3A_342, %add3A_664 : vector<16xi32>
      %add3A_666 = arith.constant 48 : i32
      %add3A_667 = vector.broadcast %add3A_666 : i32 to vector<16xi32>
      %add3A_668 = arith.addi %add3A_665, %add3A_667 : vector<16xi32>
      %gather3A_669 = tpu.vector_load_idx %arg8[%broadcast_in_dim3A_368, %gather3A_371, %add3A_668] : memref<4x8x1024xf32, #tpu.memory_space<vmem>>[vector<16xi32>, vector<16xi32>, vector<16xi32>], vector<16xf32>,
      %mul3A_670 = arith.constant 64 : i32
      %mul3A_671 = arith.muli %scan3A_612, %mul3A_670 : i32
      %add3A_672 = arith.constant 48 : i32
      %add3A_673 = arith.addi %mul3A_671, %add3A_672 : i32
      %swap3A_674 = arith.constant 2 : i32
      %swap3A_675 = arith.index_cast %swap3A_674 : i32 to index
      %swap3A_676 = arith.index_cast %add3A_673 : i32 to index
      %swap3A_677 = tpu.vector_load %arg10[%swap3A_675, %swap3A_676] {strides = array<i32>} : memref<4x1024xf32, #tpu.memory_space<vmem>>, vector<16xf32>,
      tpu.vector_store %arg10[%swap3A_675, %swap3A_676], %gather3A_669 {strides = array<i32>} : memref<4x1024xf32, #tpu.memory_space<vmem>>, vector<16xf32>,
      %scan3A_678 = arith.constant 0 : i32
      scf.yield %scan3A_678 : i32
    }
    %scan3A_378 = arith.constant 16 : i32
    %broadcast_in_dim3A_379 = arith.constant 3 : i32
    %broadcast_in_dim3A_380 = vector.broadcast %broadcast_in_dim3A_379 : i32 to vector<16xi32>
    %broadcast_in_dim3A_381 = arith.constant 19 : i32
    %broadcast_in_dim3A_382 = vector.broadcast %broadcast_in_dim3A_381 : i32 to vector<16xi32>
    %gather3A_383 = tpu.vector_load_idx %arg6[%broadcast_in_dim3A_382] : memref<32xi32, #tpu.memory_space<vmem>>[vector<16xi32>], vector<16xi32>,
    %scan3A_384 = arith.constant 0 : i32
    %scan3A_385 = arith.constant 0 : i32
    %scan3A_386 = arith.constant 16 : i32
    %scan3A_387 = arith.addi %scan3A_385, %scan3A_386 : i32
    %scan3A_388 = arith.constant 1 : i32
    %scan3A_389 = scf.for %scan3A_612 = %scan3A_385 to %scan3A_387 step %scan3A_388 iter_args(%scan3A_613 = %scan3A_384) -> (i32)  : i32 {
      %mul3A_614 = arith.constant 64 : i32
      %mul3A_615 = arith.muli %scan3A_612, %mul3A_614 : i32
      %add3A_616 = vector.broadcast %mul3A_615 : i32 to vector<16xi32>
      %add3A_617 = arith.addi %iota3A_342, %add3A_616 : vector<16xi32>
      %add3A_618 = arith.constant 0 : i32
      %add3A_619 = vector.broadcast %add3A_618 : i32 to vector<16xi32>
      %add3A_620 = arith.addi %add3A_617, %add3A_619 : vector<16xi32>
      %gather3A_621 = tpu.vector_load_idx %arg8[%broadcast_in_dim3A_380, %gather3A_383, %add3A_620] : memref<4x8x1024xf32, #tpu.memory_space<vmem>>[vector<16xi32>, vector<16xi32>, vector<16xi32>], vector<16xf32>,
      %mul3A_622 = arith.constant 64 : i32
      %mul3A_623 = arith.muli %scan3A_612, %mul3A_622 : i32
      %add3A_624 = arith.constant 0 : i32
      %add3A_625 = arith.addi %mul3A_623, %add3A_624 : i32
      %swap3A_626 = arith.constant 3 : i32
      %swap3A_627 = arith.index_cast %swap3A_626 : i32 to index
      %swap3A_628 = arith.index_cast %add3A_625 : i32 to index
      %swap3A_629 = tpu.vector_load %arg10[%swap3A_627, %swap3A_628] {strides = array<i32>} : memref<4x1024xf32, #tpu.memory_space<vmem>>, vector<16xf32>,
      tpu.vector_store %arg10[%swap3A_627, %swap3A_628], %gather3A_621 {strides = array<i32>} : memref<4x1024xf32, #tpu.memory_space<vmem>>, vector<16xf32>,
      %mul3A_630 = arith.constant 64 : i32
      %mul3A_631 = arith.muli %scan3A_612, %mul3A_630 : i32
      %add3A_632 = vector.broadcast %mul3A_631 : i32 to vector<16xi32>
      %add3A_633 = arith.addi %iota3A_342, %add3A_632 : vector<16xi32>
      %add3A_634 = arith.constant 16 : i32
      %add3A_635 = vector.broadcast %add3A_634 : i32 to vector<16xi32>
      %add3A_636 = arith.addi %add3A_633, %add3A_635 : vector<16xi32>
      %gather3A_637 = tpu.vector_load_idx %arg8[%broadcast_in_dim3A_380, %gather3A_383, %add3A_636] : memref<4x8x1024xf32, #tpu.memory_space<vmem>>[vector<16xi32>, vector<16xi32>, vector<16xi32>], vector<16xf32>,
      %mul3A_638 = arith.constant 64 : i32
      %mul3A_639 = arith.muli %scan3A_612, %mul3A_638 : i32
      %add3A_640 = arith.constant 16 : i32
      %add3A_641 = arith.addi %mul3A_639, %add3A_640 : i32
      %swap3A_642 = arith.constant 3 : i32
      %swap3A_643 = arith.index_cast %swap3A_642 : i32 to index
      %swap3A_644 = arith.index_cast %add3A_641 : i32 to index
      %swap3A_645 = tpu.vector_load %arg10[%swap3A_643, %swap3A_644] {strides = array<i32>} : memref<4x1024xf32, #tpu.memory_space<vmem>>, vector<16xf32>,
      tpu.vector_store %arg10[%swap3A_643, %swap3A_644], %gather3A_637 {strides = array<i32>} : memref<4x1024xf32, #tpu.memory_space<vmem>>, vector<16xf32>,
      %mul3A_646 = arith.constant 64 : i32
      %mul3A_647 = arith.muli %scan3A_612, %mul3A_646 : i32
      %add3A_648 = vector.broadcast %mul3A_647 : i32 to vector<16xi32>
      %add3A_649 = arith.addi %iota3A_342, %add3A_648 : vector<16xi32>
      %add3A_650 = arith.constant 32 : i32
      %add3A_651 = vector.broadcast %add3A_650 : i32 to vector<16xi32>
      %add3A_652 = arith.addi %add3A_649, %add3A_651 : vector<16xi32>
      %gather3A_653 = tpu.vector_load_idx %arg8[%broadcast_in_dim3A_380, %gather3A_383, %add3A_652] : memref<4x8x1024xf32, #tpu.memory_space<vmem>>[vector<16xi32>, vector<16xi32>, vector<16xi32>], vector<16xf32>,
      %mul3A_654 = arith.constant 64 : i32
      %mul3A_655 = arith.muli %scan3A_612, %mul3A_654 : i32
      %add3A_656 = arith.constant 32 : i32
      %add3A_657 = arith.addi %mul3A_655, %add3A_656 : i32
      %swap3A_658 = arith.constant 3 : i32
      %swap3A_659 = arith.index_cast %swap3A_658 : i32 to index
      %swap3A_660 = arith.index_cast %add3A_657 : i32 to index
      %swap3A_661 = tpu.vector_load %arg10[%swap3A_659, %swap3A_660] {strides = array<i32>} : memref<4x1024xf32, #tpu.memory_space<vmem>>, vector<16xf32>,
      tpu.vector_store %arg10[%swap3A_659, %swap3A_660], %gather3A_653 {strides = array<i32>} : memref<4x1024xf32, #tpu.memory_space<vmem>>, vector<16xf32>,
      %mul3A_662 = arith.constant 64 : i32
      %mul3A_663 = arith.muli %scan3A_612, %mul3A_662 : i32
      %add3A_664 = vector.broadcast %mul3A_663 : i32 to vector<16xi32>
      %add3A_665 = arith.addi %iota3A_342, %add3A_664 : vector<16xi32>
      %add3A_666 = arith.constant 48 : i32
      %add3A_667 = vector.broadcast %add3A_666 : i32 to vector<16xi32>
      %add3A_668 = arith.addi %add3A_665, %add3A_667 : vector<16xi32>
      %gather3A_669 = tpu.vector_load_idx %arg8[%broadcast_in_dim3A_380, %gather3A_383, %add3A_668] : memref<4x8x1024xf32, #tpu.memory_space<vmem>>[vector<16xi32>, vector<16xi32>, vector<16xi32>], vector<16xf32>,
      %mul3A_670 = arith.constant 64 : i32
      %mul3A_671 = arith.muli %scan3A_612, %mul3A_670 : i32
      %add3A_672 = arith.constant 48 : i32
      %add3A_673 = arith.addi %mul3A_671, %add3A_672 : i32
      %swap3A_674 = arith.constant 3 : i32
      %swap3A_675 = arith.index_cast %swap3A_674 : i32 to index
      %swap3A_676 = arith.index_cast %add3A_673 : i32 to index
      %swap3A_677 = tpu.vector_load %arg10[%swap3A_675, %swap3A_676] {strides = array<i32>} : memref<4x1024xf32, #tpu.memory_space<vmem>>, vector<16xf32>,
      tpu.vector_store %arg10[%swap3A_675, %swap3A_676], %gather3A_669 {strides = array<i32>} : memref<4x1024xf32, #tpu.memory_space<vmem>>, vector<16xf32>,
      %scan3A_678 = arith.constant 0 : i32
      scf.yield %scan3A_678 : i32
    }
    %scan3A_390 = arith.constant 16 : i32
    %dma_start3A_391 = arith.constant 48 : i32
    %dma_start3A_392 = tpu.memref_slice %arg7[%dma_start3A_391] : memref<64xi32, #tpu.memory_space<vmem>> -> memref<4xi32, #tpu.memory_space<vmem>>
    %dma_start3A_393 = arith.constant 0 : i32
    %dma_start3A_394 = arith.constant 0 : i32
    %dma_start3A_395 = arith.constant 0 : i32
    %dma_start3A_396 = tpu.memref_slice %arg2[%dma_start3A_393, %dma_start3A_394, %dma_start3A_395] : memref<12500x8x1024xf32, #tpu.memory_space<hbm>> -> memref<12500x8x1024xf32, #tpu.memory_space<hbm>>
    tpu.enqueue_indirect_dma source(%dma_start3A_396 : memref<12500x8x1024xf32, #tpu.memory_space<hbm>>) target(%arg8 : memref<4x8x1024xf32, #tpu.memory_space<vmem>>) offsets(%dma_start3A_392 : memref<4xi32, #tpu.memory_space<vmem>>) semaphore(%arg12 : memref<!tpu.dma_semaphore, #tpu.memory_space<semaphore_mem>>)
    %add3A_397 = arith.constant 16 : i32
    %add3A_398 = arith.addi %mul3A_2, %add3A_397 : i32
    %dma_start3A_399 = arith.constant 0 : i32
    %dma_start3A_400 = tpu.memref_slice %arg4[%add3A_398, %dma_start3A_399] : memref<1024x1024xf32, #tpu.memory_space<hbm>> -> memref<4x1024xf32, #tpu.memory_space<hbm>>
    %dma_start3A_401 = arith.constant 0 : i32
    %dma_start3A_402 = tpu.memref_slice %arg4[%add3A_398, %dma_start3A_401] : memref<1024x1024xf32, #tpu.memory_space<hbm>> -> memref<4x1024xf32, #tpu.memory_space<hbm>>
    tpu.enqueue_dma source(%arg10 : memref<4x1024xf32, #tpu.memory_space<vmem>>) target(%dma_start3A_402 : memref<4x1024xf32, #tpu.memory_space<hbm>>) target_semaphore(%arg13 : memref<!tpu.dma_semaphore, #tpu.memory_space<semaphore_mem>>)
    %dma_wait3A_403 = arith.constant 40 : i32
    %dma_wait3A_404 = tpu.memref_slice %arg7[%dma_wait3A_403] : memref<64xi32, #tpu.memory_space<vmem>> -> memref<4xi32, #tpu.memory_space<vmem>>
    %dma_wait3A_405 = arith.constant 0 : i32
    %dma_wait3A_406 = arith.constant 0 : i32
    %dma_wait3A_407 = arith.constant 0 : i32
    %dma_wait3A_408 = tpu.memref_slice %arg2[%dma_wait3A_405, %dma_wait3A_406, %dma_wait3A_407] : memref<12500x8x1024xf32, #tpu.memory_space<hbm>> -> memref<12500x8x1024xf32, #tpu.memory_space<hbm>>
    tpu.wait_indirect_dma semaphore(%arg12 : memref<!tpu.dma_semaphore, #tpu.memory_space<semaphore_mem>>) src(%dma_wait3A_408 : memref<12500x8x1024xf32, #tpu.memory_space<hbm>>) dst(%arg9 : memref<4x8x1024xf32, #tpu.memory_space<vmem>>)
    %dma_wait3A_409 = arith.constant 0 : i32
    %dma_wait3A_410 = tpu.memref_slice %arg4[%add3A_327, %dma_wait3A_409] : memref<1024x1024xf32, #tpu.memory_space<hbm>> -> memref<4x1024xf32, #tpu.memory_space<hbm>>
    %dma_wait3A_411 = arith.constant 0 : i32
    %dma_wait3A_412 = tpu.memref_slice %arg4[%add3A_327, %dma_wait3A_411] : memref<1024x1024xf32, #tpu.memory_space<hbm>> -> memref<4x1024xf32, #tpu.memory_space<hbm>>
    tpu.wait_dma2 semaphore(%arg13 : memref<!tpu.dma_semaphore, #tpu.memory_space<semaphore_mem>>) src(%arg11 : memref<4x1024xf32, #tpu.memory_space<vmem>>) dst(%dma_wait3A_412 : memref<4x1024xf32, #tpu.memory_space<hbm>>)
    %iota3A_413 = tpu.iota {dimensions = array<i32: 0>} : vector<16xi32>
    %broadcast_in_dim3A_414 = arith.constant 0 : i32
    %broadcast_in_dim3A_415 = vector.broadcast %broadcast_in_dim3A_414 : i32 to vector<16xi32>
    %broadcast_in_dim3A_416 = arith.constant 20 : i32
    %broadcast_in_dim3A_417 = vector.broadcast %broadcast_in_dim3A_416 : i32 to vector<16xi32>
    %gather3A_418 = tpu.vector_load_idx %arg6[%broadcast_in_dim3A_417] : memref<32xi32, #tpu.memory_space<vmem>>[vector<16xi32>], vector<16xi32>,
    %scan3A_419 = arith.constant 0 : i32
    %scan3A_420 = arith.constant 0 : i32
    %scan3A_421 = arith.constant 16 : i32
    %scan3A_422 = arith.addi %scan3A_420, %scan3A_421 : i32
    %scan3A_423 = arith.constant 1 : i32
    %scan3A_424 = scf.for %scan3A_612 = %scan3A_420 to %scan3A_422 step %scan3A_423 iter_args(%scan3A_613 = %scan3A_419) -> (i32)  : i32 {
      %mul3A_614 = arith.constant 64 : i32
      %mul3A_615 = arith.muli %scan3A_612, %mul3A_614 : i32
      %add3A_616 = vector.broadcast %mul3A_615 : i32 to vector<16xi32>
      %add3A_617 = arith.addi %iota3A_413, %add3A_616 : vector<16xi32>
      %add3A_618 = arith.constant 0 : i32
      %add3A_619 = vector.broadcast %add3A_618 : i32 to vector<16xi32>
      %add3A_620 = arith.addi %add3A_617, %add3A_619 : vector<16xi32>
      %gather3A_621 = tpu.vector_load_idx %arg9[%broadcast_in_dim3A_415, %gather3A_418, %add3A_620] : memref<4x8x1024xf32, #tpu.memory_space<vmem>>[vector<16xi32>, vector<16xi32>, vector<16xi32>], vector<16xf32>,
      %mul3A_622 = arith.constant 64 : i32
      %mul3A_623 = arith.muli %scan3A_612, %mul3A_622 : i32
      %add3A_624 = arith.constant 0 : i32
      %add3A_625 = arith.addi %mul3A_623, %add3A_624 : i32
      %swap3A_626 = arith.constant 0 : i32
      %swap3A_627 = arith.index_cast %swap3A_626 : i32 to index
      %swap3A_628 = arith.index_cast %add3A_625 : i32 to index
      %swap3A_629 = tpu.vector_load %arg11[%swap3A_627, %swap3A_628] {strides = array<i32>} : memref<4x1024xf32, #tpu.memory_space<vmem>>, vector<16xf32>,
      tpu.vector_store %arg11[%swap3A_627, %swap3A_628], %gather3A_621 {strides = array<i32>} : memref<4x1024xf32, #tpu.memory_space<vmem>>, vector<16xf32>,
      %mul3A_630 = arith.constant 64 : i32
      %mul3A_631 = arith.muli %scan3A_612, %mul3A_630 : i32
      %add3A_632 = vector.broadcast %mul3A_631 : i32 to vector<16xi32>
      %add3A_633 = arith.addi %iota3A_413, %add3A_632 : vector<16xi32>
      %add3A_634 = arith.constant 16 : i32
      %add3A_635 = vector.broadcast %add3A_634 : i32 to vector<16xi32>
      %add3A_636 = arith.addi %add3A_633, %add3A_635 : vector<16xi32>
      %gather3A_637 = tpu.vector_load_idx %arg9[%broadcast_in_dim3A_415, %gather3A_418, %add3A_636] : memref<4x8x1024xf32, #tpu.memory_space<vmem>>[vector<16xi32>, vector<16xi32>, vector<16xi32>], vector<16xf32>,
      %mul3A_638 = arith.constant 64 : i32
      %mul3A_639 = arith.muli %scan3A_612, %mul3A_638 : i32
      %add3A_640 = arith.constant 16 : i32
      %add3A_641 = arith.addi %mul3A_639, %add3A_640 : i32
      %swap3A_642 = arith.constant 0 : i32
      %swap3A_643 = arith.index_cast %swap3A_642 : i32 to index
      %swap3A_644 = arith.index_cast %add3A_641 : i32 to index
      %swap3A_645 = tpu.vector_load %arg11[%swap3A_643, %swap3A_644] {strides = array<i32>} : memref<4x1024xf32, #tpu.memory_space<vmem>>, vector<16xf32>,
      tpu.vector_store %arg11[%swap3A_643, %swap3A_644], %gather3A_637 {strides = array<i32>} : memref<4x1024xf32, #tpu.memory_space<vmem>>, vector<16xf32>,
      %mul3A_646 = arith.constant 64 : i32
      %mul3A_647 = arith.muli %scan3A_612, %mul3A_646 : i32
      %add3A_648 = vector.broadcast %mul3A_647 : i32 to vector<16xi32>
      %add3A_649 = arith.addi %iota3A_413, %add3A_648 : vector<16xi32>
      %add3A_650 = arith.constant 32 : i32
      %add3A_651 = vector.broadcast %add3A_650 : i32 to vector<16xi32>
      %add3A_652 = arith.addi %add3A_649, %add3A_651 : vector<16xi32>
      %gather3A_653 = tpu.vector_load_idx %arg9[%broadcast_in_dim3A_415, %gather3A_418, %add3A_652] : memref<4x8x1024xf32, #tpu.memory_space<vmem>>[vector<16xi32>, vector<16xi32>, vector<16xi32>], vector<16xf32>,
      %mul3A_654 = arith.constant 64 : i32
      %mul3A_655 = arith.muli %scan3A_612, %mul3A_654 : i32
      %add3A_656 = arith.constant 32 : i32
      %add3A_657 = arith.addi %mul3A_655, %add3A_656 : i32
      %swap3A_658 = arith.constant 0 : i32
      %swap3A_659 = arith.index_cast %swap3A_658 : i32 to index
      %swap3A_660 = arith.index_cast %add3A_657 : i32 to index
      %swap3A_661 = tpu.vector_load %arg11[%swap3A_659, %swap3A_660] {strides = array<i32>} : memref<4x1024xf32, #tpu.memory_space<vmem>>, vector<16xf32>,
      tpu.vector_store %arg11[%swap3A_659, %swap3A_660], %gather3A_653 {strides = array<i32>} : memref<4x1024xf32, #tpu.memory_space<vmem>>, vector<16xf32>,
      %mul3A_662 = arith.constant 64 : i32
      %mul3A_663 = arith.muli %scan3A_612, %mul3A_662 : i32
      %add3A_664 = vector.broadcast %mul3A_663 : i32 to vector<16xi32>
      %add3A_665 = arith.addi %iota3A_413, %add3A_664 : vector<16xi32>
      %add3A_666 = arith.constant 48 : i32
      %add3A_667 = vector.broadcast %add3A_666 : i32 to vector<16xi32>
      %add3A_668 = arith.addi %add3A_665, %add3A_667 : vector<16xi32>
      %gather3A_669 = tpu.vector_load_idx %arg9[%broadcast_in_dim3A_415, %gather3A_418, %add3A_668] : memref<4x8x1024xf32, #tpu.memory_space<vmem>>[vector<16xi32>, vector<16xi32>, vector<16xi32>], vector<16xf32>,
      %mul3A_670 = arith.constant 64 : i32
      %mul3A_671 = arith.muli %scan3A_612, %mul3A_670 : i32
      %add3A_672 = arith.constant 48 : i32
      %add3A_673 = arith.addi %mul3A_671, %add3A_672 : i32
      %swap3A_674 = arith.constant 0 : i32
      %swap3A_675 = arith.index_cast %swap3A_674 : i32 to index
      %swap3A_676 = arith.index_cast %add3A_673 : i32 to index
      %swap3A_677 = tpu.vector_load %arg11[%swap3A_675, %swap3A_676] {strides = array<i32>} : memref<4x1024xf32, #tpu.memory_space<vmem>>, vector<16xf32>,
      tpu.vector_store %arg11[%swap3A_675, %swap3A_676], %gather3A_669 {strides = array<i32>} : memref<4x1024xf32, #tpu.memory_space<vmem>>, vector<16xf32>,
      %scan3A_678 = arith.constant 0 : i32
      scf.yield %scan3A_678 : i32
    }
    %scan3A_425 = arith.constant 16 : i32
    %broadcast_in_dim3A_426 = arith.constant 1 : i32
    %broadcast_in_dim3A_427 = vector.broadcast %broadcast_in_dim3A_426 : i32 to vector<16xi32>
    %broadcast_in_dim3A_428 = arith.constant 21 : i32
    %broadcast_in_dim3A_429 = vector.broadcast %broadcast_in_dim3A_428 : i32 to vector<16xi32>
    %gather3A_430 = tpu.vector_load_idx %arg6[%broadcast_in_dim3A_429] : memref<32xi32, #tpu.memory_space<vmem>>[vector<16xi32>], vector<16xi32>,
    %scan3A_431 = arith.constant 0 : i32
    %scan3A_432 = arith.constant 0 : i32
    %scan3A_433 = arith.constant 16 : i32
    %scan3A_434 = arith.addi %scan3A_432, %scan3A_433 : i32
    %scan3A_435 = arith.constant 1 : i32
    %scan3A_436 = scf.for %scan3A_612 = %scan3A_432 to %scan3A_434 step %scan3A_435 iter_args(%scan3A_613 = %scan3A_431) -> (i32)  : i32 {
      %mul3A_614 = arith.constant 64 : i32
      %mul3A_615 = arith.muli %scan3A_612, %mul3A_614 : i32
      %add3A_616 = vector.broadcast %mul3A_615 : i32 to vector<16xi32>
      %add3A_617 = arith.addi %iota3A_413, %add3A_616 : vector<16xi32>
      %add3A_618 = arith.constant 0 : i32
      %add3A_619 = vector.broadcast %add3A_618 : i32 to vector<16xi32>
      %add3A_620 = arith.addi %add3A_617, %add3A_619 : vector<16xi32>
      %gather3A_621 = tpu.vector_load_idx %arg9[%broadcast_in_dim3A_427, %gather3A_430, %add3A_620] : memref<4x8x1024xf32, #tpu.memory_space<vmem>>[vector<16xi32>, vector<16xi32>, vector<16xi32>], vector<16xf32>,
      %mul3A_622 = arith.constant 64 : i32
      %mul3A_623 = arith.muli %scan3A_612, %mul3A_622 : i32
      %add3A_624 = arith.constant 0 : i32
      %add3A_625 = arith.addi %mul3A_623, %add3A_624 : i32
      %swap3A_626 = arith.constant 1 : i32
      %swap3A_627 = arith.index_cast %swap3A_626 : i32 to index
      %swap3A_628 = arith.index_cast %add3A_625 : i32 to index
      %swap3A_629 = tpu.vector_load %arg11[%swap3A_627, %swap3A_628] {strides = array<i32>} : memref<4x1024xf32, #tpu.memory_space<vmem>>, vector<16xf32>,
      tpu.vector_store %arg11[%swap3A_627, %swap3A_628], %gather3A_621 {strides = array<i32>} : memref<4x1024xf32, #tpu.memory_space<vmem>>, vector<16xf32>,
      %mul3A_630 = arith.constant 64 : i32
      %mul3A_631 = arith.muli %scan3A_612, %mul3A_630 : i32
      %add3A_632 = vector.broadcast %mul3A_631 : i32 to vector<16xi32>
      %add3A_633 = arith.addi %iota3A_413, %add3A_632 : vector<16xi32>
      %add3A_634 = arith.constant 16 : i32
      %add3A_635 = vector.broadcast %add3A_634 : i32 to vector<16xi32>
      %add3A_636 = arith.addi %add3A_633, %add3A_635 : vector<16xi32>
      %gather3A_637 = tpu.vector_load_idx %arg9[%broadcast_in_dim3A_427, %gather3A_430, %add3A_636] : memref<4x8x1024xf32, #tpu.memory_space<vmem>>[vector<16xi32>, vector<16xi32>, vector<16xi32>], vector<16xf32>,
      %mul3A_638 = arith.constant 64 : i32
      %mul3A_639 = arith.muli %scan3A_612, %mul3A_638 : i32
      %add3A_640 = arith.constant 16 : i32
      %add3A_641 = arith.addi %mul3A_639, %add3A_640 : i32
      %swap3A_642 = arith.constant 1 : i32
      %swap3A_643 = arith.index_cast %swap3A_642 : i32 to index
      %swap3A_644 = arith.index_cast %add3A_641 : i32 to index
      %swap3A_645 = tpu.vector_load %arg11[%swap3A_643, %swap3A_644] {strides = array<i32>} : memref<4x1024xf32, #tpu.memory_space<vmem>>, vector<16xf32>,
      tpu.vector_store %arg11[%swap3A_643, %swap3A_644], %gather3A_637 {strides = array<i32>} : memref<4x1024xf32, #tpu.memory_space<vmem>>, vector<16xf32>,
      %mul3A_646 = arith.constant 64 : i32
      %mul3A_647 = arith.muli %scan3A_612, %mul3A_646 : i32
      %add3A_648 = vector.broadcast %mul3A_647 : i32 to vector<16xi32>
      %add3A_649 = arith.addi %iota3A_413, %add3A_648 : vector<16xi32>
      %add3A_650 = arith.constant 32 : i32
      %add3A_651 = vector.broadcast %add3A_650 : i32 to vector<16xi32>
      %add3A_652 = arith.addi %add3A_649, %add3A_651 : vector<16xi32>
      %gather3A_653 = tpu.vector_load_idx %arg9[%broadcast_in_dim3A_427, %gather3A_430, %add3A_652] : memref<4x8x1024xf32, #tpu.memory_space<vmem>>[vector<16xi32>, vector<16xi32>, vector<16xi32>], vector<16xf32>,
      %mul3A_654 = arith.constant 64 : i32
      %mul3A_655 = arith.muli %scan3A_612, %mul3A_654 : i32
      %add3A_656 = arith.constant 32 : i32
      %add3A_657 = arith.addi %mul3A_655, %add3A_656 : i32
      %swap3A_658 = arith.constant 1 : i32
      %swap3A_659 = arith.index_cast %swap3A_658 : i32 to index
      %swap3A_660 = arith.index_cast %add3A_657 : i32 to index
      %swap3A_661 = tpu.vector_load %arg11[%swap3A_659, %swap3A_660] {strides = array<i32>} : memref<4x1024xf32, #tpu.memory_space<vmem>>, vector<16xf32>,
      tpu.vector_store %arg11[%swap3A_659, %swap3A_660], %gather3A_653 {strides = array<i32>} : memref<4x1024xf32, #tpu.memory_space<vmem>>, vector<16xf32>,
      %mul3A_662 = arith.constant 64 : i32
      %mul3A_663 = arith.muli %scan3A_612, %mul3A_662 : i32
      %add3A_664 = vector.broadcast %mul3A_663 : i32 to vector<16xi32>
      %add3A_665 = arith.addi %iota3A_413, %add3A_664 : vector<16xi32>
      %add3A_666 = arith.constant 48 : i32
      %add3A_667 = vector.broadcast %add3A_666 : i32 to vector<16xi32>
      %add3A_668 = arith.addi %add3A_665, %add3A_667 : vector<16xi32>
      %gather3A_669 = tpu.vector_load_idx %arg9[%broadcast_in_dim3A_427, %gather3A_430, %add3A_668] : memref<4x8x1024xf32, #tpu.memory_space<vmem>>[vector<16xi32>, vector<16xi32>, vector<16xi32>], vector<16xf32>,
      %mul3A_670 = arith.constant 64 : i32
      %mul3A_671 = arith.muli %scan3A_612, %mul3A_670 : i32
      %add3A_672 = arith.constant 48 : i32
      %add3A_673 = arith.addi %mul3A_671, %add3A_672 : i32
      %swap3A_674 = arith.constant 1 : i32
      %swap3A_675 = arith.index_cast %swap3A_674 : i32 to index
      %swap3A_676 = arith.index_cast %add3A_673 : i32 to index
      %swap3A_677 = tpu.vector_load %arg11[%swap3A_675, %swap3A_676] {strides = array<i32>} : memref<4x1024xf32, #tpu.memory_space<vmem>>, vector<16xf32>,
      tpu.vector_store %arg11[%swap3A_675, %swap3A_676], %gather3A_669 {strides = array<i32>} : memref<4x1024xf32, #tpu.memory_space<vmem>>, vector<16xf32>,
      %scan3A_678 = arith.constant 0 : i32
      scf.yield %scan3A_678 : i32
    }
    %scan3A_437 = arith.constant 16 : i32
    %broadcast_in_dim3A_438 = arith.constant 2 : i32
    %broadcast_in_dim3A_439 = vector.broadcast %broadcast_in_dim3A_438 : i32 to vector<16xi32>
    %broadcast_in_dim3A_440 = arith.constant 22 : i32
    %broadcast_in_dim3A_441 = vector.broadcast %broadcast_in_dim3A_440 : i32 to vector<16xi32>
    %gather3A_442 = tpu.vector_load_idx %arg6[%broadcast_in_dim3A_441] : memref<32xi32, #tpu.memory_space<vmem>>[vector<16xi32>], vector<16xi32>,
    %scan3A_443 = arith.constant 0 : i32
    %scan3A_444 = arith.constant 0 : i32
    %scan3A_445 = arith.constant 16 : i32
    %scan3A_446 = arith.addi %scan3A_444, %scan3A_445 : i32
    %scan3A_447 = arith.constant 1 : i32
    %scan3A_448 = scf.for %scan3A_612 = %scan3A_444 to %scan3A_446 step %scan3A_447 iter_args(%scan3A_613 = %scan3A_443) -> (i32)  : i32 {
      %mul3A_614 = arith.constant 64 : i32
      %mul3A_615 = arith.muli %scan3A_612, %mul3A_614 : i32
      %add3A_616 = vector.broadcast %mul3A_615 : i32 to vector<16xi32>
      %add3A_617 = arith.addi %iota3A_413, %add3A_616 : vector<16xi32>
      %add3A_618 = arith.constant 0 : i32
      %add3A_619 = vector.broadcast %add3A_618 : i32 to vector<16xi32>
      %add3A_620 = arith.addi %add3A_617, %add3A_619 : vector<16xi32>
      %gather3A_621 = tpu.vector_load_idx %arg9[%broadcast_in_dim3A_439, %gather3A_442, %add3A_620] : memref<4x8x1024xf32, #tpu.memory_space<vmem>>[vector<16xi32>, vector<16xi32>, vector<16xi32>], vector<16xf32>,
      %mul3A_622 = arith.constant 64 : i32
      %mul3A_623 = arith.muli %scan3A_612, %mul3A_622 : i32
      %add3A_624 = arith.constant 0 : i32
      %add3A_625 = arith.addi %mul3A_623, %add3A_624 : i32
      %swap3A_626 = arith.constant 2 : i32
      %swap3A_627 = arith.index_cast %swap3A_626 : i32 to index
      %swap3A_628 = arith.index_cast %add3A_625 : i32 to index
      %swap3A_629 = tpu.vector_load %arg11[%swap3A_627, %swap3A_628] {strides = array<i32>} : memref<4x1024xf32, #tpu.memory_space<vmem>>, vector<16xf32>,
      tpu.vector_store %arg11[%swap3A_627, %swap3A_628], %gather3A_621 {strides = array<i32>} : memref<4x1024xf32, #tpu.memory_space<vmem>>, vector<16xf32>,
      %mul3A_630 = arith.constant 64 : i32
      %mul3A_631 = arith.muli %scan3A_612, %mul3A_630 : i32
      %add3A_632 = vector.broadcast %mul3A_631 : i32 to vector<16xi32>
      %add3A_633 = arith.addi %iota3A_413, %add3A_632 : vector<16xi32>
      %add3A_634 = arith.constant 16 : i32
      %add3A_635 = vector.broadcast %add3A_634 : i32 to vector<16xi32>
      %add3A_636 = arith.addi %add3A_633, %add3A_635 : vector<16xi32>
      %gather3A_637 = tpu.vector_load_idx %arg9[%broadcast_in_dim3A_439, %gather3A_442, %add3A_636] : memref<4x8x1024xf32, #tpu.memory_space<vmem>>[vector<16xi32>, vector<16xi32>, vector<16xi32>], vector<16xf32>,
      %mul3A_638 = arith.constant 64 : i32
      %mul3A_639 = arith.muli %scan3A_612, %mul3A_638 : i32
      %add3A_640 = arith.constant 16 : i32
      %add3A_641 = arith.addi %mul3A_639, %add3A_640 : i32
      %swap3A_642 = arith.constant 2 : i32
      %swap3A_643 = arith.index_cast %swap3A_642 : i32 to index
      %swap3A_644 = arith.index_cast %add3A_641 : i32 to index
      %swap3A_645 = tpu.vector_load %arg11[%swap3A_643, %swap3A_644] {strides = array<i32>} : memref<4x1024xf32, #tpu.memory_space<vmem>>, vector<16xf32>,
      tpu.vector_store %arg11[%swap3A_643, %swap3A_644], %gather3A_637 {strides = array<i32>} : memref<4x1024xf32, #tpu.memory_space<vmem>>, vector<16xf32>,
      %mul3A_646 = arith.constant 64 : i32
      %mul3A_647 = arith.muli %scan3A_612, %mul3A_646 : i32
      %add3A_648 = vector.broadcast %mul3A_647 : i32 to vector<16xi32>
      %add3A_649 = arith.addi %iota3A_413, %add3A_648 : vector<16xi32>
      %add3A_650 = arith.constant 32 : i32
      %add3A_651 = vector.broadcast %add3A_650 : i32 to vector<16xi32>
      %add3A_652 = arith.addi %add3A_649, %add3A_651 : vector<16xi32>
      %gather3A_653 = tpu.vector_load_idx %arg9[%broadcast_in_dim3A_439, %gather3A_442, %add3A_652] : memref<4x8x1024xf32, #tpu.memory_space<vmem>>[vector<16xi32>, vector<16xi32>, vector<16xi32>], vector<16xf32>,
      %mul3A_654 = arith.constant 64 : i32
      %mul3A_655 = arith.muli %scan3A_612, %mul3A_654 : i32
      %add3A_656 = arith.constant 32 : i32
      %add3A_657 = arith.addi %mul3A_655, %add3A_656 : i32
      %swap3A_658 = arith.constant 2 : i32
      %swap3A_659 = arith.index_cast %swap3A_658 : i32 to index
      %swap3A_660 = arith.index_cast %add3A_657 : i32 to index
      %swap3A_661 = tpu.vector_load %arg11[%swap3A_659, %swap3A_660] {strides = array<i32>} : memref<4x1024xf32, #tpu.memory_space<vmem>>, vector<16xf32>,
      tpu.vector_store %arg11[%swap3A_659, %swap3A_660], %gather3A_653 {strides = array<i32>} : memref<4x1024xf32, #tpu.memory_space<vmem>>, vector<16xf32>,
      %mul3A_662 = arith.constant 64 : i32
      %mul3A_663 = arith.muli %scan3A_612, %mul3A_662 : i32
      %add3A_664 = vector.broadcast %mul3A_663 : i32 to vector<16xi32>
      %add3A_665 = arith.addi %iota3A_413, %add3A_664 : vector<16xi32>
      %add3A_666 = arith.constant 48 : i32
      %add3A_667 = vector.broadcast %add3A_666 : i32 to vector<16xi32>
      %add3A_668 = arith.addi %add3A_665, %add3A_667 : vector<16xi32>
      %gather3A_669 = tpu.vector_load_idx %arg9[%broadcast_in_dim3A_439, %gather3A_442, %add3A_668] : memref<4x8x1024xf32, #tpu.memory_space<vmem>>[vector<16xi32>, vector<16xi32>, vector<16xi32>], vector<16xf32>,
      %mul3A_670 = arith.constant 64 : i32
      %mul3A_671 = arith.muli %scan3A_612, %mul3A_670 : i32
      %add3A_672 = arith.constant 48 : i32
      %add3A_673 = arith.addi %mul3A_671, %add3A_672 : i32
      %swap3A_674 = arith.constant 2 : i32
      %swap3A_675 = arith.index_cast %swap3A_674 : i32 to index
      %swap3A_676 = arith.index_cast %add3A_673 : i32 to index
      %swap3A_677 = tpu.vector_load %arg11[%swap3A_675, %swap3A_676] {strides = array<i32>} : memref<4x1024xf32, #tpu.memory_space<vmem>>, vector<16xf32>,
      tpu.vector_store %arg11[%swap3A_675, %swap3A_676], %gather3A_669 {strides = array<i32>} : memref<4x1024xf32, #tpu.memory_space<vmem>>, vector<16xf32>,
      %scan3A_678 = arith.constant 0 : i32
      scf.yield %scan3A_678 : i32
    }
    %scan3A_449 = arith.constant 16 : i32
    %broadcast_in_dim3A_450 = arith.constant 3 : i32
    %broadcast_in_dim3A_451 = vector.broadcast %broadcast_in_dim3A_450 : i32 to vector<16xi32>
    %broadcast_in_dim3A_452 = arith.constant 23 : i32
    %broadcast_in_dim3A_453 = vector.broadcast %broadcast_in_dim3A_452 : i32 to vector<16xi32>
    %gather3A_454 = tpu.vector_load_idx %arg6[%broadcast_in_dim3A_453] : memref<32xi32, #tpu.memory_space<vmem>>[vector<16xi32>], vector<16xi32>,
    %scan3A_455 = arith.constant 0 : i32
    %scan3A_456 = arith.constant 0 : i32
    %scan3A_457 = arith.constant 16 : i32
    %scan3A_458 = arith.addi %scan3A_456, %scan3A_457 : i32
    %scan3A_459 = arith.constant 1 : i32
    %scan3A_460 = scf.for %scan3A_612 = %scan3A_456 to %scan3A_458 step %scan3A_459 iter_args(%scan3A_613 = %scan3A_455) -> (i32)  : i32 {
      %mul3A_614 = arith.constant 64 : i32
      %mul3A_615 = arith.muli %scan3A_612, %mul3A_614 : i32
      %add3A_616 = vector.broadcast %mul3A_615 : i32 to vector<16xi32>
      %add3A_617 = arith.addi %iota3A_413, %add3A_616 : vector<16xi32>
      %add3A_618 = arith.constant 0 : i32
      %add3A_619 = vector.broadcast %add3A_618 : i32 to vector<16xi32>
      %add3A_620 = arith.addi %add3A_617, %add3A_619 : vector<16xi32>
      %gather3A_621 = tpu.vector_load_idx %arg9[%broadcast_in_dim3A_451, %gather3A_454, %add3A_620] : memref<4x8x1024xf32, #tpu.memory_space<vmem>>[vector<16xi32>, vector<16xi32>, vector<16xi32>], vector<16xf32>,
      %mul3A_622 = arith.constant 64 : i32
      %mul3A_623 = arith.muli %scan3A_612, %mul3A_622 : i32
      %add3A_624 = arith.constant 0 : i32
      %add3A_625 = arith.addi %mul3A_623, %add3A_624 : i32
      %swap3A_626 = arith.constant 3 : i32
      %swap3A_627 = arith.index_cast %swap3A_626 : i32 to index
      %swap3A_628 = arith.index_cast %add3A_625 : i32 to index
      %swap3A_629 = tpu.vector_load %arg11[%swap3A_627, %swap3A_628] {strides = array<i32>} : memref<4x1024xf32, #tpu.memory_space<vmem>>, vector<16xf32>,
      tpu.vector_store %arg11[%swap3A_627, %swap3A_628], %gather3A_621 {strides = array<i32>} : memref<4x1024xf32, #tpu.memory_space<vmem>>, vector<16xf32>,
      %mul3A_630 = arith.constant 64 : i32
      %mul3A_631 = arith.muli %scan3A_612, %mul3A_630 : i32
      %add3A_632 = vector.broadcast %mul3A_631 : i32 to vector<16xi32>
      %add3A_633 = arith.addi %iota3A_413, %add3A_632 : vector<16xi32>
      %add3A_634 = arith.constant 16 : i32
      %add3A_635 = vector.broadcast %add3A_634 : i32 to vector<16xi32>
      %add3A_636 = arith.addi %add3A_633, %add3A_635 : vector<16xi32>
      %gather3A_637 = tpu.vector_load_idx %arg9[%broadcast_in_dim3A_451, %gather3A_454, %add3A_636] : memref<4x8x1024xf32, #tpu.memory_space<vmem>>[vector<16xi32>, vector<16xi32>, vector<16xi32>], vector<16xf32>,
      %mul3A_638 = arith.constant 64 : i32
      %mul3A_639 = arith.muli %scan3A_612, %mul3A_638 : i32
      %add3A_640 = arith.constant 16 : i32
      %add3A_641 = arith.addi %mul3A_639, %add3A_640 : i32
      %swap3A_642 = arith.constant 3 : i32
      %swap3A_643 = arith.index_cast %swap3A_642 : i32 to index
      %swap3A_644 = arith.index_cast %add3A_641 : i32 to index
      %swap3A_645 = tpu.vector_load %arg11[%swap3A_643, %swap3A_644] {strides = array<i32>} : memref<4x1024xf32, #tpu.memory_space<vmem>>, vector<16xf32>,
      tpu.vector_store %arg11[%swap3A_643, %swap3A_644], %gather3A_637 {strides = array<i32>} : memref<4x1024xf32, #tpu.memory_space<vmem>>, vector<16xf32>,
      %mul3A_646 = arith.constant 64 : i32
      %mul3A_647 = arith.muli %scan3A_612, %mul3A_646 : i32
      %add3A_648 = vector.broadcast %mul3A_647 : i32 to vector<16xi32>
      %add3A_649 = arith.addi %iota3A_413, %add3A_648 : vector<16xi32>
      %add3A_650 = arith.constant 32 : i32
      %add3A_651 = vector.broadcast %add3A_650 : i32 to vector<16xi32>
      %add3A_652 = arith.addi %add3A_649, %add3A_651 : vector<16xi32>
      %gather3A_653 = tpu.vector_load_idx %arg9[%broadcast_in_dim3A_451, %gather3A_454, %add3A_652] : memref<4x8x1024xf32, #tpu.memory_space<vmem>>[vector<16xi32>, vector<16xi32>, vector<16xi32>], vector<16xf32>,
      %mul3A_654 = arith.constant 64 : i32
      %mul3A_655 = arith.muli %scan3A_612, %mul3A_654 : i32
      %add3A_656 = arith.constant 32 : i32
      %add3A_657 = arith.addi %mul3A_655, %add3A_656 : i32
      %swap3A_658 = arith.constant 3 : i32
      %swap3A_659 = arith.index_cast %swap3A_658 : i32 to index
      %swap3A_660 = arith.index_cast %add3A_657 : i32 to index
      %swap3A_661 = tpu.vector_load %arg11[%swap3A_659, %swap3A_660] {strides = array<i32>} : memref<4x1024xf32, #tpu.memory_space<vmem>>, vector<16xf32>,
      tpu.vector_store %arg11[%swap3A_659, %swap3A_660], %gather3A_653 {strides = array<i32>} : memref<4x1024xf32, #tpu.memory_space<vmem>>, vector<16xf32>,
      %mul3A_662 = arith.constant 64 : i32
      %mul3A_663 = arith.muli %scan3A_612, %mul3A_662 : i32
      %add3A_664 = vector.broadcast %mul3A_663 : i32 to vector<16xi32>
      %add3A_665 = arith.addi %iota3A_413, %add3A_664 : vector<16xi32>
      %add3A_666 = arith.constant 48 : i32
      %add3A_667 = vector.broadcast %add3A_666 : i32 to vector<16xi32>
      %add3A_668 = arith.addi %add3A_665, %add3A_667 : vector<16xi32>
      %gather3A_669 = tpu.vector_load_idx %arg9[%broadcast_in_dim3A_451, %gather3A_454, %add3A_668] : memref<4x8x1024xf32, #tpu.memory_space<vmem>>[vector<16xi32>, vector<16xi32>, vector<16xi32>], vector<16xf32>,
      %mul3A_670 = arith.constant 64 : i32
      %mul3A_671 = arith.muli %scan3A_612, %mul3A_670 : i32
      %add3A_672 = arith.constant 48 : i32
      %add3A_673 = arith.addi %mul3A_671, %add3A_672 : i32
      %swap3A_674 = arith.constant 3 : i32
      %swap3A_675 = arith.index_cast %swap3A_674 : i32 to index
      %swap3A_676 = arith.index_cast %add3A_673 : i32 to index
      %swap3A_677 = tpu.vector_load %arg11[%swap3A_675, %swap3A_676] {strides = array<i32>} : memref<4x1024xf32, #tpu.memory_space<vmem>>, vector<16xf32>,
      tpu.vector_store %arg11[%swap3A_675, %swap3A_676], %gather3A_669 {strides = array<i32>} : memref<4x1024xf32, #tpu.memory_space<vmem>>, vector<16xf32>,
      %scan3A_678 = arith.constant 0 : i32
      scf.yield %scan3A_678 : i32
    }
    %scan3A_461 = arith.constant 16 : i32
    %dma_start3A_462 = arith.constant 56 : i32
    %dma_start3A_463 = tpu.memref_slice %arg7[%dma_start3A_462] : memref<64xi32, #tpu.memory_space<vmem>> -> memref<4xi32, #tpu.memory_space<vmem>>
    %dma_start3A_464 = arith.constant 0 : i32
    %dma_start3A_465 = arith.constant 0 : i32
    %dma_start3A_466 = arith.constant 0 : i32
    %dma_start3A_467 = tpu.memref_slice %arg2[%dma_start3A_464, %dma_start3A_465, %dma_start3A_466] : memref<12500x8x1024xf32, #tpu.memory_space<hbm>> -> memref<12500x8x1024xf32, #tpu.memory_space<hbm>>
    tpu.enqueue_indirect_dma source(%dma_start3A_467 : memref<12500x8x1024xf32, #tpu.memory_space<hbm>>) target(%arg9 : memref<4x8x1024xf32, #tpu.memory_space<vmem>>) offsets(%dma_start3A_463 : memref<4xi32, #tpu.memory_space<vmem>>) semaphore(%arg12 : memref<!tpu.dma_semaphore, #tpu.memory_space<semaphore_mem>>)
    %add3A_468 = arith.constant 20 : i32
    %add3A_469 = arith.addi %mul3A_2, %add3A_468 : i32
    %dma_start3A_470 = arith.constant 0 : i32
    %dma_start3A_471 = tpu.memref_slice %arg4[%add3A_469, %dma_start3A_470] : memref<1024x1024xf32, #tpu.memory_space<hbm>> -> memref<4x1024xf32, #tpu.memory_space<hbm>>
    %dma_start3A_472 = arith.constant 0 : i32
    %dma_start3A_473 = tpu.memref_slice %arg4[%add3A_469, %dma_start3A_472] : memref<1024x1024xf32, #tpu.memory_space<hbm>> -> memref<4x1024xf32, #tpu.memory_space<hbm>>
    tpu.enqueue_dma source(%arg11 : memref<4x1024xf32, #tpu.memory_space<vmem>>) target(%dma_start3A_473 : memref<4x1024xf32, #tpu.memory_space<hbm>>) target_semaphore(%arg13 : memref<!tpu.dma_semaphore, #tpu.memory_space<semaphore_mem>>)
    %dma_wait3A_474 = arith.constant 48 : i32
    %dma_wait3A_475 = tpu.memref_slice %arg7[%dma_wait3A_474] : memref<64xi32, #tpu.memory_space<vmem>> -> memref<4xi32, #tpu.memory_space<vmem>>
    %dma_wait3A_476 = arith.constant 0 : i32
    %dma_wait3A_477 = arith.constant 0 : i32
    %dma_wait3A_478 = arith.constant 0 : i32
    %dma_wait3A_479 = tpu.memref_slice %arg2[%dma_wait3A_476, %dma_wait3A_477, %dma_wait3A_478] : memref<12500x8x1024xf32, #tpu.memory_space<hbm>> -> memref<12500x8x1024xf32, #tpu.memory_space<hbm>>
    tpu.wait_indirect_dma semaphore(%arg12 : memref<!tpu.dma_semaphore, #tpu.memory_space<semaphore_mem>>) src(%dma_wait3A_479 : memref<12500x8x1024xf32, #tpu.memory_space<hbm>>) dst(%arg8 : memref<4x8x1024xf32, #tpu.memory_space<vmem>>)
    %dma_wait3A_480 = arith.constant 0 : i32
    %dma_wait3A_481 = tpu.memref_slice %arg4[%add3A_398, %dma_wait3A_480] : memref<1024x1024xf32, #tpu.memory_space<hbm>> -> memref<4x1024xf32, #tpu.memory_space<hbm>>
    %dma_wait3A_482 = arith.constant 0 : i32
    %dma_wait3A_483 = tpu.memref_slice %arg4[%add3A_398, %dma_wait3A_482] : memref<1024x1024xf32, #tpu.memory_space<hbm>> -> memref<4x1024xf32, #tpu.memory_space<hbm>>
    tpu.wait_dma2 semaphore(%arg13 : memref<!tpu.dma_semaphore, #tpu.memory_space<semaphore_mem>>) src(%arg10 : memref<4x1024xf32, #tpu.memory_space<vmem>>) dst(%dma_wait3A_483 : memref<4x1024xf32, #tpu.memory_space<hbm>>)
    %iota3A_484 = tpu.iota {dimensions = array<i32: 0>} : vector<16xi32>
    %broadcast_in_dim3A_485 = arith.constant 0 : i32
    %broadcast_in_dim3A_486 = vector.broadcast %broadcast_in_dim3A_485 : i32 to vector<16xi32>
    %broadcast_in_dim3A_487 = arith.constant 24 : i32
    %broadcast_in_dim3A_488 = vector.broadcast %broadcast_in_dim3A_487 : i32 to vector<16xi32>
    %gather3A_489 = tpu.vector_load_idx %arg6[%broadcast_in_dim3A_488] : memref<32xi32, #tpu.memory_space<vmem>>[vector<16xi32>], vector<16xi32>,
    %scan3A_490 = arith.constant 0 : i32
    %scan3A_491 = arith.constant 0 : i32
    %scan3A_492 = arith.constant 16 : i32
    %scan3A_493 = arith.addi %scan3A_491, %scan3A_492 : i32
    %scan3A_494 = arith.constant 1 : i32
    %scan3A_495 = scf.for %scan3A_612 = %scan3A_491 to %scan3A_493 step %scan3A_494 iter_args(%scan3A_613 = %scan3A_490) -> (i32)  : i32 {
      %mul3A_614 = arith.constant 64 : i32
      %mul3A_615 = arith.muli %scan3A_612, %mul3A_614 : i32
      %add3A_616 = vector.broadcast %mul3A_615 : i32 to vector<16xi32>
      %add3A_617 = arith.addi %iota3A_484, %add3A_616 : vector<16xi32>
      %add3A_618 = arith.constant 0 : i32
      %add3A_619 = vector.broadcast %add3A_618 : i32 to vector<16xi32>
      %add3A_620 = arith.addi %add3A_617, %add3A_619 : vector<16xi32>
      %gather3A_621 = tpu.vector_load_idx %arg8[%broadcast_in_dim3A_486, %gather3A_489, %add3A_620] : memref<4x8x1024xf32, #tpu.memory_space<vmem>>[vector<16xi32>, vector<16xi32>, vector<16xi32>], vector<16xf32>,
      %mul3A_622 = arith.constant 64 : i32
      %mul3A_623 = arith.muli %scan3A_612, %mul3A_622 : i32
      %add3A_624 = arith.constant 0 : i32
      %add3A_625 = arith.addi %mul3A_623, %add3A_624 : i32
      %swap3A_626 = arith.constant 0 : i32
      %swap3A_627 = arith.index_cast %swap3A_626 : i32 to index
      %swap3A_628 = arith.index_cast %add3A_625 : i32 to index
      %swap3A_629 = tpu.vector_load %arg10[%swap3A_627, %swap3A_628] {strides = array<i32>} : memref<4x1024xf32, #tpu.memory_space<vmem>>, vector<16xf32>,
      tpu.vector_store %arg10[%swap3A_627, %swap3A_628], %gather3A_621 {strides = array<i32>} : memref<4x1024xf32, #tpu.memory_space<vmem>>, vector<16xf32>,
      %mul3A_630 = arith.constant 64 : i32
      %mul3A_631 = arith.muli %scan3A_612, %mul3A_630 : i32
      %add3A_632 = vector.broadcast %mul3A_631 : i32 to vector<16xi32>
      %add3A_633 = arith.addi %iota3A_484, %add3A_632 : vector<16xi32>
      %add3A_634 = arith.constant 16 : i32
      %add3A_635 = vector.broadcast %add3A_634 : i32 to vector<16xi32>
      %add3A_636 = arith.addi %add3A_633, %add3A_635 : vector<16xi32>
      %gather3A_637 = tpu.vector_load_idx %arg8[%broadcast_in_dim3A_486, %gather3A_489, %add3A_636] : memref<4x8x1024xf32, #tpu.memory_space<vmem>>[vector<16xi32>, vector<16xi32>, vector<16xi32>], vector<16xf32>,
      %mul3A_638 = arith.constant 64 : i32
      %mul3A_639 = arith.muli %scan3A_612, %mul3A_638 : i32
      %add3A_640 = arith.constant 16 : i32
      %add3A_641 = arith.addi %mul3A_639, %add3A_640 : i32
      %swap3A_642 = arith.constant 0 : i32
      %swap3A_643 = arith.index_cast %swap3A_642 : i32 to index
      %swap3A_644 = arith.index_cast %add3A_641 : i32 to index
      %swap3A_645 = tpu.vector_load %arg10[%swap3A_643, %swap3A_644] {strides = array<i32>} : memref<4x1024xf32, #tpu.memory_space<vmem>>, vector<16xf32>,
      tpu.vector_store %arg10[%swap3A_643, %swap3A_644], %gather3A_637 {strides = array<i32>} : memref<4x1024xf32, #tpu.memory_space<vmem>>, vector<16xf32>,
      %mul3A_646 = arith.constant 64 : i32
      %mul3A_647 = arith.muli %scan3A_612, %mul3A_646 : i32
      %add3A_648 = vector.broadcast %mul3A_647 : i32 to vector<16xi32>
      %add3A_649 = arith.addi %iota3A_484, %add3A_648 : vector<16xi32>
      %add3A_650 = arith.constant 32 : i32
      %add3A_651 = vector.broadcast %add3A_650 : i32 to vector<16xi32>
      %add3A_652 = arith.addi %add3A_649, %add3A_651 : vector<16xi32>
      %gather3A_653 = tpu.vector_load_idx %arg8[%broadcast_in_dim3A_486, %gather3A_489, %add3A_652] : memref<4x8x1024xf32, #tpu.memory_space<vmem>>[vector<16xi32>, vector<16xi32>, vector<16xi32>], vector<16xf32>,
      %mul3A_654 = arith.constant 64 : i32
      %mul3A_655 = arith.muli %scan3A_612, %mul3A_654 : i32
      %add3A_656 = arith.constant 32 : i32
      %add3A_657 = arith.addi %mul3A_655, %add3A_656 : i32
      %swap3A_658 = arith.constant 0 : i32
      %swap3A_659 = arith.index_cast %swap3A_658 : i32 to index
      %swap3A_660 = arith.index_cast %add3A_657 : i32 to index
      %swap3A_661 = tpu.vector_load %arg10[%swap3A_659, %swap3A_660] {strides = array<i32>} : memref<4x1024xf32, #tpu.memory_space<vmem>>, vector<16xf32>,
      tpu.vector_store %arg10[%swap3A_659, %swap3A_660], %gather3A_653 {strides = array<i32>} : memref<4x1024xf32, #tpu.memory_space<vmem>>, vector<16xf32>,
      %mul3A_662 = arith.constant 64 : i32
      %mul3A_663 = arith.muli %scan3A_612, %mul3A_662 : i32
      %add3A_664 = vector.broadcast %mul3A_663 : i32 to vector<16xi32>
      %add3A_665 = arith.addi %iota3A_484, %add3A_664 : vector<16xi32>
      %add3A_666 = arith.constant 48 : i32
      %add3A_667 = vector.broadcast %add3A_666 : i32 to vector<16xi32>
      %add3A_668 = arith.addi %add3A_665, %add3A_667 : vector<16xi32>
      %gather3A_669 = tpu.vector_load_idx %arg8[%broadcast_in_dim3A_486, %gather3A_489, %add3A_668] : memref<4x8x1024xf32, #tpu.memory_space<vmem>>[vector<16xi32>, vector<16xi32>, vector<16xi32>], vector<16xf32>,
      %mul3A_670 = arith.constant 64 : i32
      %mul3A_671 = arith.muli %scan3A_612, %mul3A_670 : i32
      %add3A_672 = arith.constant 48 : i32
      %add3A_673 = arith.addi %mul3A_671, %add3A_672 : i32
      %swap3A_674 = arith.constant 0 : i32
      %swap3A_675 = arith.index_cast %swap3A_674 : i32 to index
      %swap3A_676 = arith.index_cast %add3A_673 : i32 to index
      %swap3A_677 = tpu.vector_load %arg10[%swap3A_675, %swap3A_676] {strides = array<i32>} : memref<4x1024xf32, #tpu.memory_space<vmem>>, vector<16xf32>,
      tpu.vector_store %arg10[%swap3A_675, %swap3A_676], %gather3A_669 {strides = array<i32>} : memref<4x1024xf32, #tpu.memory_space<vmem>>, vector<16xf32>,
      %scan3A_678 = arith.constant 0 : i32
      scf.yield %scan3A_678 : i32
    }
    %scan3A_496 = arith.constant 16 : i32
    %broadcast_in_dim3A_497 = arith.constant 1 : i32
    %broadcast_in_dim3A_498 = vector.broadcast %broadcast_in_dim3A_497 : i32 to vector<16xi32>
    %broadcast_in_dim3A_499 = arith.constant 25 : i32
    %broadcast_in_dim3A_500 = vector.broadcast %broadcast_in_dim3A_499 : i32 to vector<16xi32>
    %gather3A_501 = tpu.vector_load_idx %arg6[%broadcast_in_dim3A_500] : memref<32xi32, #tpu.memory_space<vmem>>[vector<16xi32>], vector<16xi32>,
    %scan3A_502 = arith.constant 0 : i32
    %scan3A_503 = arith.constant 0 : i32
    %scan3A_504 = arith.constant 16 : i32
    %scan3A_505 = arith.addi %scan3A_503, %scan3A_504 : i32
    %scan3A_506 = arith.constant 1 : i32
    %scan3A_507 = scf.for %scan3A_612 = %scan3A_503 to %scan3A_505 step %scan3A_506 iter_args(%scan3A_613 = %scan3A_502) -> (i32)  : i32 {
      %mul3A_614 = arith.constant 64 : i32
      %mul3A_615 = arith.muli %scan3A_612, %mul3A_614 : i32
      %add3A_616 = vector.broadcast %mul3A_615 : i32 to vector<16xi32>
      %add3A_617 = arith.addi %iota3A_484, %add3A_616 : vector<16xi32>
      %add3A_618 = arith.constant 0 : i32
      %add3A_619 = vector.broadcast %add3A_618 : i32 to vector<16xi32>
      %add3A_620 = arith.addi %add3A_617, %add3A_619 : vector<16xi32>
      %gather3A_621 = tpu.vector_load_idx %arg8[%broadcast_in_dim3A_498, %gather3A_501, %add3A_620] : memref<4x8x1024xf32, #tpu.memory_space<vmem>>[vector<16xi32>, vector<16xi32>, vector<16xi32>], vector<16xf32>,
      %mul3A_622 = arith.constant 64 : i32
      %mul3A_623 = arith.muli %scan3A_612, %mul3A_622 : i32
      %add3A_624 = arith.constant 0 : i32
      %add3A_625 = arith.addi %mul3A_623, %add3A_624 : i32
      %swap3A_626 = arith.constant 1 : i32
      %swap3A_627 = arith.index_cast %swap3A_626 : i32 to index
      %swap3A_628 = arith.index_cast %add3A_625 : i32 to index
      %swap3A_629 = tpu.vector_load %arg10[%swap3A_627, %swap3A_628] {strides = array<i32>} : memref<4x1024xf32, #tpu.memory_space<vmem>>, vector<16xf32>,
      tpu.vector_store %arg10[%swap3A_627, %swap3A_628], %gather3A_621 {strides = array<i32>} : memref<4x1024xf32, #tpu.memory_space<vmem>>, vector<16xf32>,
      %mul3A_630 = arith.constant 64 : i32
      %mul3A_631 = arith.muli %scan3A_612, %mul3A_630 : i32
      %add3A_632 = vector.broadcast %mul3A_631 : i32 to vector<16xi32>
      %add3A_633 = arith.addi %iota3A_484, %add3A_632 : vector<16xi32>
      %add3A_634 = arith.constant 16 : i32
      %add3A_635 = vector.broadcast %add3A_634 : i32 to vector<16xi32>
      %add3A_636 = arith.addi %add3A_633, %add3A_635 : vector<16xi32>
      %gather3A_637 = tpu.vector_load_idx %arg8[%broadcast_in_dim3A_498, %gather3A_501, %add3A_636] : memref<4x8x1024xf32, #tpu.memory_space<vmem>>[vector<16xi32>, vector<16xi32>, vector<16xi32>], vector<16xf32>,
      %mul3A_638 = arith.constant 64 : i32
      %mul3A_639 = arith.muli %scan3A_612, %mul3A_638 : i32
      %add3A_640 = arith.constant 16 : i32
      %add3A_641 = arith.addi %mul3A_639, %add3A_640 : i32
      %swap3A_642 = arith.constant 1 : i32
      %swap3A_643 = arith.index_cast %swap3A_642 : i32 to index
      %swap3A_644 = arith.index_cast %add3A_641 : i32 to index
      %swap3A_645 = tpu.vector_load %arg10[%swap3A_643, %swap3A_644] {strides = array<i32>} : memref<4x1024xf32, #tpu.memory_space<vmem>>, vector<16xf32>,
      tpu.vector_store %arg10[%swap3A_643, %swap3A_644], %gather3A_637 {strides = array<i32>} : memref<4x1024xf32, #tpu.memory_space<vmem>>, vector<16xf32>,
      %mul3A_646 = arith.constant 64 : i32
      %mul3A_647 = arith.muli %scan3A_612, %mul3A_646 : i32
      %add3A_648 = vector.broadcast %mul3A_647 : i32 to vector<16xi32>
      %add3A_649 = arith.addi %iota3A_484, %add3A_648 : vector<16xi32>
      %add3A_650 = arith.constant 32 : i32
      %add3A_651 = vector.broadcast %add3A_650 : i32 to vector<16xi32>
      %add3A_652 = arith.addi %add3A_649, %add3A_651 : vector<16xi32>
      %gather3A_653 = tpu.vector_load_idx %arg8[%broadcast_in_dim3A_498, %gather3A_501, %add3A_652] : memref<4x8x1024xf32, #tpu.memory_space<vmem>>[vector<16xi32>, vector<16xi32>, vector<16xi32>], vector<16xf32>,
      %mul3A_654 = arith.constant 64 : i32
      %mul3A_655 = arith.muli %scan3A_612, %mul3A_654 : i32
      %add3A_656 = arith.constant 32 : i32
      %add3A_657 = arith.addi %mul3A_655, %add3A_656 : i32
      %swap3A_658 = arith.constant 1 : i32
      %swap3A_659 = arith.index_cast %swap3A_658 : i32 to index
      %swap3A_660 = arith.index_cast %add3A_657 : i32 to index
      %swap3A_661 = tpu.vector_load %arg10[%swap3A_659, %swap3A_660] {strides = array<i32>} : memref<4x1024xf32, #tpu.memory_space<vmem>>, vector<16xf32>,
      tpu.vector_store %arg10[%swap3A_659, %swap3A_660], %gather3A_653 {strides = array<i32>} : memref<4x1024xf32, #tpu.memory_space<vmem>>, vector<16xf32>,
      %mul3A_662 = arith.constant 64 : i32
      %mul3A_663 = arith.muli %scan3A_612, %mul3A_662 : i32
      %add3A_664 = vector.broadcast %mul3A_663 : i32 to vector<16xi32>
      %add3A_665 = arith.addi %iota3A_484, %add3A_664 : vector<16xi32>
      %add3A_666 = arith.constant 48 : i32
      %add3A_667 = vector.broadcast %add3A_666 : i32 to vector<16xi32>
      %add3A_668 = arith.addi %add3A_665, %add3A_667 : vector<16xi32>
      %gather3A_669 = tpu.vector_load_idx %arg8[%broadcast_in_dim3A_498, %gather3A_501, %add3A_668] : memref<4x8x1024xf32, #tpu.memory_space<vmem>>[vector<16xi32>, vector<16xi32>, vector<16xi32>], vector<16xf32>,
      %mul3A_670 = arith.constant 64 : i32
      %mul3A_671 = arith.muli %scan3A_612, %mul3A_670 : i32
      %add3A_672 = arith.constant 48 : i32
      %add3A_673 = arith.addi %mul3A_671, %add3A_672 : i32
      %swap3A_674 = arith.constant 1 : i32
      %swap3A_675 = arith.index_cast %swap3A_674 : i32 to index
      %swap3A_676 = arith.index_cast %add3A_673 : i32 to index
      %swap3A_677 = tpu.vector_load %arg10[%swap3A_675, %swap3A_676] {strides = array<i32>} : memref<4x1024xf32, #tpu.memory_space<vmem>>, vector<16xf32>,
      tpu.vector_store %arg10[%swap3A_675, %swap3A_676], %gather3A_669 {strides = array<i32>} : memref<4x1024xf32, #tpu.memory_space<vmem>>, vector<16xf32>,
      %scan3A_678 = arith.constant 0 : i32
      scf.yield %scan3A_678 : i32
    }
    %scan3A_508 = arith.constant 16 : i32
    %broadcast_in_dim3A_509 = arith.constant 2 : i32
    %broadcast_in_dim3A_510 = vector.broadcast %broadcast_in_dim3A_509 : i32 to vector<16xi32>
    %broadcast_in_dim3A_511 = arith.constant 26 : i32
    %broadcast_in_dim3A_512 = vector.broadcast %broadcast_in_dim3A_511 : i32 to vector<16xi32>
    %gather3A_513 = tpu.vector_load_idx %arg6[%broadcast_in_dim3A_512] : memref<32xi32, #tpu.memory_space<vmem>>[vector<16xi32>], vector<16xi32>,
    %scan3A_514 = arith.constant 0 : i32
    %scan3A_515 = arith.constant 0 : i32
    %scan3A_516 = arith.constant 16 : i32
    %scan3A_517 = arith.addi %scan3A_515, %scan3A_516 : i32
    %scan3A_518 = arith.constant 1 : i32
    %scan3A_519 = scf.for %scan3A_612 = %scan3A_515 to %scan3A_517 step %scan3A_518 iter_args(%scan3A_613 = %scan3A_514) -> (i32)  : i32 {
      %mul3A_614 = arith.constant 64 : i32
      %mul3A_615 = arith.muli %scan3A_612, %mul3A_614 : i32
      %add3A_616 = vector.broadcast %mul3A_615 : i32 to vector<16xi32>
      %add3A_617 = arith.addi %iota3A_484, %add3A_616 : vector<16xi32>
      %add3A_618 = arith.constant 0 : i32
      %add3A_619 = vector.broadcast %add3A_618 : i32 to vector<16xi32>
      %add3A_620 = arith.addi %add3A_617, %add3A_619 : vector<16xi32>
      %gather3A_621 = tpu.vector_load_idx %arg8[%broadcast_in_dim3A_510, %gather3A_513, %add3A_620] : memref<4x8x1024xf32, #tpu.memory_space<vmem>>[vector<16xi32>, vector<16xi32>, vector<16xi32>], vector<16xf32>,
      %mul3A_622 = arith.constant 64 : i32
      %mul3A_623 = arith.muli %scan3A_612, %mul3A_622 : i32
      %add3A_624 = arith.constant 0 : i32
      %add3A_625 = arith.addi %mul3A_623, %add3A_624 : i32
      %swap3A_626 = arith.constant 2 : i32
      %swap3A_627 = arith.index_cast %swap3A_626 : i32 to index
      %swap3A_628 = arith.index_cast %add3A_625 : i32 to index
      %swap3A_629 = tpu.vector_load %arg10[%swap3A_627, %swap3A_628] {strides = array<i32>} : memref<4x1024xf32, #tpu.memory_space<vmem>>, vector<16xf32>,
      tpu.vector_store %arg10[%swap3A_627, %swap3A_628], %gather3A_621 {strides = array<i32>} : memref<4x1024xf32, #tpu.memory_space<vmem>>, vector<16xf32>,
      %mul3A_630 = arith.constant 64 : i32
      %mul3A_631 = arith.muli %scan3A_612, %mul3A_630 : i32
      %add3A_632 = vector.broadcast %mul3A_631 : i32 to vector<16xi32>
      %add3A_633 = arith.addi %iota3A_484, %add3A_632 : vector<16xi32>
      %add3A_634 = arith.constant 16 : i32
      %add3A_635 = vector.broadcast %add3A_634 : i32 to vector<16xi32>
      %add3A_636 = arith.addi %add3A_633, %add3A_635 : vector<16xi32>
      %gather3A_637 = tpu.vector_load_idx %arg8[%broadcast_in_dim3A_510, %gather3A_513, %add3A_636] : memref<4x8x1024xf32, #tpu.memory_space<vmem>>[vector<16xi32>, vector<16xi32>, vector<16xi32>], vector<16xf32>,
      %mul3A_638 = arith.constant 64 : i32
      %mul3A_639 = arith.muli %scan3A_612, %mul3A_638 : i32
      %add3A_640 = arith.constant 16 : i32
      %add3A_641 = arith.addi %mul3A_639, %add3A_640 : i32
      %swap3A_642 = arith.constant 2 : i32
      %swap3A_643 = arith.index_cast %swap3A_642 : i32 to index
      %swap3A_644 = arith.index_cast %add3A_641 : i32 to index
      %swap3A_645 = tpu.vector_load %arg10[%swap3A_643, %swap3A_644] {strides = array<i32>} : memref<4x1024xf32, #tpu.memory_space<vmem>>, vector<16xf32>,
      tpu.vector_store %arg10[%swap3A_643, %swap3A_644], %gather3A_637 {strides = array<i32>} : memref<4x1024xf32, #tpu.memory_space<vmem>>, vector<16xf32>,
      %mul3A_646 = arith.constant 64 : i32
      %mul3A_647 = arith.muli %scan3A_612, %mul3A_646 : i32
      %add3A_648 = vector.broadcast %mul3A_647 : i32 to vector<16xi32>
      %add3A_649 = arith.addi %iota3A_484, %add3A_648 : vector<16xi32>
      %add3A_650 = arith.constant 32 : i32
      %add3A_651 = vector.broadcast %add3A_650 : i32 to vector<16xi32>
      %add3A_652 = arith.addi %add3A_649, %add3A_651 : vector<16xi32>
      %gather3A_653 = tpu.vector_load_idx %arg8[%broadcast_in_dim3A_510, %gather3A_513, %add3A_652] : memref<4x8x1024xf32, #tpu.memory_space<vmem>>[vector<16xi32>, vector<16xi32>, vector<16xi32>], vector<16xf32>,
      %mul3A_654 = arith.constant 64 : i32
      %mul3A_655 = arith.muli %scan3A_612, %mul3A_654 : i32
      %add3A_656 = arith.constant 32 : i32
      %add3A_657 = arith.addi %mul3A_655, %add3A_656 : i32
      %swap3A_658 = arith.constant 2 : i32
      %swap3A_659 = arith.index_cast %swap3A_658 : i32 to index
      %swap3A_660 = arith.index_cast %add3A_657 : i32 to index
      %swap3A_661 = tpu.vector_load %arg10[%swap3A_659, %swap3A_660] {strides = array<i32>} : memref<4x1024xf32, #tpu.memory_space<vmem>>, vector<16xf32>,
      tpu.vector_store %arg10[%swap3A_659, %swap3A_660], %gather3A_653 {strides = array<i32>} : memref<4x1024xf32, #tpu.memory_space<vmem>>, vector<16xf32>,
      %mul3A_662 = arith.constant 64 : i32
      %mul3A_663 = arith.muli %scan3A_612, %mul3A_662 : i32
      %add3A_664 = vector.broadcast %mul3A_663 : i32 to vector<16xi32>
      %add3A_665 = arith.addi %iota3A_484, %add3A_664 : vector<16xi32>
      %add3A_666 = arith.constant 48 : i32
      %add3A_667 = vector.broadcast %add3A_666 : i32 to vector<16xi32>
      %add3A_668 = arith.addi %add3A_665, %add3A_667 : vector<16xi32>
      %gather3A_669 = tpu.vector_load_idx %arg8[%broadcast_in_dim3A_510, %gather3A_513, %add3A_668] : memref<4x8x1024xf32, #tpu.memory_space<vmem>>[vector<16xi32>, vector<16xi32>, vector<16xi32>], vector<16xf32>,
      %mul3A_670 = arith.constant 64 : i32
      %mul3A_671 = arith.muli %scan3A_612, %mul3A_670 : i32
      %add3A_672 = arith.constant 48 : i32
      %add3A_673 = arith.addi %mul3A_671, %add3A_672 : i32
      %swap3A_674 = arith.constant 2 : i32
      %swap3A_675 = arith.index_cast %swap3A_674 : i32 to index
      %swap3A_676 = arith.index_cast %add3A_673 : i32 to index
      %swap3A_677 = tpu.vector_load %arg10[%swap3A_675, %swap3A_676] {strides = array<i32>} : memref<4x1024xf32, #tpu.memory_space<vmem>>, vector<16xf32>,
      tpu.vector_store %arg10[%swap3A_675, %swap3A_676], %gather3A_669 {strides = array<i32>} : memref<4x1024xf32, #tpu.memory_space<vmem>>, vector<16xf32>,
      %scan3A_678 = arith.constant 0 : i32
      scf.yield %scan3A_678 : i32
    }
    %scan3A_520 = arith.constant 16 : i32
    %broadcast_in_dim3A_521 = arith.constant 3 : i32
    %broadcast_in_dim3A_522 = vector.broadcast %broadcast_in_dim3A_521 : i32 to vector<16xi32>
    %broadcast_in_dim3A_523 = arith.constant 27 : i32
    %broadcast_in_dim3A_524 = vector.broadcast %broadcast_in_dim3A_523 : i32 to vector<16xi32>
    %gather3A_525 = tpu.vector_load_idx %arg6[%broadcast_in_dim3A_524] : memref<32xi32, #tpu.memory_space<vmem>>[vector<16xi32>], vector<16xi32>,
    %scan3A_526 = arith.constant 0 : i32
    %scan3A_527 = arith.constant 0 : i32
    %scan3A_528 = arith.constant 16 : i32
    %scan3A_529 = arith.addi %scan3A_527, %scan3A_528 : i32
    %scan3A_530 = arith.constant 1 : i32
    %scan3A_531 = scf.for %scan3A_612 = %scan3A_527 to %scan3A_529 step %scan3A_530 iter_args(%scan3A_613 = %scan3A_526) -> (i32)  : i32 {
      %mul3A_614 = arith.constant 64 : i32
      %mul3A_615 = arith.muli %scan3A_612, %mul3A_614 : i32
      %add3A_616 = vector.broadcast %mul3A_615 : i32 to vector<16xi32>
      %add3A_617 = arith.addi %iota3A_484, %add3A_616 : vector<16xi32>
      %add3A_618 = arith.constant 0 : i32
      %add3A_619 = vector.broadcast %add3A_618 : i32 to vector<16xi32>
      %add3A_620 = arith.addi %add3A_617, %add3A_619 : vector<16xi32>
      %gather3A_621 = tpu.vector_load_idx %arg8[%broadcast_in_dim3A_522, %gather3A_525, %add3A_620] : memref<4x8x1024xf32, #tpu.memory_space<vmem>>[vector<16xi32>, vector<16xi32>, vector<16xi32>], vector<16xf32>,
      %mul3A_622 = arith.constant 64 : i32
      %mul3A_623 = arith.muli %scan3A_612, %mul3A_622 : i32
      %add3A_624 = arith.constant 0 : i32
      %add3A_625 = arith.addi %mul3A_623, %add3A_624 : i32
      %swap3A_626 = arith.constant 3 : i32
      %swap3A_627 = arith.index_cast %swap3A_626 : i32 to index
      %swap3A_628 = arith.index_cast %add3A_625 : i32 to index
      %swap3A_629 = tpu.vector_load %arg10[%swap3A_627, %swap3A_628] {strides = array<i32>} : memref<4x1024xf32, #tpu.memory_space<vmem>>, vector<16xf32>,
      tpu.vector_store %arg10[%swap3A_627, %swap3A_628], %gather3A_621 {strides = array<i32>} : memref<4x1024xf32, #tpu.memory_space<vmem>>, vector<16xf32>,
      %mul3A_630 = arith.constant 64 : i32
      %mul3A_631 = arith.muli %scan3A_612, %mul3A_630 : i32
      %add3A_632 = vector.broadcast %mul3A_631 : i32 to vector<16xi32>
      %add3A_633 = arith.addi %iota3A_484, %add3A_632 : vector<16xi32>
      %add3A_634 = arith.constant 16 : i32
      %add3A_635 = vector.broadcast %add3A_634 : i32 to vector<16xi32>
      %add3A_636 = arith.addi %add3A_633, %add3A_635 : vector<16xi32>
      %gather3A_637 = tpu.vector_load_idx %arg8[%broadcast_in_dim3A_522, %gather3A_525, %add3A_636] : memref<4x8x1024xf32, #tpu.memory_space<vmem>>[vector<16xi32>, vector<16xi32>, vector<16xi32>], vector<16xf32>,
      %mul3A_638 = arith.constant 64 : i32
      %mul3A_639 = arith.muli %scan3A_612, %mul3A_638 : i32
      %add3A_640 = arith.constant 16 : i32
      %add3A_641 = arith.addi %mul3A_639, %add3A_640 : i32
      %swap3A_642 = arith.constant 3 : i32
      %swap3A_643 = arith.index_cast %swap3A_642 : i32 to index
      %swap3A_644 = arith.index_cast %add3A_641 : i32 to index
      %swap3A_645 = tpu.vector_load %arg10[%swap3A_643, %swap3A_644] {strides = array<i32>} : memref<4x1024xf32, #tpu.memory_space<vmem>>, vector<16xf32>,
      tpu.vector_store %arg10[%swap3A_643, %swap3A_644], %gather3A_637 {strides = array<i32>} : memref<4x1024xf32, #tpu.memory_space<vmem>>, vector<16xf32>,
      %mul3A_646 = arith.constant 64 : i32
      %mul3A_647 = arith.muli %scan3A_612, %mul3A_646 : i32
      %add3A_648 = vector.broadcast %mul3A_647 : i32 to vector<16xi32>
      %add3A_649 = arith.addi %iota3A_484, %add3A_648 : vector<16xi32>
      %add3A_650 = arith.constant 32 : i32
      %add3A_651 = vector.broadcast %add3A_650 : i32 to vector<16xi32>
      %add3A_652 = arith.addi %add3A_649, %add3A_651 : vector<16xi32>
      %gather3A_653 = tpu.vector_load_idx %arg8[%broadcast_in_dim3A_522, %gather3A_525, %add3A_652] : memref<4x8x1024xf32, #tpu.memory_space<vmem>>[vector<16xi32>, vector<16xi32>, vector<16xi32>], vector<16xf32>,
      %mul3A_654 = arith.constant 64 : i32
      %mul3A_655 = arith.muli %scan3A_612, %mul3A_654 : i32
      %add3A_656 = arith.constant 32 : i32
      %add3A_657 = arith.addi %mul3A_655, %add3A_656 : i32
      %swap3A_658 = arith.constant 3 : i32
      %swap3A_659 = arith.index_cast %swap3A_658 : i32 to index
      %swap3A_660 = arith.index_cast %add3A_657 : i32 to index
      %swap3A_661 = tpu.vector_load %arg10[%swap3A_659, %swap3A_660] {strides = array<i32>} : memref<4x1024xf32, #tpu.memory_space<vmem>>, vector<16xf32>,
      tpu.vector_store %arg10[%swap3A_659, %swap3A_660], %gather3A_653 {strides = array<i32>} : memref<4x1024xf32, #tpu.memory_space<vmem>>, vector<16xf32>,
      %mul3A_662 = arith.constant 64 : i32
      %mul3A_663 = arith.muli %scan3A_612, %mul3A_662 : i32
      %add3A_664 = vector.broadcast %mul3A_663 : i32 to vector<16xi32>
      %add3A_665 = arith.addi %iota3A_484, %add3A_664 : vector<16xi32>
      %add3A_666 = arith.constant 48 : i32
      %add3A_667 = vector.broadcast %add3A_666 : i32 to vector<16xi32>
      %add3A_668 = arith.addi %add3A_665, %add3A_667 : vector<16xi32>
      %gather3A_669 = tpu.vector_load_idx %arg8[%broadcast_in_dim3A_522, %gather3A_525, %add3A_668] : memref<4x8x1024xf32, #tpu.memory_space<vmem>>[vector<16xi32>, vector<16xi32>, vector<16xi32>], vector<16xf32>,
      %mul3A_670 = arith.constant 64 : i32
      %mul3A_671 = arith.muli %scan3A_612, %mul3A_670 : i32
      %add3A_672 = arith.constant 48 : i32
      %add3A_673 = arith.addi %mul3A_671, %add3A_672 : i32
      %swap3A_674 = arith.constant 3 : i32
      %swap3A_675 = arith.index_cast %swap3A_674 : i32 to index
      %swap3A_676 = arith.index_cast %add3A_673 : i32 to index
      %swap3A_677 = tpu.vector_load %arg10[%swap3A_675, %swap3A_676] {strides = array<i32>} : memref<4x1024xf32, #tpu.memory_space<vmem>>, vector<16xf32>,
      tpu.vector_store %arg10[%swap3A_675, %swap3A_676], %gather3A_669 {strides = array<i32>} : memref<4x1024xf32, #tpu.memory_space<vmem>>, vector<16xf32>,
      %scan3A_678 = arith.constant 0 : i32
      scf.yield %scan3A_678 : i32
    }
    %scan3A_532 = arith.constant 16 : i32
    %add3A_533 = arith.constant 24 : i32
    %add3A_534 = arith.addi %mul3A_2, %add3A_533 : i32
    %dma_start3A_535 = arith.constant 0 : i32
    %dma_start3A_536 = tpu.memref_slice %arg4[%add3A_534, %dma_start3A_535] : memref<1024x1024xf32, #tpu.memory_space<hbm>> -> memref<4x1024xf32, #tpu.memory_space<hbm>>
    %dma_start3A_537 = arith.constant 0 : i32
    %dma_start3A_538 = tpu.memref_slice %arg4[%add3A_534, %dma_start3A_537] : memref<1024x1024xf32, #tpu.memory_space<hbm>> -> memref<4x1024xf32, #tpu.memory_space<hbm>>
    tpu.enqueue_dma source(%arg10 : memref<4x1024xf32, #tpu.memory_space<vmem>>) target(%dma_start3A_538 : memref<4x1024xf32, #tpu.memory_space<hbm>>) target_semaphore(%arg13 : memref<!tpu.dma_semaphore, #tpu.memory_space<semaphore_mem>>)
    %dma_wait3A_539 = arith.constant 56 : i32
    %dma_wait3A_540 = tpu.memref_slice %arg7[%dma_wait3A_539] : memref<64xi32, #tpu.memory_space<vmem>> -> memref<4xi32, #tpu.memory_space<vmem>>
    %dma_wait3A_541 = arith.constant 0 : i32
    %dma_wait3A_542 = arith.constant 0 : i32
    %dma_wait3A_543 = arith.constant 0 : i32
    %dma_wait3A_544 = tpu.memref_slice %arg2[%dma_wait3A_541, %dma_wait3A_542, %dma_wait3A_543] : memref<12500x8x1024xf32, #tpu.memory_space<hbm>> -> memref<12500x8x1024xf32, #tpu.memory_space<hbm>>
    tpu.wait_indirect_dma semaphore(%arg12 : memref<!tpu.dma_semaphore, #tpu.memory_space<semaphore_mem>>) src(%dma_wait3A_544 : memref<12500x8x1024xf32, #tpu.memory_space<hbm>>) dst(%arg9 : memref<4x8x1024xf32, #tpu.memory_space<vmem>>)
    %dma_wait3A_545 = arith.constant 0 : i32
    %dma_wait3A_546 = tpu.memref_slice %arg4[%add3A_469, %dma_wait3A_545] : memref<1024x1024xf32, #tpu.memory_space<hbm>> -> memref<4x1024xf32, #tpu.memory_space<hbm>>
    %dma_wait3A_547 = arith.constant 0 : i32
    %dma_wait3A_548 = tpu.memref_slice %arg4[%add3A_469, %dma_wait3A_547] : memref<1024x1024xf32, #tpu.memory_space<hbm>> -> memref<4x1024xf32, #tpu.memory_space<hbm>>
    tpu.wait_dma2 semaphore(%arg13 : memref<!tpu.dma_semaphore, #tpu.memory_space<semaphore_mem>>) src(%arg11 : memref<4x1024xf32, #tpu.memory_space<vmem>>) dst(%dma_wait3A_548 : memref<4x1024xf32, #tpu.memory_space<hbm>>)
    %iota3A_549 = tpu.iota {dimensions = array<i32: 0>} : vector<16xi32>
    %broadcast_in_dim3A_550 = arith.constant 0 : i32
    %broadcast_in_dim3A_551 = vector.broadcast %broadcast_in_dim3A_550 : i32 to vector<16xi32>
    %broadcast_in_dim3A_552 = arith.constant 28 : i32
    %broadcast_in_dim3A_553 = vector.broadcast %broadcast_in_dim3A_552 : i32 to vector<16xi32>
    %gather3A_554 = tpu.vector_load_idx %arg6[%broadcast_in_dim3A_553] : memref<32xi32, #tpu.memory_space<vmem>>[vector<16xi32>], vector<16xi32>,
    %scan3A_555 = arith.constant 0 : i32
    %scan3A_556 = arith.constant 0 : i32
    %scan3A_557 = arith.constant 16 : i32
    %scan3A_558 = arith.addi %scan3A_556, %scan3A_557 : i32
    %scan3A_559 = arith.constant 1 : i32
    %scan3A_560 = scf.for %scan3A_612 = %scan3A_556 to %scan3A_558 step %scan3A_559 iter_args(%scan3A_613 = %scan3A_555) -> (i32)  : i32 {
      %mul3A_614 = arith.constant 64 : i32
      %mul3A_615 = arith.muli %scan3A_612, %mul3A_614 : i32
      %add3A_616 = vector.broadcast %mul3A_615 : i32 to vector<16xi32>
      %add3A_617 = arith.addi %iota3A_549, %add3A_616 : vector<16xi32>
      %add3A_618 = arith.constant 0 : i32
      %add3A_619 = vector.broadcast %add3A_618 : i32 to vector<16xi32>
      %add3A_620 = arith.addi %add3A_617, %add3A_619 : vector<16xi32>
      %gather3A_621 = tpu.vector_load_idx %arg9[%broadcast_in_dim3A_551, %gather3A_554, %add3A_620] : memref<4x8x1024xf32, #tpu.memory_space<vmem>>[vector<16xi32>, vector<16xi32>, vector<16xi32>], vector<16xf32>,
      %mul3A_622 = arith.constant 64 : i32
      %mul3A_623 = arith.muli %scan3A_612, %mul3A_622 : i32
      %add3A_624 = arith.constant 0 : i32
      %add3A_625 = arith.addi %mul3A_623, %add3A_624 : i32
      %swap3A_626 = arith.constant 0 : i32
      %swap3A_627 = arith.index_cast %swap3A_626 : i32 to index
      %swap3A_628 = arith.index_cast %add3A_625 : i32 to index
      %swap3A_629 = tpu.vector_load %arg11[%swap3A_627, %swap3A_628] {strides = array<i32>} : memref<4x1024xf32, #tpu.memory_space<vmem>>, vector<16xf32>,
      tpu.vector_store %arg11[%swap3A_627, %swap3A_628], %gather3A_621 {strides = array<i32>} : memref<4x1024xf32, #tpu.memory_space<vmem>>, vector<16xf32>,
      %mul3A_630 = arith.constant 64 : i32
      %mul3A_631 = arith.muli %scan3A_612, %mul3A_630 : i32
      %add3A_632 = vector.broadcast %mul3A_631 : i32 to vector<16xi32>
      %add3A_633 = arith.addi %iota3A_549, %add3A_632 : vector<16xi32>
      %add3A_634 = arith.constant 16 : i32
      %add3A_635 = vector.broadcast %add3A_634 : i32 to vector<16xi32>
      %add3A_636 = arith.addi %add3A_633, %add3A_635 : vector<16xi32>
      %gather3A_637 = tpu.vector_load_idx %arg9[%broadcast_in_dim3A_551, %gather3A_554, %add3A_636] : memref<4x8x1024xf32, #tpu.memory_space<vmem>>[vector<16xi32>, vector<16xi32>, vector<16xi32>], vector<16xf32>,
      %mul3A_638 = arith.constant 64 : i32
      %mul3A_639 = arith.muli %scan3A_612, %mul3A_638 : i32
      %add3A_640 = arith.constant 16 : i32
      %add3A_641 = arith.addi %mul3A_639, %add3A_640 : i32
      %swap3A_642 = arith.constant 0 : i32
      %swap3A_643 = arith.index_cast %swap3A_642 : i32 to index
      %swap3A_644 = arith.index_cast %add3A_641 : i32 to index
      %swap3A_645 = tpu.vector_load %arg11[%swap3A_643, %swap3A_644] {strides = array<i32>} : memref<4x1024xf32, #tpu.memory_space<vmem>>, vector<16xf32>,
      tpu.vector_store %arg11[%swap3A_643, %swap3A_644], %gather3A_637 {strides = array<i32>} : memref<4x1024xf32, #tpu.memory_space<vmem>>, vector<16xf32>,
      %mul3A_646 = arith.constant 64 : i32
      %mul3A_647 = arith.muli %scan3A_612, %mul3A_646 : i32
      %add3A_648 = vector.broadcast %mul3A_647 : i32 to vector<16xi32>
      %add3A_649 = arith.addi %iota3A_549, %add3A_648 : vector<16xi32>
      %add3A_650 = arith.constant 32 : i32
      %add3A_651 = vector.broadcast %add3A_650 : i32 to vector<16xi32>
      %add3A_652 = arith.addi %add3A_649, %add3A_651 : vector<16xi32>
      %gather3A_653 = tpu.vector_load_idx %arg9[%broadcast_in_dim3A_551, %gather3A_554, %add3A_652] : memref<4x8x1024xf32, #tpu.memory_space<vmem>>[vector<16xi32>, vector<16xi32>, vector<16xi32>], vector<16xf32>,
      %mul3A_654 = arith.constant 64 : i32
      %mul3A_655 = arith.muli %scan3A_612, %mul3A_654 : i32
      %add3A_656 = arith.constant 32 : i32
      %add3A_657 = arith.addi %mul3A_655, %add3A_656 : i32
      %swap3A_658 = arith.constant 0 : i32
      %swap3A_659 = arith.index_cast %swap3A_658 : i32 to index
      %swap3A_660 = arith.index_cast %add3A_657 : i32 to index
      %swap3A_661 = tpu.vector_load %arg11[%swap3A_659, %swap3A_660] {strides = array<i32>} : memref<4x1024xf32, #tpu.memory_space<vmem>>, vector<16xf32>,
      tpu.vector_store %arg11[%swap3A_659, %swap3A_660], %gather3A_653 {strides = array<i32>} : memref<4x1024xf32, #tpu.memory_space<vmem>>, vector<16xf32>,
      %mul3A_662 = arith.constant 64 : i32
      %mul3A_663 = arith.muli %scan3A_612, %mul3A_662 : i32
      %add3A_664 = vector.broadcast %mul3A_663 : i32 to vector<16xi32>
      %add3A_665 = arith.addi %iota3A_549, %add3A_664 : vector<16xi32>
      %add3A_666 = arith.constant 48 : i32
      %add3A_667 = vector.broadcast %add3A_666 : i32 to vector<16xi32>
      %add3A_668 = arith.addi %add3A_665, %add3A_667 : vector<16xi32>
      %gather3A_669 = tpu.vector_load_idx %arg9[%broadcast_in_dim3A_551, %gather3A_554, %add3A_668] : memref<4x8x1024xf32, #tpu.memory_space<vmem>>[vector<16xi32>, vector<16xi32>, vector<16xi32>], vector<16xf32>,
      %mul3A_670 = arith.constant 64 : i32
      %mul3A_671 = arith.muli %scan3A_612, %mul3A_670 : i32
      %add3A_672 = arith.constant 48 : i32
      %add3A_673 = arith.addi %mul3A_671, %add3A_672 : i32
      %swap3A_674 = arith.constant 0 : i32
      %swap3A_675 = arith.index_cast %swap3A_674 : i32 to index
      %swap3A_676 = arith.index_cast %add3A_673 : i32 to index
      %swap3A_677 = tpu.vector_load %arg11[%swap3A_675, %swap3A_676] {strides = array<i32>} : memref<4x1024xf32, #tpu.memory_space<vmem>>, vector<16xf32>,
      tpu.vector_store %arg11[%swap3A_675, %swap3A_676], %gather3A_669 {strides = array<i32>} : memref<4x1024xf32, #tpu.memory_space<vmem>>, vector<16xf32>,
      %scan3A_678 = arith.constant 0 : i32
      scf.yield %scan3A_678 : i32
    }
    %scan3A_561 = arith.constant 16 : i32
    %broadcast_in_dim3A_562 = arith.constant 1 : i32
    %broadcast_in_dim3A_563 = vector.broadcast %broadcast_in_dim3A_562 : i32 to vector<16xi32>
    %broadcast_in_dim3A_564 = arith.constant 29 : i32
    %broadcast_in_dim3A_565 = vector.broadcast %broadcast_in_dim3A_564 : i32 to vector<16xi32>
    %gather3A_566 = tpu.vector_load_idx %arg6[%broadcast_in_dim3A_565] : memref<32xi32, #tpu.memory_space<vmem>>[vector<16xi32>], vector<16xi32>,
    %scan3A_567 = arith.constant 0 : i32
    %scan3A_568 = arith.constant 0 : i32
    %scan3A_569 = arith.constant 16 : i32
    %scan3A_570 = arith.addi %scan3A_568, %scan3A_569 : i32
    %scan3A_571 = arith.constant 1 : i32
    %scan3A_572 = scf.for %scan3A_612 = %scan3A_568 to %scan3A_570 step %scan3A_571 iter_args(%scan3A_613 = %scan3A_567) -> (i32)  : i32 {
      %mul3A_614 = arith.constant 64 : i32
      %mul3A_615 = arith.muli %scan3A_612, %mul3A_614 : i32
      %add3A_616 = vector.broadcast %mul3A_615 : i32 to vector<16xi32>
      %add3A_617 = arith.addi %iota3A_549, %add3A_616 : vector<16xi32>
      %add3A_618 = arith.constant 0 : i32
      %add3A_619 = vector.broadcast %add3A_618 : i32 to vector<16xi32>
      %add3A_620 = arith.addi %add3A_617, %add3A_619 : vector<16xi32>
      %gather3A_621 = tpu.vector_load_idx %arg9[%broadcast_in_dim3A_563, %gather3A_566, %add3A_620] : memref<4x8x1024xf32, #tpu.memory_space<vmem>>[vector<16xi32>, vector<16xi32>, vector<16xi32>], vector<16xf32>,
      %mul3A_622 = arith.constant 64 : i32
      %mul3A_623 = arith.muli %scan3A_612, %mul3A_622 : i32
      %add3A_624 = arith.constant 0 : i32
      %add3A_625 = arith.addi %mul3A_623, %add3A_624 : i32
      %swap3A_626 = arith.constant 1 : i32
      %swap3A_627 = arith.index_cast %swap3A_626 : i32 to index
      %swap3A_628 = arith.index_cast %add3A_625 : i32 to index
      %swap3A_629 = tpu.vector_load %arg11[%swap3A_627, %swap3A_628] {strides = array<i32>} : memref<4x1024xf32, #tpu.memory_space<vmem>>, vector<16xf32>,
      tpu.vector_store %arg11[%swap3A_627, %swap3A_628], %gather3A_621 {strides = array<i32>} : memref<4x1024xf32, #tpu.memory_space<vmem>>, vector<16xf32>,
      %mul3A_630 = arith.constant 64 : i32
      %mul3A_631 = arith.muli %scan3A_612, %mul3A_630 : i32
      %add3A_632 = vector.broadcast %mul3A_631 : i32 to vector<16xi32>
      %add3A_633 = arith.addi %iota3A_549, %add3A_632 : vector<16xi32>
      %add3A_634 = arith.constant 16 : i32
      %add3A_635 = vector.broadcast %add3A_634 : i32 to vector<16xi32>
      %add3A_636 = arith.addi %add3A_633, %add3A_635 : vector<16xi32>
      %gather3A_637 = tpu.vector_load_idx %arg9[%broadcast_in_dim3A_563, %gather3A_566, %add3A_636] : memref<4x8x1024xf32, #tpu.memory_space<vmem>>[vector<16xi32>, vector<16xi32>, vector<16xi32>], vector<16xf32>,
      %mul3A_638 = arith.constant 64 : i32
      %mul3A_639 = arith.muli %scan3A_612, %mul3A_638 : i32
      %add3A_640 = arith.constant 16 : i32
      %add3A_641 = arith.addi %mul3A_639, %add3A_640 : i32
      %swap3A_642 = arith.constant 1 : i32
      %swap3A_643 = arith.index_cast %swap3A_642 : i32 to index
      %swap3A_644 = arith.index_cast %add3A_641 : i32 to index
      %swap3A_645 = tpu.vector_load %arg11[%swap3A_643, %swap3A_644] {strides = array<i32>} : memref<4x1024xf32, #tpu.memory_space<vmem>>, vector<16xf32>,
      tpu.vector_store %arg11[%swap3A_643, %swap3A_644], %gather3A_637 {strides = array<i32>} : memref<4x1024xf32, #tpu.memory_space<vmem>>, vector<16xf32>,
      %mul3A_646 = arith.constant 64 : i32
      %mul3A_647 = arith.muli %scan3A_612, %mul3A_646 : i32
      %add3A_648 = vector.broadcast %mul3A_647 : i32 to vector<16xi32>
      %add3A_649 = arith.addi %iota3A_549, %add3A_648 : vector<16xi32>
      %add3A_650 = arith.constant 32 : i32
      %add3A_651 = vector.broadcast %add3A_650 : i32 to vector<16xi32>
      %add3A_652 = arith.addi %add3A_649, %add3A_651 : vector<16xi32>
      %gather3A_653 = tpu.vector_load_idx %arg9[%broadcast_in_dim3A_563, %gather3A_566, %add3A_652] : memref<4x8x1024xf32, #tpu.memory_space<vmem>>[vector<16xi32>, vector<16xi32>, vector<16xi32>], vector<16xf32>,
      %mul3A_654 = arith.constant 64 : i32
      %mul3A_655 = arith.muli %scan3A_612, %mul3A_654 : i32
      %add3A_656 = arith.constant 32 : i32
      %add3A_657 = arith.addi %mul3A_655, %add3A_656 : i32
      %swap3A_658 = arith.constant 1 : i32
      %swap3A_659 = arith.index_cast %swap3A_658 : i32 to index
      %swap3A_660 = arith.index_cast %add3A_657 : i32 to index
      %swap3A_661 = tpu.vector_load %arg11[%swap3A_659, %swap3A_660] {strides = array<i32>} : memref<4x1024xf32, #tpu.memory_space<vmem>>, vector<16xf32>,
      tpu.vector_store %arg11[%swap3A_659, %swap3A_660], %gather3A_653 {strides = array<i32>} : memref<4x1024xf32, #tpu.memory_space<vmem>>, vector<16xf32>,
      %mul3A_662 = arith.constant 64 : i32
      %mul3A_663 = arith.muli %scan3A_612, %mul3A_662 : i32
      %add3A_664 = vector.broadcast %mul3A_663 : i32 to vector<16xi32>
      %add3A_665 = arith.addi %iota3A_549, %add3A_664 : vector<16xi32>
      %add3A_666 = arith.constant 48 : i32
      %add3A_667 = vector.broadcast %add3A_666 : i32 to vector<16xi32>
      %add3A_668 = arith.addi %add3A_665, %add3A_667 : vector<16xi32>
      %gather3A_669 = tpu.vector_load_idx %arg9[%broadcast_in_dim3A_563, %gather3A_566, %add3A_668] : memref<4x8x1024xf32, #tpu.memory_space<vmem>>[vector<16xi32>, vector<16xi32>, vector<16xi32>], vector<16xf32>,
      %mul3A_670 = arith.constant 64 : i32
      %mul3A_671 = arith.muli %scan3A_612, %mul3A_670 : i32
      %add3A_672 = arith.constant 48 : i32
      %add3A_673 = arith.addi %mul3A_671, %add3A_672 : i32
      %swap3A_674 = arith.constant 1 : i32
      %swap3A_675 = arith.index_cast %swap3A_674 : i32 to index
      %swap3A_676 = arith.index_cast %add3A_673 : i32 to index
      %swap3A_677 = tpu.vector_load %arg11[%swap3A_675, %swap3A_676] {strides = array<i32>} : memref<4x1024xf32, #tpu.memory_space<vmem>>, vector<16xf32>,
      tpu.vector_store %arg11[%swap3A_675, %swap3A_676], %gather3A_669 {strides = array<i32>} : memref<4x1024xf32, #tpu.memory_space<vmem>>, vector<16xf32>,
      %scan3A_678 = arith.constant 0 : i32
      scf.yield %scan3A_678 : i32
    }
    %scan3A_573 = arith.constant 16 : i32
    %broadcast_in_dim3A_574 = arith.constant 2 : i32
    %broadcast_in_dim3A_575 = vector.broadcast %broadcast_in_dim3A_574 : i32 to vector<16xi32>
    %broadcast_in_dim3A_576 = arith.constant 30 : i32
    %broadcast_in_dim3A_577 = vector.broadcast %broadcast_in_dim3A_576 : i32 to vector<16xi32>
    %gather3A_578 = tpu.vector_load_idx %arg6[%broadcast_in_dim3A_577] : memref<32xi32, #tpu.memory_space<vmem>>[vector<16xi32>], vector<16xi32>,
    %scan3A_579 = arith.constant 0 : i32
    %scan3A_580 = arith.constant 0 : i32
    %scan3A_581 = arith.constant 16 : i32
    %scan3A_582 = arith.addi %scan3A_580, %scan3A_581 : i32
    %scan3A_583 = arith.constant 1 : i32
    %scan3A_584 = scf.for %scan3A_612 = %scan3A_580 to %scan3A_582 step %scan3A_583 iter_args(%scan3A_613 = %scan3A_579) -> (i32)  : i32 {
      %mul3A_614 = arith.constant 64 : i32
      %mul3A_615 = arith.muli %scan3A_612, %mul3A_614 : i32
      %add3A_616 = vector.broadcast %mul3A_615 : i32 to vector<16xi32>
      %add3A_617 = arith.addi %iota3A_549, %add3A_616 : vector<16xi32>
      %add3A_618 = arith.constant 0 : i32
      %add3A_619 = vector.broadcast %add3A_618 : i32 to vector<16xi32>
      %add3A_620 = arith.addi %add3A_617, %add3A_619 : vector<16xi32>
      %gather3A_621 = tpu.vector_load_idx %arg9[%broadcast_in_dim3A_575, %gather3A_578, %add3A_620] : memref<4x8x1024xf32, #tpu.memory_space<vmem>>[vector<16xi32>, vector<16xi32>, vector<16xi32>], vector<16xf32>,
      %mul3A_622 = arith.constant 64 : i32
      %mul3A_623 = arith.muli %scan3A_612, %mul3A_622 : i32
      %add3A_624 = arith.constant 0 : i32
      %add3A_625 = arith.addi %mul3A_623, %add3A_624 : i32
      %swap3A_626 = arith.constant 2 : i32
      %swap3A_627 = arith.index_cast %swap3A_626 : i32 to index
      %swap3A_628 = arith.index_cast %add3A_625 : i32 to index
      %swap3A_629 = tpu.vector_load %arg11[%swap3A_627, %swap3A_628] {strides = array<i32>} : memref<4x1024xf32, #tpu.memory_space<vmem>>, vector<16xf32>,
      tpu.vector_store %arg11[%swap3A_627, %swap3A_628], %gather3A_621 {strides = array<i32>} : memref<4x1024xf32, #tpu.memory_space<vmem>>, vector<16xf32>,
      %mul3A_630 = arith.constant 64 : i32
      %mul3A_631 = arith.muli %scan3A_612, %mul3A_630 : i32
      %add3A_632 = vector.broadcast %mul3A_631 : i32 to vector<16xi32>
      %add3A_633 = arith.addi %iota3A_549, %add3A_632 : vector<16xi32>
      %add3A_634 = arith.constant 16 : i32
      %add3A_635 = vector.broadcast %add3A_634 : i32 to vector<16xi32>
      %add3A_636 = arith.addi %add3A_633, %add3A_635 : vector<16xi32>
      %gather3A_637 = tpu.vector_load_idx %arg9[%broadcast_in_dim3A_575, %gather3A_578, %add3A_636] : memref<4x8x1024xf32, #tpu.memory_space<vmem>>[vector<16xi32>, vector<16xi32>, vector<16xi32>], vector<16xf32>,
      %mul3A_638 = arith.constant 64 : i32
      %mul3A_639 = arith.muli %scan3A_612, %mul3A_638 : i32
      %add3A_640 = arith.constant 16 : i32
      %add3A_641 = arith.addi %mul3A_639, %add3A_640 : i32
      %swap3A_642 = arith.constant 2 : i32
      %swap3A_643 = arith.index_cast %swap3A_642 : i32 to index
      %swap3A_644 = arith.index_cast %add3A_641 : i32 to index
      %swap3A_645 = tpu.vector_load %arg11[%swap3A_643, %swap3A_644] {strides = array<i32>} : memref<4x1024xf32, #tpu.memory_space<vmem>>, vector<16xf32>,
      tpu.vector_store %arg11[%swap3A_643, %swap3A_644], %gather3A_637 {strides = array<i32>} : memref<4x1024xf32, #tpu.memory_space<vmem>>, vector<16xf32>,
      %mul3A_646 = arith.constant 64 : i32
      %mul3A_647 = arith.muli %scan3A_612, %mul3A_646 : i32
      %add3A_648 = vector.broadcast %mul3A_647 : i32 to vector<16xi32>
      %add3A_649 = arith.addi %iota3A_549, %add3A_648 : vector<16xi32>
      %add3A_650 = arith.constant 32 : i32
      %add3A_651 = vector.broadcast %add3A_650 : i32 to vector<16xi32>
      %add3A_652 = arith.addi %add3A_649, %add3A_651 : vector<16xi32>
      %gather3A_653 = tpu.vector_load_idx %arg9[%broadcast_in_dim3A_575, %gather3A_578, %add3A_652] : memref<4x8x1024xf32, #tpu.memory_space<vmem>>[vector<16xi32>, vector<16xi32>, vector<16xi32>], vector<16xf32>,
      %mul3A_654 = arith.constant 64 : i32
      %mul3A_655 = arith.muli %scan3A_612, %mul3A_654 : i32
      %add3A_656 = arith.constant 32 : i32
      %add3A_657 = arith.addi %mul3A_655, %add3A_656 : i32
      %swap3A_658 = arith.constant 2 : i32
      %swap3A_659 = arith.index_cast %swap3A_658 : i32 to index
      %swap3A_660 = arith.index_cast %add3A_657 : i32 to index
      %swap3A_661 = tpu.vector_load %arg11[%swap3A_659, %swap3A_660] {strides = array<i32>} : memref<4x1024xf32, #tpu.memory_space<vmem>>, vector<16xf32>,
      tpu.vector_store %arg11[%swap3A_659, %swap3A_660], %gather3A_653 {strides = array<i32>} : memref<4x1024xf32, #tpu.memory_space<vmem>>, vector<16xf32>,
      %mul3A_662 = arith.constant 64 : i32
      %mul3A_663 = arith.muli %scan3A_612, %mul3A_662 : i32
      %add3A_664 = vector.broadcast %mul3A_663 : i32 to vector<16xi32>
      %add3A_665 = arith.addi %iota3A_549, %add3A_664 : vector<16xi32>
      %add3A_666 = arith.constant 48 : i32
      %add3A_667 = vector.broadcast %add3A_666 : i32 to vector<16xi32>
      %add3A_668 = arith.addi %add3A_665, %add3A_667 : vector<16xi32>
      %gather3A_669 = tpu.vector_load_idx %arg9[%broadcast_in_dim3A_575, %gather3A_578, %add3A_668] : memref<4x8x1024xf32, #tpu.memory_space<vmem>>[vector<16xi32>, vector<16xi32>, vector<16xi32>], vector<16xf32>,
      %mul3A_670 = arith.constant 64 : i32
      %mul3A_671 = arith.muli %scan3A_612, %mul3A_670 : i32
      %add3A_672 = arith.constant 48 : i32
      %add3A_673 = arith.addi %mul3A_671, %add3A_672 : i32
      %swap3A_674 = arith.constant 2 : i32
      %swap3A_675 = arith.index_cast %swap3A_674 : i32 to index
      %swap3A_676 = arith.index_cast %add3A_673 : i32 to index
      %swap3A_677 = tpu.vector_load %arg11[%swap3A_675, %swap3A_676] {strides = array<i32>} : memref<4x1024xf32, #tpu.memory_space<vmem>>, vector<16xf32>,
      tpu.vector_store %arg11[%swap3A_675, %swap3A_676], %gather3A_669 {strides = array<i32>} : memref<4x1024xf32, #tpu.memory_space<vmem>>, vector<16xf32>,
      %scan3A_678 = arith.constant 0 : i32
      scf.yield %scan3A_678 : i32
    }
    %scan3A_585 = arith.constant 16 : i32
    %broadcast_in_dim3A_586 = arith.constant 3 : i32
    %broadcast_in_dim3A_587 = vector.broadcast %broadcast_in_dim3A_586 : i32 to vector<16xi32>
    %broadcast_in_dim3A_588 = arith.constant 31 : i32
    %broadcast_in_dim3A_589 = vector.broadcast %broadcast_in_dim3A_588 : i32 to vector<16xi32>
    %gather3A_590 = tpu.vector_load_idx %arg6[%broadcast_in_dim3A_589] : memref<32xi32, #tpu.memory_space<vmem>>[vector<16xi32>], vector<16xi32>,
    %scan3A_591 = arith.constant 0 : i32
    %scan3A_592 = arith.constant 0 : i32
    %scan3A_593 = arith.constant 16 : i32
    %scan3A_594 = arith.addi %scan3A_592, %scan3A_593 : i32
    %scan3A_595 = arith.constant 1 : i32
    %scan3A_596 = scf.for %scan3A_612 = %scan3A_592 to %scan3A_594 step %scan3A_595 iter_args(%scan3A_613 = %scan3A_591) -> (i32)  : i32 {
      %mul3A_614 = arith.constant 64 : i32
      %mul3A_615 = arith.muli %scan3A_612, %mul3A_614 : i32
      %add3A_616 = vector.broadcast %mul3A_615 : i32 to vector<16xi32>
      %add3A_617 = arith.addi %iota3A_549, %add3A_616 : vector<16xi32>
      %add3A_618 = arith.constant 0 : i32
      %add3A_619 = vector.broadcast %add3A_618 : i32 to vector<16xi32>
      %add3A_620 = arith.addi %add3A_617, %add3A_619 : vector<16xi32>
      %gather3A_621 = tpu.vector_load_idx %arg9[%broadcast_in_dim3A_587, %gather3A_590, %add3A_620] : memref<4x8x1024xf32, #tpu.memory_space<vmem>>[vector<16xi32>, vector<16xi32>, vector<16xi32>], vector<16xf32>,
      %mul3A_622 = arith.constant 64 : i32
      %mul3A_623 = arith.muli %scan3A_612, %mul3A_622 : i32
      %add3A_624 = arith.constant 0 : i32
      %add3A_625 = arith.addi %mul3A_623, %add3A_624 : i32
      %swap3A_626 = arith.constant 3 : i32
      %swap3A_627 = arith.index_cast %swap3A_626 : i32 to index
      %swap3A_628 = arith.index_cast %add3A_625 : i32 to index
      %swap3A_629 = tpu.vector_load %arg11[%swap3A_627, %swap3A_628] {strides = array<i32>} : memref<4x1024xf32, #tpu.memory_space<vmem>>, vector<16xf32>,
      tpu.vector_store %arg11[%swap3A_627, %swap3A_628], %gather3A_621 {strides = array<i32>} : memref<4x1024xf32, #tpu.memory_space<vmem>>, vector<16xf32>,
      %mul3A_630 = arith.constant 64 : i32
      %mul3A_631 = arith.muli %scan3A_612, %mul3A_630 : i32
      %add3A_632 = vector.broadcast %mul3A_631 : i32 to vector<16xi32>
      %add3A_633 = arith.addi %iota3A_549, %add3A_632 : vector<16xi32>
      %add3A_634 = arith.constant 16 : i32
      %add3A_635 = vector.broadcast %add3A_634 : i32 to vector<16xi32>
      %add3A_636 = arith.addi %add3A_633, %add3A_635 : vector<16xi32>
      %gather3A_637 = tpu.vector_load_idx %arg9[%broadcast_in_dim3A_587, %gather3A_590, %add3A_636] : memref<4x8x1024xf32, #tpu.memory_space<vmem>>[vector<16xi32>, vector<16xi32>, vector<16xi32>], vector<16xf32>,
      %mul3A_638 = arith.constant 64 : i32
      %mul3A_639 = arith.muli %scan3A_612, %mul3A_638 : i32
      %add3A_640 = arith.constant 16 : i32
      %add3A_641 = arith.addi %mul3A_639, %add3A_640 : i32
      %swap3A_642 = arith.constant 3 : i32
      %swap3A_643 = arith.index_cast %swap3A_642 : i32 to index
      %swap3A_644 = arith.index_cast %add3A_641 : i32 to index
      %swap3A_645 = tpu.vector_load %arg11[%swap3A_643, %swap3A_644] {strides = array<i32>} : memref<4x1024xf32, #tpu.memory_space<vmem>>, vector<16xf32>,
      tpu.vector_store %arg11[%swap3A_643, %swap3A_644], %gather3A_637 {strides = array<i32>} : memref<4x1024xf32, #tpu.memory_space<vmem>>, vector<16xf32>,
      %mul3A_646 = arith.constant 64 : i32
      %mul3A_647 = arith.muli %scan3A_612, %mul3A_646 : i32
      %add3A_648 = vector.broadcast %mul3A_647 : i32 to vector<16xi32>
      %add3A_649 = arith.addi %iota3A_549, %add3A_648 : vector<16xi32>
      %add3A_650 = arith.constant 32 : i32
      %add3A_651 = vector.broadcast %add3A_650 : i32 to vector<16xi32>
      %add3A_652 = arith.addi %add3A_649, %add3A_651 : vector<16xi32>
      %gather3A_653 = tpu.vector_load_idx %arg9[%broadcast_in_dim3A_587, %gather3A_590, %add3A_652] : memref<4x8x1024xf32, #tpu.memory_space<vmem>>[vector<16xi32>, vector<16xi32>, vector<16xi32>], vector<16xf32>,
      %mul3A_654 = arith.constant 64 : i32
      %mul3A_655 = arith.muli %scan3A_612, %mul3A_654 : i32
      %add3A_656 = arith.constant 32 : i32
      %add3A_657 = arith.addi %mul3A_655, %add3A_656 : i32
      %swap3A_658 = arith.constant 3 : i32
      %swap3A_659 = arith.index_cast %swap3A_658 : i32 to index
      %swap3A_660 = arith.index_cast %add3A_657 : i32 to index
      %swap3A_661 = tpu.vector_load %arg11[%swap3A_659, %swap3A_660] {strides = array<i32>} : memref<4x1024xf32, #tpu.memory_space<vmem>>, vector<16xf32>,
      tpu.vector_store %arg11[%swap3A_659, %swap3A_660], %gather3A_653 {strides = array<i32>} : memref<4x1024xf32, #tpu.memory_space<vmem>>, vector<16xf32>,
      %mul3A_662 = arith.constant 64 : i32
      %mul3A_663 = arith.muli %scan3A_612, %mul3A_662 : i32
      %add3A_664 = vector.broadcast %mul3A_663 : i32 to vector<16xi32>
      %add3A_665 = arith.addi %iota3A_549, %add3A_664 : vector<16xi32>
      %add3A_666 = arith.constant 48 : i32
      %add3A_667 = vector.broadcast %add3A_666 : i32 to vector<16xi32>
      %add3A_668 = arith.addi %add3A_665, %add3A_667 : vector<16xi32>
      %gather3A_669 = tpu.vector_load_idx %arg9[%broadcast_in_dim3A_587, %gather3A_590, %add3A_668] : memref<4x8x1024xf32, #tpu.memory_space<vmem>>[vector<16xi32>, vector<16xi32>, vector<16xi32>], vector<16xf32>,
      %mul3A_670 = arith.constant 64 : i32
      %mul3A_671 = arith.muli %scan3A_612, %mul3A_670 : i32
      %add3A_672 = arith.constant 48 : i32
      %add3A_673 = arith.addi %mul3A_671, %add3A_672 : i32
      %swap3A_674 = arith.constant 3 : i32
      %swap3A_675 = arith.index_cast %swap3A_674 : i32 to index
      %swap3A_676 = arith.index_cast %add3A_673 : i32 to index
      %swap3A_677 = tpu.vector_load %arg11[%swap3A_675, %swap3A_676] {strides = array<i32>} : memref<4x1024xf32, #tpu.memory_space<vmem>>, vector<16xf32>,
      tpu.vector_store %arg11[%swap3A_675, %swap3A_676], %gather3A_669 {strides = array<i32>} : memref<4x1024xf32, #tpu.memory_space<vmem>>, vector<16xf32>,
      %scan3A_678 = arith.constant 0 : i32
      scf.yield %scan3A_678 : i32
    }
    %scan3A_597 = arith.constant 16 : i32
    %add3A_598 = arith.constant 28 : i32
    %add3A_599 = arith.addi %mul3A_2, %add3A_598 : i32
    %dma_start3A_600 = arith.constant 0 : i32
    %dma_start3A_601 = tpu.memref_slice %arg4[%add3A_599, %dma_start3A_600] : memref<1024x1024xf32, #tpu.memory_space<hbm>> -> memref<4x1024xf32, #tpu.memory_space<hbm>>
    %dma_start3A_602 = arith.constant 0 : i32
    %dma_start3A_603 = tpu.memref_slice %arg4[%add3A_599, %dma_start3A_602] : memref<1024x1024xf32, #tpu.memory_space<hbm>> -> memref<4x1024xf32, #tpu.memory_space<hbm>>
    tpu.enqueue_dma source(%arg11 : memref<4x1024xf32, #tpu.memory_space<vmem>>) target(%dma_start3A_603 : memref<4x1024xf32, #tpu.memory_space<hbm>>) target_semaphore(%arg13 : memref<!tpu.dma_semaphore, #tpu.memory_space<semaphore_mem>>)
    %dma_wait3A_604 = arith.constant 0 : i32
    %dma_wait3A_605 = tpu.memref_slice %arg4[%add3A_534, %dma_wait3A_604] : memref<1024x1024xf32, #tpu.memory_space<hbm>> -> memref<4x1024xf32, #tpu.memory_space<hbm>>
    %dma_wait3A_606 = arith.constant 0 : i32
    %dma_wait3A_607 = tpu.memref_slice %arg4[%add3A_534, %dma_wait3A_606] : memref<1024x1024xf32, #tpu.memory_space<hbm>> -> memref<4x1024xf32, #tpu.memory_space<hbm>>
    tpu.wait_dma2 semaphore(%arg13 : memref<!tpu.dma_semaphore, #tpu.memory_space<semaphore_mem>>) src(%arg10 : memref<4x1024xf32, #tpu.memory_space<vmem>>) dst(%dma_wait3A_607 : memref<4x1024xf32, #tpu.memory_space<hbm>>)
    %dma_wait3A_608 = arith.constant 0 : i32
    %dma_wait3A_609 = tpu.memref_slice %arg4[%add3A_599, %dma_wait3A_608] : memref<1024x1024xf32, #tpu.memory_space<hbm>> -> memref<4x1024xf32, #tpu.memory_space<hbm>>
    %dma_wait3A_610 = arith.constant 0 : i32
    %dma_wait3A_611 = tpu.memref_slice %arg4[%add3A_599, %dma_wait3A_610] : memref<1024x1024xf32, #tpu.memory_space<hbm>> -> memref<4x1024xf32, #tpu.memory_space<hbm>>
    tpu.wait_dma2 semaphore(%arg13 : memref<!tpu.dma_semaphore, #tpu.memory_space<semaphore_mem>>) src(%arg11 : memref<4x1024xf32, #tpu.memory_space<vmem>>) dst(%dma_wait3A_611 : memref<4x1024xf32, #tpu.memory_space<hbm>>)
    return
  }
}

module attributes {stable_mosaic.version = 14 : i64} {
  func.func @_bank_body(%arg0: i32, %arg1: memref<1024x1xi32, #tpu.memory_space<vmem>>, %arg2: memref<1x128xi32, #tpu.memory_space<vmem>>, %arg3: memref<1024x128xf32, #tpu.memory_space<vmem>>, %arg4: memref<128x128xf32, #tpu.memory_space<vmem>>, %arg5: memref<128x1xf32, #tpu.memory_space<vmem>>) attributes {dimension_semantics = [#tpu.dimension_semantics<arbitrary>], iteration_bounds = array<i64: 8>, scalar_prefetch = 0 : i64, scratch_operands = 0 : i64, tpu.core_type = #tpu.core_type<tc>, window_params = [{pipeline_mode = #tpu.pipeline_mode<synchronous>, transform_indices = @transform_0, window_bounds = array<i64: 1024, 1>}, {transform_indices = @transform_1, window_bounds = array<i64: 1, 128>}, {pipeline_mode = #tpu.pipeline_mode<synchronous>, transform_indices = @transform_2, window_bounds = array<i64: 1024, 128>}, {transform_indices = @transform_3, window_bounds = array<i64: 128, 128>}, {transform_indices = @transform_4, window_bounds = array<i64: 128, 1>}]} {
    %get3A = arith.constant 0 : index
    %get3A_0 = arith.constant 0 : index
    %get3A_1 = vector.load %arg1[%get3A, %get3A_0] : memref<1024x1xi32, #tpu.memory_space<vmem>>, vector<1024x1xi32>
    %get3A_2 = arith.constant 0 : index
    %get3A_3 = arith.constant 0 : index
    %get3A_4 = vector.load %arg2[%get3A_2, %get3A_3] : memref<1x128xi32, #tpu.memory_space<vmem>>, vector<1x128xi32>
    %get3A_5 = arith.constant 0 : index
    %get3A_6 = arith.constant 0 : index
    %get3A_7 = vector.load %arg3[%get3A_5, %get3A_6] : memref<1024x128xf32, #tpu.memory_space<vmem>>, vector<1024x128xf32>
    %eq3A = vector.broadcast %get3A_1 : vector<1024x1xi32> to vector<1024x128xi32>
    %eq3A_8 = vector.broadcast %get3A_4 : vector<1x128xi32> to vector<1024x128xi32>
    %eq3A_9 = arith.cmpi eq, %eq3A, %eq3A_8 : vector<1024x128xi32>
    %convert_element_type3A = arith.extui %eq3A_9 : vector<1024x128xi1> to vector<1024x128xi32>
    %convert_element_type3A_10 = arith.sitofp %convert_element_type3A : vector<1024x128xi32> to vector<1024x128xf32>
    %broadcast_in_dim3A = arith.constant 1.000000e+00 : f32
    %broadcast_in_dim3A_11 = vector.broadcast %broadcast_in_dim3A : f32 to vector<1024x1xf32>
    %dot_general3A = arith.constant dense<0.000000e+00> : vector<128x1xf32>
    %dot_general3A_12 = tpu.matmul %convert_element_type3A_10, %broadcast_in_dim3A_11, %dot_general3A {dimension_numbers = #tpu.dot_dimension_numbers<[0], [0], [1], [1], [0, 1, 1, 1], [], []>, transpose_lhs_hint = false} : vector<1024x128xf32>, vector<1024x1xf32>, vector<128x1xf32> -> vector<128x1xf32>
    %dot_general3A_13 = arith.constant dense<0.000000e+00> : vector<128x128xf32>
    %dot_general3A_14 = tpu.matmul %convert_element_type3A_10, %get3A_7, %dot_general3A_13 {dimension_numbers = #tpu.dot_dimension_numbers<[0], [0], [1], [1], [0, 1, 1, 1], [], []>, transpose_lhs_hint = false} : vector<1024x128xf32>, vector<1024x128xf32>, vector<128x128xf32> -> vector<128x128xf32>
    %div3A = vector.broadcast %dot_general3A_12 : vector<128x1xf32> to vector<128x128xf32>
    %div3A_15 = arith.divf %dot_general3A_14, %div3A : vector<128x128xf32>
    %mul3A = arith.mulf %div3A_15, %div3A_15 : vector<128x128xf32>
    %reduce_sum3A = arith.constant dense<0.000000e+00> : vector<128xf32>
    %reduce_sum3A_16 = vector.multi_reduction <add>, %mul3A, %reduce_sum3A [1] : vector<128x128xf32> to vector<128xf32>
    %broadcast_in_dim3A_17 = vector.shape_cast %reduce_sum3A_16 : vector<128xf32> to vector<128x1xf32>
    %sqrt3A = math.sqrt %broadcast_in_dim3A_17 : vector<128x1xf32>
    %max3A = arith.constant 9.99999996E-13 : f32
    %max3A_18 = vector.broadcast %max3A : f32 to vector<128x1xf32>
    %max3A_19 = arith.maximumf %sqrt3A, %max3A_18 : vector<128x1xf32>
    %div3A_20 = vector.broadcast %max3A_19 : vector<128x1xf32> to vector<128x128xf32>
    %div3A_21 = arith.divf %div3A_15, %div3A_20 : vector<128x128xf32>
    %swap3A = arith.constant 0 : index
    %swap3A_22 = arith.constant 0 : index
    %swap3A_23 = vector.load %arg4[%swap3A, %swap3A_22] : memref<128x128xf32, #tpu.memory_space<vmem>>, vector<128x128xf32>
    tpu.vector_store %arg4[%swap3A, %swap3A_22], %div3A_21 {strides = array<i32>} : memref<128x128xf32, #tpu.memory_space<vmem>>, vector<128x128xf32>,
    %div3A_24 = arith.constant 1.000000e+00 : f32
    %div3A_25 = vector.broadcast %div3A_24 : f32 to vector<128x1xf32>
    %div3A_26 = arith.divf %div3A_25, %dot_general3A_12 : vector<128x1xf32>
    %swap3A_27 = arith.constant 0 : index
    %swap3A_28 = arith.constant 0 : index
    %swap3A_29 = vector.load %arg5[%swap3A_27, %swap3A_28] : memref<128x1xf32, #tpu.memory_space<vmem>>, vector<128x1xf32>
    tpu.vector_store %arg5[%swap3A_27, %swap3A_28], %div3A_26 {strides = array<i32>} : memref<128x1xf32, #tpu.memory_space<vmem>>, vector<128x1xf32>,
    return
  }
  func.func @transform_0(%arg0: i32) -> (i32, i32) {
    %c0_i32 = arith.constant 0 : i32
    %c0_i32_0 = arith.constant 0 : i32
    %c0_i32_1 = arith.constant 0 : i32
    return %c0_i32, %c0_i32_0 : i32, i32
  }
  func.func @transform_1(%arg0: i32) -> (i32, i32) {
    %c0_i32 = arith.constant 0 : i32
    %c0_i32_0 = arith.constant 0 : i32
    return %c0_i32, %arg0 : i32, i32
  }
  func.func @transform_2(%arg0: i32) -> (i32, i32) {
    %c0_i32 = arith.constant 0 : i32
    %c0_i32_0 = arith.constant 0 : i32
    %c0_i32_1 = arith.constant 0 : i32
    return %c0_i32, %c0_i32_0 : i32, i32
  }
  func.func @transform_3(%arg0: i32) -> (i32, i32) {
    %c0_i32 = arith.constant 0 : i32
    %c0_i32_0 = arith.constant 0 : i32
    return %arg0, %c0_i32 : i32, i32
  }
  func.func @transform_4(%arg0: i32) -> (i32, i32) {
    %c0_i32 = arith.constant 0 : i32
    %c0_i32_0 = arith.constant 0 : i32
    return %arg0, %c0_i32 : i32, i32
  }
}

module attributes {stable_mosaic.version = 14 : i64} {
  func.func @_loss_body(%arg0: i32, %arg1: memref<128x128xf32, #tpu.memory_space<vmem>>, %arg2: memref<1024x128xf32, #tpu.memory_space<vmem>>, %arg3: memref<1024x1xf32, #tpu.memory_space<vmem>>, %arg4: memref<1024x128xf32, #tpu.memory_space<vmem>>, %arg5: memref<1x1x1xf32, #tpu.memory_space<vmem>>) attributes {dimension_semantics = [#tpu.dimension_semantics<arbitrary>], iteration_bounds = array<i64: 8>, scalar_prefetch = 0 : i64, scratch_operands = 0 : i64, tpu.core_type = #tpu.core_type<tc>, window_params = [{transform_indices = @transform_0, window_bounds = array<i64: 128, 128>}, {pipeline_mode = #tpu.pipeline_mode<synchronous>, transform_indices = @transform_1, window_bounds = array<i64: 1024, 128>}, {pipeline_mode = #tpu.pipeline_mode<synchronous>, transform_indices = @transform_2, window_bounds = array<i64: 1024, 1>}, {transform_indices = @transform_3, window_bounds = array<i64: 1024, 128>}, {transform_indices = @transform_4, window_bounds = array<i64: 1, 1, 1>}]} {
    %get3A = arith.constant 0 : index
    %get3A_0 = arith.constant 0 : index
    %get3A_1 = vector.load %arg1[%get3A, %get3A_0] : memref<128x128xf32, #tpu.memory_space<vmem>>, vector<128x128xf32>
    %get3A_2 = arith.constant 0 : index
    %get3A_3 = arith.constant 0 : index
    %get3A_4 = vector.load %arg2[%get3A_2, %get3A_3] : memref<1024x128xf32, #tpu.memory_space<vmem>>, vector<1024x128xf32>
    %get3A_5 = arith.constant 0 : index
    %get3A_6 = arith.constant 0 : index
    %get3A_7 = vector.load %arg3[%get3A_5, %get3A_6] : memref<1024x1xf32, #tpu.memory_space<vmem>>, vector<1024x1xf32>
    %get3A_8 = arith.constant 0 : index
    %get3A_9 = arith.constant 0 : index
    %get3A_10 = vector.load %arg4[%get3A_8, %get3A_9] : memref<1024x128xf32, #tpu.memory_space<vmem>>, vector<1024x128xf32>
    %mul3A = arith.mulf %get3A_1, %get3A_1 : vector<128x128xf32>
    %reduce_sum3A = arith.constant dense<0.000000e+00> : vector<128xf32>
    %reduce_sum3A_11 = vector.multi_reduction <add>, %mul3A, %reduce_sum3A [1] : vector<128x128xf32> to vector<128xf32>
    %broadcast_in_dim3A = vector.shape_cast %reduce_sum3A_11 : vector<128xf32> to vector<128x1xf32>
    %sqrt3A = math.sqrt %broadcast_in_dim3A : vector<128x1xf32>
    %max3A = arith.constant 9.99999996E-13 : f32
    %max3A_12 = vector.broadcast %max3A : f32 to vector<128x1xf32>
    %max3A_13 = arith.maximumf %sqrt3A, %max3A_12 : vector<128x1xf32>
    %div3A = vector.broadcast %max3A_13 : vector<128x1xf32> to vector<128x128xf32>
    %div3A_14 = arith.divf %get3A_1, %div3A : vector<128x128xf32>
    %dot_general3A = arith.constant dense<0.000000e+00> : vector<1024x128xf32>
    %dot_general3A_15 = tpu.matmul %get3A_4, %div3A_14, %dot_general3A {dimension_numbers = #tpu.dot_dimension_numbers<[1], [1], [0], [0], [0, 0, 1, 0], [], []>, transpose_lhs_hint = false} : vector<1024x128xf32>, vector<128x128xf32>, vector<1024x128xf32> -> vector<1024x128xf32>
    %mul3A_16 = arith.constant 1.600000e+01 : f32
    %mul3A_17 = vector.broadcast %mul3A_16 : f32 to vector<1024x128xf32>
    %mul3A_18 = arith.mulf %dot_general3A_15, %mul3A_17 : vector<1024x128xf32>
    %exp3A = math.exp %mul3A_18 : vector<1024x128xf32>
    %sub3A = arith.constant 1.000000e+00 : f32
    %sub3A_19 = vector.broadcast %sub3A : f32 to vector<1024x128xf32>
    %sub3A_20 = arith.subf %sub3A_19, %get3A_10 : vector<1024x128xf32>
    %mul3A_21 = vector.broadcast %get3A_7 : vector<1024x1xf32> to vector<1024x128xf32>
    %mul3A_22 = arith.mulf %mul3A_21, %sub3A_20 : vector<1024x128xf32>
    %mul3A_23 = arith.mulf %mul3A_22, %exp3A : vector<1024x128xf32>
    %reduce_sum3A_24 = arith.constant dense<0.000000e+00> : vector<128xf32>
    %reduce_sum3A_25 = vector.multi_reduction <add>, %mul3A_23, %reduce_sum3A_24 [0] : vector<1024x128xf32> to vector<128xf32>
    %broadcast_in_dim3A_26 = vector.shape_cast %reduce_sum3A_25 : vector<128xf32> to vector<1x128xf32>
    %mul3A_27 = vector.broadcast %get3A_7 : vector<1024x1xf32> to vector<1024x128xf32>
    %mul3A_28 = arith.mulf %mul3A_27, %get3A_10 : vector<1024x128xf32>
    %reduce_sum3A_29 = arith.constant dense<0.000000e+00> : vector<128xf32>
    %reduce_sum3A_30 = vector.multi_reduction <add>, %mul3A_28, %reduce_sum3A_29 [0] : vector<1024x128xf32> to vector<128xf32>
    %broadcast_in_dim3A_31 = vector.shape_cast %reduce_sum3A_30 : vector<128xf32> to vector<1x128xf32>
    %add3A = vector.broadcast %broadcast_in_dim3A_26 : vector<1x128xf32> to vector<1024x128xf32>
    %add3A_32 = arith.addf %add3A, %exp3A : vector<1024x128xf32>
    %log3A = math.log %add3A_32 : vector<1024x128xf32>
    %sub3A_33 = arith.subf %mul3A_18, %log3A : vector<1024x128xf32>
    %iota3A = tpu.iota {dimensions = array<i32: 0>} : vector<1024x128xi32>
    %iota3A_34 = tpu.iota {dimensions = array<i32: 1>} : vector<1024x128xi32>
    %mul3A_35 = arith.constant 128 : i32
    %mul3A_36 = arith.muli %arg0, %mul3A_35 : i32
    %add3A_37 = vector.broadcast %mul3A_36 : i32 to vector<1024x128xi32>
    %add3A_38 = arith.addi %iota3A_34, %add3A_37 : vector<1024x128xi32>
    %eq3A = arith.cmpi eq, %iota3A, %add3A_38 : vector<1024x128xi32>
    %jit3A = arith.constant 0.000000e+00 : f32
    %broadcast_in_dim3A_39 = vector.broadcast %jit3A : f32 to vector<1024x128xf32>
    %select_n3A = arith.select %eq3A, %sub3A_33, %broadcast_in_dim3A_39 : vector<1024x128xi1>, vector<1024x128xf32>
    %reduce_sum3A_40 = arith.constant dense<0.000000e+00> : vector<128xf32>
    %reduce_sum3A_41 = vector.multi_reduction <add>, %select_n3A, %reduce_sum3A_40 [0] : vector<1024x128xf32> to vector<128xf32>
    %broadcast_in_dim3A_42 = vector.shape_cast %reduce_sum3A_41 : vector<128xf32> to vector<1x128xf32>
    %mul3A_43 = vector.broadcast %get3A_7 : vector<1024x1xf32> to vector<1024x128xf32>
    %mul3A_44 = arith.mulf %mul3A_43, %get3A_10 : vector<1024x128xf32>
    %mul3A_45 = arith.mulf %mul3A_44, %sub3A_33 : vector<1024x128xf32>
    %reduce_sum3A_46 = arith.constant dense<0.000000e+00> : vector<128xf32>
    %reduce_sum3A_47 = vector.multi_reduction <add>, %mul3A_45, %reduce_sum3A_46 [0] : vector<1024x128xf32> to vector<128xf32>
    %broadcast_in_dim3A_48 = vector.shape_cast %reduce_sum3A_47 : vector<128xf32> to vector<1x128xf32>
    %mul3A_49 = arith.constant -0.899999976 : f32
    %mul3A_50 = vector.broadcast %mul3A_49 : f32 to vector<1x128xf32>
    %mul3A_51 = arith.mulf %mul3A_50, %broadcast_in_dim3A_42 : vector<1x128xf32>
    %div3A_52 = arith.constant 1.000000e-01 : f32
    %div3A_53 = vector.broadcast %div3A_52 : f32 to vector<1x128xf32>
    %div3A_54 = arith.divf %div3A_53, %broadcast_in_dim3A_31 : vector<1x128xf32>
    %mul3A_55 = arith.mulf %div3A_54, %broadcast_in_dim3A_48 : vector<1x128xf32>
    %sub3A_56 = arith.subf %mul3A_51, %mul3A_55 : vector<1x128xf32>
    %reduce_sum3A_57 = vector.shape_cast %sub3A_56 : vector<1x128xf32> to vector<1x1x128xf32>
    %reduce_sum3A_58 = arith.constant dense<0.000000e+00> : vector<1xf32>
    %reduce_sum3A_59 = vector.multi_reduction <add>, %reduce_sum3A_57, %reduce_sum3A_58 [1, 2] : vector<1x1x128xf32> to vector<1xf32>
    %reduce_sum3A_60 = vector.shape_cast %reduce_sum3A_59 : vector<1xf32> to vector<1x1x1xf32>
    %reduce_sum3A_61 = vector.extract %reduce_sum3A_60[0, 0, 0] : f32 from vector<1x1x1xf32>
    %mul3A_62 = arith.constant 9.765625E-4 : f32
    %mul3A_63 = arith.mulf %reduce_sum3A_61, %mul3A_62 : f32
    %reshape3A = vector.broadcast %mul3A_63 : f32 to vector<1x1x1xf32>
    %swap3A = arith.constant 0 : index
    %swap3A_64 = arith.constant 0 : index
    %swap3A_65 = arith.constant 0 : index
    %swap3A_66 = vector.load %arg5[%swap3A, %swap3A_64, %swap3A_65] : memref<1x1x1xf32, #tpu.memory_space<vmem>>, vector<1x1x1xf32>
    tpu.vector_store %arg5[%swap3A, %swap3A_64, %swap3A_65], %reshape3A {strides = array<i32>} : memref<1x1x1xf32, #tpu.memory_space<vmem>>, vector<1x1x1xf32>,
    return
  }
  func.func @transform_0(%arg0: i32) -> (i32, i32) {
    %c0_i32 = arith.constant 0 : i32
    %c0_i32_0 = arith.constant 0 : i32
    return %arg0, %c0_i32 : i32, i32
  }
  func.func @transform_1(%arg0: i32) -> (i32, i32) {
    %c0_i32 = arith.constant 0 : i32
    %c0_i32_0 = arith.constant 0 : i32
    %c0_i32_1 = arith.constant 0 : i32
    return %c0_i32, %c0_i32_0 : i32, i32
  }
  func.func @transform_2(%arg0: i32) -> (i32, i32) {
    %c0_i32 = arith.constant 0 : i32
    %c0_i32_0 = arith.constant 0 : i32
    %c0_i32_1 = arith.constant 0 : i32
    return %c0_i32, %c0_i32_0 : i32, i32
  }
  func.func @transform_3(%arg0: i32) -> (i32, i32) {
    %c0_i32 = arith.constant 0 : i32
    %c0_i32_0 = arith.constant 0 : i32
    return %c0_i32, %arg0 : i32, i32
  }
  func.func @transform_4(%arg0: i32) -> (i32, i32, i32) {
    %c0_i32 = arith.constant 0 : i32
    %c0_i32_0 = arith.constant 0 : i32
    %c0_i32_1 = arith.constant 0 : i32
    return %arg0, %c0_i32, %c0_i32_0 : i32, i32, i32
  }
}

</mosaic_0001>

<sc_bundles>
// kernel: kernel.5.cloned.1.call-start
scs
__scs_entry_jumppad:
0x0: {  	(pc) =	sbr.rel $0x88, $3  }
0x1: {  	(tag) =	ssettag $0x0;
	lr =	simm.s32 $0x1  }
0x2: {  	[smem:$0x3F9E] =	sst lr;
	_ =	strace $0xD0000000  }
0x3: {  	_ = 	snop  }
0x4: {  	_ = 	snop  }
0x5: {  	_ = 	snop  }
0x6: {  	_ = 	snop  }
0x7: {  	_ = 	snop  }
__scs_overlays_trampoline_lowered:
0x8: {  	[smem:$0x3FAD] =	sst s0  }
0x9: {  	[smem:$0x3FAE] =	sst s1  }
0xa: {  	[smem:$0x3FAF] =	sst s2  }
0xb: {  	[smem:$0x3FB0] =	sst s3  }
0xc: {  	[smem:$0x3FB1] =	sst s4  }
0xd: {  	[smem:$0x3FB2] =	sst s5  }
0xe: {  	[smem:$0x3FB3] =	sst s6  }
0xf: {  	[smem:$0x3FB4] =	sst s7  }
0x10: {  	[smem:$0x3FB5] =	sst s8  }
0x11: {  	[smem:$0x3FB6] =	sst s9;
	s0 =	simm.s32 @!p0 $0x0  }
0x12: {  	s1 =	sld [smem:$0x3F9C];
	s0 =	simm.s32 @p0 $0x1  }
0x13: {  	[smem:$0x3FB7] =	sst s0;
	s0 =	simm.s32 @!p1 $0x0  }
0x14: {  	s2 =	sld [smem:$0x3F9B];
	s0 =	simm.s32 @p1 $0x1  }
0x15: {  	[smem:$0x3FB8] =	sst s0;
	s0 =	simm.s32 @!p2 $0x0  }
0x16: {  	s3 =	sld [smem:$0x3FDB];
	s0 =	simm.s32 @p2 $0x1  }
0x17: {  	s4 =	simm.s32 $0x1BF5;
	[smem:$0x3FBA] =	sst s0  }
0x18: {  	s0 =	sld [smem:$0x3F9D];
	_ =	swait.ge [sflag:s4], $0x0  }
0x19: {  	s7 =	sld [smem:$0x3F9E]  }
0x1a: {  	s8 =	sadd.s32 $0xFFFFE003, lr  }
0x1b: {  	s9 =	sadd.s32 $0xFFFFFEF7, lr;
	s5 =	simm.s32 $0xFFFFFFFF;
	p2 =	slt.u32 s8, $0xFFFFF086  }
0x1c: {  	p1 =	slt.u32 s9, $0xF7A;
	s5 =	simm.s32 @!p2 $0x0  }
0x1d: {  	s5 =	simm.s32 @p1 $0x1;
	p0 =	seq.s32 s7, s2  }
0x1e: {  	s7 =	smul.u32 @!p0 $0xF7A, s2;
	p2 =	seq.s32 @!p0 s5, $0x0  }
0x1f: {  	s9 =	smul.u32 $0xF7A, s1;
	s8 =	simm.s32 @!p0 $0x1BF5;
	p2 =	por !p2, p0  }
0x20: {  	[sflag:s8] =	ssyncset.s32 @!p0 $0xFFFFF086;
	s6 =	sadd.s32 @!p0 s3, s7;
	s7 =	simm.s32 @!p0 $0x108  }
0x21: {  	s3 =	sadd.s32 s3, s9;
	s6 =	sadd.s32 @!p0 $0x88, s6;
	s7 =	simm.s32 @p2 $0x1082  }
0x22: {  	[simem:s7], [sflag:s8] =	dma.local @!p0 [hbm:s6], $0xF7A  }
0x23: {  	s9 =	sor.u32 $0xD0000000, s2;
	s6 =	simm.s32 $0x108;
	_ =	swait.ge @!p0 [sflag:s8], $0x0  }
0x24: {  	s3 =	sadd.s32 $0x88, s3;
	s6 =	simm.s32 @!p1 $0x1082;
	[sflag:s4] =	ssyncset.s32 $0xFFFFF086  }
0x25: {  	[simem:s6], [sflag:s4] =	dma.local [hbm:s3], $0xF7A  }
0x26: {  	[smem:$0x3F9E] =	sst s1;
	(tag) =	ssettag s2;
	_ =	strace s9  }
0x27: {  	s1 =	sld [smem:$0x3FAE]  }
0x28: {  	s2 =	sld [smem:$0x3FAF]  }
0x29: {  	s4 =	sld [smem:$0x3FB1]  }
0x2a: {  	p0 =	seq.s32 s5, $0x0;
	s5 =	sld [smem:$0x3FB2]  }
0x2b: {  	s6 =	sld [smem:$0x3FB3]  }
0x2c: {  	s7 =	sld [smem:$0x3FB4]  }
0x2d: {  	s3 =	simm.s32 $0x108;
	s8 =	sld [smem:$0x3FB5]  }
0x2e: {  	s3 =	simm.s32 @!p0 $0x1082;
	s9 =	sld [smem:$0x3FB6]  }
0x2f: {  	lr =	sadd.s32 s0, s3;
	s0 =	sld [smem:$0x3FAD]  }
0x30: {  	s3 =	sld [smem:$0x3FB0]  }
0x31: {  	[smem:$0x3FB9] =	sst s10  }
0x32: {  	s10 =	sld [smem:$0x3FB7];
	_ =	sdelay $0x3  }
0x33: {  	p0 =	seq.s32 s10, $0x1;
	s10 =	sld [smem:$0x3FB9];
	_ =	sdelay $0x3  }
0x34: {  	[smem:$0x3FB9] =	sst s10  }
0x35: {  	s10 =	sld [smem:$0x3FB8];
	_ =	sdelay $0x3  }
0x36: {  	p1 =	seq.s32 s10, $0x1;
	s10 =	sld [smem:$0x3FB9];
	_ =	sdelay $0x3  }
0x37: {  	[smem:$0x3FB9] =	sst s10  }
0x38: {  	s10 =	sld [smem:$0x3FBA]  }
0x39: {  	_ = 	snop;
	(pc) =	sbr.ind lr, $3  }
0x3a: {  	_ = 	snop  }
0x3b: {  	_ = 	snop  }
0x3c: {  	p2 =	seq.s32 s10, $0x1;
	s10 =	sld [smem:$0x3FB9]  }
0x3d: {  	_ =	shalt  }
0x3e: {  	_ =	shalt  }
0x3f: {  	_ =	shalt  }
0x40: {  	_ =	shalt  }
0x41: {  	_ =	shalt  }
0x42: {  	_ =	shalt  }
0x43: {  	_ =	shalt  }
0x44: {  	_ =	shalt  }
0x45: {  	_ =	shalt  }
0x46: {  	_ =	shalt  }
0x47: {  	_ =	shalt  }
0x48: {  	_ =	shalt  }
0x49: {  	_ =	shalt  }
0x4a: {  	_ =	shalt  }
0x4b: {  	_ =	shalt  }
0x4c: {  	_ =	shalt  }
0x4d: {  	_ =	shalt  }
0x4e: {  	_ =	shalt  }
0x4f: {  	_ =	shalt  }
0x50: {  	_ =	shalt  }
0x51: {  	_ =	shalt  }
0x52: {  	_ =	shalt  }
0x53: {  	_ =	shalt  }
0x54: {  	_ =	shalt  }
0x55: {  	_ =	shalt  }
0x56: {  	_ =	shalt  }
0x57: {  	_ =	shalt  }
0x58: {  	_ =	shalt  }
0x59: {  	_ =	shalt  }
0x5a: {  	_ =	shalt  }
0x5b: {  	_ =	shalt  }
0x5c: {  	_ =	shalt  }
0x5d: {  	_ =	shalt  }
0x5e: {  	_ =	shalt  }
0x5f: {  	_ =	shalt  }
0x60: {  	_ =	shalt  }
0x61: {  	_ =	shalt  }
0x62: {  	_ =	shalt  }
0x63: {  	_ =	shalt  }
0x64: {  	_ =	shalt  }
0x65: {  	_ =	shalt  }
0x66: {  	_ =	shalt  }
0x67: {  	_ =	shalt  }
0x68: {  	_ =	shalt  }
0x69: {  	_ =	shalt  }
0x6a: {  	_ =	shalt  }
0x6b: {  	_ =	shalt  }
0x6c: {  	_ =	shalt  }
0x6d: {  	_ =	shalt  }
0x6e: {  	_ =	shalt  }
0x6f: {  	_ =	shalt  }
0x70: {  	_ =	shalt  }
0x71: {  	_ =	shalt  }
0x72: {  	_ =	shalt  }
0x73: {  	_ =	shalt  }
0x74: {  	_ =	shalt  }
0x75: {  	_ =	shalt  }
0x76: {  	_ =	shalt  }
0x77: {  	_ =	shalt  }
0x78: {  	_ =	shalt  }
0x79: {  	_ =	shalt  }
0x7a: {  	_ =	shalt  }
0x7b: {  	_ =	shalt  }
0x7c: {  	_ =	shalt  }
0x7d: {  	_ =	shalt  }
0x7e: {  	_ =	shalt  }
0x7f: {  	_ =	shalt  }
0x80: {  	_ =	shalt  }
0x81: {  	_ =	shalt  }
0x82: {  	_ =	shalt  }
0x83: {  	_ =	shalt  }
0x84: {  	_ =	shalt  }
0x85: {  	_ =	shalt  }
0x86: {  	_ =	shalt  }
0x87: {  	_ =	shalt  }
.Lfunc_end0:
.L_simem_size_0:
called_computation_lowered:
.L_overlay_start_0:
0x88: {  	s2 =	sld [smem:$0x3FD9]  }
0x89: {  	s3 =	sld [smem:$0x3FFE];
	_ =	sdelay $0x1  }
0x8a: {  	s1 =	srdreg.scid  }
0x8b: {  	s0 =	sand.u32 $0x1, s1  }
0x8c: {  	s17 =	sshll.u32 s0, $0xA;
	s2 =	sadd.s32 s3, s2  }
0x8d: {  	s2 =	sadd.s32 s2, s17  }
0x8e: {  	[smem:$0x3FC5] =	sst s2  }
0x8f: {  	_ = 	snop  }
0x90: {  	s2 =	sld [smem:$0x3FC8]  }
0x91: {  	s18 =	sld [smem:$0x3FC7];
	(tm) =	ssettm $0x1  }
0x92: {  	s4 =	sld [smem:$0x3FFB];
	_ =	sdelay $0x3  }
0x93: {  	_ =	strace s4  }
0x94: {  	s4 =	sld [smem:$0x3FFC];
	_ =	sdelay $0x3  }
0x95: {  	_ =	strace s4  }
0x96: {  	s4 =	sld [smem:$0x3FFD];
	_ =	sdelay $0x3  }
0x97: {  	_ =	strace s4  }
0x98: {  	_ =	strace $0x8FFFFFFF  }
0x99: {  	s19 =	sld [smem:$0x3FDB];
	_ =	sdelay $0x1  }
0x9a: {  	s5 =	simm.s32 $_scs_section_size  }
0x9b: {  	s6 =	simm.s32 $_size__tile_overlayer_lowered;
	s7 =	simm.s32 $_tile_overlayer_lowered  }
0x9c: {  	s22 =	simm.s32 $0x1BFF;
	s21 =	sshll.u32 s7, $0x1;
	s4 =	sadd.s32 s5, s19  }
0x9d: {  	s8 =	simm.s32 $0x0;
	s20 =	sshll.u32 s6, $0x1;
	s6 =	sadd.s32 s21, s4  }
0x9e: {  	[timem:s8], [sflag:s22] =	dma.local [hbm:s6], s20  }
0x9f: {  	_ =	swait.ge [sflag:s22], s20  }
0xa0: {  	s5 =	ssub.s32 $0x0, s20;
	[sflag:s22] =	ssyncset.done $0x0  }
0xa1: {  	[sflag:s22] =	ssyncadd.s32 s5;
	_ =	sdelay $0x1  }
0xa2: {  	s23 =	simm.s32 $0x1B8B  }
0xa3: {  	_ =	swait.ge [sflag:s23], $0x1  }
0xa4: {  	[sflag:s23] =	ssyncset.done $0x0  }
0xa5: {  	s25 =	simm.s32 $0x1B8E;
	s24 =	sld [smem:$0x3FFE];
	[sflag:s23] =	ssyncadd.s32 $0xFFFFFFFF  }
0xa6: {  	s26 =	simm.s32 $execute0_lowered;
	[smem:$0x3FD2] =	sst s25  }
0xa7: {  	s6 =	sshll.u32 s26, $0x1;
	_ =	strace $0x80000046;
	[dreg:$0x1] =	wrdreg $0xFFFFFFFF  }
0xa8: {  	s28 =	simm.s32 $_size_execute0_lowered;
	s4 =	sadd.s32 s4, s6;
	[dreg:$0x0] =	wrdreg $0x0  }
0xa9: {  	s6 =	sshll.u32 s28, $0x1;
	[dreg:$0x2] =	wrdreg s4  }
0xaa: {  	[dreg:$0x3] =	wrdreg s6  }
0xab: {  	[dreg:$0x4] =	wrdreg $0xC0  }
0xac: {  	_ =	task [dreg:s8], $0x5FFFF  }
0xad: {  	[dreg:$0x1] =	wrdreg $0xFFFFFFFF  }
0xae: {  	[dreg:$0x0] =	wrdreg $0x60  }
0xaf: {  	[dreg:$0x2] =	wrdreg s18  }
0xb0: {  	[dreg:$0x3] =	wrdreg s2  }
0xb1: {  	[dreg:$0x4] =	wrdreg s24  }
0xb2: {  	[dreg:$0x5] =	wrdreg $0x9  }
0xb3: {  	_ =	task.clear_ibuf [dreg:s8], $0x6FFFF;
	_ =	strace $0x90000046  }
0xb4: {  	s29 =	simm.s32 $0x9;
	_ =	strace $0x80000048  }
0xb5: {  	_ =	swait.ge [sflag:s29], $0x1  }
0xb6: {  	[sflag:s29] =	ssyncadd.s32 $0xFFFFFFFF  }
0xb7: {  	_ =	strace $0x90000048  }
0xb8: {  	_ =	sfence  }
0xb9: {  	s30 =	sld [smem:$0x0];
	_ =	sdelay $0x2  }
0xba: {  	s31 =	sshll.u32 s1, $0xD;
	s1 =	sshrl.u32 s1, $0x2  }
0xbb: {  	s3 =	sand.u32 $0x4000, s31;
	s1 =	sadd.s32 s1, s30  }
0xbc: {  	s0 =	sor.u32 s3, s0;
	s1 =	sshll.u32 s1, $0x11  }
0xbd: {  	s0 =	sor.u32 s1, s0  }
0xbe: {  	s0 =	sadd.s32 $0x8F2B, s0  }
0xbf: {  	[sflag:s0] =	ssyncadd.remote.s32 $0x1  }
0xc0: {  	_ =	sfence.sel $0xFFFF  }
0xc1: {  	[dreg:$0x0] =	wrdreg $0xFFFFFFFF;
	(pc) =	sbr.abs _section_cstart, $3  }
0xc2: {  	[dreg:$0x1] =	wrdreg $0xFFFFFFFF  }
0xc3: {  	_ =	task.clear_ibuf [dreg:s8], $0x2FFFF;
	_ =	strace $0x9FFFFFFF  }
0xc4: {  	(tm) =	ssettm $0x7FFFFFFF  }
0xc5: {  	_ =	shalt  }
tec
execute0_lowered:
.L_overlay_start_1:
0x0: {  	(tag) =	ssettag $0x1  }
0x1: {  	v0 =	vimm.s32 $0xBA983210  }
0x2: {  	v1 =	vimm.s32 $0x13121110;
	v2 =	vimm.s32 $0x1B1A1918;
	vm0 =	vcmask $0x1F10  }
0x3: {  	v3 =	vimm.s32 $0x33323130;
	v4 =	vimm.s32 $0x23222120;
	v5 =	vimm.s32 $0x2B2A2928  }
0x4: {  	v6 =	vimm.s32 $0x1;
	v7 =	vimm.s32 $0x2;
	v8 =	vimm.s32 $0x3  }
0x5: {  	s0 =	rddreg [dreg:$0x0];
	v9 =	vimm.s32 $0x4;
	v10 =	vimm.s32 $0x5;
	v11 =	vimm.s32 $0x6  }
0x6: {  	s4 =	rddreg [dreg:$0x1];
	v12 =	vimm.s32 $0x7;
	v13 =	vimm.s32 $0x8;
	v14 =	vimm.s32 $0x9  }
0x7: {  	s5 =	rddreg [dreg:$0x2];
	v15 =	vimm.s32 $0xA;
	v16 =	vimm.s32 $0xB;
	v17 =	vimm.s32 $0xC  }
0x8: {  	s1 =	rddreg [dreg:$0x3];
	s6 =	srdreg.scid;
	v18 =	vimm.s32 $0xD;
	v19 =	vimm.s32 $0xE;
	v20 =	vimm.s32 $0xF  }
0x9: {  	s3 =	simm.s32 $0x0;
	s2 =	stileid.u32;
	v21 =	vimm.s32 $0x10;
	v22 =	vimm.s32 $0x11;
	v23 =	vimm.s32 $0x12;
	s14 =	simm.s32 $0x3  }
0xa: {  	v24 =	vimm.s32 $0x13;
	s15 =	simm.s32 $0x100;
	s16 =	simm.s32 $0x180;
	v25 =	vimm.s32 $0x14;
	v26 =	vimm.s32 $0x15;
	s17 =	simm.s32 $0x8180  }
0xb: {  	v27 =	vimm.s32 $0x16;
	s18 =	simm.s32 $0x1;
	s19 =	simm.s32 $0x80;
	v28 =	vimm.s32 $0x17;
	v29 =	vimm.s32 $0x18;
	s20 =	simm.s32 $0x200  }
0xc: {  	v30 =	vimm.s32 $0x19;
	s21 =	simm.s32 $0x400;
	s22 =	simm.s32 $0x10180;
	v31 =	vimm.s32 $0x1A;
	s23 =	simm.s32 $0x11180;
	v0 =	vunpack.c.l.s4.s8 v0  }
0xd: {  	v32 =	vimm.s32 $0x1B;
	s24 =	simm.s32 $0x2;
	s25 =	simm.s32 $0x0;
	v1 =	vunpack.c.0.s8.s32 v1;
	v2 =	vunpack.c.0.s8.s32 v2;
	s6 =	sand.u32 $0x1, s6  }
0xe: {  	v33 =	vimm.s32 $0x1C;
	v34 =	vimm.s32 $0x1D;
	[smem:$0x7FF] =	sst s3;
	s7 =	sshll.u32 s2, $0x6;
	s8 =	sshll.u32 s6, $0x5;
	v0 =	vunpack.c.0.s8.s32 v0  }
0xf: {  	_ =	strace $0x80000047;
	s6 =	ssub.s32 $0x2, s6;
	v1 =	vsel vm0, v2, v1;
	v2 =	vunpack.c.0.s8.s32 v3;
	v3 =	vimm.s32 $0x3B3A3938;
	s7 =	sor.u32 s8, s7  }
0x10: {  	v4 =	vunpack.c.0.s8.s32 v4;
	v5 =	vunpack.c.0.s8.s32 v5;
	s9 =	sshrl.u32 s6, $0x1;
	v3 =	vunpack.c.0.s8.s32 v3;
	s8 =	sshll.u32 s7, $0x7;
	s7 =	sshrl.u32 s7, $0x3  }
0x11: {  	v35 =	vimm.s32 $0x1E;
	v36 =	vimm.s32 $0x1F;
	s13 =	ssub.s32 s6, s9;
	v0 =	vand.u32 $0xF, v0;
	s12 =	sadd.s32 s8, s5;
	s4 =	sadd.s32 s4, s7  }
0x12: {  	s13 =	smax.u32 s13, $0x1;
	v0 =	vcombine.low v0, v1;
	v2 =	vsel vm0, v3, v2;
	v3 =	vsel vm0, v5, v4;
	s5 =	sadd.s32 $0x800, s12;
	s6 =	sadd.s32 $0x840, s12  }
0x13: {  	v1 =	vlaneseq.u32;
	vm0 =	vmmov $0xf;
	s7 =	sadd.s32 $0xC00, s12;
	s8 =	sadd.s32 $0xC40, s12;
	s9 =	sadd.s32 $0x1000, s12;
	v2 =	vcombine.low v3, v2  }
0x14: {  	s10 =	sadd.s32 $0x1040, s12;
	s11 =	sadd.s32 $0x1400, s12;
	s12 =	sadd.s32 $0x1440, s12;
	v3 =	vor.u32 $0x10, v1;
	v4 =	vor.u32 $0x20, v1;
	v5 =	vor.u32 $0x30, v1  }
.LBB2_1:
0x15: {  	[tilespmem:s3], [sflag:$0x3] =	stream.linear.gather [hbm4b:s4+s3], $0x20, $0x38;
	[tilespmem:$0x12180] =	vst v63  }
0x16: {  	_ =	swait.ge [sflag:s14], $0x20  }
0x17: {  	[sflag:s14] =	ssyncset.done $0x0  }
0x18: {  	[sflag:s14] =	ssyncadd.s32 $0xFFFFFFE0  }
0x19: {  	v37 =	vld [tilespmem:$0x0];
	_ =	sdelay $0x4  }
0x1a: {  	v37 =	vshrl.u32 v37, $0x3  }
0x1b: {  	[tilespmem:v0+s15+$0x0] =	vst.idx.msk $0xffff, v37  }
0x1c: {  	v37 =	vld [tilespmem:$0x0]  }
0x1d: {  	v38 =	vld [tilespmem:$0x10];
	_ =	sdelay $0x3  }
0x1e: {  	v37 =	vand.u32 $0x7, v37  }
0x1f: {  	v55 =	vshrl.u32 v38, $0x3;
	[tilespmem:$0x80] =	vst v37  }
0x20: {  	[tilespmem:v2+s15+$0x0] =	vst.idx.msk $0xffff, v55  }
0x21: {  	v37 =	vld.msk [tilespmem:$0x100], $0xf;
	_ =	sdelay $0x4  }
0x22: {  	v56 =	vld [tilespmem:$0x10];
	v37 =	vshll.u32 v37, $0xD  }
0x23: {  	v37 =	vperm.xlane v37, v1;
	_ =	sdelay $0x3  }
0x24: {  	v38 =	vand.u32 $0x7, v56  }
0x25: {  	[tilespmem:$0x90] =	vst v38  }
0x26: {  	[tilespmem:s16], [sflag:$0x1] =	stream.indirect_vreg.gather [hbm4b:s0+s3], $0x2000, v37, vm0, $0x38;
	[tilespmem:$0x12180] =	vst v63  }
0x27: {  	v37 =	vld.msk [tilespmem:$0x108], $0xf;
	_ =	sdelay $0x4  }
0x28: {  	v37 =	vshll.u32 v37, $0xD  }
0x29: {  	v37 =	vperm.xlane v37, v1;
	_ =	sdelay $0x5  }
0x2a: {  	[tilespmem:s17], [sflag:$0x1] =	stream.indirect_vreg.gather [hbm4b:s0+s3], $0x2000, v37, vm0, $0x38;
	[tilespmem:$0x12180] =	vst v63  }
0x2b: {  	_ =	swait.ge [sflag:s18], $0x8000  }
0x2c: {  	[sflag:s18] =	ssyncset.done $0x0  }
0x2d: {  	[sflag:s18] =	ssyncadd.s32 $0xFFFF8000  }
0x2e: {  	v57 =	vld.msk [tilespmem:s19+$0x0], $0xffff;
	_ =	sdelay $0x4  }
0x2f: {  	v39 =	vmov s3;
	v58 =	vshll.u32 v57, $0xA;
	v37 =	vshll.u32 v57, $0x7  }
0x30: {  	v40 =	vor.u32 s3, v1;
	v38 =	vand.u32 $0xFFFFE000, v58;
	v37 =	vand.u32 $0x380, v37  }
0x31: {  	v59 =	vand.u32 $0x4F, v40;
	v39 =	vshll.u32 v39, $0x3;
	v37 =	vor.u32 v38, v37  }
0x32: {  	v39 =	vand.u32 $0x1C00, v39;
	v38 =	vor.u32 v37, v59  }
0x33: {  	v38 =	vor.u32 v39, v38;
	_ =	sdelay $0x2  }
0x34: {  	v60 =	vor.u32 s3, v3  }
0x35: {  	v40 =	vand.u32 $0x5F, v60  }
0x36: {  	v40 =	vor.u32 v37, v40;
	v38 =	vld.idx.msk [tilespmem:v38+s16+$0x0], $0xffff  }
0x37: {  	v40 =	vor.u32 v39, v40;
	_ =	sdelay $0x1  }
0x38: {  	s26 =	sand.u32 $0x40, s3;
	s28 =	sand.u32 $0xE00, s3  }
0x39: {  	v41 =	vor.u32 s3, v4;
	s29 =	sor.u32 s26, s28  }
0x3a: {  	v61 =	vand.u32 $0x6F, v41;
	[tilespmem:s29+$0x10180] =	vst v38  }
0x3b: {  	v38 =	vor.u32 v37, v61;
	v40 =	vld.idx.msk [tilespmem:v40+s16+$0x0], $0xffff  }
0x3c: {  	v38 =	vor.u32 v39, v38;
	_ =	sdelay $0x3  }
0x3d: {  	v63 =	vor.u32 s3, v5;
	[tilespmem:s29+$0x10190] =	vst v40  }
0x3e: {  	v62 =	vld.idx.msk [tilespmem:v38+s16+$0x0], $0xffff;
	v38 =	vand.u32 $0x7F, v63  }
0x3f: {  	v38 =	vor.u32 v37, v38  }
0x40: {  	v38 =	vor.u32 v39, v38;
	_ =	sdelay $0x2  }
0x41: {  	s26 =	simm.s32 $0x40  }
0x42: {  	s30 =	simm.s32 $0x80;
	s28 =	simm.s32 $0x0;
	v40 =	vor.u32 s26, v1;
	v39 =	vmov s26;
	[tilespmem:s29+$0x101A0] =	vst v62  }
.LBB2_2:
0x43: {  	p0 =	sne.s32 s30, $0x3C0;
	v40 =	vand.u32 $0x4F, v40;
	v39 =	vshll.u32 v39, $0x3;
	v38 =	vld.idx.msk [tilespmem:v38+s16+$0x0], $0xffff  }
0x44: {  	v39 =	vand.u32 $0x1C00, v39;
	v40 =	vor.u32 v37, v40  }
0x45: {  	v40 =	vor.u32 v39, v40;
	_ =	sdelay $0x3  }
0x46: {  	v41 =	vor.u32 s26, v3;
	[tilespmem:s29+$0x101B0] =	vst v38  }
0x47: {  	v38 =	vld.idx.msk [tilespmem:v40+s16+$0x0], $0xffff;
	v40 =	vand.u32 $0x5F, v41  }
0x48: {  	v40 =	vor.u32 v37, v40  }
0x49: {  	v40 =	vor.u32 v39, v40  }
0x4a: {  	s28 =	sadd.s32 $0x100, s28  }
0x4b: {  	s31 =	sand.u32 $0xE00, s28;
	s29 =	sand.u32 $0x40, s26  }
0x4c: {  	s29 =	sor.u32 s29, s31  }
0x4d: {  	[tilespmem:s29+$0x10180] =	vst v38;
	v38 =	vor.u32 s26, v4  }
0x4e: {  	v40 =	vld.idx.msk [tilespmem:v40+s16+$0x0], $0xffff;
	v38 =	vand.u32 $0x6F, v38  }
0x4f: {  	v38 =	vor.u32 v37, v38  }
0x50: {  	v38 =	vor.u32 v39, v38;
	_ =	sdelay $0x3  }
0x51: {  	[tilespmem:s29+$0x10190] =	vst v40;
	v40 =	vor.u32 s26, v5;
	s26 =	smov.u32 s30  }
0x52: {  	v41 =	vld.idx.msk [tilespmem:v38+s16+$0x0], $0xffff;
	v38 =	vand.u32 $0x7F, v40  }
0x53: {  	v38 =	vor.u32 v37, v38  }
.Ltmp0:
0x54: {  	v38 =	vor.u32 v39, v38;
	(pc) =	sbr.rel @p0 .LBB2_2-.Ltmp0, $2  }
0x55: {  	_ =	sdelay $0x2  }
0x56: {  	s30 =	sadd.s32 $0x40, s30;
	v40 =	vor.u32 s26, v1;
	v39 =	vmov s26;
	[tilespmem:s29+$0x101A0] =	vst v41  }
0x57: {  	_ =	sdelay $0x2  }
0x58: {  	v40 =	vand.u32 $0x4F, v40;
	v39 =	vshll.u32 v39, $0x3  }
0x59: {  	v38 =	vld.idx.msk [tilespmem:v38+s16+$0x0], $0xffff;
	v39 =	vand.u32 $0x1C00, v39;
	v40 =	vor.u32 v37, v40  }
0x5a: {  	v40 =	vor.u32 v39, v40;
	_ =	sdelay $0x2  }
0x5b: {  	v41 =	vor.u32 s26, v3  }
0x5c: {  	v50 =	vand.u32 $0x5F, v41;
	[tilespmem:s29+$0x101B0] =	vst v38  }
0x5d: {  	v38 =	vor.u32 v37, v50;
	v40 =	vld.idx.msk [tilespmem:v40+s16+$0x0], $0xffff  }
0x5e: {  	v38 =	vor.u32 v39, v38  }
0x5f: {  	s28 =	sadd.s32 $0x100, s28  }
0x60: {  	s28 =	sand.u32 $0xE00, s28;
	s29 =	sand.u32 $0x40, s26  }
0x61: {  	v51 =	vor.u32 s26, v4;
	s28 =	sor.u32 s29, s28  }
0x62: {  	v52 =	vand.u32 $0x6F, v51;
	[tilespmem:s28+$0x10180] =	vst v40  }
0x63: {  	v40 =	vor.u32 v37, v52;
	v38 =	vld.idx.msk [tilespmem:v38+s16+$0x0], $0xffff  }
0x64: {  	v40 =	vor.u32 v39, v40;
	_ =	sdelay $0x2  }
0x65: {  	v53 =	vor.u32 s26, v5  }
0x66: {  	v54 =	vand.u32 $0x7F, v53;
	[tilespmem:s28+$0x10190] =	vst v38  }
0x67: {  	v55 =	vor.u32 v37, v54;
	v40 =	vld.idx.msk [tilespmem:v40+s16+$0x0], $0xffff  }
0x68: {  	v37 =	vor.u32 v39, v55;
	_ =	sdelay $0x3  }
0x69: {  	[tilespmem:s28+$0x101A0] =	vst v40  }
0x6a: {  	v37 =	vld.idx.msk [tilespmem:v37+s16+$0x0], $0xffff;
	_ =	sdelay $0x4  }
0x6b: {  	[tilespmem:s28+$0x101B0] =	vst v37  }
0x6c: {  	v37 =	vld.idx.msk [tilespmem:v6+s19+$0x0], $0xffff;
	_ =	sdelay $0x4  }
0x6d: {  	v56 =	vshll.u32 v37, $0xA;
	v37 =	vshll.u32 v37, $0x7  }
0x6e: {  	s26 =	simm.s32 $0x0;
	v38 =	vand.u32 $0xFFFFE000, v56;
	v37 =	vand.u32 $0x380, v37  }
0x6f: {  	v57 =	vmov s26;
	v58 =	vor.u32 s26, v1;
	v37 =	vor.u32 v37, v38  }
0x70: {  	v39 =	vand.u32 $0x4F, v58;
	v38 =	vshll.u32 v57, $0x3;
	v37 =	vadd.s32 $0x2000, v37  }
0x71: {  	v38 =	vand.u32 $0x1C00, v38;
	v39 =	vor.u32 v37, v39  }
0x72: {  	v39 =	vor.u32 v38, v39;
	_ =	sdelay $0x2  }
0x73: {  	v59 =	vor.u32 s26, v3  }
0x74: {  	v40 =	vand.u32 $0x5F, v59  }
0x75: {  	v40 =	vor.u32 v37, v40;
	v39 =	vld.idx.msk [tilespmem:v39+s16+$0x0], $0xffff  }
0x76: {  	v40 =	vor.u32 v38, v40;
	_ =	sdelay $0x1  }
0x77: {  	s29 =	sand.u32 $0xE00, s26;
	s28 =	sand.u32 $0x40, s26  }
0x78: {  	v60 =	vor.u32 s26, v4;
	s29 =	sor.u32 s28, s29  }
0x79: {  	v61 =	vand.u32 $0x6F, v60;
	[tilespmem:s29+$0x10200] =	vst v39  }
0x7a: {  	v39 =	vor.u32 v37, v61;
	v40 =	vld.idx.msk [tilespmem:v40+s16+$0x0], $0xffff  }
0x7b: {  	v39 =	vor.u32 v38, v39;
	_ =	sdelay $0x3  }
0x7c: {  	v63 =	vor.u32 s26, v5;
	[tilespmem:s29+$0x10210] =	vst v40  }
0x7d: {  	v62 =	vld.idx.msk [tilespmem:v39+s16+$0x0], $0xffff;
	v39 =	vand.u32 $0x7F, v63  }
0x7e: {  	v39 =	vor.u32 v37, v39  }
0x7f: {  	v38 =	vor.u32 v38, v39;
	_ =	sdelay $0x2  }
0x80: {  	s28 =	simm.s32 $0x40  }
0x81: {  	s30 =	simm.s32 $0x80;
	v40 =	vor.u32 s28, v1;
	v39 =	vmov s28;
	[tilespmem:s29+$0x10220] =	vst v62  }
.LBB2_4:
0x82: {  	p0 =	sne.s32 s30, $0x3C0;
	v40 =	vand.u32 $0x4F, v40;
	v39 =	vshll.u32 v39, $0x3;
	v38 =	vld.idx.msk [tilespmem:v38+s16+$0x0], $0xffff  }
0x83: {  	v39 =	vand.u32 $0x1C00, v39;
	v40 =	vor.u32 v37, v40  }
0x84: {  	v40 =	vor.u32 v39, v40;
	_ =	sdelay $0x3  }
0x85: {  	v41 =	vor.u32 s28, v3;
	[tilespmem:s29+$0x10230] =	vst v38  }
0x86: {  	v38 =	vld.idx.msk [tilespmem:v40+s16+$0x0], $0xffff;
	v40 =	vand.u32 $0x5F, v41  }
0x87: {  	v40 =	vor.u32 v37, v40  }
0x88: {  	v40 =	vor.u32 v39, v40  }
0x89: {  	s26 =	sadd.s32 $0x100, s26  }
0x8a: {  	s31 =	sand.u32 $0xE00, s26;
	s29 =	sand.u32 $0x40, s28  }
0x8b: {  	s29 =	sor.u32 s29, s31  }
0x8c: {  	[tilespmem:s29+$0x10200] =	vst v38;
	v38 =	vor.u32 s28, v4  }
0x8d: {  	v40 =	vld.idx.msk [tilespmem:v40+s16+$0x0], $0xffff;
	v38 =	vand.u32 $0x6F, v38  }
0x8e: {  	v38 =	vor.u32 v37, v38  }
0x8f: {  	v38 =	vor.u32 v39, v38;
	_ =	sdelay $0x3  }
0x90: {  	[tilespmem:s29+$0x10210] =	vst v40;
	v40 =	vor.u32 s28, v5;
	s28 =	smov.u32 s30  }
0x91: {  	v41 =	vld.idx.msk [tilespmem:v38+s16+$0x0], $0xffff;
	v38 =	vand.u32 $0x7F, v40  }
0x92: {  	v38 =	vor.u32 v37, v38  }
.Ltmp1:
0x93: {  	v38 =	vor.u32 v39, v38;
	(pc) =	sbr.rel @p0 .LBB2_4-.Ltmp1, $2  }
0x94: {  	_ =	sdelay $0x2  }
0x95: {  	s30 =	sadd.s32 $0x40, s30;
	v40 =	vor.u32 s28, v1;
	v39 =	vmov s28;
	[tilespmem:s29+$0x10220] =	vst v41  }
0x96: {  	_ =	sdelay $0x2  }
0x97: {  	v40 =	vand.u32 $0x4F, v40;
	v39 =	vshll.u32 v39, $0x3  }
0x98: {  	v38 =	vld.idx.msk [tilespmem:v38+s16+$0x0], $0xffff;
	v39 =	vand.u32 $0x1C00, v39;
	v40 =	vor.u32 v37, v40  }
0x99: {  	v40 =	vor.u32 v39, v40;
	_ =	sdelay $0x2  }
0x9a: {  	v41 =	vor.u32 s28, v3  }
0x9b: {  	v50 =	vand.u32 $0x5F, v41;
	[tilespmem:s29+$0x10230] =	vst v38  }
0x9c: {  	v38 =	vor.u32 v37, v50;
	v40 =	vld.idx.msk [tilespmem:v40+s16+$0x0], $0xffff  }
0x9d: {  	v38 =	vor.u32 v39, v38  }
0x9e: {  	s26 =	sadd.s32 $0x100, s26  }
0x9f: {  	s26 =	sand.u32 $0xE00, s26;
	s29 =	sand.u32 $0x40, s28  }
0xa0: {  	v51 =	vor.u32 s28, v4;
	s26 =	sor.u32 s29, s26  }
0xa1: {  	v52 =	vand.u32 $0x6F, v51;
	[tilespmem:s26+$0x10200] =	vst v40  }
0xa2: {  	v40 =	vor.u32 v37, v52;
	v38 =	vld.idx.msk [tilespmem:v38+s16+$0x0], $0xffff  }
0xa3: {  	v40 =	vor.u32 v39, v40;
	_ =	sdelay $0x2  }
0xa4: {  	v53 =	vor.u32 s28, v5  }
0xa5: {  	v54 =	vand.u32 $0x7F, v53;
	[tilespmem:s26+$0x10210] =	vst v38  }
0xa6: {  	v55 =	vor.u32 v37, v54;
	v40 =	vld.idx.msk [tilespmem:v40+s16+$0x0], $0xffff  }
0xa7: {  	v37 =	vor.u32 v39, v55;
	_ =	sdelay $0x3  }
0xa8: {  	[tilespmem:s26+$0x10220] =	vst v40  }
0xa9: {  	v37 =	vld.idx.msk [tilespmem:v37+s16+$0x0], $0xffff;
	_ =	sdelay $0x4  }
0xaa: {  	[tilespmem:s26+$0x10230] =	vst v37  }
0xab: {  	v37 =	vld.idx.msk [tilespmem:v7+s19+$0x0], $0xffff;
	_ =	sdelay $0x4  }
0xac: {  	v56 =	vshll.u32 v37, $0xA;
	v37 =	vshll.u32 v37, $0x7  }
0xad: {  	s26 =	simm.s32 $0x0;
	v38 =	vand.u32 $0xFFFFE000, v56;
	v37 =	vand.u32 $0x380, v37  }
0xae: {  	v57 =	vmov s26;
	v58 =	vor.u32 s26, v1;
	v37 =	vor.u32 v37, v38  }
0xaf: {  	v39 =	vand.u32 $0x4F, v58;
	v38 =	vshll.u32 v57, $0x3;
	v37 =	vadd.s32 $0x4000, v37  }
0xb0: {  	v38 =	vand.u32 $0x1C00, v38;
	v39 =	vor.u32 v37, v39  }
0xb1: {  	v39 =	vor.u32 v38, v39;
	_ =	sdelay $0x2  }
0xb2: {  	v59 =	vor.u32 s26, v3  }
0xb3: {  	v40 =	vand.u32 $0x5F, v59  }
0xb4: {  	p0 =	por $0x0, $0x0;
	s28 =	simm.s32 $0x1;
	v40 =	vor.u32 v37, v40;
	v39 =	vld.idx.msk [tilespmem:v39+s16+$0x0], $0xffff  }
0xb5: {  	s28 =	simm.s32 @!p0 $0x0;
	v40 =	vor.u32 v38, v40  }
0xb6: {  	s28 =	sshll.u32 s28, $0x6  }
0xb7: {  	s29 =	sadd.s32 $0x0, s28  }
0xb8: {  	s28 =	sor.u32 $0x100, s29;
	v60 =	vor.u32 s26, v4  }
0xb9: {  	v61 =	vand.u32 $0x6F, v60;
	[tilespmem:s28+$0x10180] =	vst v39  }
0xba: {  	v39 =	vor.u32 v37, v61;
	v40 =	vld.idx.msk [tilespmem:v40+s16+$0x0], $0xffff  }
0xbb: {  	v39 =	vor.u32 v38, v39;
	_ =	sdelay $0x2  }
0xbc: {  	s28 =	sor.u32 $0x110, s29  }
0xbd: {  	v63 =	vor.u32 s26, v5;
	[tilespmem:s28+$0x10180] =	vst v40  }
0xbe: {  	v62 =	vld.idx.msk [tilespmem:v39+s16+$0x0], $0xffff;
	v39 =	vand.u32 $0x7F, v63  }
0xbf: {  	v39 =	vor.u32 v37, v39  }
0xc0: {  	v38 =	vor.u32 v38, v39;
	_ =	sdelay $0x2  }
0xc1: {  	s31 =	sor.u32 $0x120, s29;
	s28 =	simm.s32 $0x40  }
0xc2: {  	s30 =	simm.s32 $0x80;
	v40 =	vor.u32 s28, v1;
	v39 =	vmov s28;
	[tilespmem:s31+$0x10180] =	vst v62  }
.LBB2_6:
0xc3: {  	p1 =	sne.s32 s30, $0x3C0;
	v40 =	vand.u32 $0x4F, v40;
	v39 =	vshll.u32 v39, $0x3;
	v38 =	vld.idx.msk [tilespmem:v38+s16+$0x0], $0xffff  }
0xc4: {  	v39 =	vand.u32 $0x1C00, v39;
	v40 =	vor.u32 v37, v40  }
0xc5: {  	v40 =	vor.u32 v39, v40;
	_ =	sdelay $0x2  }
0xc6: {  	s29 =	sor.u32 $0x130, s29  }
0xc7: {  	v41 =	vor.u32 s28, v3;
	[tilespmem:s29+$0x10180] =	vst v38  }
0xc8: {  	v38 =	vld.idx.msk [tilespmem:v40+s16+$0x0], $0xffff;
	v40 =	vand.u32 $0x5F, v41  }
0xc9: {  	p0 =	por !p0, !p0;
	s29 =	simm.s32 $0x1;
	v40 =	vor.u32 v37, v40  }
0xca: {  	s29 =	simm.s32 @!p0 $0x0;
	v40 =	vor.u32 v39, v40  }
0xcb: {  	s26 =	sadd.s32 $0x100, s26;
	s29 =	sshll.u32 s29, $0x6  }
0xcc: {  	s29 =	sadd.s32 s29, s26  }
0xcd: {  	s31 =	sor.u32 $0x100, s29  }
0xce: {  	[tilespmem:s31+$0x10180] =	vst v38;
	v38 =	vor.u32 s28, v4  }
0xcf: {  	v40 =	vld.idx.msk [tilespmem:v40+s16+$0x0], $0xffff;
	v38 =	vand.u32 $0x6F, v38  }
0xd0: {  	v38 =	vor.u32 v37, v38  }
0xd1: {  	v38 =	vor.u32 v39, v38;
	_ =	sdelay $0x2  }
0xd2: {  	s31 =	sor.u32 $0x110, s29  }
0xd3: {  	[tilespmem:s31+$0x10180] =	vst v40;
	v40 =	vor.u32 s28, v5;
	s28 =	smov.u32 s30  }
0xd4: {  	v41 =	vld.idx.msk [tilespmem:v38+s16+$0x0], $0xffff;
	v38 =	vand.u32 $0x7F, v40  }
0xd5: {  	v38 =	vor.u32 v37, v38  }
.Ltmp2:
0xd6: {  	v38 =	vor.u32 v39, v38;
	(pc) =	sbr.rel @p1 .LBB2_6-.Ltmp2, $3  }
0xd7: {  	_ =	sdelay $0x1  }
0xd8: {  	s31 =	sor.u32 $0x120, s29  }
0xd9: {  	s30 =	sadd.s32 $0x40, s30;
	v40 =	vor.u32 s28, v1;
	v39 =	vmov s28;
	[tilespmem:s31+$0x10180] =	vst v41  }
0xda: {  	_ =	sdelay $0x2  }
0xdb: {  	v40 =	vand.u32 $0x4F, v40;
	v39 =	vshll.u32 v39, $0x3  }
0xdc: {  	v38 =	vld.idx.msk [tilespmem:v38+s16+$0x0], $0xffff;
	v39 =	vand.u32 $0x1C00, v39;
	v40 =	vor.u32 v37, v40  }
0xdd: {  	v40 =	vor.u32 v39, v40;
	_ =	sdelay $0x2  }
0xde: {  	s29 =	sor.u32 $0x130, s29;
	v41 =	vor.u32 s28, v3  }
0xdf: {  	v50 =	vand.u32 $0x5F, v41;
	[tilespmem:s29+$0x10180] =	vst v38  }
0xe0: {  	p0 =	por !p0, !p0;
	v38 =	vor.u32 v37, v50;
	s29 =	simm.s32 $0x1;
	v40 =	vld.idx.msk [tilespmem:v40+s16+$0x0], $0xffff  }
0xe1: {  	s29 =	simm.s32 @!p0 $0x0;
	v38 =	vor.u32 v39, v38  }
0xe2: {  	s26 =	sadd.s32 $0x100, s26;
	s29 =	sshll.u32 s29, $0x6  }
0xe3: {  	s26 =	sadd.s32 s29, s26  }
0xe4: {  	v51 =	vor.u32 s28, v4;
	s29 =	sor.u32 $0x100, s26  }
0xe5: {  	v52 =	vand.u32 $0x6F, v51;
	[tilespmem:s29+$0x10180] =	vst v40  }
0xe6: {  	v40 =	vor.u32 v37, v52;
	v38 =	vld.idx.msk [tilespmem:v38+s16+$0x0], $0xffff  }
0xe7: {  	v40 =	vor.u32 v39, v40;
	_ =	sdelay $0x2  }
0xe8: {  	v53 =	vor.u32 s28, v5;
	s29 =	sor.u32 $0x110, s26  }
0xe9: {  	v54 =	vand.u32 $0x7F, v53;
	[tilespmem:s29+$0x10180] =	vst v38  }
0xea: {  	v55 =	vor.u32 v37, v54;
	v40 =	vld.idx.msk [tilespmem:v40+s16+$0x0], $0xffff  }
0xeb: {  	v37 =	vor.u32 v39, v55;
	_ =	sdelay $0x2  }
0xec: {  	s28 =	sor.u32 $0x120, s26  }
0xed: {  	[tilespmem:s28+$0x10180] =	vst v40  }
0xee: {  	v37 =	vld.idx.msk [tilespmem:v37+s16+$0x0], $0xffff;
	_ =	sdelay $0x3  }
0xef: {  	s26 =	sor.u32 $0x130, s26  }
0xf0: {  	[tilespmem:s26+$0x10180] =	vst v37  }
0xf1: {  	v37 =	vld.idx.msk [tilespmem:v8+s19+$0x0], $0xffff;
	_ =	sdelay $0x4  }
0xf2: {  	v56 =	vshll.u32 v37, $0xA;
	v37 =	vshll.u32 v37, $0x7  }
0xf3: {  	s26 =	simm.s32 $0x0;
	v38 =	vand.u32 $0xFFFFE000, v56;
	v37 =	vand.u32 $0x380, v37  }
0xf4: {  	v57 =	vmov s26;
	v58 =	vor.u32 s26, v1;
	v37 =	vor.u32 v37, v38  }
0xf5: {  	v39 =	vand.u32 $0x4F, v58;
	v38 =	vshll.u32 v57, $0x3;
	v37 =	vadd.s32 $0x6000, v37  }
0xf6: {  	v38 =	vand.u32 $0x1C00, v38;
	v39 =	vor.u32 v37, v39  }
0xf7: {  	v39 =	vor.u32 v38, v39;
	_ =	sdelay $0x2  }
0xf8: {  	v59 =	vor.u32 s26, v3  }
0xf9: {  	v40 =	vand.u32 $0x5F, v59  }
0xfa: {  	p0 =	por $0x0, $0x0;
	s28 =	simm.s32 $0x1;
	v40 =	vor.u32 v37, v40;
	v39 =	vld.idx.msk [tilespmem:v39+s16+$0x0], $0xffff  }
0xfb: {  	s28 =	simm.s32 @!p0 $0x0;
	v40 =	vor.u32 v38, v40  }
0xfc: {  	s28 =	sshll.u32 s28, $0x6  }
0xfd: {  	s29 =	sadd.s32 $0x0, s28  }
0xfe: {  	s28 =	sor.u32 $0x180, s29;
	v60 =	vor.u32 s26, v4  }
0xff: {  	v61 =	vand.u32 $0x6F, v60;
	[tilespmem:s28+$0x10180] =	vst v39  }
0x100: {  	v39 =	vor.u32 v37, v61;
	v40 =	vld.idx.msk [tilespmem:v40+s16+$0x0], $0xffff  }
0x101: {  	v39 =	vor.u32 v38, v39;
	_ =	sdelay $0x2  }
0x102: {  	s28 =	sor.u32 $0x190, s29  }
0x103: {  	v63 =	vor.u32 s26, v5;
	[tilespmem:s28+$0x10180] =	vst v40  }
0x104: {  	v62 =	vld.idx.msk [tilespmem:v39+s16+$0x0], $0xffff;
	v39 =	vand.u32 $0x7F, v63  }
0x105: {  	v39 =	vor.u32 v37, v39  }
0x106: {  	v38 =	vor.u32 v38, v39;
	_ =	sdelay $0x2  }
0x107: {  	s31 =	sor.u32 $0x1A0, s29;
	s28 =	simm.s32 $0x40  }
0x108: {  	s30 =	simm.s32 $0x80;
	v40 =	vor.u32 s28, v1;
	v39 =	vmov s28;
	[tilespmem:s31+$0x10180] =	vst v62  }
.LBB2_8:
0x109: {  	p1 =	sne.s32 s30, $0x3C0;
	v40 =	vand.u32 $0x4F, v40;
	v39 =	vshll.u32 v39, $0x3;
	v38 =	vld.idx.msk [tilespmem:v38+s16+$0x0], $0xffff  }
0x10a: {  	v39 =	vand.u32 $0x1C00, v39;
	v40 =	vor.u32 v37, v40  }
0x10b: {  	v40 =	vor.u32 v39, v40;
	_ =	sdelay $0x2  }
0x10c: {  	s29 =	sor.u32 $0x1B0, s29  }
0x10d: {  	v41 =	vor.u32 s28, v3;
	[tilespmem:s29+$0x10180] =	vst v38  }
0x10e: {  	v38 =	vld.idx.msk [tilespmem:v40+s16+$0x0], $0xffff;
	v40 =	vand.u32 $0x5F, v41  }
0x10f: {  	p0 =	por !p0, !p0;
	s29 =	simm.s32 $0x1;
	v40 =	vor.u32 v37, v40  }
0x110: {  	s29 =	simm.s32 @!p0 $0x0;
	v40 =	vor.u32 v39, v40  }
0x111: {  	s26 =	sadd.s32 $0x100, s26;
	s29 =	sshll.u32 s29, $0x6  }
0x112: {  	s29 =	sadd.s32 s29, s26  }
0x113: {  	s31 =	sor.u32 $0x180, s29  }
0x114: {  	[tilespmem:s31+$0x10180] =	vst v38;
	v38 =	vor.u32 s28, v4  }
0x115: {  	v40 =	vld.idx.msk [tilespmem:v40+s16+$0x0], $0xffff;
	v38 =	vand.u32 $0x6F, v38  }
0x116: {  	v38 =	vor.u32 v37, v38  }
0x117: {  	v38 =	vor.u32 v39, v38;
	_ =	sdelay $0x2  }
0x118: {  	s31 =	sor.u32 $0x190, s29  }
0x119: {  	[tilespmem:s31+$0x10180] =	vst v40;
	v40 =	vor.u32 s28, v5;
	s28 =	smov.u32 s30  }
0x11a: {  	v41 =	vld.idx.msk [tilespmem:v38+s16+$0x0], $0xffff;
	v38 =	vand.u32 $0x7F, v40  }
0x11b: {  	v38 =	vor.u32 v37, v38  }
.Ltmp3:
0x11c: {  	v38 =	vor.u32 v39, v38;
	(pc) =	sbr.rel @p1 .LBB2_8-.Ltmp3, $3  }
0x11d: {  	_ =	sdelay $0x1  }
0x11e: {  	s31 =	sor.u32 $0x1A0, s29  }
0x11f: {  	s30 =	sadd.s32 $0x40, s30;
	v40 =	vor.u32 s28, v1;
	v39 =	vmov s28;
	[tilespmem:s31+$0x10180] =	vst v41  }
0x120: {  	_ =	sdelay $0x2  }
0x121: {  	v40 =	vand.u32 $0x4F, v40;
	v39 =	vshll.u32 v39, $0x3  }
0x122: {  	v38 =	vld.idx.msk [tilespmem:v38+s16+$0x0], $0xffff;
	v39 =	vand.u32 $0x1C00, v39;
	v40 =	vor.u32 v37, v40  }
0x123: {  	v40 =	vor.u32 v39, v40;
	_ =	sdelay $0x2  }
0x124: {  	s29 =	sor.u32 $0x1B0, s29;
	v41 =	vor.u32 s28, v3  }
0x125: {  	v48 =	vand.u32 $0x5F, v41;
	[tilespmem:s29+$0x10180] =	vst v38  }
0x126: {  	p0 =	por !p0, !p0;
	v38 =	vor.u32 v37, v48;
	s29 =	simm.s32 $0x1;
	v40 =	vld.idx.msk [tilespmem:v40+s16+$0x0], $0xffff  }
0x127: {  	s29 =	simm.s32 @!p0 $0x0;
	v38 =	vor.u32 v39, v38  }
0x128: {  	s26 =	sadd.s32 $0x100, s26;
	s29 =	sshll.u32 s29, $0x6  }
0x129: {  	s26 =	sadd.s32 s29, s26  }
0x12a: {  	v49 =	vor.u32 s28, v4;
	s29 =	sor.u32 $0x180, s26  }
0x12b: {  	v50 =	vand.u32 $0x6F, v49;
	[tilespmem:s29+$0x10180] =	vst v40  }
0x12c: {  	v40 =	vor.u32 v37, v50;
	v38 =	vld.idx.msk [tilespmem:v38+s16+$0x0], $0xffff  }
0x12d: {  	v40 =	vor.u32 v39, v40;
	_ =	sdelay $0x2  }
0x12e: {  	v51 =	vor.u32 s28, v5;
	s29 =	sor.u32 $0x190, s26  }
0x12f: {  	v52 =	vand.u32 $0x7F, v51;
	[tilespmem:s29+$0x10180] =	vst v38  }
0x130: {  	v53 =	vor.u32 v37, v52;
	v40 =	vld.idx.msk [tilespmem:v40+s16+$0x0], $0xffff  }
0x131: {  	v37 =	vor.u32 v39, v53;
	_ =	sdelay $0x2  }
0x132: {  	s28 =	sor.u32 $0x1A0, s26  }
0x133: {  	[tilespmem:s28+$0x10180] =	vst v40  }
0x134: {  	v37 =	vld.idx.msk [tilespmem:v37+s16+$0x0], $0xffff;
	_ =	sdelay $0x3  }
0x135: {  	s26 =	sor.u32 $0x1B0, s26  }
0x136: {  	[tilespmem:s26+$0x10180] =	vst v37  }
0x137: {  	v37 =	vld.msk [tilespmem:$0x110], $0xf;
	_ =	sdelay $0x4  }
0x138: {  	v37 =	vshll.u32 v37, $0xD  }
0x139: {  	v37 =	vperm.xlane v37, v1;
	_ =	sdelay $0x4  }
0x13a: {  	s26 =	simm.s32 $0x0  }
0x13b: {  	[tilespmem:s16], [sflag:$0x1] =	stream.indirect_vreg.gather [hbm4b:s0+s26], $0x2000, v37, vm0, $0x38;
	[tilespmem:$0x12180] =	vst v63  }
0x13c: {  	_ = 	snop  }
0x13d: {  	[hbm4b:s5+s20] =	stream.strided.scatter [tilespmem:s22], [sflag:$0x2], $0x1000, s21, s20, $0x38;
	[tilespmem:$0x12180] =	vst v63  }
0x13e: {  	_ =	swait.ge [sflag:s18], $0x8000  }
0x13f: {  	[sflag:s18] =	ssyncset.done $0x0  }
0x140: {  	[sflag:s18] =	ssyncadd.s32 $0xFFFF8000  }
0x141: {  	v54 =	vld.idx.msk [tilespmem:v9+s19+$0x0], $0xffff;
	_ =	sdelay $0x4  }
0x142: {  	v56 =	vmov s26;
	v55 =	vshll.u32 v54, $0xA;
	v37 =	vshll.u32 v54, $0x7  }
0x143: {  	v57 =	vor.u32 s26, v1;
	v38 =	vand.u32 $0xFFFFE000, v55;
	v37 =	vand.u32 $0x380, v37  }
0x144: {  	v58 =	vand.u32 $0x4F, v57;
	v39 =	vshll.u32 v56, $0x3;
	v37 =	vor.u32 v38, v37  }
0x145: {  	v39 =	vand.u32 $0x1C00, v39;
	v38 =	vor.u32 v37, v58  }
0x146: {  	v38 =	vor.u32 v39, v38;
	_ =	sdelay $0x2  }
0x147: {  	v59 =	vor.u32 s26, v3  }
0x148: {  	v40 =	vand.u32 $0x5F, v59  }
0x149: {  	v40 =	vor.u32 v37, v40;
	v38 =	vld.idx.msk [tilespmem:v38+s17+$0x0], $0xffff  }
0x14a: {  	v40 =	vor.u32 v39, v40;
	_ =	sdelay $0x1  }
0x14b: {  	s28 =	sand.u32 $0x40, s26;
	s29 =	sand.u32 $0xE00, s26  }
0x14c: {  	v60 =	vor.u32 s26, v4;
	s29 =	sor.u32 s28, s29  }
0x14d: {  	v61 =	vand.u32 $0x6F, v60;
	[tilespmem:s29+$0x11180] =	vst v38  }
0x14e: {  	v38 =	vor.u32 v37, v61;
	v40 =	vld.idx.msk [tilespmem:v40+s17+$0x0], $0xffff  }
0x14f: {  	v38 =	vor.u32 v39, v38;
	_ =	sdelay $0x3  }
0x150: {  	v63 =	vor.u32 s26, v5;
	[tilespmem:s29+$0x11190] =	vst v40  }
0x151: {  	v62 =	vld.idx.msk [tilespmem:v38+s17+$0x0], $0xffff;
	v38 =	vand.u32 $0x7F, v63  }
0x152: {  	v38 =	vor.u32 v37, v38  }
0x153: {  	v38 =	vor.u32 v39, v38;
	_ =	sdelay $0x2  }
0x154: {  	s28 =	simm.s32 $0x40  }
0x155: {  	s30 =	simm.s32 $0x80;
	v40 =	vor.u32 s28, v1;
	v39 =	vmov s28;
	[tilespmem:s29+$0x111A0] =	vst v62  }
.LBB2_10:
0x156: {  	p0 =	sne.s32 s30, $0x3C0;
	v40 =	vand.u32 $0x4F, v40;
	v39 =	vshll.u32 v39, $0x3;
	v38 =	vld.idx.msk [tilespmem:v38+s17+$0x0], $0xffff  }
0x157: {  	v39 =	vand.u32 $0x1C00, v39;
	v40 =	vor.u32 v37, v40  }
0x158: {  	v40 =	vor.u32 v39, v40;
	_ =	sdelay $0x3  }
0x159: {  	v41 =	vor.u32 s28, v3;
	[tilespmem:s29+$0x111B0] =	vst v38  }
0x15a: {  	v38 =	vld.idx.msk [tilespmem:v40+s17+$0x0], $0xffff;
	v40 =	vand.u32 $0x5F, v41  }
0x15b: {  	v40 =	vor.u32 v37, v40  }
0x15c: {  	v40 =	vor.u32 v39, v40  }
0x15d: {  	s26 =	sadd.s32 $0x100, s26  }
0x15e: {  	s31 =	sand.u32 $0xE00, s26;
	s29 =	sand.u32 $0x40, s28  }
0x15f: {  	s29 =	sor.u32 s29, s31  }
0x160: {  	[tilespmem:s29+$0x11180] =	vst v38;
	v38 =	vor.u32 s28, v4  }
0x161: {  	v40 =	vld.idx.msk [tilespmem:v40+s17+$0x0], $0xffff;
	v38 =	vand.u32 $0x6F, v38  }
0x162: {  	v38 =	vor.u32 v37, v38  }
0x163: {  	v38 =	vor.u32 v39, v38;
	_ =	sdelay $0x3  }
0x164: {  	[tilespmem:s29+$0x11190] =	vst v40;
	v40 =	vor.u32 s28, v5;
	s28 =	smov.u32 s30  }
0x165: {  	v41 =	vld.idx.msk [tilespmem:v38+s17+$0x0], $0xffff;
	v38 =	vand.u32 $0x7F, v40  }
0x166: {  	v38 =	vor.u32 v37, v38  }
.Ltmp4:
0x167: {  	v38 =	vor.u32 v39, v38;
	(pc) =	sbr.rel @p0 .LBB2_10-.Ltmp4, $2  }
0x168: {  	_ =	sdelay $0x2  }
0x169: {  	s30 =	sadd.s32 $0x40, s30;
	v40 =	vor.u32 s28, v1;
	v39 =	vmov s28;
	[tilespmem:s29+$0x111A0] =	vst v41  }
0x16a: {  	_ =	sdelay $0x2  }
0x16b: {  	v40 =	vand.u32 $0x4F, v40;
	v39 =	vshll.u32 v39, $0x3  }
0x16c: {  	v38 =	vld.idx.msk [tilespmem:v38+s17+$0x0], $0xffff;
	v39 =	vand.u32 $0x1C00, v39;
	v40 =	vor.u32 v37, v40  }
0x16d: {  	v40 =	vor.u32 v39, v40;
	_ =	sdelay $0x2  }
0x16e: {  	v41 =	vor.u32 s28, v3  }
0x16f: {  	v50 =	vand.u32 $0x5F, v41;
	[tilespmem:s29+$0x111B0] =	vst v38  }
0x170: {  	v38 =	vor.u32 v37, v50;
	v40 =	vld.idx.msk [tilespmem:v40+s17+$0x0], $0xffff  }
0x171: {  	v38 =	vor.u32 v39, v38  }
0x172: {  	s26 =	sadd.s32 $0x100, s26  }
0x173: {  	s26 =	sand.u32 $0xE00, s26;
	s29 =	sand.u32 $0x40, s28  }
0x174: {  	v51 =	vor.u32 s28, v4;
	s26 =	sor.u32 s29, s26  }
0x175: {  	v52 =	vand.u32 $0x6F, v51;
	[tilespmem:s26+$0x11180] =	vst v40  }
0x176: {  	v40 =	vor.u32 v37, v52;
	v38 =	vld.idx.msk [tilespmem:v38+s17+$0x0], $0xffff  }
0x177: {  	v40 =	vor.u32 v39, v40;
	_ =	sdelay $0x2  }
0x178: {  	v53 =	vor.u32 s28, v5  }
0x179: {  	v54 =	vand.u32 $0x7F, v53;
	[tilespmem:s26+$0x11190] =	vst v38  }
0x17a: {  	v55 =	vor.u32 v37, v54;
	v40 =	vld.idx.msk [tilespmem:v40+s17+$0x0], $0xffff  }
0x17b: {  	v37 =	vor.u32 v39, v55;
	_ =	sdelay $0x3  }
0x17c: {  	[tilespmem:s26+$0x111A0] =	vst v40  }
0x17d: {  	v37 =	vld.idx.msk [tilespmem:v37+s17+$0x0], $0xffff;
	_ =	sdelay $0x4  }
0x17e: {  	[tilespmem:s26+$0x111B0] =	vst v37  }
0x17f: {  	v37 =	vld.idx.msk [tilespmem:v10+s19+$0x0], $0xffff;
	_ =	sdelay $0x4  }
0x180: {  	v56 =	vshll.u32 v37, $0xA;
	v37 =	vshll.u32 v37, $0x7  }
0x181: {  	s26 =	simm.s32 $0x0;
	v38 =	vand.u32 $0xFFFFE000, v56;
	v37 =	vand.u32 $0x380, v37  }
0x182: {  	v57 =	vmov s26;
	v58 =	vor.u32 s26, v1;
	v37 =	vor.u32 v37, v38  }
0x183: {  	v39 =	vand.u32 $0x4F, v58;
	v38 =	vshll.u32 v57, $0x3;
	v37 =	vadd.s32 $0x2000, v37  }
0x184: {  	v38 =	vand.u32 $0x1C00, v38;
	v39 =	vor.u32 v37, v39  }
0x185: {  	v39 =	vor.u32 v38, v39;
	_ =	sdelay $0x2  }
0x186: {  	v59 =	vor.u32 s26, v3  }
0x187: {  	v40 =	vand.u32 $0x5F, v59  }
0x188: {  	v40 =	vor.u32 v37, v40;
	v39 =	vld.idx.msk [tilespmem:v39+s17+$0x0], $0xffff  }
0x189: {  	v40 =	vor.u32 v38, v40;
	_ =	sdelay $0x1  }
0x18a: {  	s28 =	sand.u32 $0x40, s26;
	s29 =	sand.u32 $0xE00, s26  }
0x18b: {  	v60 =	vor.u32 s26, v4;
	s29 =	sor.u32 s28, s29  }
0x18c: {  	v61 =	vand.u32 $0x6F, v60;
	[tilespmem:s29+$0x11200] =	vst v39  }
0x18d: {  	v39 =	vor.u32 v37, v61;
	v40 =	vld.idx.msk [tilespmem:v40+s17+$0x0], $0xffff  }
0x18e: {  	v39 =	vor.u32 v38, v39;
	_ =	sdelay $0x3  }
0x18f: {  	v63 =	vor.u32 s26, v5;
	[tilespmem:s29+$0x11210] =	vst v40  }
0x190: {  	v62 =	vld.idx.msk [tilespmem:v39+s17+$0x0], $0xffff;
	v39 =	vand.u32 $0x7F, v63  }
0x191: {  	v39 =	vor.u32 v37, v39  }
0x192: {  	v38 =	vor.u32 v38, v39;
	_ =	sdelay $0x2  }
0x193: {  	s28 =	simm.s32 $0x40  }
0x194: {  	s30 =	simm.s32 $0x80;
	v40 =	vor.u32 s28, v1;
	v39 =	vmov s28;
	[tilespmem:s29+$0x11220] =	vst v62  }
.LBB2_12:
0x195: {  	p0 =	sne.s32 s30, $0x3C0;
	v40 =	vand.u32 $0x4F, v40;
	v39 =	vshll.u32 v39, $0x3;
	v38 =	vld.idx.msk [tilespmem:v38+s17+$0x0], $0xffff  }
0x196: {  	v39 =	vand.u32 $0x1C00, v39;
	v40 =	vor.u32 v37, v40  }
0x197: {  	v40 =	vor.u32 v39, v40;
	_ =	sdelay $0x3  }
0x198: {  	v41 =	vor.u32 s28, v3;
	[tilespmem:s29+$0x11230] =	vst v38  }
0x199: {  	v38 =	vld.idx.msk [tilespmem:v40+s17+$0x0], $0xffff;
	v40 =	vand.u32 $0x5F, v41  }
0x19a: {  	v40 =	vor.u32 v37, v40  }
0x19b: {  	v40 =	vor.u32 v39, v40  }
0x19c: {  	s26 =	sadd.s32 $0x100, s26  }
0x19d: {  	s31 =	sand.u32 $0xE00, s26;
	s29 =	sand.u32 $0x40, s28  }
0x19e: {  	s29 =	sor.u32 s29, s31  }
0x19f: {  	[tilespmem:s29+$0x11200] =	vst v38;
	v38 =	vor.u32 s28, v4  }
0x1a0: {  	v40 =	vld.idx.msk [tilespmem:v40+s17+$0x0], $0xffff;
	v38 =	vand.u32 $0x6F, v38  }
0x1a1: {  	v38 =	vor.u32 v37, v38  }
0x1a2: {  	v38 =	vor.u32 v39, v38;
	_ =	sdelay $0x3  }
0x1a3: {  	[tilespmem:s29+$0x11210] =	vst v40;
	v40 =	vor.u32 s28, v5;
	s28 =	smov.u32 s30  }
0x1a4: {  	v41 =	vld.idx.msk [tilespmem:v38+s17+$0x0], $0xffff;
	v38 =	vand.u32 $0x7F, v40  }
0x1a5: {  	v38 =	vor.u32 v37, v38  }
.Ltmp5:
0x1a6: {  	v38 =	vor.u32 v39, v38;
	(pc) =	sbr.rel @p0 .LBB2_12-.Ltmp5, $2  }
0x1a7: {  	_ =	sdelay $0x2  }
0x1a8: {  	s30 =	sadd.s32 $0x40, s30;
	v40 =	vor.u32 s28, v1;
	v39 =	vmov s28;
	[tilespmem:s29+$0x11220] =	vst v41  }
0x1a9: {  	_ =	sdelay $0x2  }
0x1aa: {  	v40 =	vand.u32 $0x4F, v40;
	v39 =	vshll.u32 v39, $0x3  }
0x1ab: {  	v38 =	vld.idx.msk [tilespmem:v38+s17+$0x0], $0xffff;
	v39 =	vand.u32 $0x1C00, v39;
	v40 =	vor.u32 v37, v40  }
0x1ac: {  	v40 =	vor.u32 v39, v40;
	_ =	sdelay $0x2  }
0x1ad: {  	v41 =	vor.u32 s28, v3  }
0x1ae: {  	v50 =	vand.u32 $0x5F, v41;
	[tilespmem:s29+$0x11230] =	vst v38  }
0x1af: {  	v38 =	vor.u32 v37, v50;
	v40 =	vld.idx.msk [tilespmem:v40+s17+$0x0], $0xffff  }
0x1b0: {  	v38 =	vor.u32 v39, v38  }
0x1b1: {  	s26 =	sadd.s32 $0x100, s26  }
0x1b2: {  	s26 =	sand.u32 $0xE00, s26;
	s29 =	sand.u32 $0x40, s28  }
0x1b3: {  	v51 =	vor.u32 s28, v4;
	s26 =	sor.u32 s29, s26  }
0x1b4: {  	v52 =	vand.u32 $0x6F, v51;
	[tilespmem:s26+$0x11200] =	vst v40  }
0x1b5: {  	v40 =	vor.u32 v37, v52;
	v38 =	vld.idx.msk [tilespmem:v38+s17+$0x0], $0xffff  }
0x1b6: {  	v40 =	vor.u32 v39, v40;
	_ =	sdelay $0x2  }
0x1b7: {  	v53 =	vor.u32 s28, v5  }
0x1b8: {  	v54 =	vand.u32 $0x7F, v53;
	[tilespmem:s26+$0x11210] =	vst v38  }
0x1b9: {  	v55 =	vor.u32 v37, v54;
	v40 =	vld.idx.msk [tilespmem:v40+s17+$0x0], $0xffff  }
0x1ba: {  	v37 =	vor.u32 v39, v55;
	_ =	sdelay $0x3  }
0x1bb: {  	[tilespmem:s26+$0x11220] =	vst v40  }
0x1bc: {  	v37 =	vld.idx.msk [tilespmem:v37+s17+$0x0], $0xffff;
	_ =	sdelay $0x4  }
0x1bd: {  	[tilespmem:s26+$0x11230] =	vst v37  }
0x1be: {  	v37 =	vld.idx.msk [tilespmem:v11+s19+$0x0], $0xffff;
	_ =	sdelay $0x4  }
0x1bf: {  	v56 =	vshll.u32 v37, $0xA;
	v37 =	vshll.u32 v37, $0x7  }
0x1c0: {  	s26 =	simm.s32 $0x0;
	v38 =	vand.u32 $0xFFFFE000, v56;
	v37 =	vand.u32 $0x380, v37  }
0x1c1: {  	v57 =	vmov s26;
	v58 =	vor.u32 s26, v1;
	v37 =	vor.u32 v37, v38  }
0x1c2: {  	v39 =	vand.u32 $0x4F, v58;
	v38 =	vshll.u32 v57, $0x3;
	v37 =	vadd.s32 $0x4000, v37  }
0x1c3: {  	v38 =	vand.u32 $0x1C00, v38;
	v39 =	vor.u32 v37, v39  }
0x1c4: {  	v39 =	vor.u32 v38, v39;
	_ =	sdelay $0x2  }
0x1c5: {  	v59 =	vor.u32 s26, v3  }
0x1c6: {  	v40 =	vand.u32 $0x5F, v59  }
0x1c7: {  	p0 =	por $0x0, $0x0;
	s28 =	simm.s32 $0x1;
	v40 =	vor.u32 v37, v40;
	v39 =	vld.idx.msk [tilespmem:v39+s17+$0x0], $0xffff  }
0x1c8: {  	s28 =	simm.s32 @!p0 $0x0;
	v40 =	vor.u32 v38, v40  }
0x1c9: {  	s28 =	sshll.u32 s28, $0x6  }
0x1ca: {  	s29 =	sadd.s32 $0x0, s28  }
0x1cb: {  	s28 =	sor.u32 $0x100, s29;
	v60 =	vor.u32 s26, v4  }
0x1cc: {  	v61 =	vand.u32 $0x6F, v60;
	[tilespmem:s28+$0x11180] =	vst v39  }
0x1cd: {  	v39 =	vor.u32 v37, v61;
	v40 =	vld.idx.msk [tilespmem:v40+s17+$0x0], $0xffff  }
0x1ce: {  	v39 =	vor.u32 v38, v39;
	_ =	sdelay $0x2  }
0x1cf: {  	s28 =	sor.u32 $0x110, s29  }
0x1d0: {  	v63 =	vor.u32 s26, v5;
	[tilespmem:s28+$0x11180] =	vst v40  }
0x1d1: {  	v62 =	vld.idx.msk [tilespmem:v39+s17+$0x0], $0xffff;
	v39 =	vand.u32 $0x7F, v63  }
0x1d2: {  	v39 =	vor.u32 v37, v39  }
0x1d3: {  	v38 =	vor.u32 v38, v39;
	_ =	sdelay $0x2  }
0x1d4: {  	s31 =	sor.u32 $0x120, s29;
	s28 =	simm.s32 $0x40  }
0x1d5: {  	s30 =	simm.s32 $0x80;
	v40 =	vor.u32 s28, v1;
	v39 =	vmov s28;
	[tilespmem:s31+$0x11180] =	vst v62  }
.LBB2_14:
0x1d6: {  	p1 =	sne.s32 s30, $0x3C0;
	v40 =	vand.u32 $0x4F, v40;
	v39 =	vshll.u32 v39, $0x3;
	v38 =	vld.idx.msk [tilespmem:v38+s17+$0x0], $0xffff  }
0x1d7: {  	v39 =	vand.u32 $0x1C00, v39;
	v40 =	vor.u32 v37, v40  }
0x1d8: {  	v40 =	vor.u32 v39, v40;
	_ =	sdelay $0x2  }
0x1d9: {  	s29 =	sor.u32 $0x130, s29  }
0x1da: {  	v41 =	vor.u32 s28, v3;
	[tilespmem:s29+$0x11180] =	vst v38  }
0x1db: {  	v38 =	vld.idx.msk [tilespmem:v40+s17+$0x0], $0xffff;
	v40 =	vand.u32 $0x5F, v41  }
0x1dc: {  	p0 =	por !p0, !p0;
	s29 =	simm.s32 $0x1;
	v40 =	vor.u32 v37, v40  }
0x1dd: {  	s29 =	simm.s32 @!p0 $0x0;
	v40 =	vor.u32 v39, v40  }
0x1de: {  	s26 =	sadd.s32 $0x100, s26;
	s29 =	sshll.u32 s29, $0x6  }
0x1df: {  	s29 =	sadd.s32 s29, s26  }
0x1e0: {  	s31 =	sor.u32 $0x100, s29  }
0x1e1: {  	[tilespmem:s31+$0x11180] =	vst v38;
	v38 =	vor.u32 s28, v4  }
0x1e2: {  	v40 =	vld.idx.msk [tilespmem:v40+s17+$0x0], $0xffff;
	v38 =	vand.u32 $0x6F, v38  }
0x1e3: {  	v38 =	vor.u32 v37, v38  }
0x1e4: {  	v38 =	vor.u32 v39, v38;
	_ =	sdelay $0x2  }
0x1e5: {  	s31 =	sor.u32 $0x110, s29  }
0x1e6: {  	[tilespmem:s31+$0x11180] =	vst v40;
	v40 =	vor.u32 s28, v5;
	s28 =	smov.u32 s30  }
0x1e7: {  	v41 =	vld.idx.msk [tilespmem:v38+s17+$0x0], $0xffff;
	v38 =	vand.u32 $0x7F, v40  }
0x1e8: {  	v38 =	vor.u32 v37, v38  }
.Ltmp6:
0x1e9: {  	v38 =	vor.u32 v39, v38;
	(pc) =	sbr.rel @p1 .LBB2_14-.Ltmp6, $3  }
0x1ea: {  	_ =	sdelay $0x1  }
0x1eb: {  	s31 =	sor.u32 $0x120, s29  }
0x1ec: {  	s30 =	sadd.s32 $0x40, s30;
	v40 =	vor.u32 s28, v1;
	v39 =	vmov s28;
	[tilespmem:s31+$0x11180] =	vst v41  }
0x1ed: {  	_ =	sdelay $0x2  }
0x1ee: {  	v40 =	vand.u32 $0x4F, v40;
	v39 =	vshll.u32 v39, $0x3  }
0x1ef: {  	v38 =	vld.idx.msk [tilespmem:v38+s17+$0x0], $0xffff;
	v39 =	vand.u32 $0x1C00, v39;
	v40 =	vor.u32 v37, v40  }
0x1f0: {  	v40 =	vor.u32 v39, v40;
	_ =	sdelay $0x2  }
0x1f1: {  	s29 =	sor.u32 $0x130, s29;
	v41 =	vor.u32 s28, v3  }
0x1f2: {  	v50 =	vand.u32 $0x5F, v41;
	[tilespmem:s29+$0x11180] =	vst v38  }
0x1f3: {  	p0 =	por !p0, !p0;
	v38 =	vor.u32 v37, v50;
	s29 =	simm.s32 $0x1;
	v40 =	vld.idx.msk [tilespmem:v40+s17+$0x0], $0xffff  }
0x1f4: {  	s29 =	simm.s32 @!p0 $0x0;
	v38 =	vor.u32 v39, v38  }
0x1f5: {  	s26 =	sadd.s32 $0x100, s26;
	s29 =	sshll.u32 s29, $0x6  }
0x1f6: {  	s26 =	sadd.s32 s29, s26  }
0x1f7: {  	v51 =	vor.u32 s28, v4;
	s29 =	sor.u32 $0x100, s26  }
0x1f8: {  	v52 =	vand.u32 $0x6F, v51;
	[tilespmem:s29+$0x11180] =	vst v40  }
0x1f9: {  	v40 =	vor.u32 v37, v52;
	v38 =	vld.idx.msk [tilespmem:v38+s17+$0x0], $0xffff  }
0x1fa: {  	v40 =	vor.u32 v39, v40;
	_ =	sdelay $0x2  }
0x1fb: {  	v53 =	vor.u32 s28, v5;
	s29 =	sor.u32 $0x110, s26  }
0x1fc: {  	v54 =	vand.u32 $0x7F, v53;
	[tilespmem:s29+$0x11180] =	vst v38  }
0x1fd: {  	v55 =	vor.u32 v37, v54;
	v40 =	vld.idx.msk [tilespmem:v40+s17+$0x0], $0xffff  }
0x1fe: {  	v37 =	vor.u32 v39, v55;
	_ =	sdelay $0x2  }
0x1ff: {  	s28 =	sor.u32 $0x120, s26  }
0x200: {  	[tilespmem:s28+$0x11180] =	vst v40  }
0x201: {  	v37 =	vld.idx.msk [tilespmem:v37+s17+$0x0], $0xffff;
	_ =	sdelay $0x3  }
0x202: {  	s26 =	sor.u32 $0x130, s26  }
0x203: {  	[tilespmem:s26+$0x11180] =	vst v37  }
0x204: {  	v37 =	vld.idx.msk [tilespmem:v12+s19+$0x0], $0xffff;
	_ =	sdelay $0x4  }
0x205: {  	v56 =	vshll.u32 v37, $0xA;
	v37 =	vshll.u32 v37, $0x7  }
0x206: {  	s26 =	simm.s32 $0x0;
	v38 =	vand.u32 $0xFFFFE000, v56;
	v37 =	vand.u32 $0x380, v37  }
0x207: {  	v57 =	vmov s26;
	v58 =	vor.u32 s26, v1;
	v37 =	vor.u32 v37, v38  }
0x208: {  	v39 =	vand.u32 $0x4F, v58;
	v38 =	vshll.u32 v57, $0x3;
	v37 =	vadd.s32 $0x6000, v37  }
0x209: {  	v38 =	vand.u32 $0x1C00, v38;
	v39 =	vor.u32 v37, v39  }
0x20a: {  	v39 =	vor.u32 v38, v39;
	_ =	sdelay $0x2  }
0x20b: {  	v59 =	vor.u32 s26, v3  }
0x20c: {  	v40 =	vand.u32 $0x5F, v59  }
0x20d: {  	p0 =	por $0x0, $0x0;
	s28 =	simm.s32 $0x1;
	v40 =	vor.u32 v37, v40;
	v39 =	vld.idx.msk [tilespmem:v39+s17+$0x0], $0xffff  }
0x20e: {  	s28 =	simm.s32 @!p0 $0x0;
	v40 =	vor.u32 v38, v40  }
0x20f: {  	s28 =	sshll.u32 s28, $0x6  }
0x210: {  	s29 =	sadd.s32 $0x0, s28  }
0x211: {  	s28 =	sor.u32 $0x180, s29;
	v60 =	vor.u32 s26, v4  }
0x212: {  	v61 =	vand.u32 $0x6F, v60;
	[tilespmem:s28+$0x11180] =	vst v39  }
0x213: {  	v39 =	vor.u32 v37, v61;
	v40 =	vld.idx.msk [tilespmem:v40+s17+$0x0], $0xffff  }
0x214: {  	v39 =	vor.u32 v38, v39;
	_ =	sdelay $0x2  }
0x215: {  	s28 =	sor.u32 $0x190, s29  }
0x216: {  	v63 =	vor.u32 s26, v5;
	[tilespmem:s28+$0x11180] =	vst v40  }
0x217: {  	v62 =	vld.idx.msk [tilespmem:v39+s17+$0x0], $0xffff;
	v39 =	vand.u32 $0x7F, v63  }
0x218: {  	v39 =	vor.u32 v37, v39  }
0x219: {  	v38 =	vor.u32 v38, v39;
	_ =	sdelay $0x2  }
0x21a: {  	s31 =	sor.u32 $0x1A0, s29;
	s28 =	simm.s32 $0x40  }
0x21b: {  	s30 =	simm.s32 $0x80;
	v40 =	vor.u32 s28, v1;
	v39 =	vmov s28;
	[tilespmem:s31+$0x11180] =	vst v62  }
.LBB2_16:
0x21c: {  	p1 =	sne.s32 s30, $0x3C0;
	v40 =	vand.u32 $0x4F, v40;
	v39 =	vshll.u32 v39, $0x3;
	v38 =	vld.idx.msk [tilespmem:v38+s17+$0x0], $0xffff  }
0x21d: {  	v39 =	vand.u32 $0x1C00, v39;
	v40 =	vor.u32 v37, v40  }
0x21e: {  	v40 =	vor.u32 v39, v40;
	_ =	sdelay $0x2  }
0x21f: {  	s29 =	sor.u32 $0x1B0, s29  }
0x220: {  	v41 =	vor.u32 s28, v3;
	[tilespmem:s29+$0x11180] =	vst v38  }
0x221: {  	v38 =	vld.idx.msk [tilespmem:v40+s17+$0x0], $0xffff;
	v40 =	vand.u32 $0x5F, v41  }
0x222: {  	p0 =	por !p0, !p0;
	s29 =	simm.s32 $0x1;
	v40 =	vor.u32 v37, v40  }
0x223: {  	s29 =	simm.s32 @!p0 $0x0;
	v40 =	vor.u32 v39, v40  }
0x224: {  	s26 =	sadd.s32 $0x100, s26;
	s29 =	sshll.u32 s29, $0x6  }
0x225: {  	s29 =	sadd.s32 s29, s26  }
0x226: {  	s31 =	sor.u32 $0x180, s29  }
0x227: {  	[tilespmem:s31+$0x11180] =	vst v38;
	v38 =	vor.u32 s28, v4  }
0x228: {  	v40 =	vld.idx.msk [tilespmem:v40+s17+$0x0], $0xffff;
	v38 =	vand.u32 $0x6F, v38  }
0x229: {  	v38 =	vor.u32 v37, v38  }
0x22a: {  	v38 =	vor.u32 v39, v38;
	_ =	sdelay $0x2  }
0x22b: {  	s31 =	sor.u32 $0x190, s29  }
0x22c: {  	[tilespmem:s31+$0x11180] =	vst v40;
	v40 =	vor.u32 s28, v5;
	s28 =	smov.u32 s30  }
0x22d: {  	v41 =	vld.idx.msk [tilespmem:v38+s17+$0x0], $0xffff;
	v38 =	vand.u32 $0x7F, v40  }
0x22e: {  	v38 =	vor.u32 v37, v38  }
.Ltmp7:
0x22f: {  	v38 =	vor.u32 v39, v38;
	(pc) =	sbr.rel @p1 .LBB2_16-.Ltmp7, $3  }
0x230: {  	_ =	sdelay $0x1  }
0x231: {  	s31 =	sor.u32 $0x1A0, s29  }
0x232: {  	s30 =	sadd.s32 $0x40, s30;
	v40 =	vor.u32 s28, v1;
	v39 =	vmov s28;
	[tilespmem:s31+$0x11180] =	vst v41  }
0x233: {  	_ =	sdelay $0x2  }
0x234: {  	v40 =	vand.u32 $0x4F, v40;
	v39 =	vshll.u32 v39, $0x3  }
0x235: {  	v38 =	vld.idx.msk [tilespmem:v38+s17+$0x0], $0xffff;
	v39 =	vand.u32 $0x1C00, v39;
	v40 =	vor.u32 v37, v40  }
0x236: {  	v40 =	vor.u32 v39, v40;
	_ =	sdelay $0x2  }
0x237: {  	s29 =	sor.u32 $0x1B0, s29;
	v41 =	vor.u32 s28, v3  }
0x238: {  	v48 =	vand.u32 $0x5F, v41;
	[tilespmem:s29+$0x11180] =	vst v38  }
0x239: {  	p0 =	por !p0, !p0;
	v38 =	vor.u32 v37, v48;
	s29 =	simm.s32 $0x1;
	v40 =	vld.idx.msk [tilespmem:v40+s17+$0x0], $0xffff  }
0x23a: {  	s29 =	simm.s32 @!p0 $0x0;
	v38 =	vor.u32 v39, v38  }
0x23b: {  	s26 =	sadd.s32 $0x100, s26;
	s29 =	sshll.u32 s29, $0x6  }
0x23c: {  	s26 =	sadd.s32 s29, s26  }
0x23d: {  	v49 =	vor.u32 s28, v4;
	s29 =	sor.u32 $0x180, s26  }
0x23e: {  	v50 =	vand.u32 $0x6F, v49;
	[tilespmem:s29+$0x11180] =	vst v40  }
0x23f: {  	v40 =	vor.u32 v37, v50;
	v38 =	vld.idx.msk [tilespmem:v38+s17+$0x0], $0xffff  }
0x240: {  	v40 =	vor.u32 v39, v40;
	_ =	sdelay $0x2  }
0x241: {  	v51 =	vor.u32 s28, v5;
	s29 =	sor.u32 $0x190, s26  }
0x242: {  	v52 =	vand.u32 $0x7F, v51;
	[tilespmem:s29+$0x11180] =	vst v38  }
0x243: {  	v53 =	vor.u32 v37, v52;
	v40 =	vld.idx.msk [tilespmem:v40+s17+$0x0], $0xffff  }
0x244: {  	v37 =	vor.u32 v39, v53;
	_ =	sdelay $0x2  }
0x245: {  	s28 =	sor.u32 $0x1A0, s26  }
0x246: {  	[tilespmem:s28+$0x11180] =	vst v40  }
0x247: {  	v37 =	vld.idx.msk [tilespmem:v37+s17+$0x0], $0xffff;
	_ =	sdelay $0x3  }
0x248: {  	s26 =	sor.u32 $0x1B0, s26  }
0x249: {  	[tilespmem:s26+$0x11180] =	vst v37  }
0x24a: {  	v37 =	vld.msk [tilespmem:$0x118], $0xf;
	_ =	sdelay $0x4  }
0x24b: {  	v37 =	vshll.u32 v37, $0xD  }
0x24c: {  	v37 =	vperm.xlane v37, v1;
	_ =	sdelay $0x4  }
0x24d: {  	s26 =	simm.s32 $0x0  }
0x24e: {  	[tilespmem:s17], [sflag:$0x1] =	stream.indirect_vreg.gather [hbm4b:s0+s26], $0x2000, v37, vm0, $0x38;
	[tilespmem:$0x12180] =	vst v63  }
0x24f: {  	_ = 	snop  }
0x250: {  	[hbm4b:s6+s20] =	stream.strided.scatter [tilespmem:s23], [sflag:$0x2], $0x1000, s21, s20, $0x38;
	[tilespmem:$0x12180] =	vst v63  }
0x251: {  	_ =	swait.ge [sflag:s18], $0x8000  }
0x252: {  	[sflag:s18] =	ssyncset.done $0x0  }
0x253: {  	[sflag:s18] =	ssyncadd.s32 $0xFFFF8000  }
0x254: {  	_ =	swait.ge [sflag:s24], $0x1000  }
0x255: {  	[sflag:s24] =	ssyncset.done $0x0  }
0x256: {  	[sflag:s24] =	ssyncadd.s32 $0xFFFFF000  }
0x257: {  	v54 =	vld.idx.msk [tilespmem:v13+s19+$0x0], $0xffff;
	_ =	sdelay $0x4  }
0x258: {  	v56 =	vmov s26;
	v55 =	vshll.u32 v54, $0xA;
	v37 =	vshll.u32 v54, $0x7  }
0x259: {  	v57 =	vor.u32 s26, v1;
	v38 =	vand.u32 $0xFFFFE000, v55;
	v37 =	vand.u32 $0x380, v37  }
0x25a: {  	v58 =	vand.u32 $0x4F, v57;
	v39 =	vshll.u32 v56, $0x3;
	v37 =	vor.u32 v38, v37  }
0x25b: {  	v39 =	vand.u32 $0x1C00, v39;
	v38 =	vor.u32 v37, v58  }
0x25c: {  	v38 =	vor.u32 v39, v38;
	_ =	sdelay $0x2  }
0x25d: {  	v59 =	vor.u32 s26, v3  }
0x25e: {  	v40 =	vand.u32 $0x5F, v59  }
0x25f: {  	v40 =	vor.u32 v37, v40;
	v38 =	vld.idx.msk [tilespmem:v38+s16+$0x0], $0xffff  }
0x260: {  	v40 =	vor.u32 v39, v40;
	_ =	sdelay $0x1  }
0x261: {  	s28 =	sand.u32 $0x40, s26;
	s29 =	sand.u32 $0xE00, s26  }
0x262: {  	v60 =	vor.u32 s26, v4;
	s29 =	sor.u32 s28, s29  }
0x263: {  	v61 =	vand.u32 $0x6F, v60;
	[tilespmem:s29+$0x10180] =	vst v38  }
0x264: {  	v38 =	vor.u32 v37, v61;
	v40 =	vld.idx.msk [tilespmem:v40+s16+$0x0], $0xffff  }
0x265: {  	v38 =	vor.u32 v39, v38;
	_ =	sdelay $0x3  }
0x266: {  	v63 =	vor.u32 s26, v5;
	[tilespmem:s29+$0x10190] =	vst v40  }
0x267: {  	v62 =	vld.idx.msk [tilespmem:v38+s16+$0x0], $0xffff;
	v38 =	vand.u32 $0x7F, v63  }
0x268: {  	v38 =	vor.u32 v37, v38  }
0x269: {  	v38 =	vor.u32 v39, v38;
	_ =	sdelay $0x2  }
0x26a: {  	s28 =	simm.s32 $0x40  }
0x26b: {  	s30 =	simm.s32 $0x80;
	v40 =	vor.u32 s28, v1;
	v39 =	vmov s28;
	[tilespmem:s29+$0x101A0] =	vst v62  }
.LBB2_18:
0x26c: {  	p0 =	sne.s32 s30, $0x3C0;
	v40 =	vand.u32 $0x4F, v40;
	v39 =	vshll.u32 v39, $0x3;
	v38 =	vld.idx.msk [tilespmem:v38+s16+$0x0], $0xffff  }
0x26d: {  	v39 =	vand.u32 $0x1C00, v39;
	v40 =	vor.u32 v37, v40  }
0x26e: {  	v40 =	vor.u32 v39, v40;
	_ =	sdelay $0x3  }
0x26f: {  	v41 =	vor.u32 s28, v3;
	[tilespmem:s29+$0x101B0] =	vst v38  }
0x270: {  	v38 =	vld.idx.msk [tilespmem:v40+s16+$0x0], $0xffff;
	v40 =	vand.u32 $0x5F, v41  }
0x271: {  	v40 =	vor.u32 v37, v40  }
0x272: {  	v40 =	vor.u32 v39, v40  }
0x273: {  	s26 =	sadd.s32 $0x100, s26  }
0x274: {  	s31 =	sand.u32 $0xE00, s26;
	s29 =	sand.u32 $0x40, s28  }
0x275: {  	s29 =	sor.u32 s29, s31  }
0x276: {  	[tilespmem:s29+$0x10180] =	vst v38;
	v38 =	vor.u32 s28, v4  }
0x277: {  	v40 =	vld.idx.msk [tilespmem:v40+s16+$0x0], $0xffff;
	v38 =	vand.u32 $0x6F, v38  }
0x278: {  	v38 =	vor.u32 v37, v38  }
0x279: {  	v38 =	vor.u32 v39, v38;
	_ =	sdelay $0x3  }
0x27a: {  	[tilespmem:s29+$0x10190] =	vst v40;
	v40 =	vor.u32 s28, v5;
	s28 =	smov.u32 s30  }
0x27b: {  	v41 =	vld.idx.msk [tilespmem:v38+s16+$0x0], $0xffff;
	v38 =	vand.u32 $0x7F, v40  }
0x27c: {  	v38 =	vor.u32 v37, v38  }
.Ltmp8:
0x27d: {  	v38 =	vor.u32 v39, v38;
	(pc) =	sbr.rel @p0 .LBB2_18-.Ltmp8, $2  }
0x27e: {  	_ =	sdelay $0x2  }
0x27f: {  	s30 =	sadd.s32 $0x40, s30;
	v40 =	vor.u32 s28, v1;
	v39 =	vmov s28;
	[tilespmem:s29+$0x101A0] =	vst v41  }
0x280: {  	_ =	sdelay $0x2  }
0x281: {  	v40 =	vand.u32 $0x4F, v40;
	v39 =	vshll.u32 v39, $0x3  }
0x282: {  	v38 =	vld.idx.msk [tilespmem:v38+s16+$0x0], $0xffff;
	v39 =	vand.u32 $0x1C00, v39;
	v40 =	vor.u32 v37, v40  }
0x283: {  	v40 =	vor.u32 v39, v40;
	_ =	sdelay $0x2  }
0x284: {  	v41 =	vor.u32 s28, v3  }
0x285: {  	v50 =	vand.u32 $0x5F, v41;
	[tilespmem:s29+$0x101B0] =	vst v38  }
0x286: {  	v38 =	vor.u32 v37, v50;
	v40 =	vld.idx.msk [tilespmem:v40+s16+$0x0], $0xffff  }
0x287: {  	v38 =	vor.u32 v39, v38  }
0x288: {  	s26 =	sadd.s32 $0x100, s26  }
0x289: {  	s26 =	sand.u32 $0xE00, s26;
	s29 =	sand.u32 $0x40, s28  }
0x28a: {  	v51 =	vor.u32 s28, v4;
	s26 =	sor.u32 s29, s26  }
0x28b: {  	v52 =	vand.u32 $0x6F, v51;
	[tilespmem:s26+$0x10180] =	vst v40  }
0x28c: {  	v40 =	vor.u32 v37, v52;
	v38 =	vld.idx.msk [tilespmem:v38+s16+$0x0], $0xffff  }
0x28d: {  	v40 =	vor.u32 v39, v40;
	_ =	sdelay $0x2  }
0x28e: {  	v53 =	vor.u32 s28, v5  }
0x28f: {  	v54 =	vand.u32 $0x7F, v53;
	[tilespmem:s26+$0x10190] =	vst v38  }
0x290: {  	v55 =	vor.u32 v37, v54;
	v40 =	vld.idx.msk [tilespmem:v40+s16+$0x0], $0xffff  }
0x291: {  	v37 =	vor.u32 v39, v55;
	_ =	sdelay $0x3  }
0x292: {  	[tilespmem:s26+$0x101A0] =	vst v40  }
0x293: {  	v37 =	vld.idx.msk [tilespmem:v37+s16+$0x0], $0xffff;
	_ =	sdelay $0x4  }
0x294: {  	[tilespmem:s26+$0x101B0] =	vst v37  }
0x295: {  	v37 =	vld.idx.msk [tilespmem:v14+s19+$0x0], $0xffff;
	_ =	sdelay $0x4  }
0x296: {  	v56 =	vshll.u32 v37, $0xA;
	v37 =	vshll.u32 v37, $0x7  }
0x297: {  	s26 =	simm.s32 $0x0;
	v38 =	vand.u32 $0xFFFFE000, v56;
	v37 =	vand.u32 $0x380, v37  }
0x298: {  	v57 =	vmov s26;
	v58 =	vor.u32 s26, v1;
	v37 =	vor.u32 v37, v38  }
0x299: {  	v39 =	vand.u32 $0x4F, v58;
	v38 =	vshll.u32 v57, $0x3;
	v37 =	vadd.s32 $0x2000, v37  }
0x29a: {  	v38 =	vand.u32 $0x1C00, v38;
	v39 =	vor.u32 v37, v39  }
0x29b: {  	v39 =	vor.u32 v38, v39;
	_ =	sdelay $0x2  }
0x29c: {  	v59 =	vor.u32 s26, v3  }
0x29d: {  	v40 =	vand.u32 $0x5F, v59  }
0x29e: {  	v40 =	vor.u32 v37, v40;
	v39 =	vld.idx.msk [tilespmem:v39+s16+$0x0], $0xffff  }
0x29f: {  	v40 =	vor.u32 v38, v40;
	_ =	sdelay $0x1  }
0x2a0: {  	s28 =	sand.u32 $0x40, s26;
	s29 =	sand.u32 $0xE00, s26  }
0x2a1: {  	v60 =	vor.u32 s26, v4;
	s29 =	sor.u32 s28, s29  }
0x2a2: {  	v61 =	vand.u32 $0x6F, v60;
	[tilespmem:s29+$0x10200] =	vst v39  }
0x2a3: {  	v39 =	vor.u32 v37, v61;
	v40 =	vld.idx.msk [tilespmem:v40+s16+$0x0], $0xffff  }
0x2a4: {  	v39 =	vor.u32 v38, v39;
	_ =	sdelay $0x3  }
0x2a5: {  	v63 =	vor.u32 s26, v5;
	[tilespmem:s29+$0x10210] =	vst v40  }
0x2a6: {  	v62 =	vld.idx.msk [tilespmem:v39+s16+$0x0], $0xffff;
	v39 =	vand.u32 $0x7F, v63  }
0x2a7: {  	v39 =	vor.u32 v37, v39  }
0x2a8: {  	v38 =	vor.u32 v38, v39;
	_ =	sdelay $0x2  }
0x2a9: {  	s28 =	simm.s32 $0x40  }
0x2aa: {  	s30 =	simm.s32 $0x80;
	v40 =	vor.u32 s28, v1;
	v39 =	vmov s28;
	[tilespmem:s29+$0x10220] =	vst v62  }
.LBB2_20:
0x2ab: {  	p0 =	sne.s32 s30, $0x3C0;
	v40 =	vand.u32 $0x4F, v40;
	v39 =	vshll.u32 v39, $0x3;
	v38 =	vld.idx.msk [tilespmem:v38+s16+$0x0], $0xffff  }
0x2ac: {  	v39 =	vand.u32 $0x1C00, v39;
	v40 =	vor.u32 v37, v40  }
0x2ad: {  	v40 =	vor.u32 v39, v40;
	_ =	sdelay $0x3  }
0x2ae: {  	v41 =	vor.u32 s28, v3;
	[tilespmem:s29+$0x10230] =	vst v38  }
0x2af: {  	v38 =	vld.idx.msk [tilespmem:v40+s16+$0x0], $0xffff;
	v40 =	vand.u32 $0x5F, v41  }
0x2b0: {  	v40 =	vor.u32 v37, v40  }
0x2b1: {  	v40 =	vor.u32 v39, v40  }
0x2b2: {  	s26 =	sadd.s32 $0x100, s26  }
0x2b3: {  	s31 =	sand.u32 $0xE00, s26;
	s29 =	sand.u32 $0x40, s28  }
0x2b4: {  	s29 =	sor.u32 s29, s31  }
0x2b5: {  	[tilespmem:s29+$0x10200] =	vst v38;
	v38 =	vor.u32 s28, v4  }
0x2b6: {  	v40 =	vld.idx.msk [tilespmem:v40+s16+$0x0], $0xffff;
	v38 =	vand.u32 $0x6F, v38  }
0x2b7: {  	v38 =	vor.u32 v37, v38  }
0x2b8: {  	v38 =	vor.u32 v39, v38;
	_ =	sdelay $0x3  }
0x2b9: {  	[tilespmem:s29+$0x10210] =	vst v40;
	v40 =	vor.u32 s28, v5;
	s28 =	smov.u32 s30  }
0x2ba: {  	v41 =	vld.idx.msk [tilespmem:v38+s16+$0x0], $0xffff;
	v38 =	vand.u32 $0x7F, v40  }
0x2bb: {  	v38 =	vor.u32 v37, v38  }
.Ltmp9:
0x2bc: {  	v38 =	vor.u32 v39, v38;
	(pc) =	sbr.rel @p0 .LBB2_20-.Ltmp9, $2  }
0x2bd: {  	_ =	sdelay $0x2  }
0x2be: {  	s30 =	sadd.s32 $0x40, s30;
	v40 =	vor.u32 s28, v1;
	v39 =	vmov s28;
	[tilespmem:s29+$0x10220] =	vst v41  }
0x2bf: {  	_ =	sdelay $0x2  }
0x2c0: {  	v40 =	vand.u32 $0x4F, v40;
	v39 =	vshll.u32 v39, $0x3  }
0x2c1: {  	v38 =	vld.idx.msk [tilespmem:v38+s16+$0x0], $0xffff;
	v39 =	vand.u32 $0x1C00, v39;
	v40 =	vor.u32 v37, v40  }
0x2c2: {  	v40 =	vor.u32 v39, v40;
	_ =	sdelay $0x2  }
0x2c3: {  	v41 =	vor.u32 s28, v3  }
0x2c4: {  	v50 =	vand.u32 $0x5F, v41;
	[tilespmem:s29+$0x10230] =	vst v38  }
0x2c5: {  	v38 =	vor.u32 v37, v50;
	v40 =	vld.idx.msk [tilespmem:v40+s16+$0x0], $0xffff  }
0x2c6: {  	v38 =	vor.u32 v39, v38  }
0x2c7: {  	s26 =	sadd.s32 $0x100, s26  }
0x2c8: {  	s26 =	sand.u32 $0xE00, s26;
	s29 =	sand.u32 $0x40, s28  }
0x2c9: {  	v51 =	vor.u32 s28, v4;
	s26 =	sor.u32 s29, s26  }
0x2ca: {  	v52 =	vand.u32 $0x6F, v51;
	[tilespmem:s26+$0x10200] =	vst v40  }
0x2cb: {  	v40 =	vor.u32 v37, v52;
	v38 =	vld.idx.msk [tilespmem:v38+s16+$0x0], $0xffff  }
0x2cc: {  	v40 =	vor.u32 v39, v40;
	_ =	sdelay $0x2  }
0x2cd: {  	v53 =	vor.u32 s28, v5  }
0x2ce: {  	v54 =	vand.u32 $0x7F, v53;
	[tilespmem:s26+$0x10210] =	vst v38  }
0x2cf: {  	v55 =	vor.u32 v37, v54;
	v40 =	vld.idx.msk [tilespmem:v40+s16+$0x0], $0xffff  }
0x2d0: {  	v37 =	vor.u32 v39, v55;
	_ =	sdelay $0x3  }
0x2d1: {  	[tilespmem:s26+$0x10220] =	vst v40  }
0x2d2: {  	v37 =	vld.idx.msk [tilespmem:v37+s16+$0x0], $0xffff;
	_ =	sdelay $0x4  }
0x2d3: {  	[tilespmem:s26+$0x10230] =	vst v37  }
0x2d4: {  	v37 =	vld.idx.msk [tilespmem:v15+s19+$0x0], $0xffff;
	_ =	sdelay $0x4  }
0x2d5: {  	v56 =	vshll.u32 v37, $0xA;
	v37 =	vshll.u32 v37, $0x7  }
0x2d6: {  	s26 =	simm.s32 $0x0;
	v38 =	vand.u32 $0xFFFFE000, v56;
	v37 =	vand.u32 $0x380, v37  }
0x2d7: {  	v57 =	vmov s26;
	v58 =	vor.u32 s26, v1;
	v37 =	vor.u32 v37, v38  }
0x2d8: {  	v39 =	vand.u32 $0x4F, v58;
	v38 =	vshll.u32 v57, $0x3;
	v37 =	vadd.s32 $0x4000, v37  }
0x2d9: {  	v38 =	vand.u32 $0x1C00, v38;
	v39 =	vor.u32 v37, v39  }
0x2da: {  	v39 =	vor.u32 v38, v39;
	_ =	sdelay $0x2  }
0x2db: {  	v59 =	vor.u32 s26, v3  }
0x2dc: {  	v40 =	vand.u32 $0x5F, v59  }
0x2dd: {  	p0 =	por $0x0, $0x0;
	s28 =	simm.s32 $0x1;
	v40 =	vor.u32 v37, v40;
	v39 =	vld.idx.msk [tilespmem:v39+s16+$0x0], $0xffff  }
0x2de: {  	s28 =	simm.s32 @!p0 $0x0;
	v40 =	vor.u32 v38, v40  }
0x2df: {  	s28 =	sshll.u32 s28, $0x6  }
0x2e0: {  	s29 =	sadd.s32 $0x0, s28  }
0x2e1: {  	s28 =	sor.u32 $0x100, s29;
	v60 =	vor.u32 s26, v4  }
0x2e2: {  	v61 =	vand.u32 $0x6F, v60;
	[tilespmem:s28+$0x10180] =	vst v39  }
0x2e3: {  	v39 =	vor.u32 v37, v61;
	v40 =	vld.idx.msk [tilespmem:v40+s16+$0x0], $0xffff  }
0x2e4: {  	v39 =	vor.u32 v38, v39;
	_ =	sdelay $0x2  }
0x2e5: {  	s28 =	sor.u32 $0x110, s29  }
0x2e6: {  	v63 =	vor.u32 s26, v5;
	[tilespmem:s28+$0x10180] =	vst v40  }
0x2e7: {  	v62 =	vld.idx.msk [tilespmem:v39+s16+$0x0], $0xffff;
	v39 =	vand.u32 $0x7F, v63  }
0x2e8: {  	v39 =	vor.u32 v37, v39  }
0x2e9: {  	v38 =	vor.u32 v38, v39;
	_ =	sdelay $0x2  }
0x2ea: {  	s31 =	sor.u32 $0x120, s29;
	s28 =	simm.s32 $0x40  }
0x2eb: {  	s30 =	simm.s32 $0x80;
	v40 =	vor.u32 s28, v1;
	v39 =	vmov s28;
	[tilespmem:s31+$0x10180] =	vst v62  }
.LBB2_22:
0x2ec: {  	p1 =	sne.s32 s30, $0x3C0;
	v40 =	vand.u32 $0x4F, v40;
	v39 =	vshll.u32 v39, $0x3;
	v38 =	vld.idx.msk [tilespmem:v38+s16+$0x0], $0xffff  }
0x2ed: {  	v39 =	vand.u32 $0x1C00, v39;
	v40 =	vor.u32 v37, v40  }
0x2ee: {  	v40 =	vor.u32 v39, v40;
	_ =	sdelay $0x2  }
0x2ef: {  	s29 =	sor.u32 $0x130, s29  }
0x2f0: {  	v41 =	vor.u32 s28, v3;
	[tilespmem:s29+$0x10180] =	vst v38  }
0x2f1: {  	v38 =	vld.idx.msk [tilespmem:v40+s16+$0x0], $0xffff;
	v40 =	vand.u32 $0x5F, v41  }
0x2f2: {  	p0 =	por !p0, !p0;
	s29 =	simm.s32 $0x1;
	v40 =	vor.u32 v37, v40  }
0x2f3: {  	s29 =	simm.s32 @!p0 $0x0;
	v40 =	vor.u32 v39, v40  }
0x2f4: {  	s26 =	sadd.s32 $0x100, s26;
	s29 =	sshll.u32 s29, $0x6  }
0x2f5: {  	s29 =	sadd.s32 s29, s26  }
0x2f6: {  	s31 =	sor.u32 $0x100, s29  }
0x2f7: {  	[tilespmem:s31+$0x10180] =	vst v38;
	v38 =	vor.u32 s28, v4  }
0x2f8: {  	v40 =	vld.idx.msk [tilespmem:v40+s16+$0x0], $0xffff;
	v38 =	vand.u32 $0x6F, v38  }
0x2f9: {  	v38 =	vor.u32 v37, v38  }
0x2fa: {  	v38 =	vor.u32 v39, v38;
	_ =	sdelay $0x2  }
0x2fb: {  	s31 =	sor.u32 $0x110, s29  }
0x2fc: {  	[tilespmem:s31+$0x10180] =	vst v40;
	v40 =	vor.u32 s28, v5;
	s28 =	smov.u32 s30  }
0x2fd: {  	v41 =	vld.idx.msk [tilespmem:v38+s16+$0x0], $0xffff;
	v38 =	vand.u32 $0x7F, v40  }
0x2fe: {  	v38 =	vor.u32 v37, v38  }
.Ltmp10:
0x2ff: {  	v38 =	vor.u32 v39, v38;
	(pc) =	sbr.rel @p1 .LBB2_22-.Ltmp10, $3  }
0x300: {  	_ =	sdelay $0x1  }
0x301: {  	s31 =	sor.u32 $0x120, s29  }
0x302: {  	s30 =	sadd.s32 $0x40, s30;
	v40 =	vor.u32 s28, v1;
	v39 =	vmov s28;
	[tilespmem:s31+$0x10180] =	vst v41  }
0x303: {  	_ =	sdelay $0x2  }
0x304: {  	v40 =	vand.u32 $0x4F, v40;
	v39 =	vshll.u32 v39, $0x3  }
0x305: {  	v38 =	vld.idx.msk [tilespmem:v38+s16+$0x0], $0xffff;
	v39 =	vand.u32 $0x1C00, v39;
	v40 =	vor.u32 v37, v40  }
0x306: {  	v40 =	vor.u32 v39, v40;
	_ =	sdelay $0x2  }
0x307: {  	s29 =	sor.u32 $0x130, s29;
	v41 =	vor.u32 s28, v3  }
0x308: {  	v50 =	vand.u32 $0x5F, v41;
	[tilespmem:s29+$0x10180] =	vst v38  }
0x309: {  	p0 =	por !p0, !p0;
	v38 =	vor.u32 v37, v50;
	s29 =	simm.s32 $0x1;
	v40 =	vld.idx.msk [tilespmem:v40+s16+$0x0], $0xffff  }
0x30a: {  	s29 =	simm.s32 @!p0 $0x0;
	v38 =	vor.u32 v39, v38  }
0x30b: {  	s26 =	sadd.s32 $0x100, s26;
	s29 =	sshll.u32 s29, $0x6  }
0x30c: {  	s26 =	sadd.s32 s29, s26  }
0x30d: {  	v51 =	vor.u32 s28, v4;
	s29 =	sor.u32 $0x100, s26  }
0x30e: {  	v52 =	vand.u32 $0x6F, v51;
	[tilespmem:s29+$0x10180] =	vst v40  }
0x30f: {  	v40 =	vor.u32 v37, v52;
	v38 =	vld.idx.msk [tilespmem:v38+s16+$0x0], $0xffff  }
0x310: {  	v40 =	vor.u32 v39, v40;
	_ =	sdelay $0x2  }
0x311: {  	v53 =	vor.u32 s28, v5;
	s29 =	sor.u32 $0x110, s26  }
0x312: {  	v54 =	vand.u32 $0x7F, v53;
	[tilespmem:s29+$0x10180] =	vst v38  }
0x313: {  	v55 =	vor.u32 v37, v54;
	v40 =	vld.idx.msk [tilespmem:v40+s16+$0x0], $0xffff  }
0x314: {  	v37 =	vor.u32 v39, v55;
	_ =	sdelay $0x2  }
0x315: {  	s28 =	sor.u32 $0x120, s26  }
0x316: {  	[tilespmem:s28+$0x10180] =	vst v40  }
0x317: {  	v37 =	vld.idx.msk [tilespmem:v37+s16+$0x0], $0xffff;
	_ =	sdelay $0x3  }
0x318: {  	s26 =	sor.u32 $0x130, s26  }
0x319: {  	[tilespmem:s26+$0x10180] =	vst v37  }
0x31a: {  	v37 =	vld.idx.msk [tilespmem:v16+s19+$0x0], $0xffff;
	_ =	sdelay $0x4  }
0x31b: {  	v56 =	vshll.u32 v37, $0xA;
	v37 =	vshll.u32 v37, $0x7  }
0x31c: {  	s26 =	simm.s32 $0x0;
	v38 =	vand.u32 $0xFFFFE000, v56;
	v37 =	vand.u32 $0x380, v37  }
0x31d: {  	v57 =	vmov s26;
	v58 =	vor.u32 s26, v1;
	v37 =	vor.u32 v37, v38  }
0x31e: {  	v39 =	vand.u32 $0x4F, v58;
	v38 =	vshll.u32 v57, $0x3;
	v37 =	vadd.s32 $0x6000, v37  }
0x31f: {  	v38 =	vand.u32 $0x1C00, v38;
	v39 =	vor.u32 v37, v39  }
0x320: {  	v39 =	vor.u32 v38, v39;
	_ =	sdelay $0x2  }
0x321: {  	v59 =	vor.u32 s26, v3  }
0x322: {  	v40 =	vand.u32 $0x5F, v59  }
0x323: {  	p0 =	por $0x0, $0x0;
	s28 =	simm.s32 $0x1;
	v40 =	vor.u32 v37, v40;
	v39 =	vld.idx.msk [tilespmem:v39+s16+$0x0], $0xffff  }
0x324: {  	s28 =	simm.s32 @!p0 $0x0;
	v40 =	vor.u32 v38, v40  }
0x325: {  	s28 =	sshll.u32 s28, $0x6  }
0x326: {  	s29 =	sadd.s32 $0x0, s28  }
0x327: {  	s28 =	sor.u32 $0x180, s29;
	v60 =	vor.u32 s26, v4  }
0x328: {  	v61 =	vand.u32 $0x6F, v60;
	[tilespmem:s28+$0x10180] =	vst v39  }
0x329: {  	v39 =	vor.u32 v37, v61;
	v40 =	vld.idx.msk [tilespmem:v40+s16+$0x0], $0xffff  }
0x32a: {  	v39 =	vor.u32 v38, v39;
	_ =	sdelay $0x2  }
0x32b: {  	s28 =	sor.u32 $0x190, s29  }
0x32c: {  	v63 =	vor.u32 s26, v5;
	[tilespmem:s28+$0x10180] =	vst v40  }
0x32d: {  	v62 =	vld.idx.msk [tilespmem:v39+s16+$0x0], $0xffff;
	v39 =	vand.u32 $0x7F, v63  }
0x32e: {  	v39 =	vor.u32 v37, v39  }
0x32f: {  	v38 =	vor.u32 v38, v39;
	_ =	sdelay $0x2  }
0x330: {  	s31 =	sor.u32 $0x1A0, s29;
	s28 =	simm.s32 $0x40  }
0x331: {  	s30 =	simm.s32 $0x80;
	v40 =	vor.u32 s28, v1;
	v39 =	vmov s28;
	[tilespmem:s31+$0x10180] =	vst v62  }
.LBB2_24:
0x332: {  	p1 =	sne.s32 s30, $0x3C0;
	v40 =	vand.u32 $0x4F, v40;
	v39 =	vshll.u32 v39, $0x3;
	v38 =	vld.idx.msk [tilespmem:v38+s16+$0x0], $0xffff  }
0x333: {  	v39 =	vand.u32 $0x1C00, v39;
	v40 =	vor.u32 v37, v40  }
0x334: {  	v40 =	vor.u32 v39, v40;
	_ =	sdelay $0x2  }
0x335: {  	s29 =	sor.u32 $0x1B0, s29  }
0x336: {  	v41 =	vor.u32 s28, v3;
	[tilespmem:s29+$0x10180] =	vst v38  }
0x337: {  	v38 =	vld.idx.msk [tilespmem:v40+s16+$0x0], $0xffff;
	v40 =	vand.u32 $0x5F, v41  }
0x338: {  	p0 =	por !p0, !p0;
	s29 =	simm.s32 $0x1;
	v40 =	vor.u32 v37, v40  }
0x339: {  	s29 =	simm.s32 @!p0 $0x0;
	v40 =	vor.u32 v39, v40  }
0x33a: {  	s26 =	sadd.s32 $0x100, s26;
	s29 =	sshll.u32 s29, $0x6  }
0x33b: {  	s29 =	sadd.s32 s29, s26  }
0x33c: {  	s31 =	sor.u32 $0x180, s29  }
0x33d: {  	[tilespmem:s31+$0x10180] =	vst v38;
	v38 =	vor.u32 s28, v4  }
0x33e: {  	v40 =	vld.idx.msk [tilespmem:v40+s16+$0x0], $0xffff;
	v38 =	vand.u32 $0x6F, v38  }
0x33f: {  	v38 =	vor.u32 v37, v38  }
0x340: {  	v38 =	vor.u32 v39, v38;
	_ =	sdelay $0x2  }
0x341: {  	s31 =	sor.u32 $0x190, s29  }
0x342: {  	[tilespmem:s31+$0x10180] =	vst v40;
	v40 =	vor.u32 s28, v5;
	s28 =	smov.u32 s30  }
0x343: {  	v41 =	vld.idx.msk [tilespmem:v38+s16+$0x0], $0xffff;
	v38 =	vand.u32 $0x7F, v40  }
0x344: {  	v38 =	vor.u32 v37, v38  }
.Ltmp11:
0x345: {  	v38 =	vor.u32 v39, v38;
	(pc) =	sbr.rel @p1 .LBB2_24-.Ltmp11, $3  }
0x346: {  	_ =	sdelay $0x1  }
0x347: {  	s31 =	sor.u32 $0x1A0, s29  }
0x348: {  	s30 =	sadd.s32 $0x40, s30;
	v40 =	vor.u32 s28, v1;
	v39 =	vmov s28;
	[tilespmem:s31+$0x10180] =	vst v41  }
0x349: {  	_ =	sdelay $0x2  }
0x34a: {  	v40 =	vand.u32 $0x4F, v40;
	v39 =	vshll.u32 v39, $0x3  }
0x34b: {  	v38 =	vld.idx.msk [tilespmem:v38+s16+$0x0], $0xffff;
	v39 =	vand.u32 $0x1C00, v39;
	v40 =	vor.u32 v37, v40  }
0x34c: {  	v40 =	vor.u32 v39, v40;
	_ =	sdelay $0x2  }
0x34d: {  	s29 =	sor.u32 $0x1B0, s29;
	v41 =	vor.u32 s28, v3  }
0x34e: {  	v48 =	vand.u32 $0x5F, v41;
	[tilespmem:s29+$0x10180] =	vst v38  }
0x34f: {  	p0 =	por !p0, !p0;
	v38 =	vor.u32 v37, v48;
	s29 =	simm.s32 $0x1;
	v40 =	vld.idx.msk [tilespmem:v40+s16+$0x0], $0xffff  }
0x350: {  	s29 =	simm.s32 @!p0 $0x0;
	v38 =	vor.u32 v39, v38  }
0x351: {  	s26 =	sadd.s32 $0x100, s26;
	s29 =	sshll.u32 s29, $0x6  }
0x352: {  	s26 =	sadd.s32 s29, s26  }
0x353: {  	v49 =	vor.u32 s28, v4;
	s29 =	sor.u32 $0x180, s26  }
0x354: {  	v50 =	vand.u32 $0x6F, v49;
	[tilespmem:s29+$0x10180] =	vst v40  }
0x355: {  	v40 =	vor.u32 v37, v50;
	v38 =	vld.idx.msk [tilespmem:v38+s16+$0x0], $0xffff  }
0x356: {  	v40 =	vor.u32 v39, v40;
	_ =	sdelay $0x2  }
0x357: {  	v51 =	vor.u32 s28, v5;
	s29 =	sor.u32 $0x190, s26  }
0x358: {  	v52 =	vand.u32 $0x7F, v51;
	[tilespmem:s29+$0x10180] =	vst v38  }
0x359: {  	v53 =	vor.u32 v37, v52;
	v40 =	vld.idx.msk [tilespmem:v40+s16+$0x0], $0xffff  }
0x35a: {  	v37 =	vor.u32 v39, v53;
	_ =	sdelay $0x2  }
0x35b: {  	s28 =	sor.u32 $0x1A0, s26  }
0x35c: {  	[tilespmem:s28+$0x10180] =	vst v40  }
0x35d: {  	v37 =	vld.idx.msk [tilespmem:v37+s16+$0x0], $0xffff;
	_ =	sdelay $0x3  }
0x35e: {  	s26 =	sor.u32 $0x1B0, s26  }
0x35f: {  	[tilespmem:s26+$0x10180] =	vst v37  }
0x360: {  	v37 =	vld.msk [tilespmem:$0x120], $0xf;
	_ =	sdelay $0x4  }
0x361: {  	v37 =	vshll.u32 v37, $0xD  }
0x362: {  	v37 =	vperm.xlane v37, v1;
	_ =	sdelay $0x4  }
0x363: {  	s26 =	simm.s32 $0x0  }
0x364: {  	[tilespmem:s16], [sflag:$0x1] =	stream.indirect_vreg.gather [hbm4b:s0+s26], $0x2000, v37, vm0, $0x38;
	[tilespmem:$0x12180] =	vst v63  }
0x365: {  	_ = 	snop  }
0x366: {  	[hbm4b:s7+s20] =	stream.strided.scatter [tilespmem:s22], [sflag:$0x2], $0x1000, s21, s20, $0x38;
	[tilespmem:$0x12180] =	vst v63  }
0x367: {  	_ =	swait.ge [sflag:s18], $0x8000  }
0x368: {  	[sflag:s18] =	ssyncset.done $0x0  }
0x369: {  	[sflag:s18] =	ssyncadd.s32 $0xFFFF8000  }
0x36a: {  	_ =	swait.ge [sflag:s24], $0x1000  }
0x36b: {  	[sflag:s24] =	ssyncset.done $0x0  }
0x36c: {  	[sflag:s24] =	ssyncadd.s32 $0xFFFFF000  }
0x36d: {  	v54 =	vld.idx.msk [tilespmem:v17+s19+$0x0], $0xffff;
	_ =	sdelay $0x4  }
0x36e: {  	v56 =	vmov s26;
	v55 =	vshll.u32 v54, $0xA;
	v37 =	vshll.u32 v54, $0x7  }
0x36f: {  	v57 =	vor.u32 s26, v1;
	v38 =	vand.u32 $0xFFFFE000, v55;
	v37 =	vand.u32 $0x380, v37  }
0x370: {  	v58 =	vand.u32 $0x4F, v57;
	v39 =	vshll.u32 v56, $0x3;
	v37 =	vor.u32 v38, v37  }
0x371: {  	v39 =	vand.u32 $0x1C00, v39;
	v38 =	vor.u32 v37, v58  }
0x372: {  	v38 =	vor.u32 v39, v38;
	_ =	sdelay $0x2  }
0x373: {  	v59 =	vor.u32 s26, v3  }
0x374: {  	v40 =	vand.u32 $0x5F, v59  }
0x375: {  	v40 =	vor.u32 v37, v40;
	v38 =	vld.idx.msk [tilespmem:v38+s17+$0x0], $0xffff  }
0x376: {  	v40 =	vor.u32 v39, v40;
	_ =	sdelay $0x1  }
0x377: {  	s28 =	sand.u32 $0x40, s26;
	s29 =	sand.u32 $0xE00, s26  }
0x378: {  	v60 =	vor.u32 s26, v4;
	s29 =	sor.u32 s28, s29  }
0x379: {  	v61 =	vand.u32 $0x6F, v60;
	[tilespmem:s29+$0x11180] =	vst v38  }
0x37a: {  	v38 =	vor.u32 v37, v61;
	v40 =	vld.idx.msk [tilespmem:v40+s17+$0x0], $0xffff  }
0x37b: {  	v38 =	vor.u32 v39, v38;
	_ =	sdelay $0x3  }
0x37c: {  	v63 =	vor.u32 s26, v5;
	[tilespmem:s29+$0x11190] =	vst v40  }
0x37d: {  	v62 =	vld.idx.msk [tilespmem:v38+s17+$0x0], $0xffff;
	v38 =	vand.u32 $0x7F, v63  }
0x37e: {  	v38 =	vor.u32 v37, v38  }
0x37f: {  	v38 =	vor.u32 v39, v38;
	_ =	sdelay $0x2  }
0x380: {  	s28 =	simm.s32 $0x40  }
0x381: {  	s30 =	simm.s32 $0x80;
	v40 =	vor.u32 s28, v1;
	v39 =	vmov s28;
	[tilespmem:s29+$0x111A0] =	vst v62  }
.LBB2_26:
0x382: {  	p0 =	sne.s32 s30, $0x3C0;
	v40 =	vand.u32 $0x4F, v40;
	v39 =	vshll.u32 v39, $0x3;
	v38 =	vld.idx.msk [tilespmem:v38+s17+$0x0], $0xffff  }
0x383: {  	v39 =	vand.u32 $0x1C00, v39;
	v40 =	vor.u32 v37, v40  }
0x384: {  	v40 =	vor.u32 v39, v40;
	_ =	sdelay $0x3  }
0x385: {  	v41 =	vor.u32 s28, v3;
	[tilespmem:s29+$0x111B0] =	vst v38  }
0x386: {  	v38 =	vld.idx.msk [tilespmem:v40+s17+$0x0], $0xffff;
	v40 =	vand.u32 $0x5F, v41  }
0x387: {  	v40 =	vor.u32 v37, v40  }
0x388: {  	v40 =	vor.u32 v39, v40  }
0x389: {  	s26 =	sadd.s32 $0x100, s26  }
0x38a: {  	s31 =	sand.u32 $0xE00, s26;
	s29 =	sand.u32 $0x40, s28  }
0x38b: {  	s29 =	sor.u32 s29, s31  }
0x38c: {  	[tilespmem:s29+$0x11180] =	vst v38;
	v38 =	vor.u32 s28, v4  }
0x38d: {  	v40 =	vld.idx.msk [tilespmem:v40+s17+$0x0], $0xffff;
	v38 =	vand.u32 $0x6F, v38  }
0x38e: {  	v38 =	vor.u32 v37, v38  }
0x38f: {  	v38 =	vor.u32 v39, v38;
	_ =	sdelay $0x3  }
0x390: {  	[tilespmem:s29+$0x11190] =	vst v40;
	v40 =	vor.u32 s28, v5;
	s28 =	smov.u32 s30  }
0x391: {  	v41 =	vld.idx.msk [tilespmem:v38+s17+$0x0], $0xffff;
	v38 =	vand.u32 $0x7F, v40  }
0x392: {  	v38 =	vor.u32 v37, v38  }
.Ltmp12:
0x393: {  	v38 =	vor.u32 v39, v38;
	(pc) =	sbr.rel @p0 .LBB2_26-.Ltmp12, $2  }
0x394: {  	_ =	sdelay $0x2  }
0x395: {  	s30 =	sadd.s32 $0x40, s30;
	v40 =	vor.u32 s28, v1;
	v39 =	vmov s28;
	[tilespmem:s29+$0x111A0] =	vst v41  }
0x396: {  	_ =	sdelay $0x2  }
0x397: {  	v40 =	vand.u32 $0x4F, v40;
	v39 =	vshll.u32 v39, $0x3  }
0x398: {  	v38 =	vld.idx.msk [tilespmem:v38+s17+$0x0], $0xffff;
	v39 =	vand.u32 $0x1C00, v39;
	v40 =	vor.u32 v37, v40  }
0x399: {  	v40 =	vor.u32 v39, v40;
	_ =	sdelay $0x2  }
0x39a: {  	v41 =	vor.u32 s28, v3  }
0x39b: {  	v50 =	vand.u32 $0x5F, v41;
	[tilespmem:s29+$0x111B0] =	vst v38  }
0x39c: {  	v38 =	vor.u32 v37, v50;
	v40 =	vld.idx.msk [tilespmem:v40+s17+$0x0], $0xffff  }
0x39d: {  	v38 =	vor.u32 v39, v38  }
0x39e: {  	s26 =	sadd.s32 $0x100, s26  }
0x39f: {  	s26 =	sand.u32 $0xE00, s26;
	s29 =	sand.u32 $0x40, s28  }
0x3a0: {  	v51 =	vor.u32 s28, v4;
	s26 =	sor.u32 s29, s26  }
0x3a1: {  	v52 =	vand.u32 $0x6F, v51;
	[tilespmem:s26+$0x11180] =	vst v40  }
0x3a2: {  	v40 =	vor.u32 v37, v52;
	v38 =	vld.idx.msk [tilespmem:v38+s17+$0x0], $0xffff  }
0x3a3: {  	v40 =	vor.u32 v39, v40;
	_ =	sdelay $0x2  }
0x3a4: {  	v53 =	vor.u32 s28, v5  }
0x3a5: {  	v54 =	vand.u32 $0x7F, v53;
	[tilespmem:s26+$0x11190] =	vst v38  }
0x3a6: {  	v55 =	vor.u32 v37, v54;
	v40 =	vld.idx.msk [tilespmem:v40+s17+$0x0], $0xffff  }
0x3a7: {  	v37 =	vor.u32 v39, v55;
	_ =	sdelay $0x3  }
0x3a8: {  	[tilespmem:s26+$0x111A0] =	vst v40  }
0x3a9: {  	v37 =	vld.idx.msk [tilespmem:v37+s17+$0x0], $0xffff;
	_ =	sdelay $0x4  }
0x3aa: {  	[tilespmem:s26+$0x111B0] =	vst v37  }
0x3ab: {  	v37 =	vld.idx.msk [tilespmem:v18+s19+$0x0], $0xffff;
	_ =	sdelay $0x4  }
0x3ac: {  	v56 =	vshll.u32 v37, $0xA;
	v37 =	vshll.u32 v37, $0x7  }
0x3ad: {  	s26 =	simm.s32 $0x0;
	v38 =	vand.u32 $0xFFFFE000, v56;
	v37 =	vand.u32 $0x380, v37  }
0x3ae: {  	v57 =	vmov s26;
	v58 =	vor.u32 s26, v1;
	v37 =	vor.u32 v37, v38  }
0x3af: {  	v39 =	vand.u32 $0x4F, v58;
	v38 =	vshll.u32 v57, $0x3;
	v37 =	vadd.s32 $0x2000, v37  }
0x3b0: {  	v38 =	vand.u32 $0x1C00, v38;
	v39 =	vor.u32 v37, v39  }
0x3b1: {  	v39 =	vor.u32 v38, v39;
	_ =	sdelay $0x2  }
0x3b2: {  	v59 =	vor.u32 s26, v3  }
0x3b3: {  	v40 =	vand.u32 $0x5F, v59  }
0x3b4: {  	v40 =	vor.u32 v37, v40;
	v39 =	vld.idx.msk [tilespmem:v39+s17+$0x0], $0xffff  }
0x3b5: {  	v40 =	vor.u32 v38, v40;
	_ =	sdelay $0x1  }
0x3b6: {  	s28 =	sand.u32 $0x40, s26;
	s29 =	sand.u32 $0xE00, s26  }
0x3b7: {  	v60 =	vor.u32 s26, v4;
	s29 =	sor.u32 s28, s29  }
0x3b8: {  	v61 =	vand.u32 $0x6F, v60;
	[tilespmem:s29+$0x11200] =	vst v39  }
0x3b9: {  	v39 =	vor.u32 v37, v61;
	v40 =	vld.idx.msk [tilespmem:v40+s17+$0x0], $0xffff  }
0x3ba: {  	v39 =	vor.u32 v38, v39;
	_ =	sdelay $0x3  }
0x3bb: {  	v63 =	vor.u32 s26, v5;
	[tilespmem:s29+$0x11210] =	vst v40  }
0x3bc: {  	v62 =	vld.idx.msk [tilespmem:v39+s17+$0x0], $0xffff;
	v39 =	vand.u32 $0x7F, v63  }
0x3bd: {  	v39 =	vor.u32 v37, v39  }
0x3be: {  	v38 =	vor.u32 v38, v39;
	_ =	sdelay $0x2  }
0x3bf: {  	s28 =	simm.s32 $0x40  }
0x3c0: {  	s30 =	simm.s32 $0x80;
	v40 =	vor.u32 s28, v1;
	v39 =	vmov s28;
	[tilespmem:s29+$0x11220] =	vst v62  }
.LBB2_28:
0x3c1: {  	p0 =	sne.s32 s30, $0x3C0;
	v40 =	vand.u32 $0x4F, v40;
	v39 =	vshll.u32 v39, $0x3;
	v38 =	vld.idx.msk [tilespmem:v38+s17+$0x0], $0xffff  }
0x3c2: {  	v39 =	vand.u32 $0x1C00, v39;
	v40 =	vor.u32 v37, v40  }
0x3c3: {  	v40 =	vor.u32 v39, v40;
	_ =	sdelay $0x3  }
0x3c4: {  	v41 =	vor.u32 s28, v3;
	[tilespmem:s29+$0x11230] =	vst v38  }
0x3c5: {  	v38 =	vld.idx.msk [tilespmem:v40+s17+$0x0], $0xffff;
	v40 =	vand.u32 $0x5F, v41  }
0x3c6: {  	v40 =	vor.u32 v37, v40  }
0x3c7: {  	v40 =	vor.u32 v39, v40  }
0x3c8: {  	s26 =	sadd.s32 $0x100, s26  }
0x3c9: {  	s31 =	sand.u32 $0xE00, s26;
	s29 =	sand.u32 $0x40, s28  }
0x3ca: {  	s29 =	sor.u32 s29, s31  }
0x3cb: {  	[tilespmem:s29+$0x11200] =	vst v38;
	v38 =	vor.u32 s28, v4  }
0x3cc: {  	v40 =	vld.idx.msk [tilespmem:v40+s17+$0x0], $0xffff;
	v38 =	vand.u32 $0x6F, v38  }
0x3cd: {  	v38 =	vor.u32 v37, v38  }
0x3ce: {  	v38 =	vor.u32 v39, v38;
	_ =	sdelay $0x3  }
0x3cf: {  	[tilespmem:s29+$0x11210] =	vst v40;
	v40 =	vor.u32 s28, v5;
	s28 =	smov.u32 s30  }
0x3d0: {  	v41 =	vld.idx.msk [tilespmem:v38+s17+$0x0], $0xffff;
	v38 =	vand.u32 $0x7F, v40  }
0x3d1: {  	v38 =	vor.u32 v37, v38  }
.Ltmp13:
0x3d2: {  	v38 =	vor.u32 v39, v38;
	(pc) =	sbr.rel @p0 .LBB2_28-.Ltmp13, $2  }
0x3d3: {  	_ =	sdelay $0x2  }
0x3d4: {  	s30 =	sadd.s32 $0x40, s30;
	v40 =	vor.u32 s28, v1;
	v39 =	vmov s28;
	[tilespmem:s29+$0x11220] =	vst v41  }
0x3d5: {  	_ =	sdelay $0x2  }
0x3d6: {  	v40 =	vand.u32 $0x4F, v40;
	v39 =	vshll.u32 v39, $0x3  }
0x3d7: {  	v38 =	vld.idx.msk [tilespmem:v38+s17+$0x0], $0xffff;
	v39 =	vand.u32 $0x1C00, v39;
	v40 =	vor.u32 v37, v40  }
0x3d8: {  	v40 =	vor.u32 v39, v40;
	_ =	sdelay $0x2  }
0x3d9: {  	v41 =	vor.u32 s28, v3  }
0x3da: {  	v50 =	vand.u32 $0x5F, v41;
	[tilespmem:s29+$0x11230] =	vst v38  }
0x3db: {  	v38 =	vor.u32 v37, v50;
	v40 =	vld.idx.msk [tilespmem:v40+s17+$0x0], $0xffff  }
0x3dc: {  	v38 =	vor.u32 v39, v38  }
0x3dd: {  	s26 =	sadd.s32 $0x100, s26  }
0x3de: {  	s26 =	sand.u32 $0xE00, s26;
	s29 =	sand.u32 $0x40, s28  }
0x3df: {  	v51 =	vor.u32 s28, v4;
	s26 =	sor.u32 s29, s26  }
0x3e0: {  	v52 =	vand.u32 $0x6F, v51;
	[tilespmem:s26+$0x11200] =	vst v40  }
0x3e1: {  	v40 =	vor.u32 v37, v52;
	v38 =	vld.idx.msk [tilespmem:v38+s17+$0x0], $0xffff  }
0x3e2: {  	v40 =	vor.u32 v39, v40;
	_ =	sdelay $0x2  }
0x3e3: {  	v53 =	vor.u32 s28, v5  }
0x3e4: {  	v54 =	vand.u32 $0x7F, v53;
	[tilespmem:s26+$0x11210] =	vst v38  }
0x3e5: {  	v55 =	vor.u32 v37, v54;
	v40 =	vld.idx.msk [tilespmem:v40+s17+$0x0], $0xffff  }
0x3e6: {  	v37 =	vor.u32 v39, v55;
	_ =	sdelay $0x3  }
0x3e7: {  	[tilespmem:s26+$0x11220] =	vst v40  }
0x3e8: {  	v37 =	vld.idx.msk [tilespmem:v37+s17+$0x0], $0xffff;
	_ =	sdelay $0x4  }
0x3e9: {  	[tilespmem:s26+$0x11230] =	vst v37  }
0x3ea: {  	v37 =	vld.idx.msk [tilespmem:v19+s19+$0x0], $0xffff;
	_ =	sdelay $0x4  }
0x3eb: {  	v56 =	vshll.u32 v37, $0xA;
	v37 =	vshll.u32 v37, $0x7  }
0x3ec: {  	s26 =	simm.s32 $0x0;
	v38 =	vand.u32 $0xFFFFE000, v56;
	v37 =	vand.u32 $0x380, v37  }
0x3ed: {  	v57 =	vmov s26;
	v58 =	vor.u32 s26, v1;
	v37 =	vor.u32 v37, v38  }
0x3ee: {  	v39 =	vand.u32 $0x4F, v58;
	v38 =	vshll.u32 v57, $0x3;
	v37 =	vadd.s32 $0x4000, v37  }
0x3ef: {  	v38 =	vand.u32 $0x1C00, v38;
	v39 =	vor.u32 v37, v39  }
0x3f0: {  	v39 =	vor.u32 v38, v39;
	_ =	sdelay $0x2  }
0x3f1: {  	v59 =	vor.u32 s26, v3  }
0x3f2: {  	v40 =	vand.u32 $0x5F, v59  }
0x3f3: {  	p0 =	por $0x0, $0x0;
	s28 =	simm.s32 $0x1;
	v40 =	vor.u32 v37, v40;
	v39 =	vld.idx.msk [tilespmem:v39+s17+$0x0], $0xffff  }
0x3f4: {  	s28 =	simm.s32 @!p0 $0x0;
	v40 =	vor.u32 v38, v40  }
0x3f5: {  	s28 =	sshll.u32 s28, $0x6  }
0x3f6: {  	s29 =	sadd.s32 $0x0, s28  }
0x3f7: {  	s28 =	sor.u32 $0x100, s29;
	v60 =	vor.u32 s26, v4  }
0x3f8: {  	v61 =	vand.u32 $0x6F, v60;
	[tilespmem:s28+$0x11180] =	vst v39  }
0x3f9: {  	v39 =	vor.u32 v37, v61;
	v40 =	vld.idx.msk [tilespmem:v40+s17+$0x0], $0xffff  }
0x3fa: {  	v39 =	vor.u32 v38, v39;
	_ =	sdelay $0x2  }
0x3fb: {  	s28 =	sor.u32 $0x110, s29  }
0x3fc: {  	v63 =	vor.u32 s26, v5;
	[tilespmem:s28+$0x11180] =	vst v40  }
0x3fd: {  	v62 =	vld.idx.msk [tilespmem:v39+s17+$0x0], $0xffff;
	v39 =	vand.u32 $0x7F, v63  }
0x3fe: {  	v39 =	vor.u32 v37, v39  }
0x3ff: {  	v38 =	vor.u32 v38, v39;
	_ =	sdelay $0x2  }
0x400: {  	s31 =	sor.u32 $0x120, s29;
	s28 =	simm.s32 $0x40  }
0x401: {  	s30 =	simm.s32 $0x80;
	v40 =	vor.u32 s28, v1;
	v39 =	vmov s28;
	[tilespmem:s31+$0x11180] =	vst v62  }
.LBB2_30:
0x402: {  	p1 =	sne.s32 s30, $0x3C0;
	v40 =	vand.u32 $0x4F, v40;
	v39 =	vshll.u32 v39, $0x3;
	v38 =	vld.idx.msk [tilespmem:v38+s17+$0x0], $0xffff  }
0x403: {  	v39 =	vand.u32 $0x1C00, v39;
	v40 =	vor.u32 v37, v40  }
0x404: {  	v40 =	vor.u32 v39, v40;
	_ =	sdelay $0x2  }
0x405: {  	s29 =	sor.u32 $0x130, s29  }
0x406: {  	v41 =	vor.u32 s28, v3;
	[tilespmem:s29+$0x11180] =	vst v38  }
0x407: {  	v38 =	vld.idx.msk [tilespmem:v40+s17+$0x0], $0xffff;
	v40 =	vand.u32 $0x5F, v41  }
0x408: {  	p0 =	por !p0, !p0;
	s29 =	simm.s32 $0x1;
	v40 =	vor.u32 v37, v40  }
0x409: {  	s29 =	simm.s32 @!p0 $0x0;
	v40 =	vor.u32 v39, v40  }
0x40a: {  	s26 =	sadd.s32 $0x100, s26;
	s29 =	sshll.u32 s29, $0x6  }
0x40b: {  	s29 =	sadd.s32 s29, s26  }
0x40c: {  	s31 =	sor.u32 $0x100, s29  }
0x40d: {  	[tilespmem:s31+$0x11180] =	vst v38;
	v38 =	vor.u32 s28, v4  }
0x40e: {  	v40 =	vld.idx.msk [tilespmem:v40+s17+$0x0], $0xffff;
	v38 =	vand.u32 $0x6F, v38  }
0x40f: {  	v38 =	vor.u32 v37, v38  }
0x410: {  	v38 =	vor.u32 v39, v38;
	_ =	sdelay $0x2  }
0x411: {  	s31 =	sor.u32 $0x110, s29  }
0x412: {  	[tilespmem:s31+$0x11180] =	vst v40;
	v40 =	vor.u32 s28, v5;
	s28 =	smov.u32 s30  }
0x413: {  	v41 =	vld.idx.msk [tilespmem:v38+s17+$0x0], $0xffff;
	v38 =	vand.u32 $0x7F, v40  }
0x414: {  	v38 =	vor.u32 v37, v38  }
.Ltmp14:
0x415: {  	v38 =	vor.u32 v39, v38;
	(pc) =	sbr.rel @p1 .LBB2_30-.Ltmp14, $3  }
0x416: {  	_ =	sdelay $0x1  }
0x417: {  	s31 =	sor.u32 $0x120, s29  }
0x418: {  	s30 =	sadd.s32 $0x40, s30;
	v40 =	vor.u32 s28, v1;
	v39 =	vmov s28;
	[tilespmem:s31+$0x11180] =	vst v41  }
0x419: {  	_ =	sdelay $0x2  }
0x41a: {  	v40 =	vand.u32 $0x4F, v40;
	v39 =	vshll.u32 v39, $0x3  }
0x41b: {  	v38 =	vld.idx.msk [tilespmem:v38+s17+$0x0], $0xffff;
	v39 =	vand.u32 $0x1C00, v39;
	v40 =	vor.u32 v37, v40  }
0x41c: {  	v40 =	vor.u32 v39, v40;
	_ =	sdelay $0x2  }
0x41d: {  	s29 =	sor.u32 $0x130, s29;
	v41 =	vor.u32 s28, v3  }
0x41e: {  	v50 =	vand.u32 $0x5F, v41;
	[tilespmem:s29+$0x11180] =	vst v38  }
0x41f: {  	p0 =	por !p0, !p0;
	v38 =	vor.u32 v37, v50;
	s29 =	simm.s32 $0x1;
	v40 =	vld.idx.msk [tilespmem:v40+s17+$0x0], $0xffff  }
0x420: {  	s29 =	simm.s32 @!p0 $0x0;
	v38 =	vor.u32 v39, v38  }
0x421: {  	s26 =	sadd.s32 $0x100, s26;
	s29 =	sshll.u32 s29, $0x6  }
0x422: {  	s26 =	sadd.s32 s29, s26  }
0x423: {  	v51 =	vor.u32 s28, v4;
	s29 =	sor.u32 $0x100, s26  }
0x424: {  	v52 =	vand.u32 $0x6F, v51;
	[tilespmem:s29+$0x11180] =	vst v40  }
0x425: {  	v40 =	vor.u32 v37, v52;
	v38 =	vld.idx.msk [tilespmem:v38+s17+$0x0], $0xffff  }
0x426: {  	v40 =	vor.u32 v39, v40;
	_ =	sdelay $0x2  }
0x427: {  	v53 =	vor.u32 s28, v5;
	s29 =	sor.u32 $0x110, s26  }
0x428: {  	v54 =	vand.u32 $0x7F, v53;
	[tilespmem:s29+$0x11180] =	vst v38  }
0x429: {  	v55 =	vor.u32 v37, v54;
	v40 =	vld.idx.msk [tilespmem:v40+s17+$0x0], $0xffff  }
0x42a: {  	v37 =	vor.u32 v39, v55;
	_ =	sdelay $0x2  }
0x42b: {  	s28 =	sor.u32 $0x120, s26  }
0x42c: {  	[tilespmem:s28+$0x11180] =	vst v40  }
0x42d: {  	v37 =	vld.idx.msk [tilespmem:v37+s17+$0x0], $0xffff;
	_ =	sdelay $0x3  }
0x42e: {  	s26 =	sor.u32 $0x130, s26  }
0x42f: {  	[tilespmem:s26+$0x11180] =	vst v37  }
0x430: {  	v37 =	vld.idx.msk [tilespmem:v20+s19+$0x0], $0xffff;
	_ =	sdelay $0x4  }
0x431: {  	v56 =	vshll.u32 v37, $0xA;
	v37 =	vshll.u32 v37, $0x7  }
0x432: {  	s26 =	simm.s32 $0x0;
	v38 =	vand.u32 $0xFFFFE000, v56;
	v37 =	vand.u32 $0x380, v37  }
0x433: {  	v57 =	vmov s26;
	v58 =	vor.u32 s26, v1;
	v37 =	vor.u32 v37, v38  }
0x434: {  	v39 =	vand.u32 $0x4F, v58;
	v38 =	vshll.u32 v57, $0x3;
	v37 =	vadd.s32 $0x6000, v37  }
0x435: {  	v38 =	vand.u32 $0x1C00, v38;
	v39 =	vor.u32 v37, v39  }
0x436: {  	v39 =	vor.u32 v38, v39;
	_ =	sdelay $0x2  }
0x437: {  	v59 =	vor.u32 s26, v3  }
0x438: {  	v40 =	vand.u32 $0x5F, v59  }
0x439: {  	p0 =	por $0x0, $0x0;
	s28 =	simm.s32 $0x1;
	v40 =	vor.u32 v37, v40;
	v39 =	vld.idx.msk [tilespmem:v39+s17+$0x0], $0xffff  }
0x43a: {  	s28 =	simm.s32 @!p0 $0x0;
	v40 =	vor.u32 v38, v40  }
0x43b: {  	s28 =	sshll.u32 s28, $0x6  }
0x43c: {  	s29 =	sadd.s32 $0x0, s28  }
0x43d: {  	s28 =	sor.u32 $0x180, s29;
	v60 =	vor.u32 s26, v4  }
0x43e: {  	v61 =	vand.u32 $0x6F, v60;
	[tilespmem:s28+$0x11180] =	vst v39  }
0x43f: {  	v39 =	vor.u32 v37, v61;
	v40 =	vld.idx.msk [tilespmem:v40+s17+$0x0], $0xffff  }
0x440: {  	v39 =	vor.u32 v38, v39;
	_ =	sdelay $0x2  }
0x441: {  	s28 =	sor.u32 $0x190, s29  }
0x442: {  	v63 =	vor.u32 s26, v5;
	[tilespmem:s28+$0x11180] =	vst v40  }
0x443: {  	v62 =	vld.idx.msk [tilespmem:v39+s17+$0x0], $0xffff;
	v39 =	vand.u32 $0x7F, v63  }
0x444: {  	v39 =	vor.u32 v37, v39  }
0x445: {  	v38 =	vor.u32 v38, v39;
	_ =	sdelay $0x2  }
0x446: {  	s31 =	sor.u32 $0x1A0, s29;
	s28 =	simm.s32 $0x40  }
0x447: {  	s30 =	simm.s32 $0x80;
	v40 =	vor.u32 s28, v1;
	v39 =	vmov s28;
	[tilespmem:s31+$0x11180] =	vst v62  }
.LBB2_32:
0x448: {  	p1 =	sne.s32 s30, $0x3C0;
	v40 =	vand.u32 $0x4F, v40;
	v39 =	vshll.u32 v39, $0x3;
	v38 =	vld.idx.msk [tilespmem:v38+s17+$0x0], $0xffff  }
0x449: {  	v39 =	vand.u32 $0x1C00, v39;
	v40 =	vor.u32 v37, v40  }
0x44a: {  	v40 =	vor.u32 v39, v40;
	_ =	sdelay $0x2  }
0x44b: {  	s29 =	sor.u32 $0x1B0, s29  }
0x44c: {  	v41 =	vor.u32 s28, v3;
	[tilespmem:s29+$0x11180] =	vst v38  }
0x44d: {  	v38 =	vld.idx.msk [tilespmem:v40+s17+$0x0], $0xffff;
	v40 =	vand.u32 $0x5F, v41  }
0x44e: {  	p0 =	por !p0, !p0;
	s29 =	simm.s32 $0x1;
	v40 =	vor.u32 v37, v40  }
0x44f: {  	s29 =	simm.s32 @!p0 $0x0;
	v40 =	vor.u32 v39, v40  }
0x450: {  	s26 =	sadd.s32 $0x100, s26;
	s29 =	sshll.u32 s29, $0x6  }
0x451: {  	s29 =	sadd.s32 s29, s26  }
0x452: {  	s31 =	sor.u32 $0x180, s29  }
0x453: {  	[tilespmem:s31+$0x11180] =	vst v38;
	v38 =	vor.u32 s28, v4  }
0x454: {  	v40 =	vld.idx.msk [tilespmem:v40+s17+$0x0], $0xffff;
	v38 =	vand.u32 $0x6F, v38  }
0x455: {  	v38 =	vor.u32 v37, v38  }
0x456: {  	v38 =	vor.u32 v39, v38;
	_ =	sdelay $0x2  }
0x457: {  	s31 =	sor.u32 $0x190, s29  }
0x458: {  	[tilespmem:s31+$0x11180] =	vst v40;
	v40 =	vor.u32 s28, v5;
	s28 =	smov.u32 s30  }
0x459: {  	v41 =	vld.idx.msk [tilespmem:v38+s17+$0x0], $0xffff;
	v38 =	vand.u32 $0x7F, v40  }
0x45a: {  	v38 =	vor.u32 v37, v38  }
.Ltmp15:
0x45b: {  	v38 =	vor.u32 v39, v38;
	(pc) =	sbr.rel @p1 .LBB2_32-.Ltmp15, $3  }
0x45c: {  	_ =	sdelay $0x1  }
0x45d: {  	s31 =	sor.u32 $0x1A0, s29  }
0x45e: {  	s30 =	sadd.s32 $0x40, s30;
	v40 =	vor.u32 s28, v1;
	v39 =	vmov s28;
	[tilespmem:s31+$0x11180] =	vst v41  }
0x45f: {  	_ =	sdelay $0x2  }
0x460: {  	v40 =	vand.u32 $0x4F, v40;
	v39 =	vshll.u32 v39, $0x3  }
0x461: {  	v38 =	vld.idx.msk [tilespmem:v38+s17+$0x0], $0xffff;
	v39 =	vand.u32 $0x1C00, v39;
	v40 =	vor.u32 v37, v40  }
0x462: {  	v40 =	vor.u32 v39, v40;
	_ =	sdelay $0x2  }
0x463: {  	s29 =	sor.u32 $0x1B0, s29;
	v41 =	vor.u32 s28, v3  }
0x464: {  	v48 =	vand.u32 $0x5F, v41;
	[tilespmem:s29+$0x11180] =	vst v38  }
0x465: {  	p0 =	por !p0, !p0;
	v38 =	vor.u32 v37, v48;
	s29 =	simm.s32 $0x1;
	v40 =	vld.idx.msk [tilespmem:v40+s17+$0x0], $0xffff  }
0x466: {  	s29 =	simm.s32 @!p0 $0x0;
	v38 =	vor.u32 v39, v38  }
0x467: {  	s26 =	sadd.s32 $0x100, s26;
	s29 =	sshll.u32 s29, $0x6  }
0x468: {  	s26 =	sadd.s32 s29, s26  }
0x469: {  	v49 =	vor.u32 s28, v4;
	s29 =	sor.u32 $0x180, s26  }
0x46a: {  	v50 =	vand.u32 $0x6F, v49;
	[tilespmem:s29+$0x11180] =	vst v40  }
0x46b: {  	v40 =	vor.u32 v37, v50;
	v38 =	vld.idx.msk [tilespmem:v38+s17+$0x0], $0xffff  }
0x46c: {  	v40 =	vor.u32 v39, v40;
	_ =	sdelay $0x2  }
0x46d: {  	v51 =	vor.u32 s28, v5;
	s29 =	sor.u32 $0x190, s26  }
0x46e: {  	v52 =	vand.u32 $0x7F, v51;
	[tilespmem:s29+$0x11180] =	vst v38  }
0x46f: {  	v53 =	vor.u32 v37, v52;
	v40 =	vld.idx.msk [tilespmem:v40+s17+$0x0], $0xffff  }
0x470: {  	v37 =	vor.u32 v39, v53;
	_ =	sdelay $0x2  }
0x471: {  	s28 =	sor.u32 $0x1A0, s26  }
0x472: {  	[tilespmem:s28+$0x11180] =	vst v40  }
0x473: {  	v37 =	vld.idx.msk [tilespmem:v37+s17+$0x0], $0xffff;
	_ =	sdelay $0x3  }
0x474: {  	s26 =	sor.u32 $0x1B0, s26  }
0x475: {  	[tilespmem:s26+$0x11180] =	vst v37  }
0x476: {  	v37 =	vld.msk [tilespmem:$0x128], $0xf;
	_ =	sdelay $0x4  }
0x477: {  	v37 =	vshll.u32 v37, $0xD  }
0x478: {  	v37 =	vperm.xlane v37, v1;
	_ =	sdelay $0x4  }
0x479: {  	s26 =	simm.s32 $0x0  }
0x47a: {  	[tilespmem:s17], [sflag:$0x1] =	stream.indirect_vreg.gather [hbm4b:s0+s26], $0x2000, v37, vm0, $0x38;
	[tilespmem:$0x12180] =	vst v63  }
0x47b: {  	_ = 	snop  }
0x47c: {  	[hbm4b:s8+s20] =	stream.strided.scatter [tilespmem:s23], [sflag:$0x2], $0x1000, s21, s20, $0x38;
	[tilespmem:$0x12180] =	vst v63  }
0x47d: {  	_ =	swait.ge [sflag:s18], $0x8000  }
0x47e: {  	[sflag:s18] =	ssyncset.done $0x0  }
0x47f: {  	[sflag:s18] =	ssyncadd.s32 $0xFFFF8000  }
0x480: {  	_ =	swait.ge [sflag:s24], $0x1000  }
0x481: {  	[sflag:s24] =	ssyncset.done $0x0  }
0x482: {  	[sflag:s24] =	ssyncadd.s32 $0xFFFFF000  }
0x483: {  	v54 =	vld.idx.msk [tilespmem:v21+s19+$0x0], $0xffff;
	_ =	sdelay $0x4  }
0x484: {  	v56 =	vmov s26;
	v55 =	vshll.u32 v54, $0xA;
	v37 =	vshll.u32 v54, $0x7  }
0x485: {  	v57 =	vor.u32 s26, v1;
	v38 =	vand.u32 $0xFFFFE000, v55;
	v37 =	vand.u32 $0x380, v37  }
0x486: {  	v58 =	vand.u32 $0x4F, v57;
	v39 =	vshll.u32 v56, $0x3;
	v37 =	vor.u32 v38, v37  }
0x487: {  	v39 =	vand.u32 $0x1C00, v39;
	v38 =	vor.u32 v37, v58  }
0x488: {  	v38 =	vor.u32 v39, v38;
	_ =	sdelay $0x2  }
0x489: {  	v59 =	vor.u32 s26, v3  }
0x48a: {  	v40 =	vand.u32 $0x5F, v59  }
0x48b: {  	v40 =	vor.u32 v37, v40;
	v38 =	vld.idx.msk [tilespmem:v38+s16+$0x0], $0xffff  }
0x48c: {  	v40 =	vor.u32 v39, v40;
	_ =	sdelay $0x1  }
0x48d: {  	s28 =	sand.u32 $0x40, s26;
	s29 =	sand.u32 $0xE00, s26  }
0x48e: {  	v60 =	vor.u32 s26, v4;
	s29 =	sor.u32 s28, s29  }
0x48f: {  	v61 =	vand.u32 $0x6F, v60;
	[tilespmem:s29+$0x10180] =	vst v38  }
0x490: {  	v38 =	vor.u32 v37, v61;
	v40 =	vld.idx.msk [tilespmem:v40+s16+$0x0], $0xffff  }
0x491: {  	v38 =	vor.u32 v39, v38;
	_ =	sdelay $0x3  }
0x492: {  	v63 =	vor.u32 s26, v5;
	[tilespmem:s29+$0x10190] =	vst v40  }
0x493: {  	v62 =	vld.idx.msk [tilespmem:v38+s16+$0x0], $0xffff;
	v38 =	vand.u32 $0x7F, v63  }
0x494: {  	v38 =	vor.u32 v37, v38  }
0x495: {  	v38 =	vor.u32 v39, v38;
	_ =	sdelay $0x2  }
0x496: {  	s28 =	simm.s32 $0x40  }
0x497: {  	s30 =	simm.s32 $0x80;
	v40 =	vor.u32 s28, v1;
	v39 =	vmov s28;
	[tilespmem:s29+$0x101A0] =	vst v62  }
.LBB2_34:
0x498: {  	p0 =	sne.s32 s30, $0x3C0;
	v40 =	vand.u32 $0x4F, v40;
	v39 =	vshll.u32 v39, $0x3;
	v38 =	vld.idx.msk [tilespmem:v38+s16+$0x0], $0xffff  }
0x499: {  	v39 =	vand.u32 $0x1C00, v39;
	v40 =	vor.u32 v37, v40  }
0x49a: {  	v40 =	vor.u32 v39, v40;
	_ =	sdelay $0x3  }
0x49b: {  	v41 =	vor.u32 s28, v3;
	[tilespmem:s29+$0x101B0] =	vst v38  }
0x49c: {  	v38 =	vld.idx.msk [tilespmem:v40+s16+$0x0], $0xffff;
	v40 =	vand.u32 $0x5F, v41  }
0x49d: {  	v40 =	vor.u32 v37, v40  }
0x49e: {  	v40 =	vor.u32 v39, v40  }
0x49f: {  	s26 =	sadd.s32 $0x100, s26  }
0x4a0: {  	s31 =	sand.u32 $0xE00, s26;
	s29 =	sand.u32 $0x40, s28  }
0x4a1: {  	s29 =	sor.u32 s29, s31  }
0x4a2: {  	[tilespmem:s29+$0x10180] =	vst v38;
	v38 =	vor.u32 s28, v4  }
0x4a3: {  	v40 =	vld.idx.msk [tilespmem:v40+s16+$0x0], $0xffff;
	v38 =	vand.u32 $0x6F, v38  }
0x4a4: {  	v38 =	vor.u32 v37, v38  }
0x4a5: {  	v38 =	vor.u32 v39, v38;
	_ =	sdelay $0x3  }
0x4a6: {  	[tilespmem:s29+$0x10190] =	vst v40;
	v40 =	vor.u32 s28, v5;
	s28 =	smov.u32 s30  }
0x4a7: {  	v41 =	vld.idx.msk [tilespmem:v38+s16+$0x0], $0xffff;
	v38 =	vand.u32 $0x7F, v40  }
0x4a8: {  	v38 =	vor.u32 v37, v38  }
.Ltmp16:
0x4a9: {  	v38 =	vor.u32 v39, v38;
	(pc) =	sbr.rel @p0 .LBB2_34-.Ltmp16, $2  }
0x4aa: {  	_ =	sdelay $0x2  }
0x4ab: {  	s30 =	sadd.s32 $0x40, s30;
	v40 =	vor.u32 s28, v1;
	v39 =	vmov s28;
	[tilespmem:s29+$0x101A0] =	vst v41  }
0x4ac: {  	_ =	sdelay $0x2  }
0x4ad: {  	v40 =	vand.u32 $0x4F, v40;
	v39 =	vshll.u32 v39, $0x3  }
0x4ae: {  	v38 =	vld.idx.msk [tilespmem:v38+s16+$0x0], $0xffff;
	v39 =	vand.u32 $0x1C00, v39;
	v40 =	vor.u32 v37, v40  }
0x4af: {  	v40 =	vor.u32 v39, v40;
	_ =	sdelay $0x2  }
0x4b0: {  	v41 =	vor.u32 s28, v3  }
0x4b1: {  	v50 =	vand.u32 $0x5F, v41;
	[tilespmem:s29+$0x101B0] =	vst v38  }
0x4b2: {  	v38 =	vor.u32 v37, v50;
	v40 =	vld.idx.msk [tilespmem:v40+s16+$0x0], $0xffff  }
0x4b3: {  	v38 =	vor.u32 v39, v38  }
0x4b4: {  	s26 =	sadd.s32 $0x100, s26  }
0x4b5: {  	s26 =	sand.u32 $0xE00, s26;
	s29 =	sand.u32 $0x40, s28  }
0x4b6: {  	v51 =	vor.u32 s28, v4;
	s26 =	sor.u32 s29, s26  }
0x4b7: {  	v52 =	vand.u32 $0x6F, v51;
	[tilespmem:s26+$0x10180] =	vst v40  }
0x4b8: {  	v40 =	vor.u32 v37, v52;
	v38 =	vld.idx.msk [tilespmem:v38+s16+$0x0], $0xffff  }
0x4b9: {  	v40 =	vor.u32 v39, v40;
	_ =	sdelay $0x2  }
0x4ba: {  	v53 =	vor.u32 s28, v5  }
0x4bb: {  	v54 =	vand.u32 $0x7F, v53;
	[tilespmem:s26+$0x10190] =	vst v38  }
0x4bc: {  	v55 =	vor.u32 v37, v54;
	v40 =	vld.idx.msk [tilespmem:v40+s16+$0x0], $0xffff  }
0x4bd: {  	v37 =	vor.u32 v39, v55;
	_ =	sdelay $0x3  }
0x4be: {  	[tilespmem:s26+$0x101A0] =	vst v40  }
0x4bf: {  	v37 =	vld.idx.msk [tilespmem:v37+s16+$0x0], $0xffff;
	_ =	sdelay $0x4  }
0x4c0: {  	[tilespmem:s26+$0x101B0] =	vst v37  }
0x4c1: {  	v37 =	vld.idx.msk [tilespmem:v22+s19+$0x0], $0xffff;
	_ =	sdelay $0x4  }
0x4c2: {  	v56 =	vshll.u32 v37, $0xA;
	v37 =	vshll.u32 v37, $0x7  }
0x4c3: {  	s26 =	simm.s32 $0x0;
	v38 =	vand.u32 $0xFFFFE000, v56;
	v37 =	vand.u32 $0x380, v37  }
0x4c4: {  	v57 =	vmov s26;
	v58 =	vor.u32 s26, v1;
	v37 =	vor.u32 v37, v38  }
0x4c5: {  	v39 =	vand.u32 $0x4F, v58;
	v38 =	vshll.u32 v57, $0x3;
	v37 =	vadd.s32 $0x2000, v37  }
0x4c6: {  	v38 =	vand.u32 $0x1C00, v38;
	v39 =	vor.u32 v37, v39  }
0x4c7: {  	v39 =	vor.u32 v38, v39;
	_ =	sdelay $0x2  }
0x4c8: {  	v59 =	vor.u32 s26, v3  }
0x4c9: {  	v40 =	vand.u32 $0x5F, v59  }
0x4ca: {  	v40 =	vor.u32 v37, v40;
	v39 =	vld.idx.msk [tilespmem:v39+s16+$0x0], $0xffff  }
0x4cb: {  	v40 =	vor.u32 v38, v40;
	_ =	sdelay $0x1  }
0x4cc: {  	s28 =	sand.u32 $0x40, s26;
	s29 =	sand.u32 $0xE00, s26  }
0x4cd: {  	v60 =	vor.u32 s26, v4;
	s29 =	sor.u32 s28, s29  }
0x4ce: {  	v61 =	vand.u32 $0x6F, v60;
	[tilespmem:s29+$0x10200] =	vst v39  }
0x4cf: {  	v39 =	vor.u32 v37, v61;
	v40 =	vld.idx.msk [tilespmem:v40+s16+$0x0], $0xffff  }
0x4d0: {  	v39 =	vor.u32 v38, v39;
	_ =	sdelay $0x3  }
0x4d1: {  	v63 =	vor.u32 s26, v5;
	[tilespmem:s29+$0x10210] =	vst v40  }
0x4d2: {  	v62 =	vld.idx.msk [tilespmem:v39+s16+$0x0], $0xffff;
	v39 =	vand.u32 $0x7F, v63  }
0x4d3: {  	v39 =	vor.u32 v37, v39  }
0x4d4: {  	v38 =	vor.u32 v38, v39;
	_ =	sdelay $0x2  }
0x4d5: {  	s28 =	simm.s32 $0x40  }
0x4d6: {  	s30 =	simm.s32 $0x80;
	v40 =	vor.u32 s28, v1;
	v39 =	vmov s28;
	[tilespmem:s29+$0x10220] =	vst v62  }
.LBB2_36:
0x4d7: {  	p0 =	sne.s32 s30, $0x3C0;
	v40 =	vand.u32 $0x4F, v40;
	v39 =	vshll.u32 v39, $0x3;
	v38 =	vld.idx.msk [tilespmem:v38+s16+$0x0], $0xffff  }
0x4d8: {  	v39 =	vand.u32 $0x1C00, v39;
	v40 =	vor.u32 v37, v40  }
0x4d9: {  	v40 =	vor.u32 v39, v40;
	_ =	sdelay $0x3  }
0x4da: {  	v41 =	vor.u32 s28, v3;
	[tilespmem:s29+$0x10230] =	vst v38  }
0x4db: {  	v38 =	vld.idx.msk [tilespmem:v40+s16+$0x0], $0xffff;
	v40 =	vand.u32 $0x5F, v41  }
0x4dc: {  	v40 =	vor.u32 v37, v40  }
0x4dd: {  	v40 =	vor.u32 v39, v40  }
0x4de: {  	s26 =	sadd.s32 $0x100, s26  }
0x4df: {  	s31 =	sand.u32 $0xE00, s26;
	s29 =	sand.u32 $0x40, s28  }
0x4e0: {  	s29 =	sor.u32 s29, s31  }
0x4e1: {  	[tilespmem:s29+$0x10200] =	vst v38;
	v38 =	vor.u32 s28, v4  }
0x4e2: {  	v40 =	vld.idx.msk [tilespmem:v40+s16+$0x0], $0xffff;
	v38 =	vand.u32 $0x6F, v38  }
0x4e3: {  	v38 =	vor.u32 v37, v38  }
0x4e4: {  	v38 =	vor.u32 v39, v38;
	_ =	sdelay $0x3  }
0x4e5: {  	[tilespmem:s29+$0x10210] =	vst v40;
	v40 =	vor.u32 s28, v5;
	s28 =	smov.u32 s30  }
0x4e6: {  	v41 =	vld.idx.msk [tilespmem:v38+s16+$0x0], $0xffff;
	v38 =	vand.u32 $0x7F, v40  }
0x4e7: {  	v38 =	vor.u32 v37, v38  }
.Ltmp17:
0x4e8: {  	v38 =	vor.u32 v39, v38;
	(pc) =	sbr.rel @p0 .LBB2_36-.Ltmp17, $2  }
0x4e9: {  	_ =	sdelay $0x2  }
0x4ea: {  	s30 =	sadd.s32 $0x40, s30;
	v40 =	vor.u32 s28, v1;
	v39 =	vmov s28;
	[tilespmem:s29+$0x10220] =	vst v41  }
0x4eb: {  	_ =	sdelay $0x2  }
0x4ec: {  	v40 =	vand.u32 $0x4F, v40;
	v39 =	vshll.u32 v39, $0x3  }
0x4ed: {  	v38 =	vld.idx.msk [tilespmem:v38+s16+$0x0], $0xffff;
	v39 =	vand.u32 $0x1C00, v39;
	v40 =	vor.u32 v37, v40  }
0x4ee: {  	v40 =	vor.u32 v39, v40;
	_ =	sdelay $0x2  }
0x4ef: {  	v41 =	vor.u32 s28, v3  }
0x4f0: {  	v50 =	vand.u32 $0x5F, v41;
	[tilespmem:s29+$0x10230] =	vst v38  }
0x4f1: {  	v38 =	vor.u32 v37, v50;
	v40 =	vld.idx.msk [tilespmem:v40+s16+$0x0], $0xffff  }
0x4f2: {  	v38 =	vor.u32 v39, v38  }
0x4f3: {  	s26 =	sadd.s32 $0x100, s26  }
0x4f4: {  	s26 =	sand.u32 $0xE00, s26;
	s29 =	sand.u32 $0x40, s28  }
0x4f5: {  	v51 =	vor.u32 s28, v4;
	s26 =	sor.u32 s29, s26  }
0x4f6: {  	v52 =	vand.u32 $0x6F, v51;
	[tilespmem:s26+$0x10200] =	vst v40  }
0x4f7: {  	v40 =	vor.u32 v37, v52;
	v38 =	vld.idx.msk [tilespmem:v38+s16+$0x0], $0xffff  }
0x4f8: {  	v40 =	vor.u32 v39, v40;
	_ =	sdelay $0x2  }
0x4f9: {  	v53 =	vor.u32 s28, v5  }
0x4fa: {  	v54 =	vand.u32 $0x7F, v53;
	[tilespmem:s26+$0x10210] =	vst v38  }
0x4fb: {  	v55 =	vor.u32 v37, v54;
	v40 =	vld.idx.msk [tilespmem:v40+s16+$0x0], $0xffff  }
0x4fc: {  	v37 =	vor.u32 v39, v55;
	_ =	sdelay $0x3  }
0x4fd: {  	[tilespmem:s26+$0x10220] =	vst v40  }
0x4fe: {  	v37 =	vld.idx.msk [tilespmem:v37+s16+$0x0], $0xffff;
	_ =	sdelay $0x4  }
0x4ff: {  	[tilespmem:s26+$0x10230] =	vst v37  }
0x500: {  	v37 =	vld.idx.msk [tilespmem:v23+s19+$0x0], $0xffff;
	_ =	sdelay $0x4  }
0x501: {  	v56 =	vshll.u32 v37, $0xA;
	v37 =	vshll.u32 v37, $0x7  }
0x502: {  	s26 =	simm.s32 $0x0;
	v38 =	vand.u32 $0xFFFFE000, v56;
	v37 =	vand.u32 $0x380, v37  }
0x503: {  	v57 =	vmov s26;
	v58 =	vor.u32 s26, v1;
	v37 =	vor.u32 v37, v38  }
0x504: {  	v39 =	vand.u32 $0x4F, v58;
	v38 =	vshll.u32 v57, $0x3;
	v37 =	vadd.s32 $0x4000, v37  }
0x505: {  	v38 =	vand.u32 $0x1C00, v38;
	v39 =	vor.u32 v37, v39  }
0x506: {  	v39 =	vor.u32 v38, v39;
	_ =	sdelay $0x2  }
0x507: {  	v59 =	vor.u32 s26, v3  }
0x508: {  	v40 =	vand.u32 $0x5F, v59  }
0x509: {  	p0 =	por $0x0, $0x0;
	s28 =	simm.s32 $0x1;
	v40 =	vor.u32 v37, v40;
	v39 =	vld.idx.msk [tilespmem:v39+s16+$0x0], $0xffff  }
0x50a: {  	s28 =	simm.s32 @!p0 $0x0;
	v40 =	vor.u32 v38, v40  }
0x50b: {  	s28 =	sshll.u32 s28, $0x6  }
0x50c: {  	s29 =	sadd.s32 $0x0, s28  }
0x50d: {  	s28 =	sor.u32 $0x100, s29;
	v60 =	vor.u32 s26, v4  }
0x50e: {  	v61 =	vand.u32 $0x6F, v60;
	[tilespmem:s28+$0x10180] =	vst v39  }
0x50f: {  	v39 =	vor.u32 v37, v61;
	v40 =	vld.idx.msk [tilespmem:v40+s16+$0x0], $0xffff  }
0x510: {  	v39 =	vor.u32 v38, v39;
	_ =	sdelay $0x2  }
0x511: {  	s28 =	sor.u32 $0x110, s29  }
0x512: {  	v63 =	vor.u32 s26, v5;
	[tilespmem:s28+$0x10180] =	vst v40  }
0x513: {  	v62 =	vld.idx.msk [tilespmem:v39+s16+$0x0], $0xffff;
	v39 =	vand.u32 $0x7F, v63  }
0x514: {  	v39 =	vor.u32 v37, v39  }
0x515: {  	v38 =	vor.u32 v38, v39;
	_ =	sdelay $0x2  }
0x516: {  	s31 =	sor.u32 $0x120, s29;
	s28 =	simm.s32 $0x40  }
0x517: {  	s30 =	simm.s32 $0x80;
	v40 =	vor.u32 s28, v1;
	v39 =	vmov s28;
	[tilespmem:s31+$0x10180] =	vst v62  }
.LBB2_38:
0x518: {  	p1 =	sne.s32 s30, $0x3C0;
	v40 =	vand.u32 $0x4F, v40;
	v39 =	vshll.u32 v39, $0x3;
	v38 =	vld.idx.msk [tilespmem:v38+s16+$0x0], $0xffff  }
0x519: {  	v39 =	vand.u32 $0x1C00, v39;
	v40 =	vor.u32 v37, v40  }
0x51a: {  	v40 =	vor.u32 v39, v40;
	_ =	sdelay $0x2  }
0x51b: {  	s29 =	sor.u32 $0x130, s29  }
0x51c: {  	v41 =	vor.u32 s28, v3;
	[tilespmem:s29+$0x10180] =	vst v38  }
0x51d: {  	v38 =	vld.idx.msk [tilespmem:v40+s16+$0x0], $0xffff;
	v40 =	vand.u32 $0x5F, v41  }
0x51e: {  	p0 =	por !p0, !p0;
	s29 =	simm.s32 $0x1;
	v40 =	vor.u32 v37, v40  }
0x51f: {  	s29 =	simm.s32 @!p0 $0x0;
	v40 =	vor.u32 v39, v40  }
0x520: {  	s26 =	sadd.s32 $0x100, s26;
	s29 =	sshll.u32 s29, $0x6  }
0x521: {  	s29 =	sadd.s32 s29, s26  }
0x522: {  	s31 =	sor.u32 $0x100, s29  }
0x523: {  	[tilespmem:s31+$0x10180] =	vst v38;
	v38 =	vor.u32 s28, v4  }
0x524: {  	v40 =	vld.idx.msk [tilespmem:v40+s16+$0x0], $0xffff;
	v38 =	vand.u32 $0x6F, v38  }
0x525: {  	v38 =	vor.u32 v37, v38  }
0x526: {  	v38 =	vor.u32 v39, v38;
	_ =	sdelay $0x2  }
0x527: {  	s31 =	sor.u32 $0x110, s29  }
0x528: {  	[tilespmem:s31+$0x10180] =	vst v40;
	v40 =	vor.u32 s28, v5;
	s28 =	smov.u32 s30  }
0x529: {  	v41 =	vld.idx.msk [tilespmem:v38+s16+$0x0], $0xffff;
	v38 =	vand.u32 $0x7F, v40  }
0x52a: {  	v38 =	vor.u32 v37, v38  }
.Ltmp18:
0x52b: {  	v38 =	vor.u32 v39, v38;
	(pc) =	sbr.rel @p1 .LBB2_38-.Ltmp18, $3  }
0x52c: {  	_ =	sdelay $0x1  }
0x52d: {  	s31 =	sor.u32 $0x120, s29  }
0x52e: {  	s30 =	sadd.s32 $0x40, s30;
	v40 =	vor.u32 s28, v1;
	v39 =	vmov s28;
	[tilespmem:s31+$0x10180] =	vst v41  }
0x52f: {  	_ =	sdelay $0x2  }
0x530: {  	v40 =	vand.u32 $0x4F, v40;
	v39 =	vshll.u32 v39, $0x3  }
0x531: {  	v38 =	vld.idx.msk [tilespmem:v38+s16+$0x0], $0xffff;
	v39 =	vand.u32 $0x1C00, v39;
	v40 =	vor.u32 v37, v40  }
0x532: {  	v40 =	vor.u32 v39, v40;
	_ =	sdelay $0x2  }
0x533: {  	s29 =	sor.u32 $0x130, s29;
	v41 =	vor.u32 s28, v3  }
0x534: {  	v50 =	vand.u32 $0x5F, v41;
	[tilespmem:s29+$0x10180] =	vst v38  }
0x535: {  	p0 =	por !p0, !p0;
	v38 =	vor.u32 v37, v50;
	s29 =	simm.s32 $0x1;
	v40 =	vld.idx.msk [tilespmem:v40+s16+$0x0], $0xffff  }
0x536: {  	s29 =	simm.s32 @!p0 $0x0;
	v38 =	vor.u32 v39, v38  }
0x537: {  	s26 =	sadd.s32 $0x100, s26;
	s29 =	sshll.u32 s29, $0x6  }
0x538: {  	s26 =	sadd.s32 s29, s26  }
0x539: {  	v51 =	vor.u32 s28, v4;
	s29 =	sor.u32 $0x100, s26  }
0x53a: {  	v52 =	vand.u32 $0x6F, v51;
	[tilespmem:s29+$0x10180] =	vst v40  }
0x53b: {  	v40 =	vor.u32 v37, v52;
	v38 =	vld.idx.msk [tilespmem:v38+s16+$0x0], $0xffff  }
0x53c: {  	v40 =	vor.u32 v39, v40;
	_ =	sdelay $0x2  }
0x53d: {  	v53 =	vor.u32 s28, v5;
	s29 =	sor.u32 $0x110, s26  }
0x53e: {  	v54 =	vand.u32 $0x7F, v53;
	[tilespmem:s29+$0x10180] =	vst v38  }
0x53f: {  	v55 =	vor.u32 v37, v54;
	v40 =	vld.idx.msk [tilespmem:v40+s16+$0x0], $0xffff  }
0x540: {  	v37 =	vor.u32 v39, v55;
	_ =	sdelay $0x2  }
0x541: {  	s28 =	sor.u32 $0x120, s26  }
0x542: {  	[tilespmem:s28+$0x10180] =	vst v40  }
0x543: {  	v37 =	vld.idx.msk [tilespmem:v37+s16+$0x0], $0xffff;
	_ =	sdelay $0x3  }
0x544: {  	s26 =	sor.u32 $0x130, s26  }
0x545: {  	[tilespmem:s26+$0x10180] =	vst v37  }
0x546: {  	v37 =	vld.idx.msk [tilespmem:v24+s19+$0x0], $0xffff;
	_ =	sdelay $0x4  }
0x547: {  	v56 =	vshll.u32 v37, $0xA;
	v37 =	vshll.u32 v37, $0x7  }
0x548: {  	s26 =	simm.s32 $0x0;
	v38 =	vand.u32 $0xFFFFE000, v56;
	v37 =	vand.u32 $0x380, v37  }
0x549: {  	v57 =	vmov s26;
	v58 =	vor.u32 s26, v1;
	v37 =	vor.u32 v37, v38  }
0x54a: {  	v39 =	vand.u32 $0x4F, v58;
	v38 =	vshll.u32 v57, $0x3;
	v37 =	vadd.s32 $0x6000, v37  }
0x54b: {  	v38 =	vand.u32 $0x1C00, v38;
	v39 =	vor.u32 v37, v39  }
0x54c: {  	v39 =	vor.u32 v38, v39;
	_ =	sdelay $0x2  }
0x54d: {  	v59 =	vor.u32 s26, v3  }
0x54e: {  	v40 =	vand.u32 $0x5F, v59  }
0x54f: {  	p0 =	por $0x0, $0x0;
	s28 =	simm.s32 $0x1;
	v40 =	vor.u32 v37, v40;
	v39 =	vld.idx.msk [tilespmem:v39+s16+$0x0], $0xffff  }
0x550: {  	s28 =	simm.s32 @!p0 $0x0;
	v40 =	vor.u32 v38, v40  }
0x551: {  	s28 =	sshll.u32 s28, $0x6  }
0x552: {  	s29 =	sadd.s32 $0x0, s28  }
0x553: {  	s28 =	sor.u32 $0x180, s29;
	v60 =	vor.u32 s26, v4  }
0x554: {  	v61 =	vand.u32 $0x6F, v60;
	[tilespmem:s28+$0x10180] =	vst v39  }
0x555: {  	v39 =	vor.u32 v37, v61;
	v40 =	vld.idx.msk [tilespmem:v40+s16+$0x0], $0xffff  }
0x556: {  	v39 =	vor.u32 v38, v39;
	_ =	sdelay $0x2  }
0x557: {  	s28 =	sor.u32 $0x190, s29  }
0x558: {  	v63 =	vor.u32 s26, v5;
	[tilespmem:s28+$0x10180] =	vst v40  }
0x559: {  	v62 =	vld.idx.msk [tilespmem:v39+s16+$0x0], $0xffff;
	v39 =	vand.u32 $0x7F, v63  }
0x55a: {  	v39 =	vor.u32 v37, v39  }
0x55b: {  	v38 =	vor.u32 v38, v39;
	_ =	sdelay $0x2  }
0x55c: {  	s31 =	sor.u32 $0x1A0, s29;
	s28 =	simm.s32 $0x40  }
0x55d: {  	s30 =	simm.s32 $0x80;
	v40 =	vor.u32 s28, v1;
	v39 =	vmov s28;
	[tilespmem:s31+$0x10180] =	vst v62  }
.LBB2_40:
0x55e: {  	p1 =	sne.s32 s30, $0x3C0;
	v40 =	vand.u32 $0x4F, v40;
	v39 =	vshll.u32 v39, $0x3;
	v38 =	vld.idx.msk [tilespmem:v38+s16+$0x0], $0xffff  }
0x55f: {  	v39 =	vand.u32 $0x1C00, v39;
	v40 =	vor.u32 v37, v40  }
0x560: {  	v40 =	vor.u32 v39, v40;
	_ =	sdelay $0x2  }
0x561: {  	s29 =	sor.u32 $0x1B0, s29  }
0x562: {  	v41 =	vor.u32 s28, v3;
	[tilespmem:s29+$0x10180] =	vst v38  }
0x563: {  	v38 =	vld.idx.msk [tilespmem:v40+s16+$0x0], $0xffff;
	v40 =	vand.u32 $0x5F, v41  }
0x564: {  	p0 =	por !p0, !p0;
	s29 =	simm.s32 $0x1;
	v40 =	vor.u32 v37, v40  }
0x565: {  	s29 =	simm.s32 @!p0 $0x0;
	v40 =	vor.u32 v39, v40  }
0x566: {  	s26 =	sadd.s32 $0x100, s26;
	s29 =	sshll.u32 s29, $0x6  }
0x567: {  	s29 =	sadd.s32 s29, s26  }
0x568: {  	s31 =	sor.u32 $0x180, s29  }
0x569: {  	[tilespmem:s31+$0x10180] =	vst v38;
	v38 =	vor.u32 s28, v4  }
0x56a: {  	v40 =	vld.idx.msk [tilespmem:v40+s16+$0x0], $0xffff;
	v38 =	vand.u32 $0x6F, v38  }
0x56b: {  	v38 =	vor.u32 v37, v38  }
0x56c: {  	v38 =	vor.u32 v39, v38;
	_ =	sdelay $0x2  }
0x56d: {  	s31 =	sor.u32 $0x190, s29  }
0x56e: {  	[tilespmem:s31+$0x10180] =	vst v40;
	v40 =	vor.u32 s28, v5;
	s28 =	smov.u32 s30  }
0x56f: {  	v41 =	vld.idx.msk [tilespmem:v38+s16+$0x0], $0xffff;
	v38 =	vand.u32 $0x7F, v40  }
0x570: {  	v38 =	vor.u32 v37, v38  }
.Ltmp19:
0x571: {  	v38 =	vor.u32 v39, v38;
	(pc) =	sbr.rel @p1 .LBB2_40-.Ltmp19, $3  }
0x572: {  	_ =	sdelay $0x1  }
0x573: {  	s31 =	sor.u32 $0x1A0, s29  }
0x574: {  	s30 =	sadd.s32 $0x40, s30;
	v40 =	vor.u32 s28, v1;
	v39 =	vmov s28;
	[tilespmem:s31+$0x10180] =	vst v41  }
0x575: {  	_ =	sdelay $0x2  }
0x576: {  	v40 =	vand.u32 $0x4F, v40;
	v39 =	vshll.u32 v39, $0x3  }
0x577: {  	v38 =	vld.idx.msk [tilespmem:v38+s16+$0x0], $0xffff;
	v39 =	vand.u32 $0x1C00, v39;
	v40 =	vor.u32 v37, v40  }
0x578: {  	v40 =	vor.u32 v39, v40;
	_ =	sdelay $0x2  }
0x579: {  	s29 =	sor.u32 $0x1B0, s29;
	v41 =	vor.u32 s28, v3  }
0x57a: {  	v48 =	vand.u32 $0x5F, v41;
	[tilespmem:s29+$0x10180] =	vst v38  }
0x57b: {  	p0 =	por !p0, !p0;
	v38 =	vor.u32 v37, v48;
	s29 =	simm.s32 $0x1;
	v40 =	vld.idx.msk [tilespmem:v40+s16+$0x0], $0xffff  }
0x57c: {  	s29 =	simm.s32 @!p0 $0x0;
	v38 =	vor.u32 v39, v38  }
0x57d: {  	s26 =	sadd.s32 $0x100, s26;
	s29 =	sshll.u32 s29, $0x6  }
0x57e: {  	s26 =	sadd.s32 s29, s26  }
0x57f: {  	v49 =	vor.u32 s28, v4;
	s29 =	sor.u32 $0x180, s26  }
0x580: {  	v50 =	vand.u32 $0x6F, v49;
	[tilespmem:s29+$0x10180] =	vst v40  }
0x581: {  	v40 =	vor.u32 v37, v50;
	v38 =	vld.idx.msk [tilespmem:v38+s16+$0x0], $0xffff  }
0x582: {  	v40 =	vor.u32 v39, v40;
	_ =	sdelay $0x2  }
0x583: {  	v51 =	vor.u32 s28, v5;
	s29 =	sor.u32 $0x190, s26  }
0x584: {  	v52 =	vand.u32 $0x7F, v51;
	[tilespmem:s29+$0x10180] =	vst v38  }
0x585: {  	v53 =	vor.u32 v37, v52;
	v40 =	vld.idx.msk [tilespmem:v40+s16+$0x0], $0xffff  }
0x586: {  	v37 =	vor.u32 v39, v53;
	_ =	sdelay $0x2  }
0x587: {  	s28 =	sor.u32 $0x1A0, s26  }
0x588: {  	[tilespmem:s28+$0x10180] =	vst v40  }
0x589: {  	v37 =	vld.idx.msk [tilespmem:v37+s16+$0x0], $0xffff;
	_ =	sdelay $0x3  }
0x58a: {  	s26 =	sor.u32 $0x1B0, s26  }
0x58b: {  	[tilespmem:s26+$0x10180] =	vst v37  }
0x58c: {  	v37 =	vld.msk [tilespmem:$0x130], $0xf;
	_ =	sdelay $0x4  }
0x58d: {  	v37 =	vshll.u32 v37, $0xD  }
0x58e: {  	v37 =	vperm.xlane v37, v1;
	_ =	sdelay $0x4  }
0x58f: {  	s26 =	simm.s32 $0x0  }
0x590: {  	[tilespmem:s16], [sflag:$0x1] =	stream.indirect_vreg.gather [hbm4b:s0+s26], $0x2000, v37, vm0, $0x38;
	[tilespmem:$0x12180] =	vst v63  }
0x591: {  	_ = 	snop  }
0x592: {  	[hbm4b:s9+s20] =	stream.strided.scatter [tilespmem:s22], [sflag:$0x2], $0x1000, s21, s20, $0x38;
	[tilespmem:$0x12180] =	vst v63  }
0x593: {  	_ =	swait.ge [sflag:s18], $0x8000  }
0x594: {  	[sflag:s18] =	ssyncset.done $0x0  }
0x595: {  	[sflag:s18] =	ssyncadd.s32 $0xFFFF8000  }
0x596: {  	_ =	swait.ge [sflag:s24], $0x1000  }
0x597: {  	[sflag:s24] =	ssyncset.done $0x0  }
0x598: {  	[sflag:s24] =	ssyncadd.s32 $0xFFFFF000  }
0x599: {  	v54 =	vld.idx.msk [tilespmem:v25+s19+$0x0], $0xffff;
	_ =	sdelay $0x4  }
0x59a: {  	v56 =	vmov s26;
	v55 =	vshll.u32 v54, $0xA;
	v37 =	vshll.u32 v54, $0x7  }
0x59b: {  	v57 =	vor.u32 s26, v1;
	v38 =	vand.u32 $0xFFFFE000, v55;
	v37 =	vand.u32 $0x380, v37  }
0x59c: {  	v58 =	vand.u32 $0x4F, v57;
	v39 =	vshll.u32 v56, $0x3;
	v37 =	vor.u32 v38, v37  }
0x59d: {  	v39 =	vand.u32 $0x1C00, v39;
	v38 =	vor.u32 v37, v58  }
0x59e: {  	v38 =	vor.u32 v39, v38;
	_ =	sdelay $0x2  }
0x59f: {  	v59 =	vor.u32 s26, v3  }
0x5a0: {  	v40 =	vand.u32 $0x5F, v59  }
0x5a1: {  	v40 =	vor.u32 v37, v40;
	v38 =	vld.idx.msk [tilespmem:v38+s17+$0x0], $0xffff  }
0x5a2: {  	v40 =	vor.u32 v39, v40;
	_ =	sdelay $0x1  }
0x5a3: {  	s28 =	sand.u32 $0x40, s26;
	s29 =	sand.u32 $0xE00, s26  }
0x5a4: {  	v60 =	vor.u32 s26, v4;
	s29 =	sor.u32 s28, s29  }
0x5a5: {  	v61 =	vand.u32 $0x6F, v60;
	[tilespmem:s29+$0x11180] =	vst v38  }
0x5a6: {  	v38 =	vor.u32 v37, v61;
	v40 =	vld.idx.msk [tilespmem:v40+s17+$0x0], $0xffff  }
0x5a7: {  	v38 =	vor.u32 v39, v38;
	_ =	sdelay $0x3  }
0x5a8: {  	v63 =	vor.u32 s26, v5;
	[tilespmem:s29+$0x11190] =	vst v40  }
0x5a9: {  	v62 =	vld.idx.msk [tilespmem:v38+s17+$0x0], $0xffff;
	v38 =	vand.u32 $0x7F, v63  }
0x5aa: {  	v38 =	vor.u32 v37, v38  }
0x5ab: {  	v38 =	vor.u32 v39, v38;
	_ =	sdelay $0x2  }
0x5ac: {  	s28 =	simm.s32 $0x40  }
0x5ad: {  	s30 =	simm.s32 $0x80;
	v40 =	vor.u32 s28, v1;
	v39 =	vmov s28;
	[tilespmem:s29+$0x111A0] =	vst v62  }
.LBB2_42:
0x5ae: {  	p0 =	sne.s32 s30, $0x3C0;
	v40 =	vand.u32 $0x4F, v40;
	v39 =	vshll.u32 v39, $0x3;
	v38 =	vld.idx.msk [tilespmem:v38+s17+$0x0], $0xffff  }
0x5af: {  	v39 =	vand.u32 $0x1C00, v39;
	v40 =	vor.u32 v37, v40  }
0x5b0: {  	v40 =	vor.u32 v39, v40;
	_ =	sdelay $0x3  }
0x5b1: {  	v41 =	vor.u32 s28, v3;
	[tilespmem:s29+$0x111B0] =	vst v38  }
0x5b2: {  	v38 =	vld.idx.msk [tilespmem:v40+s17+$0x0], $0xffff;
	v40 =	vand.u32 $0x5F, v41  }
0x5b3: {  	v40 =	vor.u32 v37, v40  }
0x5b4: {  	v40 =	vor.u32 v39, v40  }
0x5b5: {  	s26 =	sadd.s32 $0x100, s26  }
0x5b6: {  	s31 =	sand.u32 $0xE00, s26;
	s29 =	sand.u32 $0x40, s28  }
0x5b7: {  	s29 =	sor.u32 s29, s31  }
0x5b8: {  	[tilespmem:s29+$0x11180] =	vst v38;
	v38 =	vor.u32 s28, v4  }
0x5b9: {  	v40 =	vld.idx.msk [tilespmem:v40+s17+$0x0], $0xffff;
	v38 =	vand.u32 $0x6F, v38  }
0x5ba: {  	v38 =	vor.u32 v37, v38  }
0x5bb: {  	v38 =	vor.u32 v39, v38;
	_ =	sdelay $0x3  }
0x5bc: {  	[tilespmem:s29+$0x11190] =	vst v40;
	v40 =	vor.u32 s28, v5;
	s28 =	smov.u32 s30  }
0x5bd: {  	v41 =	vld.idx.msk [tilespmem:v38+s17+$0x0], $0xffff;
	v38 =	vand.u32 $0x7F, v40  }
0x5be: {  	v38 =	vor.u32 v37, v38  }
.Ltmp20:
0x5bf: {  	v38 =	vor.u32 v39, v38;
	(pc) =	sbr.rel @p0 .LBB2_42-.Ltmp20, $2  }
0x5c0: {  	_ =	sdelay $0x2  }
0x5c1: {  	s30 =	sadd.s32 $0x40, s30;
	v40 =	vor.u32 s28, v1;
	v39 =	vmov s28;
	[tilespmem:s29+$0x111A0] =	vst v41  }
0x5c2: {  	_ =	sdelay $0x2  }
0x5c3: {  	v40 =	vand.u32 $0x4F, v40;
	v39 =	vshll.u32 v39, $0x3  }
0x5c4: {  	v38 =	vld.idx.msk [tilespmem:v38+s17+$0x0], $0xffff;
	v39 =	vand.u32 $0x1C00, v39;
	v40 =	vor.u32 v37, v40  }
0x5c5: {  	v40 =	vor.u32 v39, v40;
	_ =	sdelay $0x2  }
0x5c6: {  	v41 =	vor.u32 s28, v3  }
0x5c7: {  	v50 =	vand.u32 $0x5F, v41;
	[tilespmem:s29+$0x111B0] =	vst v38  }
0x5c8: {  	v38 =	vor.u32 v37, v50;
	v40 =	vld.idx.msk [tilespmem:v40+s17+$0x0], $0xffff  }
0x5c9: {  	v38 =	vor.u32 v39, v38  }
0x5ca: {  	s26 =	sadd.s32 $0x100, s26  }
0x5cb: {  	s26 =	sand.u32 $0xE00, s26;
	s29 =	sand.u32 $0x40, s28  }
0x5cc: {  	v51 =	vor.u32 s28, v4;
	s26 =	sor.u32 s29, s26  }
0x5cd: {  	v52 =	vand.u32 $0x6F, v51;
	[tilespmem:s26+$0x11180] =	vst v40  }
0x5ce: {  	v40 =	vor.u32 v37, v52;
	v38 =	vld.idx.msk [tilespmem:v38+s17+$0x0], $0xffff  }
0x5cf: {  	v40 =	vor.u32 v39, v40;
	_ =	sdelay $0x2  }
0x5d0: {  	v53 =	vor.u32 s28, v5  }
0x5d1: {  	v54 =	vand.u32 $0x7F, v53;
	[tilespmem:s26+$0x11190] =	vst v38  }
0x5d2: {  	v55 =	vor.u32 v37, v54;
	v40 =	vld.idx.msk [tilespmem:v40+s17+$0x0], $0xffff  }
0x5d3: {  	v37 =	vor.u32 v39, v55;
	_ =	sdelay $0x3  }
0x5d4: {  	[tilespmem:s26+$0x111A0] =	vst v40  }
0x5d5: {  	v37 =	vld.idx.msk [tilespmem:v37+s17+$0x0], $0xffff;
	_ =	sdelay $0x4  }
0x5d6: {  	[tilespmem:s26+$0x111B0] =	vst v37  }
0x5d7: {  	v37 =	vld.idx.msk [tilespmem:v26+s19+$0x0], $0xffff;
	_ =	sdelay $0x4  }
0x5d8: {  	v56 =	vshll.u32 v37, $0xA;
	v37 =	vshll.u32 v37, $0x7  }
0x5d9: {  	s26 =	simm.s32 $0x0;
	v38 =	vand.u32 $0xFFFFE000, v56;
	v37 =	vand.u32 $0x380, v37  }
0x5da: {  	v57 =	vmov s26;
	v58 =	vor.u32 s26, v1;
	v37 =	vor.u32 v37, v38  }
0x5db: {  	v39 =	vand.u32 $0x4F, v58;
	v38 =	vshll.u32 v57, $0x3;
	v37 =	vadd.s32 $0x2000, v37  }
0x5dc: {  	v38 =	vand.u32 $0x1C00, v38;
	v39 =	vor.u32 v37, v39  }
0x5dd: {  	v39 =	vor.u32 v38, v39;
	_ =	sdelay $0x2  }
0x5de: {  	v59 =	vor.u32 s26, v3  }
0x5df: {  	v40 =	vand.u32 $0x5F, v59  }
0x5e0: {  	v40 =	vor.u32 v37, v40;
	v39 =	vld.idx.msk [tilespmem:v39+s17+$0x0], $0xffff  }
0x5e1: {  	v40 =	vor.u32 v38, v40;
	_ =	sdelay $0x1  }
0x5e2: {  	s28 =	sand.u32 $0x40, s26;
	s29 =	sand.u32 $0xE00, s26  }
0x5e3: {  	v60 =	vor.u32 s26, v4;
	s29 =	sor.u32 s28, s29  }
0x5e4: {  	v61 =	vand.u32 $0x6F, v60;
	[tilespmem:s29+$0x11200] =	vst v39  }
0x5e5: {  	v39 =	vor.u32 v37, v61;
	v40 =	vld.idx.msk [tilespmem:v40+s17+$0x0], $0xffff  }
0x5e6: {  	v39 =	vor.u32 v38, v39;
	_ =	sdelay $0x3  }
0x5e7: {  	v63 =	vor.u32 s26, v5;
	[tilespmem:s29+$0x11210] =	vst v40  }
0x5e8: {  	v62 =	vld.idx.msk [tilespmem:v39+s17+$0x0], $0xffff;
	v39 =	vand.u32 $0x7F, v63  }
0x5e9: {  	v39 =	vor.u32 v37, v39  }
0x5ea: {  	v38 =	vor.u32 v38, v39;
	_ =	sdelay $0x2  }
0x5eb: {  	s28 =	simm.s32 $0x40  }
0x5ec: {  	s30 =	simm.s32 $0x80;
	v40 =	vor.u32 s28, v1;
	v39 =	vmov s28;
	[tilespmem:s29+$0x11220] =	vst v62  }
.LBB2_44:
0x5ed: {  	p0 =	sne.s32 s30, $0x3C0;
	v40 =	vand.u32 $0x4F, v40;
	v39 =	vshll.u32 v39, $0x3;
	v38 =	vld.idx.msk [tilespmem:v38+s17+$0x0], $0xffff  }
0x5ee: {  	v39 =	vand.u32 $0x1C00, v39;
	v40 =	vor.u32 v37, v40  }
0x5ef: {  	v40 =	vor.u32 v39, v40;
	_ =	sdelay $0x3  }
0x5f0: {  	v41 =	vor.u32 s28, v3;
	[tilespmem:s29+$0x11230] =	vst v38  }
0x5f1: {  	v38 =	vld.idx.msk [tilespmem:v40+s17+$0x0], $0xffff;
	v40 =	vand.u32 $0x5F, v41  }
0x5f2: {  	v40 =	vor.u32 v37, v40  }
0x5f3: {  	v40 =	vor.u32 v39, v40  }
0x5f4: {  	s26 =	sadd.s32 $0x100, s26  }
0x5f5: {  	s31 =	sand.u32 $0xE00, s26;
	s29 =	sand.u32 $0x40, s28  }
0x5f6: {  	s29 =	sor.u32 s29, s31  }
0x5f7: {  	[tilespmem:s29+$0x11200] =	vst v38;
	v38 =	vor.u32 s28, v4  }
0x5f8: {  	v40 =	vld.idx.msk [tilespmem:v40+s17+$0x0], $0xffff;
	v38 =	vand.u32 $0x6F, v38  }
0x5f9: {  	v38 =	vor.u32 v37, v38  }
0x5fa: {  	v38 =	vor.u32 v39, v38;
	_ =	sdelay $0x3  }
0x5fb: {  	[tilespmem:s29+$0x11210] =	vst v40;
	v40 =	vor.u32 s28, v5;
	s28 =	smov.u32 s30  }
0x5fc: {  	v41 =	vld.idx.msk [tilespmem:v38+s17+$0x0], $0xffff;
	v38 =	vand.u32 $0x7F, v40  }
0x5fd: {  	v38 =	vor.u32 v37, v38  }
.Ltmp21:
0x5fe: {  	v38 =	vor.u32 v39, v38;
	(pc) =	sbr.rel @p0 .LBB2_44-.Ltmp21, $2  }
0x5ff: {  	_ =	sdelay $0x2  }
0x600: {  	s30 =	sadd.s32 $0x40, s30;
	v40 =	vor.u32 s28, v1;
	v39 =	vmov s28;
	[tilespmem:s29+$0x11220] =	vst v41  }
0x601: {  	_ =	sdelay $0x2  }
0x602: {  	v40 =	vand.u32 $0x4F, v40;
	v39 =	vshll.u32 v39, $0x3  }
0x603: {  	v38 =	vld.idx.msk [tilespmem:v38+s17+$0x0], $0xffff;
	v39 =	vand.u32 $0x1C00, v39;
	v40 =	vor.u32 v37, v40  }
0x604: {  	v40 =	vor.u32 v39, v40;
	_ =	sdelay $0x2  }
0x605: {  	v41 =	vor.u32 s28, v3  }
0x606: {  	v50 =	vand.u32 $0x5F, v41;
	[tilespmem:s29+$0x11230] =	vst v38  }
0x607: {  	v38 =	vor.u32 v37, v50;
	v40 =	vld.idx.msk [tilespmem:v40+s17+$0x0], $0xffff  }
0x608: {  	v38 =	vor.u32 v39, v38  }
0x609: {  	s26 =	sadd.s32 $0x100, s26  }
0x60a: {  	s26 =	sand.u32 $0xE00, s26;
	s29 =	sand.u32 $0x40, s28  }
0x60b: {  	v51 =	vor.u32 s28, v4;
	s26 =	sor.u32 s29, s26  }
0x60c: {  	v52 =	vand.u32 $0x6F, v51;
	[tilespmem:s26+$0x11200] =	vst v40  }
0x60d: {  	v40 =	vor.u32 v37, v52;
	v38 =	vld.idx.msk [tilespmem:v38+s17+$0x0], $0xffff  }
0x60e: {  	v40 =	vor.u32 v39, v40;
	_ =	sdelay $0x2  }
0x60f: {  	v53 =	vor.u32 s28, v5  }
0x610: {  	v54 =	vand.u32 $0x7F, v53;
	[tilespmem:s26+$0x11210] =	vst v38  }
0x611: {  	v55 =	vor.u32 v37, v54;
	v40 =	vld.idx.msk [tilespmem:v40+s17+$0x0], $0xffff  }
0x612: {  	v37 =	vor.u32 v39, v55;
	_ =	sdelay $0x3  }
0x613: {  	[tilespmem:s26+$0x11220] =	vst v40  }
0x614: {  	v37 =	vld.idx.msk [tilespmem:v37+s17+$0x0], $0xffff;
	_ =	sdelay $0x4  }
0x615: {  	[tilespmem:s26+$0x11230] =	vst v37  }
0x616: {  	v37 =	vld.idx.msk [tilespmem:v27+s19+$0x0], $0xffff;
	_ =	sdelay $0x4  }
0x617: {  	v56 =	vshll.u32 v37, $0xA;
	v37 =	vshll.u32 v37, $0x7  }
0x618: {  	s26 =	simm.s32 $0x0;
	v38 =	vand.u32 $0xFFFFE000, v56;
	v37 =	vand.u32 $0x380, v37  }
0x619: {  	v57 =	vmov s26;
	v58 =	vor.u32 s26, v1;
	v37 =	vor.u32 v37, v38  }
0x61a: {  	v39 =	vand.u32 $0x4F, v58;
	v38 =	vshll.u32 v57, $0x3;
	v37 =	vadd.s32 $0x4000, v37  }
0x61b: {  	v38 =	vand.u32 $0x1C00, v38;
	v39 =	vor.u32 v37, v39  }
0x61c: {  	v39 =	vor.u32 v38, v39;
	_ =	sdelay $0x2  }
0x61d: {  	v59 =	vor.u32 s26, v3  }
0x61e: {  	v40 =	vand.u32 $0x5F, v59  }
0x61f: {  	p0 =	por $0x0, $0x0;
	s28 =	simm.s32 $0x1;
	v40 =	vor.u32 v37, v40;
	v39 =	vld.idx.msk [tilespmem:v39+s17+$0x0], $0xffff  }
0x620: {  	s28 =	simm.s32 @!p0 $0x0;
	v40 =	vor.u32 v38, v40  }
0x621: {  	s28 =	sshll.u32 s28, $0x6  }
0x622: {  	s29 =	sadd.s32 $0x0, s28  }
0x623: {  	s28 =	sor.u32 $0x100, s29;
	v60 =	vor.u32 s26, v4  }
0x624: {  	v61 =	vand.u32 $0x6F, v60;
	[tilespmem:s28+$0x11180] =	vst v39  }
0x625: {  	v39 =	vor.u32 v37, v61;
	v40 =	vld.idx.msk [tilespmem:v40+s17+$0x0], $0xffff  }
0x626: {  	v39 =	vor.u32 v38, v39;
	_ =	sdelay $0x2  }
0x627: {  	s28 =	sor.u32 $0x110, s29  }
0x628: {  	v63 =	vor.u32 s26, v5;
	[tilespmem:s28+$0x11180] =	vst v40  }
0x629: {  	v62 =	vld.idx.msk [tilespmem:v39+s17+$0x0], $0xffff;
	v39 =	vand.u32 $0x7F, v63  }
0x62a: {  	v39 =	vor.u32 v37, v39  }
0x62b: {  	v38 =	vor.u32 v38, v39;
	_ =	sdelay $0x2  }
0x62c: {  	s31 =	sor.u32 $0x120, s29;
	s28 =	simm.s32 $0x40  }
0x62d: {  	s30 =	simm.s32 $0x80;
	v40 =	vor.u32 s28, v1;
	v39 =	vmov s28;
	[tilespmem:s31+$0x11180] =	vst v62  }
.LBB2_46:
0x62e: {  	p1 =	sne.s32 s30, $0x3C0;
	v40 =	vand.u32 $0x4F, v40;
	v39 =	vshll.u32 v39, $0x3;
	v38 =	vld.idx.msk [tilespmem:v38+s17+$0x0], $0xffff  }
0x62f: {  	v39 =	vand.u32 $0x1C00, v39;
	v40 =	vor.u32 v37, v40  }
0x630: {  	v40 =	vor.u32 v39, v40;
	_ =	sdelay $0x2  }
0x631: {  	s29 =	sor.u32 $0x130, s29  }
0x632: {  	v41 =	vor.u32 s28, v3;
	[tilespmem:s29+$0x11180] =	vst v38  }
0x633: {  	v38 =	vld.idx.msk [tilespmem:v40+s17+$0x0], $0xffff;
	v40 =	vand.u32 $0x5F, v41  }
0x634: {  	p0 =	por !p0, !p0;
	s29 =	simm.s32 $0x1;
	v40 =	vor.u32 v37, v40  }
0x635: {  	s29 =	simm.s32 @!p0 $0x0;
	v40 =	vor.u32 v39, v40  }
0x636: {  	s26 =	sadd.s32 $0x100, s26;
	s29 =	sshll.u32 s29, $0x6  }
0x637: {  	s29 =	sadd.s32 s29, s26  }
0x638: {  	s31 =	sor.u32 $0x100, s29  }
0x639: {  	[tilespmem:s31+$0x11180] =	vst v38;
	v38 =	vor.u32 s28, v4  }
0x63a: {  	v40 =	vld.idx.msk [tilespmem:v40+s17+$0x0], $0xffff;
	v38 =	vand.u32 $0x6F, v38  }
0x63b: {  	v38 =	vor.u32 v37, v38  }
0x63c: {  	v38 =	vor.u32 v39, v38;
	_ =	sdelay $0x2  }
0x63d: {  	s31 =	sor.u32 $0x110, s29  }
0x63e: {  	[tilespmem:s31+$0x11180] =	vst v40;
	v40 =	vor.u32 s28, v5;
	s28 =	smov.u32 s30  }
0x63f: {  	v41 =	vld.idx.msk [tilespmem:v38+s17+$0x0], $0xffff;
	v38 =	vand.u32 $0x7F, v40  }
0x640: {  	v38 =	vor.u32 v37, v38  }
.Ltmp22:
0x641: {  	v38 =	vor.u32 v39, v38;
	(pc) =	sbr.rel @p1 .LBB2_46-.Ltmp22, $3  }
0x642: {  	_ =	sdelay $0x1  }
0x643: {  	s31 =	sor.u32 $0x120, s29  }
0x644: {  	s30 =	sadd.s32 $0x40, s30;
	v40 =	vor.u32 s28, v1;
	v39 =	vmov s28;
	[tilespmem:s31+$0x11180] =	vst v41  }
0x645: {  	_ =	sdelay $0x2  }
0x646: {  	v40 =	vand.u32 $0x4F, v40;
	v39 =	vshll.u32 v39, $0x3  }
0x647: {  	v38 =	vld.idx.msk [tilespmem:v38+s17+$0x0], $0xffff;
	v39 =	vand.u32 $0x1C00, v39;
	v40 =	vor.u32 v37, v40  }
0x648: {  	v40 =	vor.u32 v39, v40;
	_ =	sdelay $0x2  }
0x649: {  	s29 =	sor.u32 $0x130, s29;
	v41 =	vor.u32 s28, v3  }
0x64a: {  	v50 =	vand.u32 $0x5F, v41;
	[tilespmem:s29+$0x11180] =	vst v38  }
0x64b: {  	p0 =	por !p0, !p0;
	v38 =	vor.u32 v37, v50;
	s29 =	simm.s32 $0x1;
	v40 =	vld.idx.msk [tilespmem:v40+s17+$0x0], $0xffff  }
0x64c: {  	s29 =	simm.s32 @!p0 $0x0;
	v38 =	vor.u32 v39, v38  }
0x64d: {  	s26 =	sadd.s32 $0x100, s26;
	s29 =	sshll.u32 s29, $0x6  }
0x64e: {  	s26 =	sadd.s32 s29, s26  }
0x64f: {  	v51 =	vor.u32 s28, v4;
	s29 =	sor.u32 $0x100, s26  }
0x650: {  	v52 =	vand.u32 $0x6F, v51;
	[tilespmem:s29+$0x11180] =	vst v40  }
0x651: {  	v40 =	vor.u32 v37, v52;
	v38 =	vld.idx.msk [tilespmem:v38+s17+$0x0], $0xffff  }
0x652: {  	v40 =	vor.u32 v39, v40;
	_ =	sdelay $0x2  }
0x653: {  	v53 =	vor.u32 s28, v5;
	s29 =	sor.u32 $0x110, s26  }
0x654: {  	v54 =	vand.u32 $0x7F, v53;
	[tilespmem:s29+$0x11180] =	vst v38  }
0x655: {  	v55 =	vor.u32 v37, v54;
	v40 =	vld.idx.msk [tilespmem:v40+s17+$0x0], $0xffff  }
0x656: {  	v37 =	vor.u32 v39, v55;
	_ =	sdelay $0x2  }
0x657: {  	s28 =	sor.u32 $0x120, s26  }
0x658: {  	[tilespmem:s28+$0x11180] =	vst v40  }
0x659: {  	v37 =	vld.idx.msk [tilespmem:v37+s17+$0x0], $0xffff;
	_ =	sdelay $0x3  }
0x65a: {  	s26 =	sor.u32 $0x130, s26  }
0x65b: {  	[tilespmem:s26+$0x11180] =	vst v37  }
0x65c: {  	v37 =	vld.idx.msk [tilespmem:v28+s19+$0x0], $0xffff;
	_ =	sdelay $0x4  }
0x65d: {  	v56 =	vshll.u32 v37, $0xA;
	v37 =	vshll.u32 v37, $0x7  }
0x65e: {  	s26 =	simm.s32 $0x0;
	v38 =	vand.u32 $0xFFFFE000, v56;
	v37 =	vand.u32 $0x380, v37  }
0x65f: {  	v57 =	vmov s26;
	v58 =	vor.u32 s26, v1;
	v37 =	vor.u32 v37, v38  }
0x660: {  	v39 =	vand.u32 $0x4F, v58;
	v38 =	vshll.u32 v57, $0x3;
	v37 =	vadd.s32 $0x6000, v37  }
0x661: {  	v38 =	vand.u32 $0x1C00, v38;
	v39 =	vor.u32 v37, v39  }
0x662: {  	v39 =	vor.u32 v38, v39;
	_ =	sdelay $0x2  }
0x663: {  	v59 =	vor.u32 s26, v3  }
0x664: {  	v40 =	vand.u32 $0x5F, v59  }
0x665: {  	p0 =	por $0x0, $0x0;
	s28 =	simm.s32 $0x1;
	v40 =	vor.u32 v37, v40;
	v39 =	vld.idx.msk [tilespmem:v39+s17+$0x0], $0xffff  }
0x666: {  	s28 =	simm.s32 @!p0 $0x0;
	v40 =	vor.u32 v38, v40  }
0x667: {  	s28 =	sshll.u32 s28, $0x6  }
0x668: {  	s29 =	sadd.s32 $0x0, s28  }
0x669: {  	s28 =	sor.u32 $0x180, s29;
	v60 =	vor.u32 s26, v4  }
0x66a: {  	v61 =	vand.u32 $0x6F, v60;
	[tilespmem:s28+$0x11180] =	vst v39  }
0x66b: {  	v39 =	vor.u32 v37, v61;
	v40 =	vld.idx.msk [tilespmem:v40+s17+$0x0], $0xffff  }
0x66c: {  	v39 =	vor.u32 v38, v39;
	_ =	sdelay $0x2  }
0x66d: {  	s28 =	sor.u32 $0x190, s29  }
0x66e: {  	v63 =	vor.u32 s26, v5;
	[tilespmem:s28+$0x11180] =	vst v40  }
0x66f: {  	v62 =	vld.idx.msk [tilespmem:v39+s17+$0x0], $0xffff;
	v39 =	vand.u32 $0x7F, v63  }
0x670: {  	v39 =	vor.u32 v37, v39  }
0x671: {  	v38 =	vor.u32 v38, v39;
	_ =	sdelay $0x2  }
0x672: {  	s31 =	sor.u32 $0x1A0, s29;
	s28 =	simm.s32 $0x40  }
0x673: {  	s30 =	simm.s32 $0x80;
	v40 =	vor.u32 s28, v1;
	v39 =	vmov s28;
	[tilespmem:s31+$0x11180] =	vst v62  }
.LBB2_48:
0x674: {  	p1 =	sne.s32 s30, $0x3C0;
	v40 =	vand.u32 $0x4F, v40;
	v39 =	vshll.u32 v39, $0x3;
	v38 =	vld.idx.msk [tilespmem:v38+s17+$0x0], $0xffff  }
0x675: {  	v39 =	vand.u32 $0x1C00, v39;
	v40 =	vor.u32 v37, v40  }
0x676: {  	v40 =	vor.u32 v39, v40;
	_ =	sdelay $0x2  }
0x677: {  	s29 =	sor.u32 $0x1B0, s29  }
0x678: {  	v41 =	vor.u32 s28, v3;
	[tilespmem:s29+$0x11180] =	vst v38  }
0x679: {  	v38 =	vld.idx.msk [tilespmem:v40+s17+$0x0], $0xffff;
	v40 =	vand.u32 $0x5F, v41  }
0x67a: {  	p0 =	por !p0, !p0;
	s29 =	simm.s32 $0x1;
	v40 =	vor.u32 v37, v40  }
0x67b: {  	s29 =	simm.s32 @!p0 $0x0;
	v40 =	vor.u32 v39, v40  }
0x67c: {  	s26 =	sadd.s32 $0x100, s26;
	s29 =	sshll.u32 s29, $0x6  }
0x67d: {  	s29 =	sadd.s32 s29, s26  }
0x67e: {  	s31 =	sor.u32 $0x180, s29  }
0x67f: {  	[tilespmem:s31+$0x11180] =	vst v38;
	v38 =	vor.u32 s28, v4  }
0x680: {  	v40 =	vld.idx.msk [tilespmem:v40+s17+$0x0], $0xffff;
	v38 =	vand.u32 $0x6F, v38  }
0x681: {  	v38 =	vor.u32 v37, v38  }
0x682: {  	v38 =	vor.u32 v39, v38;
	_ =	sdelay $0x2  }
0x683: {  	s31 =	sor.u32 $0x190, s29  }
0x684: {  	[tilespmem:s31+$0x11180] =	vst v40;
	v40 =	vor.u32 s28, v5;
	s28 =	smov.u32 s30  }
0x685: {  	v41 =	vld.idx.msk [tilespmem:v38+s17+$0x0], $0xffff;
	v38 =	vand.u32 $0x7F, v40  }
0x686: {  	v38 =	vor.u32 v37, v38  }
.Ltmp23:
0x687: {  	v38 =	vor.u32 v39, v38;
	(pc) =	sbr.rel @p1 .LBB2_48-.Ltmp23, $3  }
0x688: {  	_ =	sdelay $0x1  }
0x689: {  	s31 =	sor.u32 $0x1A0, s29  }
0x68a: {  	s30 =	sadd.s32 $0x40, s30;
	v40 =	vor.u32 s28, v1;
	v39 =	vmov s28;
	[tilespmem:s31+$0x11180] =	vst v41  }
0x68b: {  	_ =	sdelay $0x2  }
0x68c: {  	v40 =	vand.u32 $0x4F, v40;
	v39 =	vshll.u32 v39, $0x3  }
0x68d: {  	v38 =	vld.idx.msk [tilespmem:v38+s17+$0x0], $0xffff;
	v39 =	vand.u32 $0x1C00, v39;
	v40 =	vor.u32 v37, v40  }
0x68e: {  	v40 =	vor.u32 v39, v40;
	_ =	sdelay $0x2  }
0x68f: {  	s29 =	sor.u32 $0x1B0, s29;
	v41 =	vor.u32 s28, v3  }
0x690: {  	v48 =	vand.u32 $0x5F, v41;
	[tilespmem:s29+$0x11180] =	vst v38  }
0x691: {  	p0 =	por !p0, !p0;
	v38 =	vor.u32 v37, v48;
	s29 =	simm.s32 $0x1;
	v40 =	vld.idx.msk [tilespmem:v40+s17+$0x0], $0xffff  }
0x692: {  	s29 =	simm.s32 @!p0 $0x0;
	v38 =	vor.u32 v39, v38  }
0x693: {  	s26 =	sadd.s32 $0x100, s26;
	s29 =	sshll.u32 s29, $0x6  }
0x694: {  	s26 =	sadd.s32 s29, s26  }
0x695: {  	v49 =	vor.u32 s28, v4;
	s29 =	sor.u32 $0x180, s26  }
0x696: {  	v50 =	vand.u32 $0x6F, v49;
	[tilespmem:s29+$0x11180] =	vst v40  }
0x697: {  	v40 =	vor.u32 v37, v50;
	v38 =	vld.idx.msk [tilespmem:v38+s17+$0x0], $0xffff  }
0x698: {  	v40 =	vor.u32 v39, v40;
	_ =	sdelay $0x2  }
0x699: {  	v51 =	vor.u32 s28, v5;
	s29 =	sor.u32 $0x190, s26  }
0x69a: {  	v52 =	vand.u32 $0x7F, v51;
	[tilespmem:s29+$0x11180] =	vst v38  }
0x69b: {  	v53 =	vor.u32 v37, v52;
	v40 =	vld.idx.msk [tilespmem:v40+s17+$0x0], $0xffff  }
0x69c: {  	v37 =	vor.u32 v39, v53;
	_ =	sdelay $0x2  }
0x69d: {  	s28 =	sor.u32 $0x1A0, s26  }
0x69e: {  	[tilespmem:s28+$0x11180] =	vst v40  }
0x69f: {  	v37 =	vld.idx.msk [tilespmem:v37+s17+$0x0], $0xffff;
	_ =	sdelay $0x3  }
0x6a0: {  	s26 =	sor.u32 $0x1B0, s26  }
0x6a1: {  	[tilespmem:s26+$0x11180] =	vst v37  }
0x6a2: {  	v37 =	vld.msk [tilespmem:$0x138], $0xf;
	_ =	sdelay $0x4  }
0x6a3: {  	v37 =	vshll.u32 v37, $0xD  }
0x6a4: {  	v37 =	vperm.xlane v37, v1;
	_ =	sdelay $0x4  }
0x6a5: {  	s26 =	simm.s32 $0x0  }
0x6a6: {  	[tilespmem:s17], [sflag:$0x1] =	stream.indirect_vreg.gather [hbm4b:s0+s26], $0x2000, v37, vm0, $0x38;
	[tilespmem:$0x12180] =	vst v63  }
0x6a7: {  	_ = 	snop  }
0x6a8: {  	[hbm4b:s10+s20] =	stream.strided.scatter [tilespmem:s23], [sflag:$0x2], $0x1000, s21, s20, $0x38;
	[tilespmem:$0x12180] =	vst v63  }
0x6a9: {  	_ =	swait.ge [sflag:s18], $0x8000  }
0x6aa: {  	[sflag:s18] =	ssyncset.done $0x0  }
0x6ab: {  	[sflag:s18] =	ssyncadd.s32 $0xFFFF8000  }
0x6ac: {  	_ =	swait.ge [sflag:s24], $0x1000  }
0x6ad: {  	[sflag:s24] =	ssyncset.done $0x0  }
0x6ae: {  	[sflag:s24] =	ssyncadd.s32 $0xFFFFF000  }
0x6af: {  	v54 =	vld.idx.msk [tilespmem:v29+s19+$0x0], $0xffff;
	_ =	sdelay $0x4  }
0x6b0: {  	v56 =	vmov s26;
	v55 =	vshll.u32 v54, $0xA;
	v37 =	vshll.u32 v54, $0x7  }
0x6b1: {  	v57 =	vor.u32 s26, v1;
	v38 =	vand.u32 $0xFFFFE000, v55;
	v37 =	vand.u32 $0x380, v37  }
0x6b2: {  	v58 =	vand.u32 $0x4F, v57;
	v39 =	vshll.u32 v56, $0x3;
	v37 =	vor.u32 v38, v37  }
0x6b3: {  	v39 =	vand.u32 $0x1C00, v39;
	v38 =	vor.u32 v37, v58  }
0x6b4: {  	v38 =	vor.u32 v39, v38;
	_ =	sdelay $0x2  }
0x6b5: {  	v59 =	vor.u32 s26, v3  }
0x6b6: {  	v40 =	vand.u32 $0x5F, v59  }
0x6b7: {  	v40 =	vor.u32 v37, v40;
	v38 =	vld.idx.msk [tilespmem:v38+s16+$0x0], $0xffff  }
0x6b8: {  	v40 =	vor.u32 v39, v40;
	_ =	sdelay $0x1  }
0x6b9: {  	s28 =	sand.u32 $0x40, s26;
	s29 =	sand.u32 $0xE00, s26  }
0x6ba: {  	v60 =	vor.u32 s26, v4;
	s29 =	sor.u32 s28, s29  }
0x6bb: {  	v61 =	vand.u32 $0x6F, v60;
	[tilespmem:s29+$0x10180] =	vst v38  }
0x6bc: {  	v38 =	vor.u32 v37, v61;
	v40 =	vld.idx.msk [tilespmem:v40+s16+$0x0], $0xffff  }
0x6bd: {  	v38 =	vor.u32 v39, v38;
	_ =	sdelay $0x3  }
0x6be: {  	v63 =	vor.u32 s26, v5;
	[tilespmem:s29+$0x10190] =	vst v40  }
0x6bf: {  	v62 =	vld.idx.msk [tilespmem:v38+s16+$0x0], $0xffff;
	v38 =	vand.u32 $0x7F, v63  }
0x6c0: {  	v38 =	vor.u32 v37, v38  }
0x6c1: {  	v38 =	vor.u32 v39, v38;
	_ =	sdelay $0x2  }
0x6c2: {  	s28 =	simm.s32 $0x40  }
0x6c3: {  	s30 =	simm.s32 $0x80;
	v40 =	vor.u32 s28, v1;
	v39 =	vmov s28;
	[tilespmem:s29+$0x101A0] =	vst v62  }
.LBB2_50:
0x6c4: {  	p0 =	sne.s32 s30, $0x3C0;
	v40 =	vand.u32 $0x4F, v40;
	v39 =	vshll.u32 v39, $0x3;
	v38 =	vld.idx.msk [tilespmem:v38+s16+$0x0], $0xffff  }
0x6c5: {  	v39 =	vand.u32 $0x1C00, v39;
	v40 =	vor.u32 v37, v40  }
0x6c6: {  	v40 =	vor.u32 v39, v40;
	_ =	sdelay $0x3  }
0x6c7: {  	v41 =	vor.u32 s28, v3;
	[tilespmem:s29+$0x101B0] =	vst v38  }
0x6c8: {  	v38 =	vld.idx.msk [tilespmem:v40+s16+$0x0], $0xffff;
	v40 =	vand.u32 $0x5F, v41  }
0x6c9: {  	v40 =	vor.u32 v37, v40  }
0x6ca: {  	v40 =	vor.u32 v39, v40  }
0x6cb: {  	s26 =	sadd.s32 $0x100, s26  }
0x6cc: {  	s31 =	sand.u32 $0xE00, s26;
	s29 =	sand.u32 $0x40, s28  }
0x6cd: {  	s29 =	sor.u32 s29, s31  }
0x6ce: {  	[tilespmem:s29+$0x10180] =	vst v38;
	v38 =	vor.u32 s28, v4  }
0x6cf: {  	v40 =	vld.idx.msk [tilespmem:v40+s16+$0x0], $0xffff;
	v38 =	vand.u32 $0x6F, v38  }
0x6d0: {  	v38 =	vor.u32 v37, v38  }
0x6d1: {  	v38 =	vor.u32 v39, v38;
	_ =	sdelay $0x3  }
0x6d2: {  	[tilespmem:s29+$0x10190] =	vst v40;
	v40 =	vor.u32 s28, v5;
	s28 =	smov.u32 s30  }
0x6d3: {  	v41 =	vld.idx.msk [tilespmem:v38+s16+$0x0], $0xffff;
	v38 =	vand.u32 $0x7F, v40  }
0x6d4: {  	v38 =	vor.u32 v37, v38  }
.Ltmp24:
0x6d5: {  	v38 =	vor.u32 v39, v38;
	(pc) =	sbr.rel @p0 .LBB2_50-.Ltmp24, $2  }
0x6d6: {  	_ =	sdelay $0x2  }
0x6d7: {  	s30 =	sadd.s32 $0x40, s30;
	v40 =	vor.u32 s28, v1;
	v39 =	vmov s28;
	[tilespmem:s29+$0x101A0] =	vst v41  }
0x6d8: {  	_ =	sdelay $0x2  }
0x6d9: {  	v40 =	vand.u32 $0x4F, v40;
	v39 =	vshll.u32 v39, $0x3  }
0x6da: {  	v38 =	vld.idx.msk [tilespmem:v38+s16+$0x0], $0xffff;
	v39 =	vand.u32 $0x1C00, v39;
	v40 =	vor.u32 v37, v40  }
0x6db: {  	v40 =	vor.u32 v39, v40;
	_ =	sdelay $0x2  }
0x6dc: {  	v41 =	vor.u32 s28, v3  }
0x6dd: {  	v50 =	vand.u32 $0x5F, v41;
	[tilespmem:s29+$0x101B0] =	vst v38  }
0x6de: {  	v38 =	vor.u32 v37, v50;
	v40 =	vld.idx.msk [tilespmem:v40+s16+$0x0], $0xffff  }
0x6df: {  	v38 =	vor.u32 v39, v38  }
0x6e0: {  	s26 =	sadd.s32 $0x100, s26  }
0x6e1: {  	s26 =	sand.u32 $0xE00, s26;
	s29 =	sand.u32 $0x40, s28  }
0x6e2: {  	v51 =	vor.u32 s28, v4;
	s26 =	sor.u32 s29, s26  }
0x6e3: {  	v52 =	vand.u32 $0x6F, v51;
	[tilespmem:s26+$0x10180] =	vst v40  }
0x6e4: {  	v40 =	vor.u32 v37, v52;
	v38 =	vld.idx.msk [tilespmem:v38+s16+$0x0], $0xffff  }
0x6e5: {  	v40 =	vor.u32 v39, v40;
	_ =	sdelay $0x2  }
0x6e6: {  	v53 =	vor.u32 s28, v5  }
0x6e7: {  	v54 =	vand.u32 $0x7F, v53;
	[tilespmem:s26+$0x10190] =	vst v38  }
0x6e8: {  	v55 =	vor.u32 v37, v54;
	v40 =	vld.idx.msk [tilespmem:v40+s16+$0x0], $0xffff  }
0x6e9: {  	v37 =	vor.u32 v39, v55;
	_ =	sdelay $0x3  }
0x6ea: {  	[tilespmem:s26+$0x101A0] =	vst v40  }
0x6eb: {  	v37 =	vld.idx.msk [tilespmem:v37+s16+$0x0], $0xffff;
	_ =	sdelay $0x4  }
0x6ec: {  	[tilespmem:s26+$0x101B0] =	vst v37  }
0x6ed: {  	v37 =	vld.idx.msk [tilespmem:v30+s19+$0x0], $0xffff;
	_ =	sdelay $0x4  }
0x6ee: {  	v56 =	vshll.u32 v37, $0xA;
	v37 =	vshll.u32 v37, $0x7  }
0x6ef: {  	s26 =	simm.s32 $0x0;
	v38 =	vand.u32 $0xFFFFE000, v56;
	v37 =	vand.u32 $0x380, v37  }
0x6f0: {  	v57 =	vmov s26;
	v58 =	vor.u32 s26, v1;
	v37 =	vor.u32 v37, v38  }
0x6f1: {  	v39 =	vand.u32 $0x4F, v58;
	v38 =	vshll.u32 v57, $0x3;
	v37 =	vadd.s32 $0x2000, v37  }
0x6f2: {  	v38 =	vand.u32 $0x1C00, v38;
	v39 =	vor.u32 v37, v39  }
0x6f3: {  	v39 =	vor.u32 v38, v39;
	_ =	sdelay $0x2  }
0x6f4: {  	v59 =	vor.u32 s26, v3  }
0x6f5: {  	v40 =	vand.u32 $0x5F, v59  }
0x6f6: {  	v40 =	vor.u32 v37, v40;
	v39 =	vld.idx.msk [tilespmem:v39+s16+$0x0], $0xffff  }
0x6f7: {  	v40 =	vor.u32 v38, v40;
	_ =	sdelay $0x1  }
0x6f8: {  	s28 =	sand.u32 $0x40, s26;
	s29 =	sand.u32 $0xE00, s26  }
0x6f9: {  	v60 =	vor.u32 s26, v4;
	s29 =	sor.u32 s28, s29  }
0x6fa: {  	v61 =	vand.u32 $0x6F, v60;
	[tilespmem:s29+$0x10200] =	vst v39  }
0x6fb: {  	v39 =	vor.u32 v37, v61;
	v40 =	vld.idx.msk [tilespmem:v40+s16+$0x0], $0xffff  }
0x6fc: {  	v39 =	vor.u32 v38, v39;
	_ =	sdelay $0x3  }
0x6fd: {  	v63 =	vor.u32 s26, v5;
	[tilespmem:s29+$0x10210] =	vst v40  }
0x6fe: {  	v62 =	vld.idx.msk [tilespmem:v39+s16+$0x0], $0xffff;
	v39 =	vand.u32 $0x7F, v63  }
0x6ff: {  	v39 =	vor.u32 v37, v39  }
0x700: {  	v38 =	vor.u32 v38, v39;
	_ =	sdelay $0x2  }
0x701: {  	s28 =	simm.s32 $0x40  }
0x702: {  	s30 =	simm.s32 $0x80;
	v40 =	vor.u32 s28, v1;
	v39 =	vmov s28;
	[tilespmem:s29+$0x10220] =	vst v62  }
.LBB2_52:
0x703: {  	p0 =	sne.s32 s30, $0x3C0;
	v40 =	vand.u32 $0x4F, v40;
	v39 =	vshll.u32 v39, $0x3;
	v38 =	vld.idx.msk [tilespmem:v38+s16+$0x0], $0xffff  }
0x704: {  	v39 =	vand.u32 $0x1C00, v39;
	v40 =	vor.u32 v37, v40  }
0x705: {  	v40 =	vor.u32 v39, v40;
	_ =	sdelay $0x3  }
0x706: {  	v41 =	vor.u32 s28, v3;
	[tilespmem:s29+$0x10230] =	vst v38  }
0x707: {  	v38 =	vld.idx.msk [tilespmem:v40+s16+$0x0], $0xffff;
	v40 =	vand.u32 $0x5F, v41  }
0x708: {  	v40 =	vor.u32 v37, v40  }
0x709: {  	v40 =	vor.u32 v39, v40  }
0x70a: {  	s26 =	sadd.s32 $0x100, s26  }
0x70b: {  	s31 =	sand.u32 $0xE00, s26;
	s29 =	sand.u32 $0x40, s28  }
0x70c: {  	s29 =	sor.u32 s29, s31  }
0x70d: {  	[tilespmem:s29+$0x10200] =	vst v38;
	v38 =	vor.u32 s28, v4  }
0x70e: {  	v40 =	vld.idx.msk [tilespmem:v40+s16+$0x0], $0xffff;
	v38 =	vand.u32 $0x6F, v38  }
0x70f: {  	v38 =	vor.u32 v37, v38  }
0x710: {  	v38 =	vor.u32 v39, v38;
	_ =	sdelay $0x3  }
0x711: {  	[tilespmem:s29+$0x10210] =	vst v40;
	v40 =	vor.u32 s28, v5;
	s28 =	smov.u32 s30  }
0x712: {  	v41 =	vld.idx.msk [tilespmem:v38+s16+$0x0], $0xffff;
	v38 =	vand.u32 $0x7F, v40  }
0x713: {  	v38 =	vor.u32 v37, v38  }
.Ltmp25:
0x714: {  	v38 =	vor.u32 v39, v38;
	(pc) =	sbr.rel @p0 .LBB2_52-.Ltmp25, $2  }
0x715: {  	_ =	sdelay $0x2  }
0x716: {  	s30 =	sadd.s32 $0x40, s30;
	v40 =	vor.u32 s28, v1;
	v39 =	vmov s28;
	[tilespmem:s29+$0x10220] =	vst v41  }
0x717: {  	_ =	sdelay $0x2  }
0x718: {  	v40 =	vand.u32 $0x4F, v40;
	v39 =	vshll.u32 v39, $0x3  }
0x719: {  	v38 =	vld.idx.msk [tilespmem:v38+s16+$0x0], $0xffff;
	v39 =	vand.u32 $0x1C00, v39;
	v40 =	vor.u32 v37, v40  }
0x71a: {  	v40 =	vor.u32 v39, v40;
	_ =	sdelay $0x2  }
0x71b: {  	v41 =	vor.u32 s28, v3  }
0x71c: {  	v50 =	vand.u32 $0x5F, v41;
	[tilespmem:s29+$0x10230] =	vst v38  }
0x71d: {  	v38 =	vor.u32 v37, v50;
	v40 =	vld.idx.msk [tilespmem:v40+s16+$0x0], $0xffff  }
0x71e: {  	v38 =	vor.u32 v39, v38  }
0x71f: {  	s26 =	sadd.s32 $0x100, s26  }
0x720: {  	s26 =	sand.u32 $0xE00, s26;
	s29 =	sand.u32 $0x40, s28  }
0x721: {  	v51 =	vor.u32 s28, v4;
	s26 =	sor.u32 s29, s26  }
0x722: {  	v52 =	vand.u32 $0x6F, v51;
	[tilespmem:s26+$0x10200] =	vst v40  }
0x723: {  	v40 =	vor.u32 v37, v52;
	v38 =	vld.idx.msk [tilespmem:v38+s16+$0x0], $0xffff  }
0x724: {  	v40 =	vor.u32 v39, v40;
	_ =	sdelay $0x2  }
0x725: {  	v53 =	vor.u32 s28, v5  }
0x726: {  	v54 =	vand.u32 $0x7F, v53;
	[tilespmem:s26+$0x10210] =	vst v38  }
0x727: {  	v55 =	vor.u32 v37, v54;
	v40 =	vld.idx.msk [tilespmem:v40+s16+$0x0], $0xffff  }
0x728: {  	v37 =	vor.u32 v39, v55;
	_ =	sdelay $0x3  }
0x729: {  	[tilespmem:s26+$0x10220] =	vst v40  }
0x72a: {  	v37 =	vld.idx.msk [tilespmem:v37+s16+$0x0], $0xffff;
	_ =	sdelay $0x4  }
0x72b: {  	[tilespmem:s26+$0x10230] =	vst v37  }
0x72c: {  	v37 =	vld.idx.msk [tilespmem:v31+s19+$0x0], $0xffff;
	_ =	sdelay $0x4  }
0x72d: {  	v56 =	vshll.u32 v37, $0xA;
	v37 =	vshll.u32 v37, $0x7  }
0x72e: {  	s26 =	simm.s32 $0x0;
	v38 =	vand.u32 $0xFFFFE000, v56;
	v37 =	vand.u32 $0x380, v37  }
0x72f: {  	v57 =	vmov s26;
	v58 =	vor.u32 s26, v1;
	v37 =	vor.u32 v37, v38  }
0x730: {  	v39 =	vand.u32 $0x4F, v58;
	v38 =	vshll.u32 v57, $0x3;
	v37 =	vadd.s32 $0x4000, v37  }
0x731: {  	v38 =	vand.u32 $0x1C00, v38;
	v39 =	vor.u32 v37, v39  }
0x732: {  	v39 =	vor.u32 v38, v39;
	_ =	sdelay $0x2  }
0x733: {  	v59 =	vor.u32 s26, v3  }
0x734: {  	v40 =	vand.u32 $0x5F, v59  }
0x735: {  	p0 =	por $0x0, $0x0;
	s28 =	simm.s32 $0x1;
	v40 =	vor.u32 v37, v40;
	v39 =	vld.idx.msk [tilespmem:v39+s16+$0x0], $0xffff  }
0x736: {  	s28 =	simm.s32 @!p0 $0x0;
	v40 =	vor.u32 v38, v40  }
0x737: {  	s28 =	sshll.u32 s28, $0x6  }
0x738: {  	s29 =	sadd.s32 $0x0, s28  }
0x739: {  	s28 =	sor.u32 $0x100, s29;
	v60 =	vor.u32 s26, v4  }
0x73a: {  	v61 =	vand.u32 $0x6F, v60;
	[tilespmem:s28+$0x10180] =	vst v39  }
0x73b: {  	v39 =	vor.u32 v37, v61;
	v40 =	vld.idx.msk [tilespmem:v40+s16+$0x0], $0xffff  }
0x73c: {  	v39 =	vor.u32 v38, v39;
	_ =	sdelay $0x2  }
0x73d: {  	s28 =	sor.u32 $0x110, s29  }
0x73e: {  	v63 =	vor.u32 s26, v5;
	[tilespmem:s28+$0x10180] =	vst v40  }
0x73f: {  	v62 =	vld.idx.msk [tilespmem:v39+s16+$0x0], $0xffff;
	v39 =	vand.u32 $0x7F, v63  }
0x740: {  	v39 =	vor.u32 v37, v39  }
0x741: {  	v38 =	vor.u32 v38, v39;
	_ =	sdelay $0x2  }
0x742: {  	s31 =	sor.u32 $0x120, s29;
	s28 =	simm.s32 $0x40  }
0x743: {  	s30 =	simm.s32 $0x80;
	v40 =	vor.u32 s28, v1;
	v39 =	vmov s28;
	[tilespmem:s31+$0x10180] =	vst v62  }
.LBB2_54:
0x744: {  	p1 =	sne.s32 s30, $0x3C0;
	v40 =	vand.u32 $0x4F, v40;
	v39 =	vshll.u32 v39, $0x3;
	v38 =	vld.idx.msk [tilespmem:v38+s16+$0x0], $0xffff  }
0x745: {  	v39 =	vand.u32 $0x1C00, v39;
	v40 =	vor.u32 v37, v40  }
0x746: {  	v40 =	vor.u32 v39, v40;
	_ =	sdelay $0x2  }
0x747: {  	s29 =	sor.u32 $0x130, s29  }
0x748: {  	v41 =	vor.u32 s28, v3;
	[tilespmem:s29+$0x10180] =	vst v38  }
0x749: {  	v38 =	vld.idx.msk [tilespmem:v40+s16+$0x0], $0xffff;
	v40 =	vand.u32 $0x5F, v41  }
0x74a: {  	p0 =	por !p0, !p0;
	s29 =	simm.s32 $0x1;
	v40 =	vor.u32 v37, v40  }
0x74b: {  	s29 =	simm.s32 @!p0 $0x0;
	v40 =	vor.u32 v39, v40  }
0x74c: {  	s26 =	sadd.s32 $0x100, s26;
	s29 =	sshll.u32 s29, $0x6  }
0x74d: {  	s29 =	sadd.s32 s29, s26  }
0x74e: {  	s31 =	sor.u32 $0x100, s29  }
0x74f: {  	[tilespmem:s31+$0x10180] =	vst v38;
	v38 =	vor.u32 s28, v4  }
0x750: {  	v40 =	vld.idx.msk [tilespmem:v40+s16+$0x0], $0xffff;
	v38 =	vand.u32 $0x6F, v38  }
0x751: {  	v38 =	vor.u32 v37, v38  }
0x752: {  	v38 =	vor.u32 v39, v38;
	_ =	sdelay $0x2  }
0x753: {  	s31 =	sor.u32 $0x110, s29  }
0x754: {  	[tilespmem:s31+$0x10180] =	vst v40;
	v40 =	vor.u32 s28, v5;
	s28 =	smov.u32 s30  }
0x755: {  	v41 =	vld.idx.msk [tilespmem:v38+s16+$0x0], $0xffff;
	v38 =	vand.u32 $0x7F, v40  }
0x756: {  	v38 =	vor.u32 v37, v38  }
.Ltmp26:
0x757: {  	v38 =	vor.u32 v39, v38;
	(pc) =	sbr.rel @p1 .LBB2_54-.Ltmp26, $3  }
0x758: {  	_ =	sdelay $0x1  }
0x759: {  	s31 =	sor.u32 $0x120, s29  }
0x75a: {  	s30 =	sadd.s32 $0x40, s30;
	v40 =	vor.u32 s28, v1;
	v39 =	vmov s28;
	[tilespmem:s31+$0x10180] =	vst v41  }
0x75b: {  	_ =	sdelay $0x2  }
0x75c: {  	v40 =	vand.u32 $0x4F, v40;
	v39 =	vshll.u32 v39, $0x3  }
0x75d: {  	v38 =	vld.idx.msk [tilespmem:v38+s16+$0x0], $0xffff;
	v39 =	vand.u32 $0x1C00, v39;
	v40 =	vor.u32 v37, v40  }
0x75e: {  	v40 =	vor.u32 v39, v40;
	_ =	sdelay $0x2  }
0x75f: {  	s29 =	sor.u32 $0x130, s29;
	v41 =	vor.u32 s28, v3  }
0x760: {  	v50 =	vand.u32 $0x5F, v41;
	[tilespmem:s29+$0x10180] =	vst v38  }
0x761: {  	p0 =	por !p0, !p0;
	v38 =	vor.u32 v37, v50;
	s29 =	simm.s32 $0x1;
	v40 =	vld.idx.msk [tilespmem:v40+s16+$0x0], $0xffff  }
0x762: {  	s29 =	simm.s32 @!p0 $0x0;
	v38 =	vor.u32 v39, v38  }
0x763: {  	s26 =	sadd.s32 $0x100, s26;
	s29 =	sshll.u32 s29, $0x6  }
0x764: {  	s26 =	sadd.s32 s29, s26  }
0x765: {  	v51 =	vor.u32 s28, v4;
	s29 =	sor.u32 $0x100, s26  }
0x766: {  	v52 =	vand.u32 $0x6F, v51;
	[tilespmem:s29+$0x10180] =	vst v40  }
0x767: {  	v40 =	vor.u32 v37, v52;
	v38 =	vld.idx.msk [tilespmem:v38+s16+$0x0], $0xffff  }
0x768: {  	v40 =	vor.u32 v39, v40;
	_ =	sdelay $0x2  }
0x769: {  	v53 =	vor.u32 s28, v5;
	s29 =	sor.u32 $0x110, s26  }
0x76a: {  	v54 =	vand.u32 $0x7F, v53;
	[tilespmem:s29+$0x10180] =	vst v38  }
0x76b: {  	v55 =	vor.u32 v37, v54;
	v40 =	vld.idx.msk [tilespmem:v40+s16+$0x0], $0xffff  }
0x76c: {  	v37 =	vor.u32 v39, v55;
	_ =	sdelay $0x2  }
0x76d: {  	s28 =	sor.u32 $0x120, s26  }
0x76e: {  	[tilespmem:s28+$0x10180] =	vst v40  }
0x76f: {  	v37 =	vld.idx.msk [tilespmem:v37+s16+$0x0], $0xffff;
	_ =	sdelay $0x3  }
0x770: {  	s26 =	sor.u32 $0x130, s26  }
0x771: {  	[tilespmem:s26+$0x10180] =	vst v37  }
0x772: {  	v37 =	vld.idx.msk [tilespmem:v32+s19+$0x0], $0xffff;
	_ =	sdelay $0x4  }
0x773: {  	v56 =	vshll.u32 v37, $0xA;
	v37 =	vshll.u32 v37, $0x7  }
0x774: {  	s26 =	simm.s32 $0x0;
	v38 =	vand.u32 $0xFFFFE000, v56;
	v37 =	vand.u32 $0x380, v37  }
0x775: {  	v57 =	vmov s26;
	v58 =	vor.u32 s26, v1;
	v37 =	vor.u32 v37, v38  }
0x776: {  	v39 =	vand.u32 $0x4F, v58;
	v38 =	vshll.u32 v57, $0x3;
	v37 =	vadd.s32 $0x6000, v37  }
0x777: {  	v38 =	vand.u32 $0x1C00, v38;
	v39 =	vor.u32 v37, v39  }
0x778: {  	v39 =	vor.u32 v38, v39;
	_ =	sdelay $0x2  }
0x779: {  	v59 =	vor.u32 s26, v3  }
0x77a: {  	v40 =	vand.u32 $0x5F, v59  }
0x77b: {  	p0 =	por $0x0, $0x0;
	s28 =	simm.s32 $0x1;
	v40 =	vor.u32 v37, v40;
	v39 =	vld.idx.msk [tilespmem:v39+s16+$0x0], $0xffff  }
0x77c: {  	s28 =	simm.s32 @!p0 $0x0;
	v40 =	vor.u32 v38, v40  }
0x77d: {  	s28 =	sshll.u32 s28, $0x6  }
0x77e: {  	s29 =	sadd.s32 $0x0, s28  }
0x77f: {  	s28 =	sor.u32 $0x180, s29;
	v60 =	vor.u32 s26, v4  }
0x780: {  	v61 =	vand.u32 $0x6F, v60;
	[tilespmem:s28+$0x10180] =	vst v39  }
0x781: {  	v39 =	vor.u32 v37, v61;
	v40 =	vld.idx.msk [tilespmem:v40+s16+$0x0], $0xffff  }
0x782: {  	v39 =	vor.u32 v38, v39;
	_ =	sdelay $0x2  }
0x783: {  	s28 =	sor.u32 $0x190, s29  }
0x784: {  	v63 =	vor.u32 s26, v5;
	[tilespmem:s28+$0x10180] =	vst v40  }
0x785: {  	v62 =	vld.idx.msk [tilespmem:v39+s16+$0x0], $0xffff;
	v39 =	vand.u32 $0x7F, v63  }
0x786: {  	v39 =	vor.u32 v37, v39  }
0x787: {  	v38 =	vor.u32 v38, v39;
	_ =	sdelay $0x2  }
0x788: {  	s31 =	sor.u32 $0x1A0, s29;
	s28 =	simm.s32 $0x40  }
0x789: {  	s30 =	simm.s32 $0x80;
	v40 =	vor.u32 s28, v1;
	v39 =	vmov s28;
	[tilespmem:s31+$0x10180] =	vst v62  }
.LBB2_56:
0x78a: {  	p1 =	sne.s32 s30, $0x3C0;
	v40 =	vand.u32 $0x4F, v40;
	v39 =	vshll.u32 v39, $0x3;
	v38 =	vld.idx.msk [tilespmem:v38+s16+$0x0], $0xffff  }
0x78b: {  	v39 =	vand.u32 $0x1C00, v39;
	v40 =	vor.u32 v37, v40  }
0x78c: {  	v40 =	vor.u32 v39, v40;
	_ =	sdelay $0x2  }
0x78d: {  	s29 =	sor.u32 $0x1B0, s29  }
0x78e: {  	v41 =	vor.u32 s28, v3;
	[tilespmem:s29+$0x10180] =	vst v38  }
0x78f: {  	v38 =	vld.idx.msk [tilespmem:v40+s16+$0x0], $0xffff;
	v40 =	vand.u32 $0x5F, v41  }
0x790: {  	p0 =	por !p0, !p0;
	s29 =	simm.s32 $0x1;
	v40 =	vor.u32 v37, v40  }
0x791: {  	s29 =	simm.s32 @!p0 $0x0;
	v40 =	vor.u32 v39, v40  }
0x792: {  	s26 =	sadd.s32 $0x100, s26;
	s29 =	sshll.u32 s29, $0x6  }
0x793: {  	s29 =	sadd.s32 s29, s26  }
0x794: {  	s31 =	sor.u32 $0x180, s29  }
0x795: {  	[tilespmem:s31+$0x10180] =	vst v38;
	v38 =	vor.u32 s28, v4  }
0x796: {  	v40 =	vld.idx.msk [tilespmem:v40+s16+$0x0], $0xffff;
	v38 =	vand.u32 $0x6F, v38  }
0x797: {  	v38 =	vor.u32 v37, v38  }
0x798: {  	v38 =	vor.u32 v39, v38;
	_ =	sdelay $0x2  }
0x799: {  	s31 =	sor.u32 $0x190, s29  }
0x79a: {  	[tilespmem:s31+$0x10180] =	vst v40;
	v40 =	vor.u32 s28, v5;
	s28 =	smov.u32 s30  }
0x79b: {  	v41 =	vld.idx.msk [tilespmem:v38+s16+$0x0], $0xffff;
	v38 =	vand.u32 $0x7F, v40  }
0x79c: {  	v38 =	vor.u32 v37, v38  }
.Ltmp27:
0x79d: {  	v38 =	vor.u32 v39, v38;
	(pc) =	sbr.rel @p1 .LBB2_56-.Ltmp27, $3  }
0x79e: {  	_ =	sdelay $0x1  }
0x79f: {  	s31 =	sor.u32 $0x1A0, s29  }
0x7a0: {  	s30 =	sadd.s32 $0x40, s30;
	v40 =	vor.u32 s28, v1;
	v39 =	vmov s28;
	[tilespmem:s31+$0x10180] =	vst v41  }
0x7a1: {  	_ =	sdelay $0x2  }
0x7a2: {  	v40 =	vand.u32 $0x4F, v40;
	v39 =	vshll.u32 v39, $0x3  }
0x7a3: {  	v38 =	vld.idx.msk [tilespmem:v38+s16+$0x0], $0xffff;
	v39 =	vand.u32 $0x1C00, v39;
	v40 =	vor.u32 v37, v40  }
0x7a4: {  	v40 =	vor.u32 v39, v40;
	_ =	sdelay $0x2  }
0x7a5: {  	s29 =	sor.u32 $0x1B0, s29;
	v41 =	vor.u32 s28, v3  }
0x7a6: {  	v48 =	vand.u32 $0x5F, v41;
	[tilespmem:s29+$0x10180] =	vst v38  }
0x7a7: {  	p0 =	por !p0, !p0;
	v38 =	vor.u32 v37, v48;
	s29 =	simm.s32 $0x1;
	v40 =	vld.idx.msk [tilespmem:v40+s16+$0x0], $0xffff  }
0x7a8: {  	s29 =	simm.s32 @!p0 $0x0;
	v38 =	vor.u32 v39, v38  }
0x7a9: {  	s26 =	sadd.s32 $0x100, s26;
	s29 =	sshll.u32 s29, $0x6  }
0x7aa: {  	s26 =	sadd.s32 s29, s26  }
0x7ab: {  	v49 =	vor.u32 s28, v4;
	s29 =	sor.u32 $0x180, s26  }
0x7ac: {  	v50 =	vand.u32 $0x6F, v49;
	[tilespmem:s29+$0x10180] =	vst v40  }
0x7ad: {  	v40 =	vor.u32 v37, v50;
	v38 =	vld.idx.msk [tilespmem:v38+s16+$0x0], $0xffff  }
0x7ae: {  	v40 =	vor.u32 v39, v40;
	_ =	sdelay $0x2  }
0x7af: {  	v51 =	vor.u32 s28, v5;
	s29 =	sor.u32 $0x190, s26  }
0x7b0: {  	v52 =	vand.u32 $0x7F, v51;
	[tilespmem:s29+$0x10180] =	vst v38  }
0x7b1: {  	v53 =	vor.u32 v37, v52;
	v40 =	vld.idx.msk [tilespmem:v40+s16+$0x0], $0xffff  }
0x7b2: {  	v37 =	vor.u32 v39, v53;
	_ =	sdelay $0x2  }
0x7b3: {  	s28 =	sor.u32 $0x1A0, s26  }
0x7b4: {  	[tilespmem:s28+$0x10180] =	vst v40  }
0x7b5: {  	v37 =	vld.idx.msk [tilespmem:v37+s16+$0x0], $0xffff;
	_ =	sdelay $0x3  }
0x7b6: {  	s26 =	sor.u32 $0x1B0, s26  }
0x7b7: {  	[tilespmem:s26+$0x10180] =	vst v37  }
0x7b8: {  	[hbm4b:s11+s20] =	stream.strided.scatter [tilespmem:s22], [sflag:$0x2], $0x1000, s21, s20, $0x38;
	[tilespmem:$0x12180] =	vst v63  }
0x7b9: {  	_ =	swait.ge [sflag:s18], $0x8000  }
0x7ba: {  	[sflag:s18] =	ssyncset.done $0x0  }
0x7bb: {  	[sflag:s18] =	ssyncadd.s32 $0xFFFF8000  }
0x7bc: {  	_ =	swait.ge [sflag:s24], $0x1000  }
0x7bd: {  	[sflag:s24] =	ssyncset.done $0x0  }
0x7be: {  	[sflag:s24] =	ssyncadd.s32 $0xFFFFF000  }
0x7bf: {  	v54 =	vld.idx.msk [tilespmem:v33+s19+$0x0], $0xffff;
	_ =	sdelay $0x3  }
0x7c0: {  	s26 =	simm.s32 $0x0  }
0x7c1: {  	v56 =	vmov s26;
	v55 =	vshll.u32 v54, $0xA;
	v37 =	vshll.u32 v54, $0x7  }
0x7c2: {  	v57 =	vor.u32 s26, v1;
	v38 =	vand.u32 $0xFFFFE000, v55;
	v37 =	vand.u32 $0x380, v37  }
0x7c3: {  	v58 =	vand.u32 $0x4F, v57;
	v39 =	vshll.u32 v56, $0x3;
	v37 =	vor.u32 v38, v37  }
0x7c4: {  	v39 =	vand.u32 $0x1C00, v39;
	v38 =	vor.u32 v37, v58  }
0x7c5: {  	v38 =	vor.u32 v39, v38;
	_ =	sdelay $0x2  }
0x7c6: {  	v59 =	vor.u32 s26, v3  }
0x7c7: {  	v40 =	vand.u32 $0x5F, v59  }
0x7c8: {  	v40 =	vor.u32 v37, v40;
	v38 =	vld.idx.msk [tilespmem:v38+s17+$0x0], $0xffff  }
0x7c9: {  	v40 =	vor.u32 v39, v40;
	_ =	sdelay $0x1  }
0x7ca: {  	s28 =	sand.u32 $0x40, s26;
	s29 =	sand.u32 $0xE00, s26  }
0x7cb: {  	v60 =	vor.u32 s26, v4;
	s29 =	sor.u32 s28, s29  }
0x7cc: {  	v61 =	vand.u32 $0x6F, v60;
	[tilespmem:s29+$0x11180] =	vst v38  }
0x7cd: {  	v38 =	vor.u32 v37, v61;
	v40 =	vld.idx.msk [tilespmem:v40+s17+$0x0], $0xffff  }
0x7ce: {  	v38 =	vor.u32 v39, v38;
	_ =	sdelay $0x3  }
0x7cf: {  	v63 =	vor.u32 s26, v5;
	[tilespmem:s29+$0x11190] =	vst v40  }
0x7d0: {  	v62 =	vld.idx.msk [tilespmem:v38+s17+$0x0], $0xffff;
	v38 =	vand.u32 $0x7F, v63  }
0x7d1: {  	v38 =	vor.u32 v37, v38  }
0x7d2: {  	v38 =	vor.u32 v39, v38;
	_ =	sdelay $0x2  }
0x7d3: {  	s28 =	simm.s32 $0x40  }
0x7d4: {  	s30 =	simm.s32 $0x80;
	v40 =	vor.u32 s28, v1;
	v39 =	vmov s28;
	[tilespmem:s29+$0x111A0] =	vst v62  }
.LBB2_58:
0x7d5: {  	p0 =	sne.s32 s30, $0x3C0;
	v40 =	vand.u32 $0x4F, v40;
	v39 =	vshll.u32 v39, $0x3;
	v38 =	vld.idx.msk [tilespmem:v38+s17+$0x0], $0xffff  }
0x7d6: {  	v39 =	vand.u32 $0x1C00, v39;
	v40 =	vor.u32 v37, v40  }
0x7d7: {  	v40 =	vor.u32 v39, v40;
	_ =	sdelay $0x3  }
0x7d8: {  	v41 =	vor.u32 s28, v3;
	[tilespmem:s29+$0x111B0] =	vst v38  }
0x7d9: {  	v38 =	vld.idx.msk [tilespmem:v40+s17+$0x0], $0xffff;
	v40 =	vand.u32 $0x5F, v41  }
0x7da: {  	v40 =	vor.u32 v37, v40  }
0x7db: {  	v40 =	vor.u32 v39, v40  }
0x7dc: {  	s26 =	sadd.s32 $0x100, s26  }
0x7dd: {  	s31 =	sand.u32 $0xE00, s26;
	s29 =	sand.u32 $0x40, s28  }
0x7de: {  	s29 =	sor.u32 s29, s31  }
0x7df: {  	[tilespmem:s29+$0x11180] =	vst v38;
	v38 =	vor.u32 s28, v4  }
0x7e0: {  	v40 =	vld.idx.msk [tilespmem:v40+s17+$0x0], $0xffff;
	v38 =	vand.u32 $0x6F, v38  }
0x7e1: {  	v38 =	vor.u32 v37, v38  }
0x7e2: {  	v38 =	vor.u32 v39, v38;
	_ =	sdelay $0x3  }
0x7e3: {  	[tilespmem:s29+$0x11190] =	vst v40;
	v40 =	vor.u32 s28, v5;
	s28 =	smov.u32 s30  }
0x7e4: {  	v41 =	vld.idx.msk [tilespmem:v38+s17+$0x0], $0xffff;
	v38 =	vand.u32 $0x7F, v40  }
0x7e5: {  	v38 =	vor.u32 v37, v38  }
.Ltmp28:
0x7e6: {  	v38 =	vor.u32 v39, v38;
	(pc) =	sbr.rel @p0 .LBB2_58-.Ltmp28, $2  }
0x7e7: {  	_ =	sdelay $0x2  }
0x7e8: {  	s30 =	sadd.s32 $0x40, s30;
	v40 =	vor.u32 s28, v1;
	v39 =	vmov s28;
	[tilespmem:s29+$0x111A0] =	vst v41  }
0x7e9: {  	_ =	sdelay $0x2  }
0x7ea: {  	v40 =	vand.u32 $0x4F, v40;
	v39 =	vshll.u32 v39, $0x3  }
0x7eb: {  	v38 =	vld.idx.msk [tilespmem:v38+s17+$0x0], $0xffff;
	v39 =	vand.u32 $0x1C00, v39;
	v40 =	vor.u32 v37, v40  }
0x7ec: {  	v40 =	vor.u32 v39, v40;
	_ =	sdelay $0x2  }
0x7ed: {  	v41 =	vor.u32 s28, v3  }
0x7ee: {  	v50 =	vand.u32 $0x5F, v41;
	[tilespmem:s29+$0x111B0] =	vst v38  }
0x7ef: {  	v38 =	vor.u32 v37, v50;
	v40 =	vld.idx.msk [tilespmem:v40+s17+$0x0], $0xffff  }
0x7f0: {  	v38 =	vor.u32 v39, v38  }
0x7f1: {  	s26 =	sadd.s32 $0x100, s26  }
0x7f2: {  	s26 =	sand.u32 $0xE00, s26;
	s29 =	sand.u32 $0x40, s28  }
0x7f3: {  	v51 =	vor.u32 s28, v4;
	s26 =	sor.u32 s29, s26  }
0x7f4: {  	v52 =	vand.u32 $0x6F, v51;
	[tilespmem:s26+$0x11180] =	vst v40  }
0x7f5: {  	v40 =	vor.u32 v37, v52;
	v38 =	vld.idx.msk [tilespmem:v38+s17+$0x0], $0xffff  }
0x7f6: {  	v40 =	vor.u32 v39, v40;
	_ =	sdelay $0x2  }
0x7f7: {  	v53 =	vor.u32 s28, v5  }
0x7f8: {  	v54 =	vand.u32 $0x7F, v53;
	[tilespmem:s26+$0x11190] =	vst v38  }
0x7f9: {  	v55 =	vor.u32 v37, v54;
	v40 =	vld.idx.msk [tilespmem:v40+s17+$0x0], $0xffff  }
0x7fa: {  	v37 =	vor.u32 v39, v55;
	_ =	sdelay $0x3  }
0x7fb: {  	[tilespmem:s26+$0x111A0] =	vst v40  }
0x7fc: {  	v37 =	vld.idx.msk [tilespmem:v37+s17+$0x0], $0xffff;
	_ =	sdelay $0x4  }
0x7fd: {  	[tilespmem:s26+$0x111B0] =	vst v37  }
0x7fe: {  	v37 =	vld.idx.msk [tilespmem:v34+s19+$0x0], $0xffff;
	_ =	sdelay $0x4  }
0x7ff: {  	v56 =	vshll.u32 v37, $0xA;
	v37 =	vshll.u32 v37, $0x7  }
0x800: {  	s26 =	simm.s32 $0x0;
	v38 =	vand.u32 $0xFFFFE000, v56;
	v37 =	vand.u32 $0x380, v37  }
0x801: {  	v57 =	vmov s26;
	v58 =	vor.u32 s26, v1;
	v37 =	vor.u32 v37, v38  }
0x802: {  	v39 =	vand.u32 $0x4F, v58;
	v38 =	vshll.u32 v57, $0x3;
	v37 =	vadd.s32 $0x2000, v37  }
0x803: {  	v38 =	vand.u32 $0x1C00, v38;
	v39 =	vor.u32 v37, v39  }
0x804: {  	v39 =	vor.u32 v38, v39;
	_ =	sdelay $0x2  }
0x805: {  	v59 =	vor.u32 s26, v3  }
0x806: {  	v40 =	vand.u32 $0x5F, v59  }
0x807: {  	v40 =	vor.u32 v37, v40;
	v39 =	vld.idx.msk [tilespmem:v39+s17+$0x0], $0xffff  }
0x808: {  	v40 =	vor.u32 v38, v40;
	_ =	sdelay $0x1  }
0x809: {  	s28 =	sand.u32 $0x40, s26;
	s29 =	sand.u32 $0xE00, s26  }
0x80a: {  	v60 =	vor.u32 s26, v4;
	s29 =	sor.u32 s28, s29  }
0x80b: {  	v61 =	vand.u32 $0x6F, v60;
	[tilespmem:s29+$0x11200] =	vst v39  }
0x80c: {  	v39 =	vor.u32 v37, v61;
	v40 =	vld.idx.msk [tilespmem:v40+s17+$0x0], $0xffff  }
0x80d: {  	v39 =	vor.u32 v38, v39;
	_ =	sdelay $0x3  }
0x80e: {  	v63 =	vor.u32 s26, v5;
	[tilespmem:s29+$0x11210] =	vst v40  }
0x80f: {  	v62 =	vld.idx.msk [tilespmem:v39+s17+$0x0], $0xffff;
	v39 =	vand.u32 $0x7F, v63  }
0x810: {  	v39 =	vor.u32 v37, v39  }
0x811: {  	v38 =	vor.u32 v38, v39;
	_ =	sdelay $0x2  }
0x812: {  	s28 =	simm.s32 $0x40  }
0x813: {  	s30 =	simm.s32 $0x80;
	v40 =	vor.u32 s28, v1;
	v39 =	vmov s28;
	[tilespmem:s29+$0x11220] =	vst v62  }
.LBB2_60:
0x814: {  	p0 =	sne.s32 s30, $0x3C0;
	v40 =	vand.u32 $0x4F, v40;
	v39 =	vshll.u32 v39, $0x3;
	v38 =	vld.idx.msk [tilespmem:v38+s17+$0x0], $0xffff  }
0x815: {  	v39 =	vand.u32 $0x1C00, v39;
	v40 =	vor.u32 v37, v40  }
0x816: {  	v40 =	vor.u32 v39, v40;
	_ =	sdelay $0x3  }
0x817: {  	v41 =	vor.u32 s28, v3;
	[tilespmem:s29+$0x11230] =	vst v38  }
0x818: {  	v38 =	vld.idx.msk [tilespmem:v40+s17+$0x0], $0xffff;
	v40 =	vand.u32 $0x5F, v41  }
0x819: {  	v40 =	vor.u32 v37, v40  }
0x81a: {  	v40 =	vor.u32 v39, v40  }
0x81b: {  	s26 =	sadd.s32 $0x100, s26  }
0x81c: {  	s31 =	sand.u32 $0xE00, s26;
	s29 =	sand.u32 $0x40, s28  }
0x81d: {  	s29 =	sor.u32 s29, s31  }
0x81e: {  	[tilespmem:s29+$0x11200] =	vst v38;
	v38 =	vor.u32 s28, v4  }
0x81f: {  	v40 =	vld.idx.msk [tilespmem:v40+s17+$0x0], $0xffff;
	v38 =	vand.u32 $0x6F, v38  }
0x820: {  	v38 =	vor.u32 v37, v38  }
0x821: {  	v38 =	vor.u32 v39, v38;
	_ =	sdelay $0x3  }
0x822: {  	[tilespmem:s29+$0x11210] =	vst v40;
	v40 =	vor.u32 s28, v5;
	s28 =	smov.u32 s30  }
0x823: {  	v41 =	vld.idx.msk [tilespmem:v38+s17+$0x0], $0xffff;
	v38 =	vand.u32 $0x7F, v40  }
0x824: {  	v38 =	vor.u32 v37, v38  }
.Ltmp29:
0x825: {  	v38 =	vor.u32 v39, v38;
	(pc) =	sbr.rel @p0 .LBB2_60-.Ltmp29, $2  }
0x826: {  	_ =	sdelay $0x2  }
0x827: {  	s30 =	sadd.s32 $0x40, s30;
	v40 =	vor.u32 s28, v1;
	v39 =	vmov s28;
	[tilespmem:s29+$0x11220] =	vst v41  }
0x828: {  	_ =	sdelay $0x2  }
0x829: {  	v40 =	vand.u32 $0x4F, v40;
	v39 =	vshll.u32 v39, $0x3  }
0x82a: {  	v38 =	vld.idx.msk [tilespmem:v38+s17+$0x0], $0xffff;
	v39 =	vand.u32 $0x1C00, v39;
	v40 =	vor.u32 v37, v40  }
0x82b: {  	v40 =	vor.u32 v39, v40;
	_ =	sdelay $0x2  }
0x82c: {  	v41 =	vor.u32 s28, v3  }
0x82d: {  	v50 =	vand.u32 $0x5F, v41;
	[tilespmem:s29+$0x11230] =	vst v38  }
0x82e: {  	v38 =	vor.u32 v37, v50;
	v40 =	vld.idx.msk [tilespmem:v40+s17+$0x0], $0xffff  }
0x82f: {  	v38 =	vor.u32 v39, v38  }
0x830: {  	s26 =	sadd.s32 $0x100, s26  }
0x831: {  	s26 =	sand.u32 $0xE00, s26;
	s29 =	sand.u32 $0x40, s28  }
0x832: {  	v51 =	vor.u32 s28, v4;
	s26 =	sor.u32 s29, s26  }
0x833: {  	v52 =	vand.u32 $0x6F, v51;
	[tilespmem:s26+$0x11200] =	vst v40  }
0x834: {  	v40 =	vor.u32 v37, v52;
	v38 =	vld.idx.msk [tilespmem:v38+s17+$0x0], $0xffff  }
0x835: {  	v40 =	vor.u32 v39, v40;
	_ =	sdelay $0x2  }
0x836: {  	v53 =	vor.u32 s28, v5  }
0x837: {  	v54 =	vand.u32 $0x7F, v53;
	[tilespmem:s26+$0x11210] =	vst v38  }
0x838: {  	v55 =	vor.u32 v37, v54;
	v40 =	vld.idx.msk [tilespmem:v40+s17+$0x0], $0xffff  }
0x839: {  	v37 =	vor.u32 v39, v55;
	_ =	sdelay $0x3  }
0x83a: {  	[tilespmem:s26+$0x11220] =	vst v40  }
0x83b: {  	v37 =	vld.idx.msk [tilespmem:v37+s17+$0x0], $0xffff;
	_ =	sdelay $0x4  }
0x83c: {  	[tilespmem:s26+$0x11230] =	vst v37  }
0x83d: {  	v37 =	vld.idx.msk [tilespmem:v35+s19+$0x0], $0xffff;
	_ =	sdelay $0x4  }
0x83e: {  	v56 =	vshll.u32 v37, $0xA;
	v37 =	vshll.u32 v37, $0x7  }
0x83f: {  	s26 =	simm.s32 $0x0;
	v38 =	vand.u32 $0xFFFFE000, v56;
	v37 =	vand.u32 $0x380, v37  }
0x840: {  	v57 =	vmov s26;
	v58 =	vor.u32 s26, v1;
	v37 =	vor.u32 v37, v38  }
0x841: {  	v39 =	vand.u32 $0x4F, v58;
	v38 =	vshll.u32 v57, $0x3;
	v37 =	vadd.s32 $0x4000, v37  }
0x842: {  	v38 =	vand.u32 $0x1C00, v38;
	v39 =	vor.u32 v37, v39  }
0x843: {  	v39 =	vor.u32 v38, v39;
	_ =	sdelay $0x2  }
0x844: {  	v59 =	vor.u32 s26, v3  }
0x845: {  	v40 =	vand.u32 $0x5F, v59  }
0x846: {  	p0 =	por $0x0, $0x0;
	s28 =	simm.s32 $0x1;
	v40 =	vor.u32 v37, v40;
	v39 =	vld.idx.msk [tilespmem:v39+s17+$0x0], $0xffff  }
0x847: {  	s28 =	simm.s32 @!p0 $0x0;
	v40 =	vor.u32 v38, v40  }
0x848: {  	s28 =	sshll.u32 s28, $0x6  }
0x849: {  	s29 =	sadd.s32 $0x0, s28  }
0x84a: {  	s28 =	sor.u32 $0x100, s29;
	v60 =	vor.u32 s26, v4  }
0x84b: {  	v61 =	vand.u32 $0x6F, v60;
	[tilespmem:s28+$0x11180] =	vst v39  }
0x84c: {  	v39 =	vor.u32 v37, v61;
	v40 =	vld.idx.msk [tilespmem:v40+s17+$0x0], $0xffff  }
0x84d: {  	v39 =	vor.u32 v38, v39;
	_ =	sdelay $0x2  }
0x84e: {  	s28 =	sor.u32 $0x110, s29  }
0x84f: {  	v63 =	vor.u32 s26, v5;
	[tilespmem:s28+$0x11180] =	vst v40  }
0x850: {  	v62 =	vld.idx.msk [tilespmem:v39+s17+$0x0], $0xffff;
	v39 =	vand.u32 $0x7F, v63  }
0x851: {  	v39 =	vor.u32 v37, v39  }
0x852: {  	v38 =	vor.u32 v38, v39;
	_ =	sdelay $0x2  }
0x853: {  	s31 =	sor.u32 $0x120, s29;
	s28 =	simm.s32 $0x40  }
0x854: {  	s30 =	simm.s32 $0x80;
	v40 =	vor.u32 s28, v1;
	v39 =	vmov s28;
	[tilespmem:s31+$0x11180] =	vst v62  }
.LBB2_62:
0x855: {  	p1 =	sne.s32 s30, $0x3C0;
	v40 =	vand.u32 $0x4F, v40;
	v39 =	vshll.u32 v39, $0x3;
	v38 =	vld.idx.msk [tilespmem:v38+s17+$0x0], $0xffff  }
0x856: {  	v39 =	vand.u32 $0x1C00, v39;
	v40 =	vor.u32 v37, v40  }
0x857: {  	v40 =	vor.u32 v39, v40;
	_ =	sdelay $0x2  }
0x858: {  	s29 =	sor.u32 $0x130, s29  }
0x859: {  	v41 =	vor.u32 s28, v3;
	[tilespmem:s29+$0x11180] =	vst v38  }
0x85a: {  	v38 =	vld.idx.msk [tilespmem:v40+s17+$0x0], $0xffff;
	v40 =	vand.u32 $0x5F, v41  }
0x85b: {  	p0 =	por !p0, !p0;
	s29 =	simm.s32 $0x1;
	v40 =	vor.u32 v37, v40  }
0x85c: {  	s29 =	simm.s32 @!p0 $0x0;
	v40 =	vor.u32 v39, v40  }
0x85d: {  	s26 =	sadd.s32 $0x100, s26;
	s29 =	sshll.u32 s29, $0x6  }
0x85e: {  	s29 =	sadd.s32 s29, s26  }
0x85f: {  	s31 =	sor.u32 $0x100, s29  }
0x860: {  	[tilespmem:s31+$0x11180] =	vst v38;
	v38 =	vor.u32 s28, v4  }
0x861: {  	v40 =	vld.idx.msk [tilespmem:v40+s17+$0x0], $0xffff;
	v38 =	vand.u32 $0x6F, v38  }
0x862: {  	v38 =	vor.u32 v37, v38  }
0x863: {  	v38 =	vor.u32 v39, v38;
	_ =	sdelay $0x2  }
0x864: {  	s31 =	sor.u32 $0x110, s29  }
0x865: {  	[tilespmem:s31+$0x11180] =	vst v40;
	v40 =	vor.u32 s28, v5;
	s28 =	smov.u32 s30  }
0x866: {  	v41 =	vld.idx.msk [tilespmem:v38+s17+$0x0], $0xffff;
	v38 =	vand.u32 $0x7F, v40  }
0x867: {  	v38 =	vor.u32 v37, v38  }
.Ltmp30:
0x868: {  	v38 =	vor.u32 v39, v38;
	(pc) =	sbr.rel @p1 .LBB2_62-.Ltmp30, $3  }
0x869: {  	_ =	sdelay $0x1  }
0x86a: {  	s31 =	sor.u32 $0x120, s29  }
0x86b: {  	s30 =	sadd.s32 $0x40, s30;
	v40 =	vor.u32 s28, v1;
	v39 =	vmov s28;
	[tilespmem:s31+$0x11180] =	vst v41  }
0x86c: {  	_ =	sdelay $0x2  }
0x86d: {  	v40 =	vand.u32 $0x4F, v40;
	v39 =	vshll.u32 v39, $0x3  }
0x86e: {  	v38 =	vld.idx.msk [tilespmem:v38+s17+$0x0], $0xffff;
	v39 =	vand.u32 $0x1C00, v39;
	v40 =	vor.u32 v37, v40  }
0x86f: {  	v40 =	vor.u32 v39, v40;
	_ =	sdelay $0x2  }
0x870: {  	s29 =	sor.u32 $0x130, s29;
	v41 =	vor.u32 s28, v3  }
0x871: {  	v50 =	vand.u32 $0x5F, v41;
	[tilespmem:s29+$0x11180] =	vst v38  }
0x872: {  	p0 =	por !p0, !p0;
	v38 =	vor.u32 v37, v50;
	s29 =	simm.s32 $0x1;
	v40 =	vld.idx.msk [tilespmem:v40+s17+$0x0], $0xffff  }
0x873: {  	s29 =	simm.s32 @!p0 $0x0;
	v38 =	vor.u32 v39, v38  }
0x874: {  	s26 =	sadd.s32 $0x100, s26;
	s29 =	sshll.u32 s29, $0x6  }
0x875: {  	s26 =	sadd.s32 s29, s26  }
0x876: {  	v51 =	vor.u32 s28, v4;
	s29 =	sor.u32 $0x100, s26  }
0x877: {  	v52 =	vand.u32 $0x6F, v51;
	[tilespmem:s29+$0x11180] =	vst v40  }
0x878: {  	v40 =	vor.u32 v37, v52;
	v38 =	vld.idx.msk [tilespmem:v38+s17+$0x0], $0xffff  }
0x879: {  	v40 =	vor.u32 v39, v40;
	_ =	sdelay $0x2  }
0x87a: {  	v53 =	vor.u32 s28, v5;
	s29 =	sor.u32 $0x110, s26  }
0x87b: {  	v54 =	vand.u32 $0x7F, v53;
	[tilespmem:s29+$0x11180] =	vst v38  }
0x87c: {  	v55 =	vor.u32 v37, v54;
	v40 =	vld.idx.msk [tilespmem:v40+s17+$0x0], $0xffff  }
0x87d: {  	v37 =	vor.u32 v39, v55;
	_ =	sdelay $0x2  }
0x87e: {  	s28 =	sor.u32 $0x120, s26  }
0x87f: {  	[tilespmem:s28+$0x11180] =	vst v40  }
0x880: {  	v37 =	vld.idx.msk [tilespmem:v37+s17+$0x0], $0xffff;
	_ =	sdelay $0x3  }
0x881: {  	s26 =	sor.u32 $0x130, s26  }
0x882: {  	[tilespmem:s26+$0x11180] =	vst v37  }
0x883: {  	v37 =	vld.idx.msk [tilespmem:v36+s19+$0x0], $0xffff;
	_ =	sdelay $0x4  }
0x884: {  	v56 =	vshll.u32 v37, $0xA;
	v37 =	vshll.u32 v37, $0x7  }
0x885: {  	s26 =	simm.s32 $0x0;
	v38 =	vand.u32 $0xFFFFE000, v56;
	v37 =	vand.u32 $0x380, v37  }
0x886: {  	v57 =	vmov s26;
	v58 =	vor.u32 s26, v1;
	v37 =	vor.u32 v37, v38  }
0x887: {  	v39 =	vand.u32 $0x4F, v58;
	v38 =	vshll.u32 v57, $0x3;
	v37 =	vadd.s32 $0x6000, v37  }
0x888: {  	v38 =	vand.u32 $0x1C00, v38;
	v39 =	vor.u32 v37, v39  }
0x889: {  	v39 =	vor.u32 v38, v39;
	_ =	sdelay $0x2  }
0x88a: {  	v59 =	vor.u32 s26, v3  }
0x88b: {  	v40 =	vand.u32 $0x5F, v59  }
0x88c: {  	p0 =	por $0x0, $0x0;
	s28 =	simm.s32 $0x1;
	v40 =	vor.u32 v37, v40;
	v39 =	vld.idx.msk [tilespmem:v39+s17+$0x0], $0xffff  }
0x88d: {  	s28 =	simm.s32 @!p0 $0x0;
	v40 =	vor.u32 v38, v40  }
0x88e: {  	s28 =	sshll.u32 s28, $0x6  }
0x88f: {  	s29 =	sadd.s32 $0x0, s28  }
0x890: {  	s28 =	sor.u32 $0x180, s29;
	v60 =	vor.u32 s26, v4  }
0x891: {  	v61 =	vand.u32 $0x6F, v60;
	[tilespmem:s28+$0x11180] =	vst v39  }
0x892: {  	v39 =	vor.u32 v37, v61;
	v40 =	vld.idx.msk [tilespmem:v40+s17+$0x0], $0xffff  }
0x893: {  	v39 =	vor.u32 v38, v39;
	_ =	sdelay $0x2  }
0x894: {  	s28 =	sor.u32 $0x190, s29  }
0x895: {  	v63 =	vor.u32 s26, v5;
	[tilespmem:s28+$0x11180] =	vst v40  }
0x896: {  	v62 =	vld.idx.msk [tilespmem:v39+s17+$0x0], $0xffff;
	v39 =	vand.u32 $0x7F, v63  }
0x897: {  	v39 =	vor.u32 v37, v39  }
0x898: {  	v38 =	vor.u32 v38, v39;
	_ =	sdelay $0x2  }
0x899: {  	s31 =	sor.u32 $0x1A0, s29;
	s28 =	simm.s32 $0x40  }
0x89a: {  	s30 =	simm.s32 $0x80;
	v40 =	vor.u32 s28, v1;
	v39 =	vmov s28;
	[tilespmem:s31+$0x11180] =	vst v62  }
.LBB2_64:
0x89b: {  	p1 =	sne.s32 s30, $0x3C0;
	v40 =	vand.u32 $0x4F, v40;
	v39 =	vshll.u32 v39, $0x3;
	v38 =	vld.idx.msk [tilespmem:v38+s17+$0x0], $0xffff  }
0x89c: {  	v39 =	vand.u32 $0x1C00, v39;
	v40 =	vor.u32 v37, v40  }
0x89d: {  	v40 =	vor.u32 v39, v40;
	_ =	sdelay $0x2  }
0x89e: {  	s29 =	sor.u32 $0x1B0, s29  }
0x89f: {  	v41 =	vor.u32 s28, v3;
	[tilespmem:s29+$0x11180] =	vst v38  }
0x8a0: {  	v38 =	vld.idx.msk [tilespmem:v40+s17+$0x0], $0xffff;
	v40 =	vand.u32 $0x5F, v41  }
0x8a1: {  	p0 =	por !p0, !p0;
	s29 =	simm.s32 $0x1;
	v40 =	vor.u32 v37, v40  }
0x8a2: {  	s29 =	simm.s32 @!p0 $0x0;
	v40 =	vor.u32 v39, v40  }
0x8a3: {  	s26 =	sadd.s32 $0x100, s26;
	s29 =	sshll.u32 s29, $0x6  }
0x8a4: {  	s29 =	sadd.s32 s29, s26  }
0x8a5: {  	s31 =	sor.u32 $0x180, s29  }
0x8a6: {  	[tilespmem:s31+$0x11180] =	vst v38;
	v38 =	vor.u32 s28, v4  }
0x8a7: {  	v40 =	vld.idx.msk [tilespmem:v40+s17+$0x0], $0xffff;
	v38 =	vand.u32 $0x6F, v38  }
0x8a8: {  	v38 =	vor.u32 v37, v38  }
0x8a9: {  	v38 =	vor.u32 v39, v38;
	_ =	sdelay $0x2  }
0x8aa: {  	s31 =	sor.u32 $0x190, s29  }
0x8ab: {  	[tilespmem:s31+$0x11180] =	vst v40;
	v40 =	vor.u32 s28, v5;
	s28 =	smov.u32 s30  }
0x8ac: {  	v41 =	vld.idx.msk [tilespmem:v38+s17+$0x0], $0xffff;
	v38 =	vand.u32 $0x7F, v40  }
0x8ad: {  	v38 =	vor.u32 v37, v38  }
.Ltmp31:
0x8ae: {  	v38 =	vor.u32 v39, v38;
	(pc) =	sbr.rel @p1 .LBB2_64-.Ltmp31, $3  }
0x8af: {  	_ =	sdelay $0x1  }
0x8b0: {  	s31 =	sor.u32 $0x1A0, s29  }
0x8b1: {  	s30 =	sadd.s32 $0x40, s30;
	v40 =	vor.u32 s28, v1;
	v39 =	vmov s28;
	[tilespmem:s31+$0x11180] =	vst v41  }
0x8b2: {  	_ =	sdelay $0x2  }
0x8b3: {  	v40 =	vand.u32 $0x4F, v40;
	v39 =	vshll.u32 v39, $0x3  }
0x8b4: {  	v38 =	vld.idx.msk [tilespmem:v38+s17+$0x0], $0xffff;
	v39 =	vand.u32 $0x1C00, v39;
	v40 =	vor.u32 v37, v40  }
0x8b5: {  	v40 =	vor.u32 v39, v40;
	_ =	sdelay $0x2  }
0x8b6: {  	s29 =	sor.u32 $0x1B0, s29;
	v41 =	vor.u32 s28, v3  }
0x8b7: {  	v58 =	vand.u32 $0x5F, v41;
	[tilespmem:s29+$0x11180] =	vst v38  }
0x8b8: {  	p0 =	por !p0, !p0;
	v38 =	vor.u32 v37, v58;
	s29 =	simm.s32 $0x1;
	v40 =	vld.idx.msk [tilespmem:v40+s17+$0x0], $0xffff  }
0x8b9: {  	s29 =	simm.s32 @!p0 $0x0;
	v38 =	vor.u32 v39, v38  }
0x8ba: {  	s26 =	sadd.s32 $0x100, s26;
	s29 =	sshll.u32 s29, $0x6  }
0x8bb: {  	s26 =	sadd.s32 s29, s26  }
0x8bc: {  	v59 =	vor.u32 s28, v4;
	s29 =	sor.u32 $0x180, s26  }
0x8bd: {  	v60 =	vand.u32 $0x6F, v59;
	[tilespmem:s29+$0x11180] =	vst v40  }
0x8be: {  	v40 =	vor.u32 v37, v60;
	v38 =	vld.idx.msk [tilespmem:v38+s17+$0x0], $0xffff  }
0x8bf: {  	v40 =	vor.u32 v39, v40;
	_ =	sdelay $0x2  }
0x8c0: {  	v61 =	vor.u32 s28, v5;
	s30 =	sor.u32 $0x190, s26  }
0x8c1: {  	v62 =	vand.u32 $0x7F, v61;
	[tilespmem:s30+$0x11180] =	vst v38  }
0x8c2: {  	v63 =	vor.u32 v37, v62;
	v40 =	vld.idx.msk [tilespmem:v40+s17+$0x0], $0xffff  }
0x8c3: {  	v37 =	vor.u32 v39, v63;
	_ =	sdelay $0x2  }
0x8c4: {  	s31 =	sor.u32 $0x1A0, s26  }
0x8c5: {  	[tilespmem:s31+$0x11180] =	vst v40  }
0x8c6: {  	v37 =	vld.idx.msk [tilespmem:v37+s17+$0x0], $0xffff;
	_ =	sdelay $0x3  }
0x8c7: {  	s26 =	sor.u32 $0x1B0, s26  }
0x8c8: {  	s25 =	sadd.s32 $0x1, s25;
	[tilespmem:s26+$0x11180] =	vst v37  }
0x8c9: {  	[hbm4b:s12+s20] =	stream.strided.scatter [tilespmem:s23], [sflag:$0x2], $0x1000, s21, s20, $0x38;
	[tilespmem:$0x12180] =	vst v63  }
0x8ca: {  	p0 =	sne.s32 s25, s13;
	_ =	swait.ge [sflag:s24], $0x1000  }
.Ltmp32:
0x8cb: {  	[sflag:s24] =	ssyncset.done $0x0;
	(pc) =	sbr.rel @p0 .LBB2_1-.Ltmp32, $4  }
0x8cc: {  	[sflag:s24] =	ssyncadd.s32 $0xFFFFF000  }
0x8cd: {  	_ =	swait.ge [sflag:s24], $0x1000  }
0x8ce: {  	[sflag:s24] =	ssyncset.done $0x0  }
0x8cf: {  	[sflag:s24] =	ssyncadd.s32 $0xFFFFF000  }
0x8d0: {  	_ =	sfence.sel $0x180000  }
0x8d1: {  	[bflag:$0x0] =	sbarrier.arrive $0xFFFF  }
0x8d2: {  	p0 =	sne.s32 s2, $0x0;
	_ =	strace $0x90000047  }
0x8d3: {  	s0 =	sadd.s32 @!p0 $0x100000, s1;
	[bflag:$0x2] =	sbarrier.arrive $0xFFFF  }
0x8d4: {  	[sflag:s0] =	ssyncadd.tile.s32 @!p0 $0x1;
	_ =	shalt  }
.Lfunc_end2:
_tile_overlayer_lowered:
.L_overlay_start_2:
0x8d5: {  	(tag) =	ssettag $0x2  }
0x8d6: {  	s0 =	rddreg [dreg:$0x0];
	s2 =	stileid.u32  }
0x8d7: {  	s1 =	rddreg [dreg:$0x1];
	p0 =	sne.s32 s2, $0x0  }
0x8d8: {  	s3 =	rddreg [dreg:$0x2];
	[bflag:$0x3] =	sbarrier.arrive $0xFFFF;
	s2 =	simm.s32 @!p0 $0x1C03  }
0x8d9: {  	[timem:s3], [sflag:s2] =	dma.local @!p0 [hbm:s0], s1  }
0x8da: {  	s0 =	simm.s32 @!p0 $0x3  }
0x8db: {  	_ =	swait.ge @!p0 [sflag:s0], s1  }
0x8dc: {  	s1 =	ssub.s32 @!p0 $0x0, s1;
	[sflag:s0] =	ssyncset.done @!p0 $0x0  }
0x8dd: {  	[sflag:s0] =	ssyncadd.s32 @!p0 s1  }
0x8de: {  	[bflag:$0x3] =	sbarrier.arrive $0xFFFF  }
0x8df: {  	_ =	shalt  }

</sc_bundles>
